<compile_context>
chip_gen: v7x
topology: tpu7x:2x2x1
jax: 0.10.2.dev20260603
libtpu: 0.0.44.dev20260713+nightly
codegen_flags: <defaults>
</compile_context>

<pallas_src>
import functools

import jax
import jax.numpy as jnp
from jax import lax
from jax.experimental import pallas as pl
from jax.experimental.pallas import tpu as pltpu
from jax.experimental.pallas import tpu_sc as plsc

N = 10000
D = 128
E = 320000
K = 2
ALPHA = 0.1

NC = 2
NS = 16
CH = 64
NROWS = E // CH + (-(E // CH) % (NC * NS * 8))
EPAD = NROWS * CH
RPT = NROWS // (NC * NS)
NPAD = N + (-N % (NS * 16))
RZ = NPAD // NS

_mesh = plsc.VectorSubcoreMesh(core_axis_name="c", subcore_axis_name="s")


@functools.partial(
    pl.kernel,
    out_type=jax.ShapeDtypeStruct((NC, NPAD, D), jnp.float32),
    mesh=_mesh,
    scratch_types=[
        pltpu.VMEM_SHARED((NPAD, D), jnp.float32),
        pltpu.VMEM((RPT, CH), jnp.int32),
        pltpu.VMEM((CH, D), jnp.float32),
        pltpu.SemaphoreType.DMA,
    ],
)
def _deg(dst_hbm, out_hbm, dtab, dst_v, buf, sem):
    c = lax.axis_index("c")
    s = lax.axis_index("s")
    wid = c * NS + s
    pltpu.sync_copy(dst_hbm.at[pl.ds(wid * RPT, RPT)], dst_v)

    zero = jnp.zeros((16,), jnp.float32)

    def _zrow(r, carry):
        for k in range(D // 16):
            buf[r, pl.ds(k * 16, 16)] = zero
        return carry

    lax.fori_loop(0, CH, _zrow, 0)
    r0 = s * RZ
    nfull = RZ // CH
    for t in range(nfull):
        pltpu.sync_copy(buf, dtab.at[pl.ds(r0 + t * CH, CH)])
    rem = RZ - nfull * CH
    if rem:
        pltpu.sync_copy(buf.at[pl.ds(0, rem)], dtab.at[pl.ds(r0 + nfull * CH, rem)])

    one = jnp.ones((16,), jnp.float32)

    def _orow(r, carry):
        for k in range(D // 16):
            buf[r, pl.ds(k * 16, 16)] = one
        return carry

    lax.fori_loop(0, CH, _orow, 0)
    plsc.subcore_barrier()

    W = 8

    def _wave(w, carry):
        descs = [
            pltpu.async_copy(buf, dtab.at[dst_v.at[w * W + b]], sem, add=True)
            for b in range(W)
        ]
        for d in descs:
            d.wait()
        return carry

    lax.fori_loop(0, RPT // W, _wave, 0)
    plsc.subcore_barrier()
    pltpu.sync_copy(dtab.at[pl.ds(r0, RZ)], out_hbm.at[c, pl.ds(r0, RZ)])


NBUF = 5
assert RPT % NBUF == 0
NGRP = RPT // NBUF


@functools.partial(
    pl.kernel,
    out_type=jax.ShapeDtypeStruct((NC, NPAD, D), jnp.float32),
    mesh=_mesh,
    scratch_types=[
        pltpu.VMEM_SHARED((NPAD, D), jnp.float32),
        pltpu.VMEM((NBUF, CH), jnp.int32),
        pltpu.VMEM((NBUF, CH), jnp.int32),
        pltpu.VMEM((NBUF, CH, D), jnp.float32),
        [pltpu.SemaphoreType.DMA] * NBUF,
        [pltpu.SemaphoreType.DMA] * NBUF,
        [pltpu.SemaphoreType.DMA] * NBUF,
    ],
)
def _prop(g_hbm, src_hbm, dst_hbm, out_hbm, acc, idx_s, idx_d, bufs, isems, gsems, ssems):
    c = lax.axis_index("c")
    s = lax.axis_index("s")
    wid = c * NS + s
    base = wid * RPT

    zero = jnp.zeros((16,), jnp.float32)
    zbuf = bufs.at[0]

    def _zrow(r, carry):
        for k in range(D // 16):
            zbuf[r, pl.ds(k * 16, 16)] = zero
        return carry

    lax.fori_loop(0, CH, _zrow, 0)
    r0 = s * RZ
    nfull = RZ // CH
    for t in range(nfull):
        pltpu.sync_copy(zbuf, acc.at[pl.ds(r0 + t * CH, CH)])
    rem = RZ - nfull * CH
    if rem:
        pltpu.sync_copy(zbuf.at[pl.ds(0, rem)], acc.at[pl.ds(r0 + nfull * CH, rem)])
    plsc.subcore_barrier()

    def _start_idx(j, b):
        pltpu.async_copy(src_hbm.at[base + j], idx_s.at[b], isems[b])
        pltpu.async_copy(dst_hbm.at[base + j], idx_d.at[b], isems[b])

    def _wait_idx(j, b):
        pltpu.make_async_copy(src_hbm.at[base + j], idx_s.at[b], isems[b]).wait()
        pltpu.make_async_copy(dst_hbm.at[base + j], idx_d.at[b], isems[b]).wait()

    def _start_gather(b):
        pltpu.async_copy(g_hbm.at[idx_s.at[b]], bufs.at[b], gsems[b])

    def _wait_gather(b):
        pltpu.make_async_copy(g_hbm.at[idx_s.at[b]], bufs.at[b], gsems[b]).wait()

    for b in range(NBUF):
        _start_idx(b, b)
    for b in range(NBUF):
        _wait_idx(b, b)
        _start_gather(b)

    def _grp(i, carry):
        sdescs = []
        for b in range(NBUF):
            j = i * NBUF + b
            _wait_gather(b)
            sdescs.append(
                pltpu.async_copy(bufs.at[b], acc.at[idx_d.at[b]], ssems[b], add=True)
            )
        for b in range(NBUF):
            sdescs[b].wait()

            @pl.when(i + 1 < NGRP)
            def _():
                _start_idx((i + 1) * NBUF + b, b)

        for b in range(NBUF):
            @pl.when(i + 1 < NGRP)
            def _():
                _wait_idx((i + 1) * NBUF + b, b)
                _start_gather(b)

        return carry

    lax.fori_loop(0, NGRP, _grp, 0)
    plsc.subcore_barrier()
    pltpu.sync_copy(acc.at[pl.ds(r0, RZ)], out_hbm.at[c, pl.ds(r0, RZ)])


BLK = 1000


def _prep_body(pdeg_ref, init_ref, norm_ref, g_ref, r_ref):
    degs = pdeg_ref[0, :, 0:1] + pdeg_ref[1, :, 0:1]
    norm = lax.rsqrt(degs + 1.0)
    norm_ref[...] = norm
    x = init_ref[...]
    g_ref[...] = x * norm
    r_ref[...] = ALPHA * x * (norm * norm)


def _prep(pdeg, init):
    return pl.pallas_call(
        _prep_body,
        grid=(N // BLK,),
        in_specs=[
            pl.BlockSpec((NC, BLK, D), lambda i: (0, i, 0)),
            pl.BlockSpec((BLK, D), lambda i: (i, 0)),
        ],
        out_specs=[
            pl.BlockSpec((BLK, 1), lambda i: (i, 0)),
            pl.BlockSpec((BLK, D), lambda i: (i, 0)),
            pl.BlockSpec((BLK, D), lambda i: (i, 0)),
        ],
        out_shape=[
            jax.ShapeDtypeStruct((N, 1), jnp.float32),
            jax.ShapeDtypeStruct((N, D), jnp.float32),
            jax.ShapeDtypeStruct((N, D), jnp.float32),
        ],
    )(pdeg, init)


def _blend_body(emit_g, p_ref, hpre_ref, r_ref, norm_ref, *out_refs):
    norm = norm_ref[...]
    h = ALPHA * ((p_ref[0] + p_ref[1]) * norm) + r_ref[...] + (1.0 - ALPHA) * hpre_ref[...]
    out_refs[0][...] = h
    if emit_g:
        out_refs[1][...] = h * norm


def _blend(p, hpre, r, norm, emit_g):
    n_out = 2 if emit_g else 1
    return pl.pallas_call(
        functools.partial(_blend_body, emit_g),
        grid=(N // BLK,),
        in_specs=[
            pl.BlockSpec((NC, BLK, D), lambda i: (0, i, 0)),
            pl.BlockSpec((BLK, D), lambda i: (i, 0)),
            pl.BlockSpec((BLK, D), lambda i: (i, 0)),
            pl.BlockSpec((BLK, 1), lambda i: (i, 0)),
        ],
        out_specs=[pl.BlockSpec((BLK, D), lambda i: (i, 0))] * n_out,
        out_shape=[jax.ShapeDtypeStruct((N, D), jnp.float32)] * n_out,
    )(p, hpre, r, norm)


def kernel(features, initial_features, edge_index):
    del features
    ei = edge_index.astype(jnp.int32)
    npad_e = EPAD - E
    pad_i = jnp.arange(npad_e, dtype=jnp.int32)
    src = jnp.concatenate([ei[0], (pad_i * 97) % N]).reshape(NROWS, CH)
    dst = jnp.concatenate([ei[1], N + pad_i % (NPAD - N)]).reshape(NROWS, CH)

    pdeg = _deg(dst)
    norm, g, r = _prep(pdeg, initial_features)

    h_pre = initial_features
    for step in range(K):
        p = _prop(g, src, dst)
        out = _blend(p, h_pre, r, norm, emit_g=(step < K - 1))
        if step < K - 1:
            h_pre, g = out
        else:
            (h,) = out
    return h

# --- scband reference (transcript-rebuilt; emitter-appended) ---
"""Pipeline reference for scband-vgcnblock-80693845557441 (READ-ONLY COPY).

The authoritative reference and input builder live on the scoring server;
editing this copy changes nothing except your own understanding.
"""

import jax, jax.numpy as jnp
import numpy as np

N = 10000
E = 320000
D = 128
K = 2
ALPHA = 0.1

def setup_inputs(seed: int = 0) -> dict:
    key = jax.random.key(seed)
    k1, k2, k3 = jax.random.split(key, 3)
    features = jax.random.normal(k1, (N, D), dtype=jnp.float32)
    initial_features = jax.random.normal(k2, (N, D), dtype=jnp.float32)
    edge_index = jax.random.randint(k3, (2, E), 0, N, dtype=jnp.int32).astype(jnp.int64)
    return {"features": features, "initial_features": initial_features, "edge_index": edge_index}

def reference(features, initial_features, edge_index):
    # attention=False branch of VGCNBlock: symmetric-normalized propagation
    src = edge_index[0]
    dst = edge_index[1]
    # in-degrees (number of incoming edges per dst node)
    degs = jax.ops.segment_sum(jnp.ones((E,), dtype=jnp.float32), dst, num_segments=N)
    norm = jnp.power(degs + 1.0, -0.5)[:, None]  # [N, 1]
    att = jnp.ones((E, 1), dtype=jnp.float32)
    h_pre = initial_features
    h = initial_features
    ri = initial_features * norm * norm
    for _ in range(K):
        h = h * norm
        # u_mul_e: message = h[src] * att, then sum into dst
        m = h[src] * att
        h = jax.ops.segment_sum(m, dst, num_segments=N)
        h = h * norm
        h = ALPHA * h + ALPHA * ri + (1.0 - ALPHA) * h_pre
        h_pre = h
    return h

if __name__ == "__main__":
    import jax
    _d = setup_inputs()
    print(jax.jit(kernel)(*tuple(_d.values())))

</pallas_src>

<mosaic_0001>
#map = affine_map<(d0, d1) -> (0, 0)>
#map1 = affine_map<(d0, d1) -> (0, 0, 0)>
module attributes {stable_mosaic.version = 14 : i64} {
  func.func @_deg(%arg0: i32, %arg1: i32, %arg2: memref<5120x64xi32, #tpu.memory_space<hbm>>, %arg3: memref<2x10240x128xf32, #tpu.memory_space<hbm>>, %arg4: memref<10240x128xf32, #tpu.memory_space<vmem_shared>>, %arg5: memref<160x64xi32, #tpu.memory_space<vmem>>, %arg6: memref<64x128xf32, #tpu.memory_space<vmem>>, %arg7: memref<!tpu.dma_semaphore, #tpu.memory_space<semaphore_mem>>) attributes {dimension_semantics = [#tpu.dimension_semantics<core_parallel>, #tpu.dimension_semantics<subcore_parallel>], iteration_bounds = array<i64: 2, 16>, scalar_prefetch = 0 : i64, scratch_operands = 4 : i64, tpu.core_type = #tpu.core_type<sc_vector_subcore>, window_params = [{transform_indices = #map}, {transform_indices = #map1}]} {
    %mul3A = arith.constant 16 : i32
    %mul3A_0 = arith.muli %arg0, %mul3A : i32
    %add3A = arith.addi %mul3A_0, %arg1 : i32
    %mul3A_1 = arith.constant 160 : i32
    %mul3A_2 = arith.muli %add3A, %mul3A_1 : i32
    "tpu.region"() ({
      %run_scoped3A = tpu.sem_alloc : memref<!tpu.dma_semaphore, #tpu.memory_space<semaphore_mem>>
      %dma_start3A = arith.constant 0 : i32
      %dma_start3A_46 = tpu.memref_slice %arg2[%mul3A_2, %dma_start3A] : memref<5120x64xi32, #tpu.memory_space<hbm>> -> memref<160x64xi32, #tpu.memory_space<hbm>>
      %dma_start3A_47 = arith.constant 0 : i32
      %dma_start3A_48 = tpu.memref_slice %arg2[%mul3A_2, %dma_start3A_47] : memref<5120x64xi32, #tpu.memory_space<hbm>> -> memref<160x64xi32, #tpu.memory_space<hbm>>
      tpu.enqueue_dma source(%dma_start3A_48 : memref<160x64xi32, #tpu.memory_space<hbm>>) target(%arg5 : memref<160x64xi32, #tpu.memory_space<vmem>>) target_semaphore(%run_scoped3A : memref<!tpu.dma_semaphore, #tpu.memory_space<semaphore_mem>>)
      %dma_wait3A = arith.constant 0 : i32
      %dma_wait3A_49 = tpu.memref_slice %arg2[%mul3A_2, %dma_wait3A] : memref<5120x64xi32, #tpu.memory_space<hbm>> -> memref<160x64xi32, #tpu.memory_space<hbm>>
      %dma_wait3A_50 = arith.constant 0 : i32
      %dma_wait3A_51 = tpu.memref_slice %arg2[%mul3A_2, %dma_wait3A_50] : memref<5120x64xi32, #tpu.memory_space<hbm>> -> memref<160x64xi32, #tpu.memory_space<hbm>>
      tpu.wait_dma2 semaphore(%run_scoped3A : memref<!tpu.dma_semaphore, #tpu.memory_space<semaphore_mem>>) src(%dma_wait3A_51 : memref<160x64xi32, #tpu.memory_space<hbm>>) dst(%arg5 : memref<160x64xi32, #tpu.memory_space<vmem>>)
      tpu.yield
    }) : () -> ()
    %broadcast_in_dim3A = arith.constant 0.000000e+00 : f32
    %broadcast_in_dim3A_3 = vector.broadcast %broadcast_in_dim3A : f32 to vector<16xf32>
    %scan3A = arith.constant 0 : i32
    %scan3A_4 = arith.constant 0 : i32
    %scan3A_5 = arith.constant 64 : i32
    %scan3A_6 = arith.addi %scan3A_4, %scan3A_5 : i32
    %scan3A_7 = arith.constant 1 : i32
    scf.for %scan3A_46 = %scan3A_4 to %scan3A_6 step %scan3A_7  : i32 {
      %swap3A = arith.index_cast %scan3A_46 : i32 to index
      %swap3A_47 = arith.constant 0 : index
      %swap3A_48 = tpu.vector_load %arg6[%swap3A, %swap3A_47] {strides = array<i32>} : memref<64x128xf32, #tpu.memory_space<vmem>>, vector<1x16xf32>,
      %swap3A_49 = vector.shape_cast %swap3A_48 : vector<1x16xf32> to vector<16xf32>
      %swap3A_50 = vector.shape_cast %broadcast_in_dim3A_3 : vector<16xf32> to vector<1x16xf32>
      tpu.vector_store %arg6[%swap3A, %swap3A_47], %swap3A_50 {strides = array<i32>} : memref<64x128xf32, #tpu.memory_space<vmem>>, vector<1x16xf32>,
      %swap3A_51 = arith.index_cast %scan3A_46 : i32 to index
      %swap3A_52 = arith.constant 16 : index
      %swap3A_53 = tpu.vector_load %arg6[%swap3A_51, %swap3A_52] {strides = array<i32>} : memref<64x128xf32, #tpu.memory_space<vmem>>, vector<1x16xf32>,
      %swap3A_54 = vector.shape_cast %swap3A_53 : vector<1x16xf32> to vector<16xf32>
      %swap3A_55 = vector.shape_cast %broadcast_in_dim3A_3 : vector<16xf32> to vector<1x16xf32>
      tpu.vector_store %arg6[%swap3A_51, %swap3A_52], %swap3A_55 {strides = array<i32>} : memref<64x128xf32, #tpu.memory_space<vmem>>, vector<1x16xf32>,
      %swap3A_56 = arith.index_cast %scan3A_46 : i32 to index
      %swap3A_57 = arith.constant 32 : index
      %swap3A_58 = tpu.vector_load %arg6[%swap3A_56, %swap3A_57] {strides = array<i32>} : memref<64x128xf32, #tpu.memory_space<vmem>>, vector<1x16xf32>,
      %swap3A_59 = vector.shape_cast %swap3A_58 : vector<1x16xf32> to vector<16xf32>
      %swap3A_60 = vector.shape_cast %broadcast_in_dim3A_3 : vector<16xf32> to vector<1x16xf32>
      tpu.vector_store %arg6[%swap3A_56, %swap3A_57], %swap3A_60 {strides = array<i32>} : memref<64x128xf32, #tpu.memory_space<vmem>>, vector<1x16xf32>,
      %swap3A_61 = arith.index_cast %scan3A_46 : i32 to index
      %swap3A_62 = arith.constant 48 : index
      %swap3A_63 = tpu.vector_load %arg6[%swap3A_61, %swap3A_62] {strides = array<i32>} : memref<64x128xf32, #tpu.memory_space<vmem>>, vector<1x16xf32>,
      %swap3A_64 = vector.shape_cast %swap3A_63 : vector<1x16xf32> to vector<16xf32>
      %swap3A_65 = vector.shape_cast %broadcast_in_dim3A_3 : vector<16xf32> to vector<1x16xf32>
      tpu.vector_store %arg6[%swap3A_61, %swap3A_62], %swap3A_65 {strides = array<i32>} : memref<64x128xf32, #tpu.memory_space<vmem>>, vector<1x16xf32>,
      %swap3A_66 = arith.index_cast %scan3A_46 : i32 to index
      %swap3A_67 = arith.constant 64 : index
      %swap3A_68 = tpu.vector_load %arg6[%swap3A_66, %swap3A_67] {strides = array<i32>} : memref<64x128xf32, #tpu.memory_space<vmem>>, vector<1x16xf32>,
      %swap3A_69 = vector.shape_cast %swap3A_68 : vector<1x16xf32> to vector<16xf32>
      %swap3A_70 = vector.shape_cast %broadcast_in_dim3A_3 : vector<16xf32> to vector<1x16xf32>
      tpu.vector_store %arg6[%swap3A_66, %swap3A_67], %swap3A_70 {strides = array<i32>} : memref<64x128xf32, #tpu.memory_space<vmem>>, vector<1x16xf32>,
      %swap3A_71 = arith.index_cast %scan3A_46 : i32 to index
      %swap3A_72 = arith.constant 80 : index
      %swap3A_73 = tpu.vector_load %arg6[%swap3A_71, %swap3A_72] {strides = array<i32>} : memref<64x128xf32, #tpu.memory_space<vmem>>, vector<1x16xf32>,
      %swap3A_74 = vector.shape_cast %swap3A_73 : vector<1x16xf32> to vector<16xf32>
      %swap3A_75 = vector.shape_cast %broadcast_in_dim3A_3 : vector<16xf32> to vector<1x16xf32>
      tpu.vector_store %arg6[%swap3A_71, %swap3A_72], %swap3A_75 {strides = array<i32>} : memref<64x128xf32, #tpu.memory_space<vmem>>, vector<1x16xf32>,
      %swap3A_76 = arith.index_cast %scan3A_46 : i32 to index
      %swap3A_77 = arith.constant 96 : index
      %swap3A_78 = tpu.vector_load %arg6[%swap3A_76, %swap3A_77] {strides = array<i32>} : memref<64x128xf32, #tpu.memory_space<vmem>>, vector<1x16xf32>,
      %swap3A_79 = vector.shape_cast %swap3A_78 : vector<1x16xf32> to vector<16xf32>
      %swap3A_80 = vector.shape_cast %broadcast_in_dim3A_3 : vector<16xf32> to vector<1x16xf32>
      tpu.vector_store %arg6[%swap3A_76, %swap3A_77], %swap3A_80 {strides = array<i32>} : memref<64x128xf32, #tpu.memory_space<vmem>>, vector<1x16xf32>,
      %swap3A_81 = arith.index_cast %scan3A_46 : i32 to index
      %swap3A_82 = arith.constant 112 : index
      %swap3A_83 = tpu.vector_load %arg6[%swap3A_81, %swap3A_82] {strides = array<i32>} : memref<64x128xf32, #tpu.memory_space<vmem>>, vector<1x16xf32>,
      %swap3A_84 = vector.shape_cast %swap3A_83 : vector<1x16xf32> to vector<16xf32>
      %swap3A_85 = vector.shape_cast %broadcast_in_dim3A_3 : vector<16xf32> to vector<1x16xf32>
      tpu.vector_store %arg6[%swap3A_81, %swap3A_82], %swap3A_85 {strides = array<i32>} : memref<64x128xf32, #tpu.memory_space<vmem>>, vector<1x16xf32>,
    }
    %scan3A_8 = arith.constant 64 : i32
    %mul3A_9 = arith.constant 640 : i32
    %mul3A_10 = arith.muli %arg1, %mul3A_9 : i32
    %add3A_11 = arith.constant 0 : i32
    %add3A_12 = arith.addi %mul3A_10, %add3A_11 : i32
    "tpu.region"() ({
      %run_scoped3A = tpu.sem_alloc : memref<!tpu.dma_semaphore, #tpu.memory_space<semaphore_mem>>
      %dma_start3A = arith.constant 0 : i32
      %dma_start3A_46 = tpu.memref_slice %arg4[%add3A_12, %dma_start3A] : memref<10240x128xf32, #tpu.memory_space<vmem_shared>> -> memref<64x128xf32, #tpu.memory_space<vmem_shared>>
      %dma_start3A_47 = arith.constant 0 : i32
      %dma_start3A_48 = tpu.memref_slice %arg4[%add3A_12, %dma_start3A_47] : memref<10240x128xf32, #tpu.memory_space<vmem_shared>> -> memref<64x128xf32, #tpu.memory_space<vmem_shared>>
      tpu.enqueue_dma source(%arg6 : memref<64x128xf32, #tpu.memory_space<vmem>>) target(%dma_start3A_48 : memref<64x128xf32, #tpu.memory_space<vmem_shared>>) target_semaphore(%run_scoped3A : memref<!tpu.dma_semaphore, #tpu.memory_space<semaphore_mem>>)
      %dma_wait3A = arith.constant 0 : i32
      %dma_wait3A_49 = tpu.memref_slice %arg4[%add3A_12, %dma_wait3A] : memref<10240x128xf32, #tpu.memory_space<vmem_shared>> -> memref<64x128xf32, #tpu.memory_space<vmem_shared>>
      %dma_wait3A_50 = arith.constant 0 : i32
      %dma_wait3A_51 = tpu.memref_slice %arg4[%add3A_12, %dma_wait3A_50] : memref<10240x128xf32, #tpu.memory_space<vmem_shared>> -> memref<64x128xf32, #tpu.memory_space<vmem_shared>>
      tpu.wait_dma2 semaphore(%run_scoped3A : memref<!tpu.dma_semaphore, #tpu.memory_space<semaphore_mem>>) src(%arg6 : memref<64x128xf32, #tpu.memory_space<vmem>>) dst(%dma_wait3A_51 : memref<64x128xf32, #tpu.memory_space<vmem_shared>>)
      tpu.yield
    }) : () -> ()
    %add3A_13 = arith.constant 64 : i32
    %add3A_14 = arith.addi %mul3A_10, %add3A_13 : i32
    "tpu.region"() ({
      %run_scoped3A = tpu.sem_alloc : memref<!tpu.dma_semaphore, #tpu.memory_space<semaphore_mem>>
      %dma_start3A = arith.constant 0 : i32
      %dma_start3A_46 = tpu.memref_slice %arg4[%add3A_14, %dma_start3A] : memref<10240x128xf32, #tpu.memory_space<vmem_shared>> -> memref<64x128xf32, #tpu.memory_space<vmem_shared>>
      %dma_start3A_47 = arith.constant 0 : i32
      %dma_start3A_48 = tpu.memref_slice %arg4[%add3A_14, %dma_start3A_47] : memref<10240x128xf32, #tpu.memory_space<vmem_shared>> -> memref<64x128xf32, #tpu.memory_space<vmem_shared>>
      tpu.enqueue_dma source(%arg6 : memref<64x128xf32, #tpu.memory_space<vmem>>) target(%dma_start3A_48 : memref<64x128xf32, #tpu.memory_space<vmem_shared>>) target_semaphore(%run_scoped3A : memref<!tpu.dma_semaphore, #tpu.memory_space<semaphore_mem>>)
      %dma_wait3A = arith.constant 0 : i32
      %dma_wait3A_49 = tpu.memref_slice %arg4[%add3A_14, %dma_wait3A] : memref<10240x128xf32, #tpu.memory_space<vmem_shared>> -> memref<64x128xf32, #tpu.memory_space<vmem_shared>>
      %dma_wait3A_50 = arith.constant 0 : i32
      %dma_wait3A_51 = tpu.memref_slice %arg4[%add3A_14, %dma_wait3A_50] : memref<10240x128xf32, #tpu.memory_space<vmem_shared>> -> memref<64x128xf32, #tpu.memory_space<vmem_shared>>
      tpu.wait_dma2 semaphore(%run_scoped3A : memref<!tpu.dma_semaphore, #tpu.memory_space<semaphore_mem>>) src(%arg6 : memref<64x128xf32, #tpu.memory_space<vmem>>) dst(%dma_wait3A_51 : memref<64x128xf32, #tpu.memory_space<vmem_shared>>)
      tpu.yield
    }) : () -> ()
    %add3A_15 = arith.constant 128 : i32
    %add3A_16 = arith.addi %mul3A_10, %add3A_15 : i32
    "tpu.region"() ({
      %run_scoped3A = tpu.sem_alloc : memref<!tpu.dma_semaphore, #tpu.memory_space<semaphore_mem>>
      %dma_start3A = arith.constant 0 : i32
      %dma_start3A_46 = tpu.memref_slice %arg4[%add3A_16, %dma_start3A] : memref<10240x128xf32, #tpu.memory_space<vmem_shared>> -> memref<64x128xf32, #tpu.memory_space<vmem_shared>>
      %dma_start3A_47 = arith.constant 0 : i32
      %dma_start3A_48 = tpu.memref_slice %arg4[%add3A_16, %dma_start3A_47] : memref<10240x128xf32, #tpu.memory_space<vmem_shared>> -> memref<64x128xf32, #tpu.memory_space<vmem_shared>>
      tpu.enqueue_dma source(%arg6 : memref<64x128xf32, #tpu.memory_space<vmem>>) target(%dma_start3A_48 : memref<64x128xf32, #tpu.memory_space<vmem_shared>>) target_semaphore(%run_scoped3A : memref<!tpu.dma_semaphore, #tpu.memory_space<semaphore_mem>>)
      %dma_wait3A = arith.constant 0 : i32
      %dma_wait3A_49 = tpu.memref_slice %arg4[%add3A_16, %dma_wait3A] : memref<10240x128xf32, #tpu.memory_space<vmem_shared>> -> memref<64x128xf32, #tpu.memory_space<vmem_shared>>
      %dma_wait3A_50 = arith.constant 0 : i32
      %dma_wait3A_51 = tpu.memref_slice %arg4[%add3A_16, %dma_wait3A_50] : memref<10240x128xf32, #tpu.memory_space<vmem_shared>> -> memref<64x128xf32, #tpu.memory_space<vmem_shared>>
      tpu.wait_dma2 semaphore(%run_scoped3A : memref<!tpu.dma_semaphore, #tpu.memory_space<semaphore_mem>>) src(%arg6 : memref<64x128xf32, #tpu.memory_space<vmem>>) dst(%dma_wait3A_51 : memref<64x128xf32, #tpu.memory_space<vmem_shared>>)
      tpu.yield
    }) : () -> ()
    %add3A_17 = arith.constant 192 : i32
    %add3A_18 = arith.addi %mul3A_10, %add3A_17 : i32
    "tpu.region"() ({
      %run_scoped3A = tpu.sem_alloc : memref<!tpu.dma_semaphore, #tpu.memory_space<semaphore_mem>>
      %dma_start3A = arith.constant 0 : i32
      %dma_start3A_46 = tpu.memref_slice %arg4[%add3A_18, %dma_start3A] : memref<10240x128xf32, #tpu.memory_space<vmem_shared>> -> memref<64x128xf32, #tpu.memory_space<vmem_shared>>
      %dma_start3A_47 = arith.constant 0 : i32
      %dma_start3A_48 = tpu.memref_slice %arg4[%add3A_18, %dma_start3A_47] : memref<10240x128xf32, #tpu.memory_space<vmem_shared>> -> memref<64x128xf32, #tpu.memory_space<vmem_shared>>
      tpu.enqueue_dma source(%arg6 : memref<64x128xf32, #tpu.memory_space<vmem>>) target(%dma_start3A_48 : memref<64x128xf32, #tpu.memory_space<vmem_shared>>) target_semaphore(%run_scoped3A : memref<!tpu.dma_semaphore, #tpu.memory_space<semaphore_mem>>)
      %dma_wait3A = arith.constant 0 : i32
      %dma_wait3A_49 = tpu.memref_slice %arg4[%add3A_18, %dma_wait3A] : memref<10240x128xf32, #tpu.memory_space<vmem_shared>> -> memref<64x128xf32, #tpu.memory_space<vmem_shared>>
      %dma_wait3A_50 = arith.constant 0 : i32
      %dma_wait3A_51 = tpu.memref_slice %arg4[%add3A_18, %dma_wait3A_50] : memref<10240x128xf32, #tpu.memory_space<vmem_shared>> -> memref<64x128xf32, #tpu.memory_space<vmem_shared>>
      tpu.wait_dma2 semaphore(%run_scoped3A : memref<!tpu.dma_semaphore, #tpu.memory_space<semaphore_mem>>) src(%arg6 : memref<64x128xf32, #tpu.memory_space<vmem>>) dst(%dma_wait3A_51 : memref<64x128xf32, #tpu.memory_space<vmem_shared>>)
      tpu.yield
    }) : () -> ()
    %add3A_19 = arith.constant 256 : i32
    %add3A_20 = arith.addi %mul3A_10, %add3A_19 : i32
    "tpu.region"() ({
      %run_scoped3A = tpu.sem_alloc : memref<!tpu.dma_semaphore, #tpu.memory_space<semaphore_mem>>
      %dma_start3A = arith.constant 0 : i32
      %dma_start3A_46 = tpu.memref_slice %arg4[%add3A_20, %dma_start3A] : memref<10240x128xf32, #tpu.memory_space<vmem_shared>> -> memref<64x128xf32, #tpu.memory_space<vmem_shared>>
      %dma_start3A_47 = arith.constant 0 : i32
      %dma_start3A_48 = tpu.memref_slice %arg4[%add3A_20, %dma_start3A_47] : memref<10240x128xf32, #tpu.memory_space<vmem_shared>> -> memref<64x128xf32, #tpu.memory_space<vmem_shared>>
      tpu.enqueue_dma source(%arg6 : memref<64x128xf32, #tpu.memory_space<vmem>>) target(%dma_start3A_48 : memref<64x128xf32, #tpu.memory_space<vmem_shared>>) target_semaphore(%run_scoped3A : memref<!tpu.dma_semaphore, #tpu.memory_space<semaphore_mem>>)
      %dma_wait3A = arith.constant 0 : i32
      %dma_wait3A_49 = tpu.memref_slice %arg4[%add3A_20, %dma_wait3A] : memref<10240x128xf32, #tpu.memory_space<vmem_shared>> -> memref<64x128xf32, #tpu.memory_space<vmem_shared>>
      %dma_wait3A_50 = arith.constant 0 : i32
      %dma_wait3A_51 = tpu.memref_slice %arg4[%add3A_20, %dma_wait3A_50] : memref<10240x128xf32, #tpu.memory_space<vmem_shared>> -> memref<64x128xf32, #tpu.memory_space<vmem_shared>>
      tpu.wait_dma2 semaphore(%run_scoped3A : memref<!tpu.dma_semaphore, #tpu.memory_space<semaphore_mem>>) src(%arg6 : memref<64x128xf32, #tpu.memory_space<vmem>>) dst(%dma_wait3A_51 : memref<64x128xf32, #tpu.memory_space<vmem_shared>>)
      tpu.yield
    }) : () -> ()
    %add3A_21 = arith.constant 320 : i32
    %add3A_22 = arith.addi %mul3A_10, %add3A_21 : i32
    "tpu.region"() ({
      %run_scoped3A = tpu.sem_alloc : memref<!tpu.dma_semaphore, #tpu.memory_space<semaphore_mem>>
      %dma_start3A = arith.constant 0 : i32
      %dma_start3A_46 = tpu.memref_slice %arg4[%add3A_22, %dma_start3A] : memref<10240x128xf32, #tpu.memory_space<vmem_shared>> -> memref<64x128xf32, #tpu.memory_space<vmem_shared>>
      %dma_start3A_47 = arith.constant 0 : i32
      %dma_start3A_48 = tpu.memref_slice %arg4[%add3A_22, %dma_start3A_47] : memref<10240x128xf32, #tpu.memory_space<vmem_shared>> -> memref<64x128xf32, #tpu.memory_space<vmem_shared>>
      tpu.enqueue_dma source(%arg6 : memref<64x128xf32, #tpu.memory_space<vmem>>) target(%dma_start3A_48 : memref<64x128xf32, #tpu.memory_space<vmem_shared>>) target_semaphore(%run_scoped3A : memref<!tpu.dma_semaphore, #tpu.memory_space<semaphore_mem>>)
      %dma_wait3A = arith.constant 0 : i32
      %dma_wait3A_49 = tpu.memref_slice %arg4[%add3A_22, %dma_wait3A] : memref<10240x128xf32, #tpu.memory_space<vmem_shared>> -> memref<64x128xf32, #tpu.memory_space<vmem_shared>>
      %dma_wait3A_50 = arith.constant 0 : i32
      %dma_wait3A_51 = tpu.memref_slice %arg4[%add3A_22, %dma_wait3A_50] : memref<10240x128xf32, #tpu.memory_space<vmem_shared>> -> memref<64x128xf32, #tpu.memory_space<vmem_shared>>
      tpu.wait_dma2 semaphore(%run_scoped3A : memref<!tpu.dma_semaphore, #tpu.memory_space<semaphore_mem>>) src(%arg6 : memref<64x128xf32, #tpu.memory_space<vmem>>) dst(%dma_wait3A_51 : memref<64x128xf32, #tpu.memory_space<vmem_shared>>)
      tpu.yield
    }) : () -> ()
    %add3A_23 = arith.constant 384 : i32
    %add3A_24 = arith.addi %mul3A_10, %add3A_23 : i32
    "tpu.region"() ({
      %run_scoped3A = tpu.sem_alloc : memref<!tpu.dma_semaphore, #tpu.memory_space<semaphore_mem>>
      %dma_start3A = arith.constant 0 : i32
      %dma_start3A_46 = tpu.memref_slice %arg4[%add3A_24, %dma_start3A] : memref<10240x128xf32, #tpu.memory_space<vmem_shared>> -> memref<64x128xf32, #tpu.memory_space<vmem_shared>>
      %dma_start3A_47 = arith.constant 0 : i32
      %dma_start3A_48 = tpu.memref_slice %arg4[%add3A_24, %dma_start3A_47] : memref<10240x128xf32, #tpu.memory_space<vmem_shared>> -> memref<64x128xf32, #tpu.memory_space<vmem_shared>>
      tpu.enqueue_dma source(%arg6 : memref<64x128xf32, #tpu.memory_space<vmem>>) target(%dma_start3A_48 : memref<64x128xf32, #tpu.memory_space<vmem_shared>>) target_semaphore(%run_scoped3A : memref<!tpu.dma_semaphore, #tpu.memory_space<semaphore_mem>>)
      %dma_wait3A = arith.constant 0 : i32
      %dma_wait3A_49 = tpu.memref_slice %arg4[%add3A_24, %dma_wait3A] : memref<10240x128xf32, #tpu.memory_space<vmem_shared>> -> memref<64x128xf32, #tpu.memory_space<vmem_shared>>
      %dma_wait3A_50 = arith.constant 0 : i32
      %dma_wait3A_51 = tpu.memref_slice %arg4[%add3A_24, %dma_wait3A_50] : memref<10240x128xf32, #tpu.memory_space<vmem_shared>> -> memref<64x128xf32, #tpu.memory_space<vmem_shared>>
      tpu.wait_dma2 semaphore(%run_scoped3A : memref<!tpu.dma_semaphore, #tpu.memory_space<semaphore_mem>>) src(%arg6 : memref<64x128xf32, #tpu.memory_space<vmem>>) dst(%dma_wait3A_51 : memref<64x128xf32, #tpu.memory_space<vmem_shared>>)
      tpu.yield
    }) : () -> ()
    %add3A_25 = arith.constant 448 : i32
    %add3A_26 = arith.addi %mul3A_10, %add3A_25 : i32
    "tpu.region"() ({
      %run_scoped3A = tpu.sem_alloc : memref<!tpu.dma_semaphore, #tpu.memory_space<semaphore_mem>>
      %dma_start3A = arith.constant 0 : i32
      %dma_start3A_46 = tpu.memref_slice %arg4[%add3A_26, %dma_start3A] : memref<10240x128xf32, #tpu.memory_space<vmem_shared>> -> memref<64x128xf32, #tpu.memory_space<vmem_shared>>
      %dma_start3A_47 = arith.constant 0 : i32
      %dma_start3A_48 = tpu.memref_slice %arg4[%add3A_26, %dma_start3A_47] : memref<10240x128xf32, #tpu.memory_space<vmem_shared>> -> memref<64x128xf32, #tpu.memory_space<vmem_shared>>
      tpu.enqueue_dma source(%arg6 : memref<64x128xf32, #tpu.memory_space<vmem>>) target(%dma_start3A_48 : memref<64x128xf32, #tpu.memory_space<vmem_shared>>) target_semaphore(%run_scoped3A : memref<!tpu.dma_semaphore, #tpu.memory_space<semaphore_mem>>)
      %dma_wait3A = arith.constant 0 : i32
      %dma_wait3A_49 = tpu.memref_slice %arg4[%add3A_26, %dma_wait3A] : memref<10240x128xf32, #tpu.memory_space<vmem_shared>> -> memref<64x128xf32, #tpu.memory_space<vmem_shared>>
      %dma_wait3A_50 = arith.constant 0 : i32
      %dma_wait3A_51 = tpu.memref_slice %arg4[%add3A_26, %dma_wait3A_50] : memref<10240x128xf32, #tpu.memory_space<vmem_shared>> -> memref<64x128xf32, #tpu.memory_space<vmem_shared>>
      tpu.wait_dma2 semaphore(%run_scoped3A : memref<!tpu.dma_semaphore, #tpu.memory_space<semaphore_mem>>) src(%arg6 : memref<64x128xf32, #tpu.memory_space<vmem>>) dst(%dma_wait3A_51 : memref<64x128xf32, #tpu.memory_space<vmem_shared>>)
      tpu.yield
    }) : () -> ()
    %add3A_27 = arith.constant 512 : i32
    %add3A_28 = arith.addi %mul3A_10, %add3A_27 : i32
    "tpu.region"() ({
      %run_scoped3A = tpu.sem_alloc : memref<!tpu.dma_semaphore, #tpu.memory_space<semaphore_mem>>
      %dma_start3A = arith.constant 0 : i32
      %dma_start3A_46 = tpu.memref_slice %arg4[%add3A_28, %dma_start3A] : memref<10240x128xf32, #tpu.memory_space<vmem_shared>> -> memref<64x128xf32, #tpu.memory_space<vmem_shared>>
      %dma_start3A_47 = arith.constant 0 : i32
      %dma_start3A_48 = tpu.memref_slice %arg4[%add3A_28, %dma_start3A_47] : memref<10240x128xf32, #tpu.memory_space<vmem_shared>> -> memref<64x128xf32, #tpu.memory_space<vmem_shared>>
      tpu.enqueue_dma source(%arg6 : memref<64x128xf32, #tpu.memory_space<vmem>>) target(%dma_start3A_48 : memref<64x128xf32, #tpu.memory_space<vmem_shared>>) target_semaphore(%run_scoped3A : memref<!tpu.dma_semaphore, #tpu.memory_space<semaphore_mem>>)
      %dma_wait3A = arith.constant 0 : i32
      %dma_wait3A_49 = tpu.memref_slice %arg4[%add3A_28, %dma_wait3A] : memref<10240x128xf32, #tpu.memory_space<vmem_shared>> -> memref<64x128xf32, #tpu.memory_space<vmem_shared>>
      %dma_wait3A_50 = arith.constant 0 : i32
      %dma_wait3A_51 = tpu.memref_slice %arg4[%add3A_28, %dma_wait3A_50] : memref<10240x128xf32, #tpu.memory_space<vmem_shared>> -> memref<64x128xf32, #tpu.memory_space<vmem_shared>>
      tpu.wait_dma2 semaphore(%run_scoped3A : memref<!tpu.dma_semaphore, #tpu.memory_space<semaphore_mem>>) src(%arg6 : memref<64x128xf32, #tpu.memory_space<vmem>>) dst(%dma_wait3A_51 : memref<64x128xf32, #tpu.memory_space<vmem_shared>>)
      tpu.yield
    }) : () -> ()
    %add3A_29 = arith.constant 576 : i32
    %add3A_30 = arith.addi %mul3A_10, %add3A_29 : i32
    "tpu.region"() ({
      %run_scoped3A = tpu.sem_alloc : memref<!tpu.dma_semaphore, #tpu.memory_space<semaphore_mem>>
      %dma_start3A = arith.constant 0 : i32
      %dma_start3A_46 = tpu.memref_slice %arg4[%add3A_30, %dma_start3A] : memref<10240x128xf32, #tpu.memory_space<vmem_shared>> -> memref<64x128xf32, #tpu.memory_space<vmem_shared>>
      %dma_start3A_47 = arith.constant 0 : i32
      %dma_start3A_48 = tpu.memref_slice %arg4[%add3A_30, %dma_start3A_47] : memref<10240x128xf32, #tpu.memory_space<vmem_shared>> -> memref<64x128xf32, #tpu.memory_space<vmem_shared>>
      tpu.enqueue_dma source(%arg6 : memref<64x128xf32, #tpu.memory_space<vmem>>) target(%dma_start3A_48 : memref<64x128xf32, #tpu.memory_space<vmem_shared>>) target_semaphore(%run_scoped3A : memref<!tpu.dma_semaphore, #tpu.memory_space<semaphore_mem>>)
      %dma_wait3A = arith.constant 0 : i32
      %dma_wait3A_49 = tpu.memref_slice %arg4[%add3A_30, %dma_wait3A] : memref<10240x128xf32, #tpu.memory_space<vmem_shared>> -> memref<64x128xf32, #tpu.memory_space<vmem_shared>>
      %dma_wait3A_50 = arith.constant 0 : i32
      %dma_wait3A_51 = tpu.memref_slice %arg4[%add3A_30, %dma_wait3A_50] : memref<10240x128xf32, #tpu.memory_space<vmem_shared>> -> memref<64x128xf32, #tpu.memory_space<vmem_shared>>
      tpu.wait_dma2 semaphore(%run_scoped3A : memref<!tpu.dma_semaphore, #tpu.memory_space<semaphore_mem>>) src(%arg6 : memref<64x128xf32, #tpu.memory_space<vmem>>) dst(%dma_wait3A_51 : memref<64x128xf32, #tpu.memory_space<vmem_shared>>)
      tpu.yield
    }) : () -> ()
    %broadcast_in_dim3A_31 = arith.constant 1.000000e+00 : f32
    %broadcast_in_dim3A_32 = vector.broadcast %broadcast_in_dim3A_31 : f32 to vector<16xf32>
    %scan3A_33 = arith.constant 0 : i32
    %scan3A_34 = arith.constant 0 : i32
    %scan3A_35 = arith.constant 64 : i32
    %scan3A_36 = arith.addi %scan3A_34, %scan3A_35 : i32
    %scan3A_37 = arith.constant 1 : i32
    scf.for %scan3A_46 = %scan3A_34 to %scan3A_36 step %scan3A_37  : i32 {
      %swap3A = arith.index_cast %scan3A_46 : i32 to index
      %swap3A_47 = arith.constant 0 : index
      %swap3A_48 = tpu.vector_load %arg6[%swap3A, %swap3A_47] {strides = array<i32>} : memref<64x128xf32, #tpu.memory_space<vmem>>, vector<1x16xf32>,
      %swap3A_49 = vector.shape_cast %swap3A_48 : vector<1x16xf32> to vector<16xf32>
      %swap3A_50 = vector.shape_cast %broadcast_in_dim3A_32 : vector<16xf32> to vector<1x16xf32>
      tpu.vector_store %arg6[%swap3A, %swap3A_47], %swap3A_50 {strides = array<i32>} : memref<64x128xf32, #tpu.memory_space<vmem>>, vector<1x16xf32>,
      %swap3A_51 = arith.index_cast %scan3A_46 : i32 to index
      %swap3A_52 = arith.constant 16 : index
      %swap3A_53 = tpu.vector_load %arg6[%swap3A_51, %swap3A_52] {strides = array<i32>} : memref<64x128xf32, #tpu.memory_space<vmem>>, vector<1x16xf32>,
      %swap3A_54 = vector.shape_cast %swap3A_53 : vector<1x16xf32> to vector<16xf32>
      %swap3A_55 = vector.shape_cast %broadcast_in_dim3A_32 : vector<16xf32> to vector<1x16xf32>
      tpu.vector_store %arg6[%swap3A_51, %swap3A_52], %swap3A_55 {strides = array<i32>} : memref<64x128xf32, #tpu.memory_space<vmem>>, vector<1x16xf32>,
      %swap3A_56 = arith.index_cast %scan3A_46 : i32 to index
      %swap3A_57 = arith.constant 32 : index
      %swap3A_58 = tpu.vector_load %arg6[%swap3A_56, %swap3A_57] {strides = array<i32>} : memref<64x128xf32, #tpu.memory_space<vmem>>, vector<1x16xf32>,
      %swap3A_59 = vector.shape_cast %swap3A_58 : vector<1x16xf32> to vector<16xf32>
      %swap3A_60 = vector.shape_cast %broadcast_in_dim3A_32 : vector<16xf32> to vector<1x16xf32>
      tpu.vector_store %arg6[%swap3A_56, %swap3A_57], %swap3A_60 {strides = array<i32>} : memref<64x128xf32, #tpu.memory_space<vmem>>, vector<1x16xf32>,
      %swap3A_61 = arith.index_cast %scan3A_46 : i32 to index
      %swap3A_62 = arith.constant 48 : index
      %swap3A_63 = tpu.vector_load %arg6[%swap3A_61, %swap3A_62] {strides = array<i32>} : memref<64x128xf32, #tpu.memory_space<vmem>>, vector<1x16xf32>,
      %swap3A_64 = vector.shape_cast %swap3A_63 : vector<1x16xf32> to vector<16xf32>
      %swap3A_65 = vector.shape_cast %broadcast_in_dim3A_32 : vector<16xf32> to vector<1x16xf32>
      tpu.vector_store %arg6[%swap3A_61, %swap3A_62], %swap3A_65 {strides = array<i32>} : memref<64x128xf32, #tpu.memory_space<vmem>>, vector<1x16xf32>,
      %swap3A_66 = arith.index_cast %scan3A_46 : i32 to index
      %swap3A_67 = arith.constant 64 : index
      %swap3A_68 = tpu.vector_load %arg6[%swap3A_66, %swap3A_67] {strides = array<i32>} : memref<64x128xf32, #tpu.memory_space<vmem>>, vector<1x16xf32>,
      %swap3A_69 = vector.shape_cast %swap3A_68 : vector<1x16xf32> to vector<16xf32>
      %swap3A_70 = vector.shape_cast %broadcast_in_dim3A_32 : vector<16xf32> to vector<1x16xf32>
      tpu.vector_store %arg6[%swap3A_66, %swap3A_67], %swap3A_70 {strides = array<i32>} : memref<64x128xf32, #tpu.memory_space<vmem>>, vector<1x16xf32>,
      %swap3A_71 = arith.index_cast %scan3A_46 : i32 to index
      %swap3A_72 = arith.constant 80 : index
      %swap3A_73 = tpu.vector_load %arg6[%swap3A_71, %swap3A_72] {strides = array<i32>} : memref<64x128xf32, #tpu.memory_space<vmem>>, vector<1x16xf32>,
      %swap3A_74 = vector.shape_cast %swap3A_73 : vector<1x16xf32> to vector<16xf32>
      %swap3A_75 = vector.shape_cast %broadcast_in_dim3A_32 : vector<16xf32> to vector<1x16xf32>
      tpu.vector_store %arg6[%swap3A_71, %swap3A_72], %swap3A_75 {strides = array<i32>} : memref<64x128xf32, #tpu.memory_space<vmem>>, vector<1x16xf32>,
      %swap3A_76 = arith.index_cast %scan3A_46 : i32 to index
      %swap3A_77 = arith.constant 96 : index
      %swap3A_78 = tpu.vector_load %arg6[%swap3A_76, %swap3A_77] {strides = array<i32>} : memref<64x128xf32, #tpu.memory_space<vmem>>, vector<1x16xf32>,
      %swap3A_79 = vector.shape_cast %swap3A_78 : vector<1x16xf32> to vector<16xf32>
      %swap3A_80 = vector.shape_cast %broadcast_in_dim3A_32 : vector<16xf32> to vector<1x16xf32>
      tpu.vector_store %arg6[%swap3A_76, %swap3A_77], %swap3A_80 {strides = array<i32>} : memref<64x128xf32, #tpu.memory_space<vmem>>, vector<1x16xf32>,
      %swap3A_81 = arith.index_cast %scan3A_46 : i32 to index
      %swap3A_82 = arith.constant 112 : index
      %swap3A_83 = tpu.vector_load %arg6[%swap3A_81, %swap3A_82] {strides = array<i32>} : memref<64x128xf32, #tpu.memory_space<vmem>>, vector<1x16xf32>,
      %swap3A_84 = vector.shape_cast %swap3A_83 : vector<1x16xf32> to vector<16xf32>
      %swap3A_85 = vector.shape_cast %broadcast_in_dim3A_32 : vector<16xf32> to vector<1x16xf32>
      tpu.vector_store %arg6[%swap3A_81, %swap3A_82], %swap3A_85 {strides = array<i32>} : memref<64x128xf32, #tpu.memory_space<vmem>>, vector<1x16xf32>,
    }
    %scan3A_38 = arith.constant 64 : i32
    %barrier3A = arith.constant 0 : index
    tpu.barrier barrier_id(%barrier3A)
    %scan3A_39 = arith.constant 0 : i32
    %scan3A_40 = arith.constant 0 : i32
    %scan3A_41 = arith.constant 20 : i32
    %scan3A_42 = arith.addi %scan3A_40, %scan3A_41 : i32
    %scan3A_43 = arith.constant 1 : i32
    scf.for %scan3A_46 = %scan3A_40 to %scan3A_42 step %scan3A_43  : i32 {
      %mul3A_47 = arith.constant 8 : i32
      %mul3A_48 = arith.muli %scan3A_46, %mul3A_47 : i32
      %add3A_49 = arith.constant 0 : i32
      %add3A_50 = arith.addi %mul3A_48, %add3A_49 : i32
      %dma_start3A = arith.constant 0 : i32
      %dma_start3A_51 = tpu.memref_slice %arg5[%add3A_50, %dma_start3A] : memref<160x64xi32, #tpu.memory_space<vmem>> -> memref<1x64xi32, #tpu.memory_space<vmem>>
      %dma_start3A_52 = tpu.memref_squeeze %dma_start3A_51 : memref<1x64xi32, #tpu.memory_space<vmem>> -> memref<64xi32, #tpu.memory_space<vmem>>
      %dma_start3A_53 = arith.constant 0 : i32
      %dma_start3A_54 = arith.constant 0 : i32
      %dma_start3A_55 = tpu.memref_slice %arg4[%dma_start3A_53, %dma_start3A_54] : memref<10240x128xf32, #tpu.memory_space<vmem_shared>> -> memref<10240x128xf32, #tpu.memory_space<vmem_shared>>
      tpu.enqueue_indirect_dma source(%arg6 : memref<64x128xf32, #tpu.memory_space<vmem>>) target(%dma_start3A_55 : memref<10240x128xf32, #tpu.memory_space<vmem_shared>>) offsets(%dma_start3A_52 : memref<64xi32, #tpu.memory_space<vmem>>) semaphore(%arg7 : memref<!tpu.dma_semaphore, #tpu.memory_space<semaphore_mem>>) {add = true}
      %mul3A_56 = arith.constant 8 : i32
      %mul3A_57 = arith.muli %scan3A_46, %mul3A_56 : i32
      %add3A_58 = arith.constant 1 : i32
      %add3A_59 = arith.addi %mul3A_57, %add3A_58 : i32
      %dma_start3A_60 = arith.constant 0 : i32
      %dma_start3A_61 = tpu.memref_slice %arg5[%add3A_59, %dma_start3A_60] : memref<160x64xi32, #tpu.memory_space<vmem>> -> memref<1x64xi32, #tpu.memory_space<vmem>>
      %dma_start3A_62 = tpu.memref_squeeze %dma_start3A_61 : memref<1x64xi32, #tpu.memory_space<vmem>> -> memref<64xi32, #tpu.memory_space<vmem>>
      %dma_start3A_63 = arith.constant 0 : i32
      %dma_start3A_64 = arith.constant 0 : i32
      %dma_start3A_65 = tpu.memref_slice %arg4[%dma_start3A_63, %dma_start3A_64] : memref<10240x128xf32, #tpu.memory_space<vmem_shared>> -> memref<10240x128xf32, #tpu.memory_space<vmem_shared>>
      tpu.enqueue_indirect_dma source(%arg6 : memref<64x128xf32, #tpu.memory_space<vmem>>) target(%dma_start3A_65 : memref<10240x128xf32, #tpu.memory_space<vmem_shared>>) offsets(%dma_start3A_62 : memref<64xi32, #tpu.memory_space<vmem>>) semaphore(%arg7 : memref<!tpu.dma_semaphore, #tpu.memory_space<semaphore_mem>>) {add = true}
      %mul3A_66 = arith.constant 8 : i32
      %mul3A_67 = arith.muli %scan3A_46, %mul3A_66 : i32
      %add3A_68 = arith.constant 2 : i32
      %add3A_69 = arith.addi %mul3A_67, %add3A_68 : i32
      %dma_start3A_70 = arith.constant 0 : i32
      %dma_start3A_71 = tpu.memref_slice %arg5[%add3A_69, %dma_start3A_70] : memref<160x64xi32, #tpu.memory_space<vmem>> -> memref<1x64xi32, #tpu.memory_space<vmem>>
      %dma_start3A_72 = tpu.memref_squeeze %dma_start3A_71 : memref<1x64xi32, #tpu.memory_space<vmem>> -> memref<64xi32, #tpu.memory_space<vmem>>
      %dma_start3A_73 = arith.constant 0 : i32
      %dma_start3A_74 = arith.constant 0 : i32
      %dma_start3A_75 = tpu.memref_slice %arg4[%dma_start3A_73, %dma_start3A_74] : memref<10240x128xf32, #tpu.memory_space<vmem_shared>> -> memref<10240x128xf32, #tpu.memory_space<vmem_shared>>
      tpu.enqueue_indirect_dma source(%arg6 : memref<64x128xf32, #tpu.memory_space<vmem>>) target(%dma_start3A_75 : memref<10240x128xf32, #tpu.memory_space<vmem_shared>>) offsets(%dma_start3A_72 : memref<64xi32, #tpu.memory_space<vmem>>) semaphore(%arg7 : memref<!tpu.dma_semaphore, #tpu.memory_space<semaphore_mem>>) {add = true}
      %mul3A_76 = arith.constant 8 : i32
      %mul3A_77 = arith.muli %scan3A_46, %mul3A_76 : i32
      %add3A_78 = arith.constant 3 : i32
      %add3A_79 = arith.addi %mul3A_77, %add3A_78 : i32
      %dma_start3A_80 = arith.constant 0 : i32
      %dma_start3A_81 = tpu.memref_slice %arg5[%add3A_79, %dma_start3A_80] : memref<160x64xi32, #tpu.memory_space<vmem>> -> memref<1x64xi32, #tpu.memory_space<vmem>>
      %dma_start3A_82 = tpu.memref_squeeze %dma_start3A_81 : memref<1x64xi32, #tpu.memory_space<vmem>> -> memref<64xi32, #tpu.memory_space<vmem>>
      %dma_start3A_83 = arith.constant 0 : i32
      %dma_start3A_84 = arith.constant 0 : i32
      %dma_start3A_85 = tpu.memref_slice %arg4[%dma_start3A_83, %dma_start3A_84] : memref<10240x128xf32, #tpu.memory_space<vmem_shared>> -> memref<10240x128xf32, #tpu.memory_space<vmem_shared>>
      tpu.enqueue_indirect_dma source(%arg6 : memref<64x128xf32, #tpu.memory_space<vmem>>) target(%dma_start3A_85 : memref<10240x128xf32, #tpu.memory_space<vmem_shared>>) offsets(%dma_start3A_82 : memref<64xi32, #tpu.memory_space<vmem>>) semaphore(%arg7 : memref<!tpu.dma_semaphore, #tpu.memory_space<semaphore_mem>>) {add = true}
      %mul3A_86 = arith.constant 8 : i32
      %mul3A_87 = arith.muli %scan3A_46, %mul3A_86 : i32
      %add3A_88 = arith.constant 4 : i32
      %add3A_89 = arith.addi %mul3A_87, %add3A_88 : i32
      %dma_start3A_90 = arith.constant 0 : i32
      %dma_start3A_91 = tpu.memref_slice %arg5[%add3A_89, %dma_start3A_90] : memref<160x64xi32, #tpu.memory_space<vmem>> -> memref<1x64xi32, #tpu.memory_space<vmem>>
      %dma_start3A_92 = tpu.memref_squeeze %dma_start3A_91 : memref<1x64xi32, #tpu.memory_space<vmem>> -> memref<64xi32, #tpu.memory_space<vmem>>
      %dma_start3A_93 = arith.constant 0 : i32
      %dma_start3A_94 = arith.constant 0 : i32
      %dma_start3A_95 = tpu.memref_slice %arg4[%dma_start3A_93, %dma_start3A_94] : memref<10240x128xf32, #tpu.memory_space<vmem_shared>> -> memref<10240x128xf32, #tpu.memory_space<vmem_shared>>
      tpu.enqueue_indirect_dma source(%arg6 : memref<64x128xf32, #tpu.memory_space<vmem>>) target(%dma_start3A_95 : memref<10240x128xf32, #tpu.memory_space<vmem_shared>>) offsets(%dma_start3A_92 : memref<64xi32, #tpu.memory_space<vmem>>) semaphore(%arg7 : memref<!tpu.dma_semaphore, #tpu.memory_space<semaphore_mem>>) {add = true}
      %mul3A_96 = arith.constant 8 : i32
      %mul3A_97 = arith.muli %scan3A_46, %mul3A_96 : i32
      %add3A_98 = arith.constant 5 : i32
      %add3A_99 = arith.addi %mul3A_97, %add3A_98 : i32
      %dma_start3A_100 = arith.constant 0 : i32
      %dma_start3A_101 = tpu.memref_slice %arg5[%add3A_99, %dma_start3A_100] : memref<160x64xi32, #tpu.memory_space<vmem>> -> memref<1x64xi32, #tpu.memory_space<vmem>>
      %dma_start3A_102 = tpu.memref_squeeze %dma_start3A_101 : memref<1x64xi32, #tpu.memory_space<vmem>> -> memref<64xi32, #tpu.memory_space<vmem>>
      %dma_start3A_103 = arith.constant 0 : i32
      %dma_start3A_104 = arith.constant 0 : i32
      %dma_start3A_105 = tpu.memref_slice %arg4[%dma_start3A_103, %dma_start3A_104] : memref<10240x128xf32, #tpu.memory_space<vmem_shared>> -> memref<10240x128xf32, #tpu.memory_space<vmem_shared>>
      tpu.enqueue_indirect_dma source(%arg6 : memref<64x128xf32, #tpu.memory_space<vmem>>) target(%dma_start3A_105 : memref<10240x128xf32, #tpu.memory_space<vmem_shared>>) offsets(%dma_start3A_102 : memref<64xi32, #tpu.memory_space<vmem>>) semaphore(%arg7 : memref<!tpu.dma_semaphore, #tpu.memory_space<semaphore_mem>>) {add = true}
      %mul3A_106 = arith.constant 8 : i32
      %mul3A_107 = arith.muli %scan3A_46, %mul3A_106 : i32
      %add3A_108 = arith.constant 6 : i32
      %add3A_109 = arith.addi %mul3A_107, %add3A_108 : i32
      %dma_start3A_110 = arith.constant 0 : i32
      %dma_start3A_111 = tpu.memref_slice %arg5[%add3A_109, %dma_start3A_110] : memref<160x64xi32, #tpu.memory_space<vmem>> -> memref<1x64xi32, #tpu.memory_space<vmem>>
      %dma_start3A_112 = tpu.memref_squeeze %dma_start3A_111 : memref<1x64xi32, #tpu.memory_space<vmem>> -> memref<64xi32, #tpu.memory_space<vmem>>
      %dma_start3A_113 = arith.constant 0 : i32
      %dma_start3A_114 = arith.constant 0 : i32
      %dma_start3A_115 = tpu.memref_slice %arg4[%dma_start3A_113, %dma_start3A_114] : memref<10240x128xf32, #tpu.memory_space<vmem_shared>> -> memref<10240x128xf32, #tpu.memory_space<vmem_shared>>
      tpu.enqueue_indirect_dma source(%arg6 : memref<64x128xf32, #tpu.memory_space<vmem>>) target(%dma_start3A_115 : memref<10240x128xf32, #tpu.memory_space<vmem_shared>>) offsets(%dma_start3A_112 : memref<64xi32, #tpu.memory_space<vmem>>) semaphore(%arg7 : memref<!tpu.dma_semaphore, #tpu.memory_space<semaphore_mem>>) {add = true}
      %mul3A_116 = arith.constant 8 : i32
      %mul3A_117 = arith.muli %scan3A_46, %mul3A_116 : i32
      %add3A_118 = arith.constant 7 : i32
      %add3A_119 = arith.addi %mul3A_117, %add3A_118 : i32
      %dma_start3A_120 = arith.constant 0 : i32
      %dma_start3A_121 = tpu.memref_slice %arg5[%add3A_119, %dma_start3A_120] : memref<160x64xi32, #tpu.memory_space<vmem>> -> memref<1x64xi32, #tpu.memory_space<vmem>>
      %dma_start3A_122 = tpu.memref_squeeze %dma_start3A_121 : memref<1x64xi32, #tpu.memory_space<vmem>> -> memref<64xi32, #tpu.memory_space<vmem>>
      %dma_start3A_123 = arith.constant 0 : i32
      %dma_start3A_124 = arith.constant 0 : i32
      %dma_start3A_125 = tpu.memref_slice %arg4[%dma_start3A_123, %dma_start3A_124] : memref<10240x128xf32, #tpu.memory_space<vmem_shared>> -> memref<10240x128xf32, #tpu.memory_space<vmem_shared>>
      tpu.enqueue_indirect_dma source(%arg6 : memref<64x128xf32, #tpu.memory_space<vmem>>) target(%dma_start3A_125 : memref<10240x128xf32, #tpu.memory_space<vmem_shared>>) offsets(%dma_start3A_122 : memref<64xi32, #tpu.memory_space<vmem>>) semaphore(%arg7 : memref<!tpu.dma_semaphore, #tpu.memory_space<semaphore_mem>>) {add = true}
      %dma_wait3A = arith.constant 0 : i32
      %dma_wait3A_126 = tpu.memref_slice %arg5[%add3A_50, %dma_wait3A] : memref<160x64xi32, #tpu.memory_space<vmem>> -> memref<1x64xi32, #tpu.memory_space<vmem>>
      %dma_wait3A_127 = tpu.memref_squeeze %dma_wait3A_126 : memref<1x64xi32, #tpu.memory_space<vmem>> -> memref<64xi32, #tpu.memory_space<vmem>>
      %dma_wait3A_128 = arith.constant 0 : i32
      %dma_wait3A_129 = arith.constant 0 : i32
      %dma_wait3A_130 = tpu.memref_slice %arg4[%dma_wait3A_128, %dma_wait3A_129] : memref<10240x128xf32, #tpu.memory_space<vmem_shared>> -> memref<10240x128xf32, #tpu.memory_space<vmem_shared>>
      tpu.wait_indirect_dma semaphore(%arg7 : memref<!tpu.dma_semaphore, #tpu.memory_space<semaphore_mem>>) src(%arg6 : memref<64x128xf32, #tpu.memory_space<vmem>>) dst(%dma_wait3A_130 : memref<10240x128xf32, #tpu.memory_space<vmem_shared>>)
      %dma_wait3A_131 = arith.constant 0 : i32
      %dma_wait3A_132 = tpu.memref_slice %arg5[%add3A_59, %dma_wait3A_131] : memref<160x64xi32, #tpu.memory_space<vmem>> -> memref<1x64xi32, #tpu.memory_space<vmem>>
      %dma_wait3A_133 = tpu.memref_squeeze %dma_wait3A_132 : memref<1x64xi32, #tpu.memory_space<vmem>> -> memref<64xi32, #tpu.memory_space<vmem>>
      %dma_wait3A_134 = arith.constant 0 : i32
      %dma_wait3A_135 = arith.constant 0 : i32
      %dma_wait3A_136 = tpu.memref_slice %arg4[%dma_wait3A_134, %dma_wait3A_135] : memref<10240x128xf32, #tpu.memory_space<vmem_shared>> -> memref<10240x128xf32, #tpu.memory_space<vmem_shared>>
      tpu.wait_indirect_dma semaphore(%arg7 : memref<!tpu.dma_semaphore, #tpu.memory_space<semaphore_mem>>) src(%arg6 : memref<64x128xf32, #tpu.memory_space<vmem>>) dst(%dma_wait3A_136 : memref<10240x128xf32, #tpu.memory_space<vmem_shared>>)
      %dma_wait3A_137 = arith.constant 0 : i32
      %dma_wait3A_138 = tpu.memref_slice %arg5[%add3A_69, %dma_wait3A_137] : memref<160x64xi32, #tpu.memory_space<vmem>> -> memref<1x64xi32, #tpu.memory_space<vmem>>
      %dma_wait3A_139 = tpu.memref_squeeze %dma_wait3A_138 : memref<1x64xi32, #tpu.memory_space<vmem>> -> memref<64xi32, #tpu.memory_space<vmem>>
      %dma_wait3A_140 = arith.constant 0 : i32
      %dma_wait3A_141 = arith.constant 0 : i32
      %dma_wait3A_142 = tpu.memref_slice %arg4[%dma_wait3A_140, %dma_wait3A_141] : memref<10240x128xf32, #tpu.memory_space<vmem_shared>> -> memref<10240x128xf32, #tpu.memory_space<vmem_shared>>
      tpu.wait_indirect_dma semaphore(%arg7 : memref<!tpu.dma_semaphore, #tpu.memory_space<semaphore_mem>>) src(%arg6 : memref<64x128xf32, #tpu.memory_space<vmem>>) dst(%dma_wait3A_142 : memref<10240x128xf32, #tpu.memory_space<vmem_shared>>)
      %dma_wait3A_143 = arith.constant 0 : i32
      %dma_wait3A_144 = tpu.memref_slice %arg5[%add3A_79, %dma_wait3A_143] : memref<160x64xi32, #tpu.memory_space<vmem>> -> memref<1x64xi32, #tpu.memory_space<vmem>>
      %dma_wait3A_145 = tpu.memref_squeeze %dma_wait3A_144 : memref<1x64xi32, #tpu.memory_space<vmem>> -> memref<64xi32, #tpu.memory_space<vmem>>
      %dma_wait3A_146 = arith.constant 0 : i32
      %dma_wait3A_147 = arith.constant 0 : i32
      %dma_wait3A_148 = tpu.memref_slice %arg4[%dma_wait3A_146, %dma_wait3A_147] : memref<10240x128xf32, #tpu.memory_space<vmem_shared>> -> memref<10240x128xf32, #tpu.memory_space<vmem_shared>>
      tpu.wait_indirect_dma semaphore(%arg7 : memref<!tpu.dma_semaphore, #tpu.memory_space<semaphore_mem>>) src(%arg6 : memref<64x128xf32, #tpu.memory_space<vmem>>) dst(%dma_wait3A_148 : memref<10240x128xf32, #tpu.memory_space<vmem_shared>>)
      %dma_wait3A_149 = arith.constant 0 : i32
      %dma_wait3A_150 = tpu.memref_slice %arg5[%add3A_89, %dma_wait3A_149] : memref<160x64xi32, #tpu.memory_space<vmem>> -> memref<1x64xi32, #tpu.memory_space<vmem>>
      %dma_wait3A_151 = tpu.memref_squeeze %dma_wait3A_150 : memref<1x64xi32, #tpu.memory_space<vmem>> -> memref<64xi32, #tpu.memory_space<vmem>>
      %dma_wait3A_152 = arith.constant 0 : i32
      %dma_wait3A_153 = arith.constant 0 : i32
      %dma_wait3A_154 = tpu.memref_slice %arg4[%dma_wait3A_152, %dma_wait3A_153] : memref<10240x128xf32, #tpu.memory_space<vmem_shared>> -> memref<10240x128xf32, #tpu.memory_space<vmem_shared>>
      tpu.wait_indirect_dma semaphore(%arg7 : memref<!tpu.dma_semaphore, #tpu.memory_space<semaphore_mem>>) src(%arg6 : memref<64x128xf32, #tpu.memory_space<vmem>>) dst(%dma_wait3A_154 : memref<10240x128xf32, #tpu.memory_space<vmem_shared>>)
      %dma_wait3A_155 = arith.constant 0 : i32
      %dma_wait3A_156 = tpu.memref_slice %arg5[%add3A_99, %dma_wait3A_155] : memref<160x64xi32, #tpu.memory_space<vmem>> -> memref<1x64xi32, #tpu.memory_space<vmem>>
      %dma_wait3A_157 = tpu.memref_squeeze %dma_wait3A_156 : memref<1x64xi32, #tpu.memory_space<vmem>> -> memref<64xi32, #tpu.memory_space<vmem>>
      %dma_wait3A_158 = arith.constant 0 : i32
      %dma_wait3A_159 = arith.constant 0 : i32
      %dma_wait3A_160 = tpu.memref_slice %arg4[%dma_wait3A_158, %dma_wait3A_159] : memref<10240x128xf32, #tpu.memory_space<vmem_shared>> -> memref<10240x128xf32, #tpu.memory_space<vmem_shared>>
      tpu.wait_indirect_dma semaphore(%arg7 : memref<!tpu.dma_semaphore, #tpu.memory_space<semaphore_mem>>) src(%arg6 : memref<64x128xf32, #tpu.memory_space<vmem>>) dst(%dma_wait3A_160 : memref<10240x128xf32, #tpu.memory_space<vmem_shared>>)
      %dma_wait3A_161 = arith.constant 0 : i32
      %dma_wait3A_162 = tpu.memref_slice %arg5[%add3A_109, %dma_wait3A_161] : memref<160x64xi32, #tpu.memory_space<vmem>> -> memref<1x64xi32, #tpu.memory_space<vmem>>
      %dma_wait3A_163 = tpu.memref_squeeze %dma_wait3A_162 : memref<1x64xi32, #tpu.memory_space<vmem>> -> memref<64xi32, #tpu.memory_space<vmem>>
      %dma_wait3A_164 = arith.constant 0 : i32
      %dma_wait3A_165 = arith.constant 0 : i32
      %dma_wait3A_166 = tpu.memref_slice %arg4[%dma_wait3A_164, %dma_wait3A_165] : memref<10240x128xf32, #tpu.memory_space<vmem_shared>> -> memref<10240x128xf32, #tpu.memory_space<vmem_shared>>
      tpu.wait_indirect_dma semaphore(%arg7 : memref<!tpu.dma_semaphore, #tpu.memory_space<semaphore_mem>>) src(%arg6 : memref<64x128xf32, #tpu.memory_space<vmem>>) dst(%dma_wait3A_166 : memref<10240x128xf32, #tpu.memory_space<vmem_shared>>)
      %dma_wait3A_167 = arith.constant 0 : i32
      %dma_wait3A_168 = tpu.memref_slice %arg5[%add3A_119, %dma_wait3A_167] : memref<160x64xi32, #tpu.memory_space<vmem>> -> memref<1x64xi32, #tpu.memory_space<vmem>>
      %dma_wait3A_169 = tpu.memref_squeeze %dma_wait3A_168 : memref<1x64xi32, #tpu.memory_space<vmem>> -> memref<64xi32, #tpu.memory_space<vmem>>
      %dma_wait3A_170 = arith.constant 0 : i32
      %dma_wait3A_171 = arith.constant 0 : i32
      %dma_wait3A_172 = tpu.memref_slice %arg4[%dma_wait3A_170, %dma_wait3A_171] : memref<10240x128xf32, #tpu.memory_space<vmem_shared>> -> memref<10240x128xf32, #tpu.memory_space<vmem_shared>>
      tpu.wait_indirect_dma semaphore(%arg7 : memref<!tpu.dma_semaphore, #tpu.memory_space<semaphore_mem>>) src(%arg6 : memref<64x128xf32, #tpu.memory_space<vmem>>) dst(%dma_wait3A_172 : memref<10240x128xf32, #tpu.memory_space<vmem_shared>>)
    }
    %scan3A_44 = arith.constant 20 : i32
    %barrier3A_45 = arith.constant 0 : index
    tpu.barrier barrier_id(%barrier3A_45)
    "tpu.region"() ({
      %run_scoped3A = tpu.sem_alloc : memref<!tpu.dma_semaphore, #tpu.memory_space<semaphore_mem>>
      %dma_start3A = arith.constant 0 : i32
      %dma_start3A_46 = tpu.memref_slice %arg3[%arg0, %mul3A_10, %dma_start3A] : memref<2x10240x128xf32, #tpu.memory_space<hbm>> -> memref<1x640x128xf32, #tpu.memory_space<hbm>>
      %dma_start3A_47 = tpu.memref_squeeze %dma_start3A_46 : memref<1x640x128xf32, #tpu.memory_space<hbm>> -> memref<640x128xf32, #tpu.memory_space<hbm>>
      %dma_start3A_48 = arith.constant 0 : i32
      %dma_start3A_49 = tpu.memref_slice %arg4[%mul3A_10, %dma_start3A_48] : memref<10240x128xf32, #tpu.memory_space<vmem_shared>> -> memref<640x128xf32, #tpu.memory_space<vmem_shared>>
      tpu.enqueue_dma source(%dma_start3A_49 : memref<640x128xf32, #tpu.memory_space<vmem_shared>>) target(%dma_start3A_47 : memref<640x128xf32, #tpu.memory_space<hbm>>) target_semaphore(%run_scoped3A : memref<!tpu.dma_semaphore, #tpu.memory_space<semaphore_mem>>)
      %dma_wait3A = arith.constant 0 : i32
      %dma_wait3A_50 = tpu.memref_slice %arg3[%arg0, %mul3A_10, %dma_wait3A] : memref<2x10240x128xf32, #tpu.memory_space<hbm>> -> memref<1x640x128xf32, #tpu.memory_space<hbm>>
      %dma_wait3A_51 = tpu.memref_squeeze %dma_wait3A_50 : memref<1x640x128xf32, #tpu.memory_space<hbm>> -> memref<640x128xf32, #tpu.memory_space<hbm>>
      %dma_wait3A_52 = arith.constant 0 : i32
      %dma_wait3A_53 = tpu.memref_slice %arg4[%mul3A_10, %dma_wait3A_52] : memref<10240x128xf32, #tpu.memory_space<vmem_shared>> -> memref<640x128xf32, #tpu.memory_space<vmem_shared>>
      tpu.wait_dma2 semaphore(%run_scoped3A : memref<!tpu.dma_semaphore, #tpu.memory_space<semaphore_mem>>) src(%dma_wait3A_53 : memref<640x128xf32, #tpu.memory_space<vmem_shared>>) dst(%dma_wait3A_51 : memref<640x128xf32, #tpu.memory_space<hbm>>)
      tpu.yield
    }) : () -> ()
    return
  }
}

#map = affine_map<(d0, d1) -> (0, 0)>
#map1 = affine_map<(d0, d1) -> (0, 0, 0)>
module attributes {stable_mosaic.version = 14 : i64} {
  func.func @_prop(%arg0: i32, %arg1: i32, %arg2: memref<10000x128xf32, #tpu.memory_space<hbm>>, %arg3: memref<5120x64xi32, #tpu.memory_space<hbm>>, %arg4: memref<5120x64xi32, #tpu.memory_space<hbm>>, %arg5: memref<2x10240x128xf32, #tpu.memory_space<hbm>>, %arg6: memref<10240x128xf32, #tpu.memory_space<vmem_shared>>, %arg7: memref<5x64xi32, #tpu.memory_space<vmem>>, %arg8: memref<5x64xi32, #tpu.memory_space<vmem>>, %arg9: memref<5x64x128xf32, #tpu.memory_space<vmem>>, %arg10: memref<!tpu.dma_semaphore, #tpu.memory_space<semaphore_mem>>, %arg11: memref<!tpu.dma_semaphore, #tpu.memory_space<semaphore_mem>>, %arg12: memref<!tpu.dma_semaphore, #tpu.memory_space<semaphore_mem>>, %arg13: memref<!tpu.dma_semaphore, #tpu.memory_space<semaphore_mem>>, %arg14: memref<!tpu.dma_semaphore, #tpu.memory_space<semaphore_mem>>, %arg15: memref<!tpu.dma_semaphore, #tpu.memory_space<semaphore_mem>>, %arg16: memref<!tpu.dma_semaphore, #tpu.memory_space<semaphore_mem>>, %arg17: memref<!tpu.dma_semaphore, #tpu.memory_space<semaphore_mem>>, %arg18: memref<!tpu.dma_semaphore, #tpu.memory_space<semaphore_mem>>, %arg19: memref<!tpu.dma_semaphore, #tpu.memory_space<semaphore_mem>>, %arg20: memref<!tpu.dma_semaphore, #tpu.memory_space<semaphore_mem>>, %arg21: memref<!tpu.dma_semaphore, #tpu.memory_space<semaphore_mem>>, %arg22: memref<!tpu.dma_semaphore, #tpu.memory_space<semaphore_mem>>, %arg23: memref<!tpu.dma_semaphore, #tpu.memory_space<semaphore_mem>>, %arg24: memref<!tpu.dma_semaphore, #tpu.memory_space<semaphore_mem>>) attributes {dimension_semantics = [#tpu.dimension_semantics<core_parallel>, #tpu.dimension_semantics<subcore_parallel>], iteration_bounds = array<i64: 2, 16>, scalar_prefetch = 0 : i64, scratch_operands = 19 : i64, tpu.core_type = #tpu.core_type<sc_vector_subcore>, window_params = [{transform_indices = #map}, {transform_indices = #map}, {transform_indices = #map}, {transform_indices = #map1}]} {
    %mul3A = arith.constant 16 : i32
    %mul3A_0 = arith.muli %arg0, %mul3A : i32
    %add3A = arith.addi %mul3A_0, %arg1 : i32
    %mul3A_1 = arith.constant 160 : i32
    %mul3A_2 = arith.muli %add3A, %mul3A_1 : i32
    %broadcast_in_dim3A = arith.constant 0.000000e+00 : f32
    %broadcast_in_dim3A_3 = vector.broadcast %broadcast_in_dim3A : f32 to vector<16xf32>
    %scan3A = arith.constant 0 : i32
    %scan3A_4 = arith.constant 0 : i32
    %scan3A_5 = arith.constant 0 : i32
    %scan3A_6 = arith.constant 64 : i32
    %scan3A_7 = arith.addi %scan3A_5, %scan3A_6 : i32
    %scan3A_8 = arith.constant 1 : i32
    scf.for %scan3A_406 = %scan3A_5 to %scan3A_7 step %scan3A_8  : i32 {
      %swap3A = arith.constant 0 : i32
      %swap3A_407 = arith.constant 0 : i32
      %swap3A_408 = tpu.memref_slice %arg9[%scan3A_4, %swap3A, %swap3A_407] : memref<5x64x128xf32, #tpu.memory_space<vmem>> -> memref<1x64x128xf32, #tpu.memory_space<vmem>>
      %swap3A_409 = tpu.memref_squeeze %swap3A_408 : memref<1x64x128xf32, #tpu.memory_space<vmem>> -> memref<64x128xf32, #tpu.memory_space<vmem>>
      %swap3A_410 = arith.index_cast %scan3A_406 : i32 to index
      %swap3A_411 = arith.constant 0 : index
      %swap3A_412 = tpu.vector_load %swap3A_409[%swap3A_410, %swap3A_411] {strides = array<i32>} : memref<64x128xf32, #tpu.memory_space<vmem>>, vector<1x16xf32>,
      %swap3A_413 = vector.shape_cast %swap3A_412 : vector<1x16xf32> to vector<16xf32>
      %swap3A_414 = vector.shape_cast %broadcast_in_dim3A_3 : vector<16xf32> to vector<1x16xf32>
      tpu.vector_store %swap3A_409[%swap3A_410, %swap3A_411], %swap3A_414 {strides = array<i32>} : memref<64x128xf32, #tpu.memory_space<vmem>>, vector<1x16xf32>,
      %swap3A_415 = arith.constant 0 : i32
      %swap3A_416 = arith.constant 0 : i32
      %swap3A_417 = tpu.memref_slice %arg9[%scan3A_4, %swap3A_415, %swap3A_416] : memref<5x64x128xf32, #tpu.memory_space<vmem>> -> memref<1x64x128xf32, #tpu.memory_space<vmem>>
      %swap3A_418 = tpu.memref_squeeze %swap3A_417 : memref<1x64x128xf32, #tpu.memory_space<vmem>> -> memref<64x128xf32, #tpu.memory_space<vmem>>
      %swap3A_419 = arith.index_cast %scan3A_406 : i32 to index
      %swap3A_420 = arith.constant 16 : index
      %swap3A_421 = tpu.vector_load %swap3A_418[%swap3A_419, %swap3A_420] {strides = array<i32>} : memref<64x128xf32, #tpu.memory_space<vmem>>, vector<1x16xf32>,
      %swap3A_422 = vector.shape_cast %swap3A_421 : vector<1x16xf32> to vector<16xf32>
      %swap3A_423 = vector.shape_cast %broadcast_in_dim3A_3 : vector<16xf32> to vector<1x16xf32>
      tpu.vector_store %swap3A_418[%swap3A_419, %swap3A_420], %swap3A_423 {strides = array<i32>} : memref<64x128xf32, #tpu.memory_space<vmem>>, vector<1x16xf32>,
      %swap3A_424 = arith.constant 0 : i32
      %swap3A_425 = arith.constant 0 : i32
      %swap3A_426 = tpu.memref_slice %arg9[%scan3A_4, %swap3A_424, %swap3A_425] : memref<5x64x128xf32, #tpu.memory_space<vmem>> -> memref<1x64x128xf32, #tpu.memory_space<vmem>>
      %swap3A_427 = tpu.memref_squeeze %swap3A_426 : memref<1x64x128xf32, #tpu.memory_space<vmem>> -> memref<64x128xf32, #tpu.memory_space<vmem>>
      %swap3A_428 = arith.index_cast %scan3A_406 : i32 to index
      %swap3A_429 = arith.constant 32 : index
      %swap3A_430 = tpu.vector_load %swap3A_427[%swap3A_428, %swap3A_429] {strides = array<i32>} : memref<64x128xf32, #tpu.memory_space<vmem>>, vector<1x16xf32>,
      %swap3A_431 = vector.shape_cast %swap3A_430 : vector<1x16xf32> to vector<16xf32>
      %swap3A_432 = vector.shape_cast %broadcast_in_dim3A_3 : vector<16xf32> to vector<1x16xf32>
      tpu.vector_store %swap3A_427[%swap3A_428, %swap3A_429], %swap3A_432 {strides = array<i32>} : memref<64x128xf32, #tpu.memory_space<vmem>>, vector<1x16xf32>,
      %swap3A_433 = arith.constant 0 : i32
      %swap3A_434 = arith.constant 0 : i32
      %swap3A_435 = tpu.memref_slice %arg9[%scan3A_4, %swap3A_433, %swap3A_434] : memref<5x64x128xf32, #tpu.memory_space<vmem>> -> memref<1x64x128xf32, #tpu.memory_space<vmem>>
      %swap3A_436 = tpu.memref_squeeze %swap3A_435 : memref<1x64x128xf32, #tpu.memory_space<vmem>> -> memref<64x128xf32, #tpu.memory_space<vmem>>
      %swap3A_437 = arith.index_cast %scan3A_406 : i32 to index
      %swap3A_438 = arith.constant 48 : index
      %swap3A_439 = tpu.vector_load %swap3A_436[%swap3A_437, %swap3A_438] {strides = array<i32>} : memref<64x128xf32, #tpu.memory_space<vmem>>, vector<1x16xf32>,
      %swap3A_440 = vector.shape_cast %swap3A_439 : vector<1x16xf32> to vector<16xf32>
      %swap3A_441 = vector.shape_cast %broadcast_in_dim3A_3 : vector<16xf32> to vector<1x16xf32>
      tpu.vector_store %swap3A_436[%swap3A_437, %swap3A_438], %swap3A_441 {strides = array<i32>} : memref<64x128xf32, #tpu.memory_space<vmem>>, vector<1x16xf32>,
      %swap3A_442 = arith.constant 0 : i32
      %swap3A_443 = arith.constant 0 : i32
      %swap3A_444 = tpu.memref_slice %arg9[%scan3A_4, %swap3A_442, %swap3A_443] : memref<5x64x128xf32, #tpu.memory_space<vmem>> -> memref<1x64x128xf32, #tpu.memory_space<vmem>>
      %swap3A_445 = tpu.memref_squeeze %swap3A_444 : memref<1x64x128xf32, #tpu.memory_space<vmem>> -> memref<64x128xf32, #tpu.memory_space<vmem>>
      %swap3A_446 = arith.index_cast %scan3A_406 : i32 to index
      %swap3A_447 = arith.constant 64 : index
      %swap3A_448 = tpu.vector_load %swap3A_445[%swap3A_446, %swap3A_447] {strides = array<i32>} : memref<64x128xf32, #tpu.memory_space<vmem>>, vector<1x16xf32>,
      %swap3A_449 = vector.shape_cast %swap3A_448 : vector<1x16xf32> to vector<16xf32>
      %swap3A_450 = vector.shape_cast %broadcast_in_dim3A_3 : vector<16xf32> to vector<1x16xf32>
      tpu.vector_store %swap3A_445[%swap3A_446, %swap3A_447], %swap3A_450 {strides = array<i32>} : memref<64x128xf32, #tpu.memory_space<vmem>>, vector<1x16xf32>,
      %swap3A_451 = arith.constant 0 : i32
      %swap3A_452 = arith.constant 0 : i32
      %swap3A_453 = tpu.memref_slice %arg9[%scan3A_4, %swap3A_451, %swap3A_452] : memref<5x64x128xf32, #tpu.memory_space<vmem>> -> memref<1x64x128xf32, #tpu.memory_space<vmem>>
      %swap3A_454 = tpu.memref_squeeze %swap3A_453 : memref<1x64x128xf32, #tpu.memory_space<vmem>> -> memref<64x128xf32, #tpu.memory_space<vmem>>
      %swap3A_455 = arith.index_cast %scan3A_406 : i32 to index
      %swap3A_456 = arith.constant 80 : index
      %swap3A_457 = tpu.vector_load %swap3A_454[%swap3A_455, %swap3A_456] {strides = array<i32>} : memref<64x128xf32, #tpu.memory_space<vmem>>, vector<1x16xf32>,
      %swap3A_458 = vector.shape_cast %swap3A_457 : vector<1x16xf32> to vector<16xf32>
      %swap3A_459 = vector.shape_cast %broadcast_in_dim3A_3 : vector<16xf32> to vector<1x16xf32>
      tpu.vector_store %swap3A_454[%swap3A_455, %swap3A_456], %swap3A_459 {strides = array<i32>} : memref<64x128xf32, #tpu.memory_space<vmem>>, vector<1x16xf32>,
      %swap3A_460 = arith.constant 0 : i32
      %swap3A_461 = arith.constant 0 : i32
      %swap3A_462 = tpu.memref_slice %arg9[%scan3A_4, %swap3A_460, %swap3A_461] : memref<5x64x128xf32, #tpu.memory_space<vmem>> -> memref<1x64x128xf32, #tpu.memory_space<vmem>>
      %swap3A_463 = tpu.memref_squeeze %swap3A_462 : memref<1x64x128xf32, #tpu.memory_space<vmem>> -> memref<64x128xf32, #tpu.memory_space<vmem>>
      %swap3A_464 = arith.index_cast %scan3A_406 : i32 to index
      %swap3A_465 = arith.constant 96 : index
      %swap3A_466 = tpu.vector_load %swap3A_463[%swap3A_464, %swap3A_465] {strides = array<i32>} : memref<64x128xf32, #tpu.memory_space<vmem>>, vector<1x16xf32>,
      %swap3A_467 = vector.shape_cast %swap3A_466 : vector<1x16xf32> to vector<16xf32>
      %swap3A_468 = vector.shape_cast %broadcast_in_dim3A_3 : vector<16xf32> to vector<1x16xf32>
      tpu.vector_store %swap3A_463[%swap3A_464, %swap3A_465], %swap3A_468 {strides = array<i32>} : memref<64x128xf32, #tpu.memory_space<vmem>>, vector<1x16xf32>,
      %swap3A_469 = arith.constant 0 : i32
      %swap3A_470 = arith.constant 0 : i32
      %swap3A_471 = tpu.memref_slice %arg9[%scan3A_4, %swap3A_469, %swap3A_470] : memref<5x64x128xf32, #tpu.memory_space<vmem>> -> memref<1x64x128xf32, #tpu.memory_space<vmem>>
      %swap3A_472 = tpu.memref_squeeze %swap3A_471 : memref<1x64x128xf32, #tpu.memory_space<vmem>> -> memref<64x128xf32, #tpu.memory_space<vmem>>
      %swap3A_473 = arith.index_cast %scan3A_406 : i32 to index
      %swap3A_474 = arith.constant 112 : index
      %swap3A_475 = tpu.vector_load %swap3A_472[%swap3A_473, %swap3A_474] {strides = array<i32>} : memref<64x128xf32, #tpu.memory_space<vmem>>, vector<1x16xf32>,
      %swap3A_476 = vector.shape_cast %swap3A_475 : vector<1x16xf32> to vector<16xf32>
      %swap3A_477 = vector.shape_cast %broadcast_in_dim3A_3 : vector<16xf32> to vector<1x16xf32>
      tpu.vector_store %swap3A_472[%swap3A_473, %swap3A_474], %swap3A_477 {strides = array<i32>} : memref<64x128xf32, #tpu.memory_space<vmem>>, vector<1x16xf32>,
    }
    %scan3A_9 = arith.constant 64 : i32
    %mul3A_10 = arith.constant 640 : i32
    %mul3A_11 = arith.muli %arg1, %mul3A_10 : i32
    %add3A_12 = arith.constant 0 : i32
    %add3A_13 = arith.addi %mul3A_11, %add3A_12 : i32
    %run_scoped3A = arith.constant 0 : i32
    "tpu.region"() ({
      %run_scoped3A_406 = tpu.sem_alloc : memref<!tpu.dma_semaphore, #tpu.memory_space<semaphore_mem>>
      %dma_start3A_407 = arith.constant 0 : i32
      %dma_start3A_408 = arith.constant 0 : i32
      %dma_start3A_409 = tpu.memref_slice %arg9[%run_scoped3A, %dma_start3A_407, %dma_start3A_408] : memref<5x64x128xf32, #tpu.memory_space<vmem>> -> memref<1x64x128xf32, #tpu.memory_space<vmem>>
      %dma_start3A_410 = tpu.memref_squeeze %dma_start3A_409 : memref<1x64x128xf32, #tpu.memory_space<vmem>> -> memref<64x128xf32, #tpu.memory_space<vmem>>
      %dma_start3A_411 = arith.constant 0 : i32
      %dma_start3A_412 = tpu.memref_slice %arg6[%add3A_13, %dma_start3A_411] : memref<10240x128xf32, #tpu.memory_space<vmem_shared>> -> memref<64x128xf32, #tpu.memory_space<vmem_shared>>
      %dma_start3A_413 = arith.constant 0 : i32
      %dma_start3A_414 = tpu.memref_slice %arg6[%add3A_13, %dma_start3A_413] : memref<10240x128xf32, #tpu.memory_space<vmem_shared>> -> memref<64x128xf32, #tpu.memory_space<vmem_shared>>
      %dma_start3A_415 = arith.constant 0 : i32
      %dma_start3A_416 = arith.constant 0 : i32
      %dma_start3A_417 = tpu.memref_slice %arg9[%run_scoped3A, %dma_start3A_415, %dma_start3A_416] : memref<5x64x128xf32, #tpu.memory_space<vmem>> -> memref<1x64x128xf32, #tpu.memory_space<vmem>>
      %dma_start3A_418 = tpu.memref_squeeze %dma_start3A_417 : memref<1x64x128xf32, #tpu.memory_space<vmem>> -> memref<64x128xf32, #tpu.memory_space<vmem>>
      tpu.enqueue_dma source(%dma_start3A_418 : memref<64x128xf32, #tpu.memory_space<vmem>>) target(%dma_start3A_414 : memref<64x128xf32, #tpu.memory_space<vmem_shared>>) target_semaphore(%run_scoped3A_406 : memref<!tpu.dma_semaphore, #tpu.memory_space<semaphore_mem>>)
      %dma_wait3A_419 = arith.constant 0 : i32
      %dma_wait3A_420 = arith.constant 0 : i32
      %dma_wait3A_421 = tpu.memref_slice %arg9[%run_scoped3A, %dma_wait3A_419, %dma_wait3A_420] : memref<5x64x128xf32, #tpu.memory_space<vmem>> -> memref<1x64x128xf32, #tpu.memory_space<vmem>>
      %dma_wait3A_422 = tpu.memref_squeeze %dma_wait3A_421 : memref<1x64x128xf32, #tpu.memory_space<vmem>> -> memref<64x128xf32, #tpu.memory_space<vmem>>
      %dma_wait3A_423 = arith.constant 0 : i32
      %dma_wait3A_424 = tpu.memref_slice %arg6[%add3A_13, %dma_wait3A_423] : memref<10240x128xf32, #tpu.memory_space<vmem_shared>> -> memref<64x128xf32, #tpu.memory_space<vmem_shared>>
      %dma_wait3A_425 = arith.constant 0 : i32
      %dma_wait3A_426 = tpu.memref_slice %arg6[%add3A_13, %dma_wait3A_425] : memref<10240x128xf32, #tpu.memory_space<vmem_shared>> -> memref<64x128xf32, #tpu.memory_space<vmem_shared>>
      %dma_wait3A_427 = arith.constant 0 : i32
      %dma_wait3A_428 = arith.constant 0 : i32
      %dma_wait3A_429 = tpu.memref_slice %arg9[%run_scoped3A, %dma_wait3A_427, %dma_wait3A_428] : memref<5x64x128xf32, #tpu.memory_space<vmem>> -> memref<1x64x128xf32, #tpu.memory_space<vmem>>
      %dma_wait3A_430 = tpu.memref_squeeze %dma_wait3A_429 : memref<1x64x128xf32, #tpu.memory_space<vmem>> -> memref<64x128xf32, #tpu.memory_space<vmem>>
      tpu.wait_dma2 semaphore(%run_scoped3A_406 : memref<!tpu.dma_semaphore, #tpu.memory_space<semaphore_mem>>) src(%dma_wait3A_430 : memref<64x128xf32, #tpu.memory_space<vmem>>) dst(%dma_wait3A_426 : memref<64x128xf32, #tpu.memory_space<vmem_shared>>)
      tpu.yield
    }) : () -> ()
    %add3A_14 = arith.constant 64 : i32
    %add3A_15 = arith.addi %mul3A_11, %add3A_14 : i32
    %run_scoped3A_16 = arith.constant 0 : i32
    "tpu.region"() ({
      %run_scoped3A_406 = tpu.sem_alloc : memref<!tpu.dma_semaphore, #tpu.memory_space<semaphore_mem>>
      %dma_start3A_407 = arith.constant 0 : i32
      %dma_start3A_408 = arith.constant 0 : i32
      %dma_start3A_409 = tpu.memref_slice %arg9[%run_scoped3A_16, %dma_start3A_407, %dma_start3A_408] : memref<5x64x128xf32, #tpu.memory_space<vmem>> -> memref<1x64x128xf32, #tpu.memory_space<vmem>>
      %dma_start3A_410 = tpu.memref_squeeze %dma_start3A_409 : memref<1x64x128xf32, #tpu.memory_space<vmem>> -> memref<64x128xf32, #tpu.memory_space<vmem>>
      %dma_start3A_411 = arith.constant 0 : i32
      %dma_start3A_412 = tpu.memref_slice %arg6[%add3A_15, %dma_start3A_411] : memref<10240x128xf32, #tpu.memory_space<vmem_shared>> -> memref<64x128xf32, #tpu.memory_space<vmem_shared>>
      %dma_start3A_413 = arith.constant 0 : i32
      %dma_start3A_414 = tpu.memref_slice %arg6[%add3A_15, %dma_start3A_413] : memref<10240x128xf32, #tpu.memory_space<vmem_shared>> -> memref<64x128xf32, #tpu.memory_space<vmem_shared>>
      %dma_start3A_415 = arith.constant 0 : i32
      %dma_start3A_416 = arith.constant 0 : i32
      %dma_start3A_417 = tpu.memref_slice %arg9[%run_scoped3A_16, %dma_start3A_415, %dma_start3A_416] : memref<5x64x128xf32, #tpu.memory_space<vmem>> -> memref<1x64x128xf32, #tpu.memory_space<vmem>>
      %dma_start3A_418 = tpu.memref_squeeze %dma_start3A_417 : memref<1x64x128xf32, #tpu.memory_space<vmem>> -> memref<64x128xf32, #tpu.memory_space<vmem>>
      tpu.enqueue_dma source(%dma_start3A_418 : memref<64x128xf32, #tpu.memory_space<vmem>>) target(%dma_start3A_414 : memref<64x128xf32, #tpu.memory_space<vmem_shared>>) target_semaphore(%run_scoped3A_406 : memref<!tpu.dma_semaphore, #tpu.memory_space<semaphore_mem>>)
      %dma_wait3A_419 = arith.constant 0 : i32
      %dma_wait3A_420 = arith.constant 0 : i32
      %dma_wait3A_421 = tpu.memref_slice %arg9[%run_scoped3A_16, %dma_wait3A_419, %dma_wait3A_420] : memref<5x64x128xf32, #tpu.memory_space<vmem>> -> memref<1x64x128xf32, #tpu.memory_space<vmem>>
      %dma_wait3A_422 = tpu.memref_squeeze %dma_wait3A_421 : memref<1x64x128xf32, #tpu.memory_space<vmem>> -> memref<64x128xf32, #tpu.memory_space<vmem>>
      %dma_wait3A_423 = arith.constant 0 : i32
      %dma_wait3A_424 = tpu.memref_slice %arg6[%add3A_15, %dma_wait3A_423] : memref<10240x128xf32, #tpu.memory_space<vmem_shared>> -> memref<64x128xf32, #tpu.memory_space<vmem_shared>>
      %dma_wait3A_425 = arith.constant 0 : i32
      %dma_wait3A_426 = tpu.memref_slice %arg6[%add3A_15, %dma_wait3A_425] : memref<10240x128xf32, #tpu.memory_space<vmem_shared>> -> memref<64x128xf32, #tpu.memory_space<vmem_shared>>
      %dma_wait3A_427 = arith.constant 0 : i32
      %dma_wait3A_428 = arith.constant 0 : i32
      %dma_wait3A_429 = tpu.memref_slice %arg9[%run_scoped3A_16, %dma_wait3A_427, %dma_wait3A_428] : memref<5x64x128xf32, #tpu.memory_space<vmem>> -> memref<1x64x128xf32, #tpu.memory_space<vmem>>
      %dma_wait3A_430 = tpu.memref_squeeze %dma_wait3A_429 : memref<1x64x128xf32, #tpu.memory_space<vmem>> -> memref<64x128xf32, #tpu.memory_space<vmem>>
      tpu.wait_dma2 semaphore(%run_scoped3A_406 : memref<!tpu.dma_semaphore, #tpu.memory_space<semaphore_mem>>) src(%dma_wait3A_430 : memref<64x128xf32, #tpu.memory_space<vmem>>) dst(%dma_wait3A_426 : memref<64x128xf32, #tpu.memory_space<vmem_shared>>)
      tpu.yield
    }) : () -> ()
    %add3A_17 = arith.constant 128 : i32
    %add3A_18 = arith.addi %mul3A_11, %add3A_17 : i32
    %run_scoped3A_19 = arith.constant 0 : i32
    "tpu.region"() ({
      %run_scoped3A_406 = tpu.sem_alloc : memref<!tpu.dma_semaphore, #tpu.memory_space<semaphore_mem>>
      %dma_start3A_407 = arith.constant 0 : i32
      %dma_start3A_408 = arith.constant 0 : i32
      %dma_start3A_409 = tpu.memref_slice %arg9[%run_scoped3A_19, %dma_start3A_407, %dma_start3A_408] : memref<5x64x128xf32, #tpu.memory_space<vmem>> -> memref<1x64x128xf32, #tpu.memory_space<vmem>>
      %dma_start3A_410 = tpu.memref_squeeze %dma_start3A_409 : memref<1x64x128xf32, #tpu.memory_space<vmem>> -> memref<64x128xf32, #tpu.memory_space<vmem>>
      %dma_start3A_411 = arith.constant 0 : i32
      %dma_start3A_412 = tpu.memref_slice %arg6[%add3A_18, %dma_start3A_411] : memref<10240x128xf32, #tpu.memory_space<vmem_shared>> -> memref<64x128xf32, #tpu.memory_space<vmem_shared>>
      %dma_start3A_413 = arith.constant 0 : i32
      %dma_start3A_414 = tpu.memref_slice %arg6[%add3A_18, %dma_start3A_413] : memref<10240x128xf32, #tpu.memory_space<vmem_shared>> -> memref<64x128xf32, #tpu.memory_space<vmem_shared>>
      %dma_start3A_415 = arith.constant 0 : i32
      %dma_start3A_416 = arith.constant 0 : i32
      %dma_start3A_417 = tpu.memref_slice %arg9[%run_scoped3A_19, %dma_start3A_415, %dma_start3A_416] : memref<5x64x128xf32, #tpu.memory_space<vmem>> -> memref<1x64x128xf32, #tpu.memory_space<vmem>>
      %dma_start3A_418 = tpu.memref_squeeze %dma_start3A_417 : memref<1x64x128xf32, #tpu.memory_space<vmem>> -> memref<64x128xf32, #tpu.memory_space<vmem>>
      tpu.enqueue_dma source(%dma_start3A_418 : memref<64x128xf32, #tpu.memory_space<vmem>>) target(%dma_start3A_414 : memref<64x128xf32, #tpu.memory_space<vmem_shared>>) target_semaphore(%run_scoped3A_406 : memref<!tpu.dma_semaphore, #tpu.memory_space<semaphore_mem>>)
      %dma_wait3A_419 = arith.constant 0 : i32
      %dma_wait3A_420 = arith.constant 0 : i32
      %dma_wait3A_421 = tpu.memref_slice %arg9[%run_scoped3A_19, %dma_wait3A_419, %dma_wait3A_420] : memref<5x64x128xf32, #tpu.memory_space<vmem>> -> memref<1x64x128xf32, #tpu.memory_space<vmem>>
      %dma_wait3A_422 = tpu.memref_squeeze %dma_wait3A_421 : memref<1x64x128xf32, #tpu.memory_space<vmem>> -> memref<64x128xf32, #tpu.memory_space<vmem>>
      %dma_wait3A_423 = arith.constant 0 : i32
      %dma_wait3A_424 = tpu.memref_slice %arg6[%add3A_18, %dma_wait3A_423] : memref<10240x128xf32, #tpu.memory_space<vmem_shared>> -> memref<64x128xf32, #tpu.memory_space<vmem_shared>>
      %dma_wait3A_425 = arith.constant 0 : i32
      %dma_wait3A_426 = tpu.memref_slice %arg6[%add3A_18, %dma_wait3A_425] : memref<10240x128xf32, #tpu.memory_space<vmem_shared>> -> memref<64x128xf32, #tpu.memory_space<vmem_shared>>
      %dma_wait3A_427 = arith.constant 0 : i32
      %dma_wait3A_428 = arith.constant 0 : i32
      %dma_wait3A_429 = tpu.memref_slice %arg9[%run_scoped3A_19, %dma_wait3A_427, %dma_wait3A_428] : memref<5x64x128xf32, #tpu.memory_space<vmem>> -> memref<1x64x128xf32, #tpu.memory_space<vmem>>
      %dma_wait3A_430 = tpu.memref_squeeze %dma_wait3A_429 : memref<1x64x128xf32, #tpu.memory_space<vmem>> -> memref<64x128xf32, #tpu.memory_space<vmem>>
      tpu.wait_dma2 semaphore(%run_scoped3A_406 : memref<!tpu.dma_semaphore, #tpu.memory_space<semaphore_mem>>) src(%dma_wait3A_430 : memref<64x128xf32, #tpu.memory_space<vmem>>) dst(%dma_wait3A_426 : memref<64x128xf32, #tpu.memory_space<vmem_shared>>)
      tpu.yield
    }) : () -> ()
    %add3A_20 = arith.constant 192 : i32
    %add3A_21 = arith.addi %mul3A_11, %add3A_20 : i32
    %run_scoped3A_22 = arith.constant 0 : i32
    "tpu.region"() ({
      %run_scoped3A_406 = tpu.sem_alloc : memref<!tpu.dma_semaphore, #tpu.memory_space<semaphore_mem>>
      %dma_start3A_407 = arith.constant 0 : i32
      %dma_start3A_408 = arith.constant 0 : i32
      %dma_start3A_409 = tpu.memref_slice %arg9[%run_scoped3A_22, %dma_start3A_407, %dma_start3A_408] : memref<5x64x128xf32, #tpu.memory_space<vmem>> -> memref<1x64x128xf32, #tpu.memory_space<vmem>>
      %dma_start3A_410 = tpu.memref_squeeze %dma_start3A_409 : memref<1x64x128xf32, #tpu.memory_space<vmem>> -> memref<64x128xf32, #tpu.memory_space<vmem>>
      %dma_start3A_411 = arith.constant 0 : i32
      %dma_start3A_412 = tpu.memref_slice %arg6[%add3A_21, %dma_start3A_411] : memref<10240x128xf32, #tpu.memory_space<vmem_shared>> -> memref<64x128xf32, #tpu.memory_space<vmem_shared>>
      %dma_start3A_413 = arith.constant 0 : i32
      %dma_start3A_414 = tpu.memref_slice %arg6[%add3A_21, %dma_start3A_413] : memref<10240x128xf32, #tpu.memory_space<vmem_shared>> -> memref<64x128xf32, #tpu.memory_space<vmem_shared>>
      %dma_start3A_415 = arith.constant 0 : i32
      %dma_start3A_416 = arith.constant 0 : i32
      %dma_start3A_417 = tpu.memref_slice %arg9[%run_scoped3A_22, %dma_start3A_415, %dma_start3A_416] : memref<5x64x128xf32, #tpu.memory_space<vmem>> -> memref<1x64x128xf32, #tpu.memory_space<vmem>>
      %dma_start3A_418 = tpu.memref_squeeze %dma_start3A_417 : memref<1x64x128xf32, #tpu.memory_space<vmem>> -> memref<64x128xf32, #tpu.memory_space<vmem>>
      tpu.enqueue_dma source(%dma_start3A_418 : memref<64x128xf32, #tpu.memory_space<vmem>>) target(%dma_start3A_414 : memref<64x128xf32, #tpu.memory_space<vmem_shared>>) target_semaphore(%run_scoped3A_406 : memref<!tpu.dma_semaphore, #tpu.memory_space<semaphore_mem>>)
      %dma_wait3A_419 = arith.constant 0 : i32
      %dma_wait3A_420 = arith.constant 0 : i32
      %dma_wait3A_421 = tpu.memref_slice %arg9[%run_scoped3A_22, %dma_wait3A_419, %dma_wait3A_420] : memref<5x64x128xf32, #tpu.memory_space<vmem>> -> memref<1x64x128xf32, #tpu.memory_space<vmem>>
      %dma_wait3A_422 = tpu.memref_squeeze %dma_wait3A_421 : memref<1x64x128xf32, #tpu.memory_space<vmem>> -> memref<64x128xf32, #tpu.memory_space<vmem>>
      %dma_wait3A_423 = arith.constant 0 : i32
      %dma_wait3A_424 = tpu.memref_slice %arg6[%add3A_21, %dma_wait3A_423] : memref<10240x128xf32, #tpu.memory_space<vmem_shared>> -> memref<64x128xf32, #tpu.memory_space<vmem_shared>>
      %dma_wait3A_425 = arith.constant 0 : i32
      %dma_wait3A_426 = tpu.memref_slice %arg6[%add3A_21, %dma_wait3A_425] : memref<10240x128xf32, #tpu.memory_space<vmem_shared>> -> memref<64x128xf32, #tpu.memory_space<vmem_shared>>
      %dma_wait3A_427 = arith.constant 0 : i32
      %dma_wait3A_428 = arith.constant 0 : i32
      %dma_wait3A_429 = tpu.memref_slice %arg9[%run_scoped3A_22, %dma_wait3A_427, %dma_wait3A_428] : memref<5x64x128xf32, #tpu.memory_space<vmem>> -> memref<1x64x128xf32, #tpu.memory_space<vmem>>
      %dma_wait3A_430 = tpu.memref_squeeze %dma_wait3A_429 : memref<1x64x128xf32, #tpu.memory_space<vmem>> -> memref<64x128xf32, #tpu.memory_space<vmem>>
      tpu.wait_dma2 semaphore(%run_scoped3A_406 : memref<!tpu.dma_semaphore, #tpu.memory_space<semaphore_mem>>) src(%dma_wait3A_430 : memref<64x128xf32, #tpu.memory_space<vmem>>) dst(%dma_wait3A_426 : memref<64x128xf32, #tpu.memory_space<vmem_shared>>)
      tpu.yield
    }) : () -> ()
    %add3A_23 = arith.constant 256 : i32
    %add3A_24 = arith.addi %mul3A_11, %add3A_23 : i32
    %run_scoped3A_25 = arith.constant 0 : i32
    "tpu.region"() ({
      %run_scoped3A_406 = tpu.sem_alloc : memref<!tpu.dma_semaphore, #tpu.memory_space<semaphore_mem>>
      %dma_start3A_407 = arith.constant 0 : i32
      %dma_start3A_408 = arith.constant 0 : i32
      %dma_start3A_409 = tpu.memref_slice %arg9[%run_scoped3A_25, %dma_start3A_407, %dma_start3A_408] : memref<5x64x128xf32, #tpu.memory_space<vmem>> -> memref<1x64x128xf32, #tpu.memory_space<vmem>>
      %dma_start3A_410 = tpu.memref_squeeze %dma_start3A_409 : memref<1x64x128xf32, #tpu.memory_space<vmem>> -> memref<64x128xf32, #tpu.memory_space<vmem>>
      %dma_start3A_411 = arith.constant 0 : i32
      %dma_start3A_412 = tpu.memref_slice %arg6[%add3A_24, %dma_start3A_411] : memref<10240x128xf32, #tpu.memory_space<vmem_shared>> -> memref<64x128xf32, #tpu.memory_space<vmem_shared>>
      %dma_start3A_413 = arith.constant 0 : i32
      %dma_start3A_414 = tpu.memref_slice %arg6[%add3A_24, %dma_start3A_413] : memref<10240x128xf32, #tpu.memory_space<vmem_shared>> -> memref<64x128xf32, #tpu.memory_space<vmem_shared>>
      %dma_start3A_415 = arith.constant 0 : i32
      %dma_start3A_416 = arith.constant 0 : i32
      %dma_start3A_417 = tpu.memref_slice %arg9[%run_scoped3A_25, %dma_start3A_415, %dma_start3A_416] : memref<5x64x128xf32, #tpu.memory_space<vmem>> -> memref<1x64x128xf32, #tpu.memory_space<vmem>>
      %dma_start3A_418 = tpu.memref_squeeze %dma_start3A_417 : memref<1x64x128xf32, #tpu.memory_space<vmem>> -> memref<64x128xf32, #tpu.memory_space<vmem>>
      tpu.enqueue_dma source(%dma_start3A_418 : memref<64x128xf32, #tpu.memory_space<vmem>>) target(%dma_start3A_414 : memref<64x128xf32, #tpu.memory_space<vmem_shared>>) target_semaphore(%run_scoped3A_406 : memref<!tpu.dma_semaphore, #tpu.memory_space<semaphore_mem>>)
      %dma_wait3A_419 = arith.constant 0 : i32
      %dma_wait3A_420 = arith.constant 0 : i32
      %dma_wait3A_421 = tpu.memref_slice %arg9[%run_scoped3A_25, %dma_wait3A_419, %dma_wait3A_420] : memref<5x64x128xf32, #tpu.memory_space<vmem>> -> memref<1x64x128xf32, #tpu.memory_space<vmem>>
      %dma_wait3A_422 = tpu.memref_squeeze %dma_wait3A_421 : memref<1x64x128xf32, #tpu.memory_space<vmem>> -> memref<64x128xf32, #tpu.memory_space<vmem>>
      %dma_wait3A_423 = arith.constant 0 : i32
      %dma_wait3A_424 = tpu.memref_slice %arg6[%add3A_24, %dma_wait3A_423] : memref<10240x128xf32, #tpu.memory_space<vmem_shared>> -> memref<64x128xf32, #tpu.memory_space<vmem_shared>>
      %dma_wait3A_425 = arith.constant 0 : i32
      %dma_wait3A_426 = tpu.memref_slice %arg6[%add3A_24, %dma_wait3A_425] : memref<10240x128xf32, #tpu.memory_space<vmem_shared>> -> memref<64x128xf32, #tpu.memory_space<vmem_shared>>
      %dma_wait3A_427 = arith.constant 0 : i32
      %dma_wait3A_428 = arith.constant 0 : i32
      %dma_wait3A_429 = tpu.memref_slice %arg9[%run_scoped3A_25, %dma_wait3A_427, %dma_wait3A_428] : memref<5x64x128xf32, #tpu.memory_space<vmem>> -> memref<1x64x128xf32, #tpu.memory_space<vmem>>
      %dma_wait3A_430 = tpu.memref_squeeze %dma_wait3A_429 : memref<1x64x128xf32, #tpu.memory_space<vmem>> -> memref<64x128xf32, #tpu.memory_space<vmem>>
      tpu.wait_dma2 semaphore(%run_scoped3A_406 : memref<!tpu.dma_semaphore, #tpu.memory_space<semaphore_mem>>) src(%dma_wait3A_430 : memref<64x128xf32, #tpu.memory_space<vmem>>) dst(%dma_wait3A_426 : memref<64x128xf32, #tpu.memory_space<vmem_shared>>)
      tpu.yield
    }) : () -> ()
    %add3A_26 = arith.constant 320 : i32
    %add3A_27 = arith.addi %mul3A_11, %add3A_26 : i32
    %run_scoped3A_28 = arith.constant 0 : i32
    "tpu.region"() ({
      %run_scoped3A_406 = tpu.sem_alloc : memref<!tpu.dma_semaphore, #tpu.memory_space<semaphore_mem>>
      %dma_start3A_407 = arith.constant 0 : i32
      %dma_start3A_408 = arith.constant 0 : i32
      %dma_start3A_409 = tpu.memref_slice %arg9[%run_scoped3A_28, %dma_start3A_407, %dma_start3A_408] : memref<5x64x128xf32, #tpu.memory_space<vmem>> -> memref<1x64x128xf32, #tpu.memory_space<vmem>>
      %dma_start3A_410 = tpu.memref_squeeze %dma_start3A_409 : memref<1x64x128xf32, #tpu.memory_space<vmem>> -> memref<64x128xf32, #tpu.memory_space<vmem>>
      %dma_start3A_411 = arith.constant 0 : i32
      %dma_start3A_412 = tpu.memref_slice %arg6[%add3A_27, %dma_start3A_411] : memref<10240x128xf32, #tpu.memory_space<vmem_shared>> -> memref<64x128xf32, #tpu.memory_space<vmem_shared>>
      %dma_start3A_413 = arith.constant 0 : i32
      %dma_start3A_414 = tpu.memref_slice %arg6[%add3A_27, %dma_start3A_413] : memref<10240x128xf32, #tpu.memory_space<vmem_shared>> -> memref<64x128xf32, #tpu.memory_space<vmem_shared>>
      %dma_start3A_415 = arith.constant 0 : i32
      %dma_start3A_416 = arith.constant 0 : i32
      %dma_start3A_417 = tpu.memref_slice %arg9[%run_scoped3A_28, %dma_start3A_415, %dma_start3A_416] : memref<5x64x128xf32, #tpu.memory_space<vmem>> -> memref<1x64x128xf32, #tpu.memory_space<vmem>>
      %dma_start3A_418 = tpu.memref_squeeze %dma_start3A_417 : memref<1x64x128xf32, #tpu.memory_space<vmem>> -> memref<64x128xf32, #tpu.memory_space<vmem>>
      tpu.enqueue_dma source(%dma_start3A_418 : memref<64x128xf32, #tpu.memory_space<vmem>>) target(%dma_start3A_414 : memref<64x128xf32, #tpu.memory_space<vmem_shared>>) target_semaphore(%run_scoped3A_406 : memref<!tpu.dma_semaphore, #tpu.memory_space<semaphore_mem>>)
      %dma_wait3A_419 = arith.constant 0 : i32
      %dma_wait3A_420 = arith.constant 0 : i32
      %dma_wait3A_421 = tpu.memref_slice %arg9[%run_scoped3A_28, %dma_wait3A_419, %dma_wait3A_420] : memref<5x64x128xf32, #tpu.memory_space<vmem>> -> memref<1x64x128xf32, #tpu.memory_space<vmem>>
      %dma_wait3A_422 = tpu.memref_squeeze %dma_wait3A_421 : memref<1x64x128xf32, #tpu.memory_space<vmem>> -> memref<64x128xf32, #tpu.memory_space<vmem>>
      %dma_wait3A_423 = arith.constant 0 : i32
      %dma_wait3A_424 = tpu.memref_slice %arg6[%add3A_27, %dma_wait3A_423] : memref<10240x128xf32, #tpu.memory_space<vmem_shared>> -> memref<64x128xf32, #tpu.memory_space<vmem_shared>>
      %dma_wait3A_425 = arith.constant 0 : i32
      %dma_wait3A_426 = tpu.memref_slice %arg6[%add3A_27, %dma_wait3A_425] : memref<10240x128xf32, #tpu.memory_space<vmem_shared>> -> memref<64x128xf32, #tpu.memory_space<vmem_shared>>
      %dma_wait3A_427 = arith.constant 0 : i32
      %dma_wait3A_428 = arith.constant 0 : i32
      %dma_wait3A_429 = tpu.memref_slice %arg9[%run_scoped3A_28, %dma_wait3A_427, %dma_wait3A_428] : memref<5x64x128xf32, #tpu.memory_space<vmem>> -> memref<1x64x128xf32, #tpu.memory_space<vmem>>
      %dma_wait3A_430 = tpu.memref_squeeze %dma_wait3A_429 : memref<1x64x128xf32, #tpu.memory_space<vmem>> -> memref<64x128xf32, #tpu.memory_space<vmem>>
      tpu.wait_dma2 semaphore(%run_scoped3A_406 : memref<!tpu.dma_semaphore, #tpu.memory_space<semaphore_mem>>) src(%dma_wait3A_430 : memref<64x128xf32, #tpu.memory_space<vmem>>) dst(%dma_wait3A_426 : memref<64x128xf32, #tpu.memory_space<vmem_shared>>)
      tpu.yield
    }) : () -> ()
    %add3A_29 = arith.constant 384 : i32
    %add3A_30 = arith.addi %mul3A_11, %add3A_29 : i32
    %run_scoped3A_31 = arith.constant 0 : i32
    "tpu.region"() ({
      %run_scoped3A_406 = tpu.sem_alloc : memref<!tpu.dma_semaphore, #tpu.memory_space<semaphore_mem>>
      %dma_start3A_407 = arith.constant 0 : i32
      %dma_start3A_408 = arith.constant 0 : i32
      %dma_start3A_409 = tpu.memref_slice %arg9[%run_scoped3A_31, %dma_start3A_407, %dma_start3A_408] : memref<5x64x128xf32, #tpu.memory_space<vmem>> -> memref<1x64x128xf32, #tpu.memory_space<vmem>>
      %dma_start3A_410 = tpu.memref_squeeze %dma_start3A_409 : memref<1x64x128xf32, #tpu.memory_space<vmem>> -> memref<64x128xf32, #tpu.memory_space<vmem>>
      %dma_start3A_411 = arith.constant 0 : i32
      %dma_start3A_412 = tpu.memref_slice %arg6[%add3A_30, %dma_start3A_411] : memref<10240x128xf32, #tpu.memory_space<vmem_shared>> -> memref<64x128xf32, #tpu.memory_space<vmem_shared>>
      %dma_start3A_413 = arith.constant 0 : i32
      %dma_start3A_414 = tpu.memref_slice %arg6[%add3A_30, %dma_start3A_413] : memref<10240x128xf32, #tpu.memory_space<vmem_shared>> -> memref<64x128xf32, #tpu.memory_space<vmem_shared>>
      %dma_start3A_415 = arith.constant 0 : i32
      %dma_start3A_416 = arith.constant 0 : i32
      %dma_start3A_417 = tpu.memref_slice %arg9[%run_scoped3A_31, %dma_start3A_415, %dma_start3A_416] : memref<5x64x128xf32, #tpu.memory_space<vmem>> -> memref<1x64x128xf32, #tpu.memory_space<vmem>>
      %dma_start3A_418 = tpu.memref_squeeze %dma_start3A_417 : memref<1x64x128xf32, #tpu.memory_space<vmem>> -> memref<64x128xf32, #tpu.memory_space<vmem>>
      tpu.enqueue_dma source(%dma_start3A_418 : memref<64x128xf32, #tpu.memory_space<vmem>>) target(%dma_start3A_414 : memref<64x128xf32, #tpu.memory_space<vmem_shared>>) target_semaphore(%run_scoped3A_406 : memref<!tpu.dma_semaphore, #tpu.memory_space<semaphore_mem>>)
      %dma_wait3A_419 = arith.constant 0 : i32
      %dma_wait3A_420 = arith.constant 0 : i32
      %dma_wait3A_421 = tpu.memref_slice %arg9[%run_scoped3A_31, %dma_wait3A_419, %dma_wait3A_420] : memref<5x64x128xf32, #tpu.memory_space<vmem>> -> memref<1x64x128xf32, #tpu.memory_space<vmem>>
      %dma_wait3A_422 = tpu.memref_squeeze %dma_wait3A_421 : memref<1x64x128xf32, #tpu.memory_space<vmem>> -> memref<64x128xf32, #tpu.memory_space<vmem>>
      %dma_wait3A_423 = arith.constant 0 : i32
      %dma_wait3A_424 = tpu.memref_slice %arg6[%add3A_30, %dma_wait3A_423] : memref<10240x128xf32, #tpu.memory_space<vmem_shared>> -> memref<64x128xf32, #tpu.memory_space<vmem_shared>>
      %dma_wait3A_425 = arith.constant 0 : i32
      %dma_wait3A_426 = tpu.memref_slice %arg6[%add3A_30, %dma_wait3A_425] : memref<10240x128xf32, #tpu.memory_space<vmem_shared>> -> memref<64x128xf32, #tpu.memory_space<vmem_shared>>
      %dma_wait3A_427 = arith.constant 0 : i32
      %dma_wait3A_428 = arith.constant 0 : i32
      %dma_wait3A_429 = tpu.memref_slice %arg9[%run_scoped3A_31, %dma_wait3A_427, %dma_wait3A_428] : memref<5x64x128xf32, #tpu.memory_space<vmem>> -> memref<1x64x128xf32, #tpu.memory_space<vmem>>
      %dma_wait3A_430 = tpu.memref_squeeze %dma_wait3A_429 : memref<1x64x128xf32, #tpu.memory_space<vmem>> -> memref<64x128xf32, #tpu.memory_space<vmem>>
      tpu.wait_dma2 semaphore(%run_scoped3A_406 : memref<!tpu.dma_semaphore, #tpu.memory_space<semaphore_mem>>) src(%dma_wait3A_430 : memref<64x128xf32, #tpu.memory_space<vmem>>) dst(%dma_wait3A_426 : memref<64x128xf32, #tpu.memory_space<vmem_shared>>)
      tpu.yield
    }) : () -> ()
    %add3A_32 = arith.constant 448 : i32
    %add3A_33 = arith.addi %mul3A_11, %add3A_32 : i32
    %run_scoped3A_34 = arith.constant 0 : i32
    "tpu.region"() ({
      %run_scoped3A_406 = tpu.sem_alloc : memref<!tpu.dma_semaphore, #tpu.memory_space<semaphore_mem>>
      %dma_start3A_407 = arith.constant 0 : i32
      %dma_start3A_408 = arith.constant 0 : i32
      %dma_start3A_409 = tpu.memref_slice %arg9[%run_scoped3A_34, %dma_start3A_407, %dma_start3A_408] : memref<5x64x128xf32, #tpu.memory_space<vmem>> -> memref<1x64x128xf32, #tpu.memory_space<vmem>>
      %dma_start3A_410 = tpu.memref_squeeze %dma_start3A_409 : memref<1x64x128xf32, #tpu.memory_space<vmem>> -> memref<64x128xf32, #tpu.memory_space<vmem>>
      %dma_start3A_411 = arith.constant 0 : i32
      %dma_start3A_412 = tpu.memref_slice %arg6[%add3A_33, %dma_start3A_411] : memref<10240x128xf32, #tpu.memory_space<vmem_shared>> -> memref<64x128xf32, #tpu.memory_space<vmem_shared>>
      %dma_start3A_413 = arith.constant 0 : i32
      %dma_start3A_414 = tpu.memref_slice %arg6[%add3A_33, %dma_start3A_413] : memref<10240x128xf32, #tpu.memory_space<vmem_shared>> -> memref<64x128xf32, #tpu.memory_space<vmem_shared>>
      %dma_start3A_415 = arith.constant 0 : i32
      %dma_start3A_416 = arith.constant 0 : i32
      %dma_start3A_417 = tpu.memref_slice %arg9[%run_scoped3A_34, %dma_start3A_415, %dma_start3A_416] : memref<5x64x128xf32, #tpu.memory_space<vmem>> -> memref<1x64x128xf32, #tpu.memory_space<vmem>>
      %dma_start3A_418 = tpu.memref_squeeze %dma_start3A_417 : memref<1x64x128xf32, #tpu.memory_space<vmem>> -> memref<64x128xf32, #tpu.memory_space<vmem>>
      tpu.enqueue_dma source(%dma_start3A_418 : memref<64x128xf32, #tpu.memory_space<vmem>>) target(%dma_start3A_414 : memref<64x128xf32, #tpu.memory_space<vmem_shared>>) target_semaphore(%run_scoped3A_406 : memref<!tpu.dma_semaphore, #tpu.memory_space<semaphore_mem>>)
      %dma_wait3A_419 = arith.constant 0 : i32
      %dma_wait3A_420 = arith.constant 0 : i32
      %dma_wait3A_421 = tpu.memref_slice %arg9[%run_scoped3A_34, %dma_wait3A_419, %dma_wait3A_420] : memref<5x64x128xf32, #tpu.memory_space<vmem>> -> memref<1x64x128xf32, #tpu.memory_space<vmem>>
      %dma_wait3A_422 = tpu.memref_squeeze %dma_wait3A_421 : memref<1x64x128xf32, #tpu.memory_space<vmem>> -> memref<64x128xf32, #tpu.memory_space<vmem>>
      %dma_wait3A_423 = arith.constant 0 : i32
      %dma_wait3A_424 = tpu.memref_slice %arg6[%add3A_33, %dma_wait3A_423] : memref<10240x128xf32, #tpu.memory_space<vmem_shared>> -> memref<64x128xf32, #tpu.memory_space<vmem_shared>>
      %dma_wait3A_425 = arith.constant 0 : i32
      %dma_wait3A_426 = tpu.memref_slice %arg6[%add3A_33, %dma_wait3A_425] : memref<10240x128xf32, #tpu.memory_space<vmem_shared>> -> memref<64x128xf32, #tpu.memory_space<vmem_shared>>
      %dma_wait3A_427 = arith.constant 0 : i32
      %dma_wait3A_428 = arith.constant 0 : i32
      %dma_wait3A_429 = tpu.memref_slice %arg9[%run_scoped3A_34, %dma_wait3A_427, %dma_wait3A_428] : memref<5x64x128xf32, #tpu.memory_space<vmem>> -> memref<1x64x128xf32, #tpu.memory_space<vmem>>
      %dma_wait3A_430 = tpu.memref_squeeze %dma_wait3A_429 : memref<1x64x128xf32, #tpu.memory_space<vmem>> -> memref<64x128xf32, #tpu.memory_space<vmem>>
      tpu.wait_dma2 semaphore(%run_scoped3A_406 : memref<!tpu.dma_semaphore, #tpu.memory_space<semaphore_mem>>) src(%dma_wait3A_430 : memref<64x128xf32, #tpu.memory_space<vmem>>) dst(%dma_wait3A_426 : memref<64x128xf32, #tpu.memory_space<vmem_shared>>)
      tpu.yield
    }) : () -> ()
    %add3A_35 = arith.constant 512 : i32
    %add3A_36 = arith.addi %mul3A_11, %add3A_35 : i32
    %run_scoped3A_37 = arith.constant 0 : i32
    "tpu.region"() ({
      %run_scoped3A_406 = tpu.sem_alloc : memref<!tpu.dma_semaphore, #tpu.memory_space<semaphore_mem>>
      %dma_start3A_407 = arith.constant 0 : i32
      %dma_start3A_408 = arith.constant 0 : i32
      %dma_start3A_409 = tpu.memref_slice %arg9[%run_scoped3A_37, %dma_start3A_407, %dma_start3A_408] : memref<5x64x128xf32, #tpu.memory_space<vmem>> -> memref<1x64x128xf32, #tpu.memory_space<vmem>>
      %dma_start3A_410 = tpu.memref_squeeze %dma_start3A_409 : memref<1x64x128xf32, #tpu.memory_space<vmem>> -> memref<64x128xf32, #tpu.memory_space<vmem>>
      %dma_start3A_411 = arith.constant 0 : i32
      %dma_start3A_412 = tpu.memref_slice %arg6[%add3A_36, %dma_start3A_411] : memref<10240x128xf32, #tpu.memory_space<vmem_shared>> -> memref<64x128xf32, #tpu.memory_space<vmem_shared>>
      %dma_start3A_413 = arith.constant 0 : i32
      %dma_start3A_414 = tpu.memref_slice %arg6[%add3A_36, %dma_start3A_413] : memref<10240x128xf32, #tpu.memory_space<vmem_shared>> -> memref<64x128xf32, #tpu.memory_space<vmem_shared>>
      %dma_start3A_415 = arith.constant 0 : i32
      %dma_start3A_416 = arith.constant 0 : i32
      %dma_start3A_417 = tpu.memref_slice %arg9[%run_scoped3A_37, %dma_start3A_415, %dma_start3A_416] : memref<5x64x128xf32, #tpu.memory_space<vmem>> -> memref<1x64x128xf32, #tpu.memory_space<vmem>>
      %dma_start3A_418 = tpu.memref_squeeze %dma_start3A_417 : memref<1x64x128xf32, #tpu.memory_space<vmem>> -> memref<64x128xf32, #tpu.memory_space<vmem>>
      tpu.enqueue_dma source(%dma_start3A_418 : memref<64x128xf32, #tpu.memory_space<vmem>>) target(%dma_start3A_414 : memref<64x128xf32, #tpu.memory_space<vmem_shared>>) target_semaphore(%run_scoped3A_406 : memref<!tpu.dma_semaphore, #tpu.memory_space<semaphore_mem>>)
      %dma_wait3A_419 = arith.constant 0 : i32
      %dma_wait3A_420 = arith.constant 0 : i32
      %dma_wait3A_421 = tpu.memref_slice %arg9[%run_scoped3A_37, %dma_wait3A_419, %dma_wait3A_420] : memref<5x64x128xf32, #tpu.memory_space<vmem>> -> memref<1x64x128xf32, #tpu.memory_space<vmem>>
      %dma_wait3A_422 = tpu.memref_squeeze %dma_wait3A_421 : memref<1x64x128xf32, #tpu.memory_space<vmem>> -> memref<64x128xf32, #tpu.memory_space<vmem>>
      %dma_wait3A_423 = arith.constant 0 : i32
      %dma_wait3A_424 = tpu.memref_slice %arg6[%add3A_36, %dma_wait3A_423] : memref<10240x128xf32, #tpu.memory_space<vmem_shared>> -> memref<64x128xf32, #tpu.memory_space<vmem_shared>>
      %dma_wait3A_425 = arith.constant 0 : i32
      %dma_wait3A_426 = tpu.memref_slice %arg6[%add3A_36, %dma_wait3A_425] : memref<10240x128xf32, #tpu.memory_space<vmem_shared>> -> memref<64x128xf32, #tpu.memory_space<vmem_shared>>
      %dma_wait3A_427 = arith.constant 0 : i32
      %dma_wait3A_428 = arith.constant 0 : i32
      %dma_wait3A_429 = tpu.memref_slice %arg9[%run_scoped3A_37, %dma_wait3A_427, %dma_wait3A_428] : memref<5x64x128xf32, #tpu.memory_space<vmem>> -> memref<1x64x128xf32, #tpu.memory_space<vmem>>
      %dma_wait3A_430 = tpu.memref_squeeze %dma_wait3A_429 : memref<1x64x128xf32, #tpu.memory_space<vmem>> -> memref<64x128xf32, #tpu.memory_space<vmem>>
      tpu.wait_dma2 semaphore(%run_scoped3A_406 : memref<!tpu.dma_semaphore, #tpu.memory_space<semaphore_mem>>) src(%dma_wait3A_430 : memref<64x128xf32, #tpu.memory_space<vmem>>) dst(%dma_wait3A_426 : memref<64x128xf32, #tpu.memory_space<vmem_shared>>)
      tpu.yield
    }) : () -> ()
    %add3A_38 = arith.constant 576 : i32
    %add3A_39 = arith.addi %mul3A_11, %add3A_38 : i32
    %run_scoped3A_40 = arith.constant 0 : i32
    "tpu.region"() ({
      %run_scoped3A_406 = tpu.sem_alloc : memref<!tpu.dma_semaphore, #tpu.memory_space<semaphore_mem>>
      %dma_start3A_407 = arith.constant 0 : i32
      %dma_start3A_408 = arith.constant 0 : i32
      %dma_start3A_409 = tpu.memref_slice %arg9[%run_scoped3A_40, %dma_start3A_407, %dma_start3A_408] : memref<5x64x128xf32, #tpu.memory_space<vmem>> -> memref<1x64x128xf32, #tpu.memory_space<vmem>>
      %dma_start3A_410 = tpu.memref_squeeze %dma_start3A_409 : memref<1x64x128xf32, #tpu.memory_space<vmem>> -> memref<64x128xf32, #tpu.memory_space<vmem>>
      %dma_start3A_411 = arith.constant 0 : i32
      %dma_start3A_412 = tpu.memref_slice %arg6[%add3A_39, %dma_start3A_411] : memref<10240x128xf32, #tpu.memory_space<vmem_shared>> -> memref<64x128xf32, #tpu.memory_space<vmem_shared>>
      %dma_start3A_413 = arith.constant 0 : i32
      %dma_start3A_414 = tpu.memref_slice %arg6[%add3A_39, %dma_start3A_413] : memref<10240x128xf32, #tpu.memory_space<vmem_shared>> -> memref<64x128xf32, #tpu.memory_space<vmem_shared>>
      %dma_start3A_415 = arith.constant 0 : i32
      %dma_start3A_416 = arith.constant 0 : i32
      %dma_start3A_417 = tpu.memref_slice %arg9[%run_scoped3A_40, %dma_start3A_415, %dma_start3A_416] : memref<5x64x128xf32, #tpu.memory_space<vmem>> -> memref<1x64x128xf32, #tpu.memory_space<vmem>>
      %dma_start3A_418 = tpu.memref_squeeze %dma_start3A_417 : memref<1x64x128xf32, #tpu.memory_space<vmem>> -> memref<64x128xf32, #tpu.memory_space<vmem>>
      tpu.enqueue_dma source(%dma_start3A_418 : memref<64x128xf32, #tpu.memory_space<vmem>>) target(%dma_start3A_414 : memref<64x128xf32, #tpu.memory_space<vmem_shared>>) target_semaphore(%run_scoped3A_406 : memref<!tpu.dma_semaphore, #tpu.memory_space<semaphore_mem>>)
      %dma_wait3A_419 = arith.constant 0 : i32
      %dma_wait3A_420 = arith.constant 0 : i32
      %dma_wait3A_421 = tpu.memref_slice %arg9[%run_scoped3A_40, %dma_wait3A_419, %dma_wait3A_420] : memref<5x64x128xf32, #tpu.memory_space<vmem>> -> memref<1x64x128xf32, #tpu.memory_space<vmem>>
      %dma_wait3A_422 = tpu.memref_squeeze %dma_wait3A_421 : memref<1x64x128xf32, #tpu.memory_space<vmem>> -> memref<64x128xf32, #tpu.memory_space<vmem>>
      %dma_wait3A_423 = arith.constant 0 : i32
      %dma_wait3A_424 = tpu.memref_slice %arg6[%add3A_39, %dma_wait3A_423] : memref<10240x128xf32, #tpu.memory_space<vmem_shared>> -> memref<64x128xf32, #tpu.memory_space<vmem_shared>>
      %dma_wait3A_425 = arith.constant 0 : i32
      %dma_wait3A_426 = tpu.memref_slice %arg6[%add3A_39, %dma_wait3A_425] : memref<10240x128xf32, #tpu.memory_space<vmem_shared>> -> memref<64x128xf32, #tpu.memory_space<vmem_shared>>
      %dma_wait3A_427 = arith.constant 0 : i32
      %dma_wait3A_428 = arith.constant 0 : i32
      %dma_wait3A_429 = tpu.memref_slice %arg9[%run_scoped3A_40, %dma_wait3A_427, %dma_wait3A_428] : memref<5x64x128xf32, #tpu.memory_space<vmem>> -> memref<1x64x128xf32, #tpu.memory_space<vmem>>
      %dma_wait3A_430 = tpu.memref_squeeze %dma_wait3A_429 : memref<1x64x128xf32, #tpu.memory_space<vmem>> -> memref<64x128xf32, #tpu.memory_space<vmem>>
      tpu.wait_dma2 semaphore(%run_scoped3A_406 : memref<!tpu.dma_semaphore, #tpu.memory_space<semaphore_mem>>) src(%dma_wait3A_430 : memref<64x128xf32, #tpu.memory_space<vmem>>) dst(%dma_wait3A_426 : memref<64x128xf32, #tpu.memory_space<vmem_shared>>)
      tpu.yield
    }) : () -> ()
    %barrier3A = arith.constant 0 : index
    tpu.barrier barrier_id(%barrier3A)
    %add3A_41 = arith.constant 0 : i32
    %add3A_42 = arith.addi %mul3A_2, %add3A_41 : i32
    %dma_start3A = arith.constant 0 : i32
    %dma_start3A_43 = arith.constant 0 : i32
    %dma_start3A_44 = tpu.memref_slice %arg7[%dma_start3A, %dma_start3A_43] : memref<5x64xi32, #tpu.memory_space<vmem>> -> memref<1x64xi32, #tpu.memory_space<vmem>>
    %dma_start3A_45 = tpu.memref_squeeze %dma_start3A_44 : memref<1x64xi32, #tpu.memory_space<vmem>> -> memref<64xi32, #tpu.memory_space<vmem>>
    %dma_start3A_46 = arith.constant 0 : i32
    %dma_start3A_47 = tpu.memref_slice %arg3[%add3A_42, %dma_start3A_46] : memref<5120x64xi32, #tpu.memory_space<hbm>> -> memref<1x64xi32, #tpu.memory_space<hbm>>
    %dma_start3A_48 = tpu.memref_squeeze %dma_start3A_47 : memref<1x64xi32, #tpu.memory_space<hbm>> -> memref<64xi32, #tpu.memory_space<hbm>>
    %dma_start3A_49 = arith.constant 0 : i32
    %dma_start3A_50 = tpu.memref_slice %arg7[%dma_start3A, %dma_start3A_49] : memref<5x64xi32, #tpu.memory_space<vmem>> -> memref<1x64xi32, #tpu.memory_space<vmem>>
    %dma_start3A_51 = tpu.memref_squeeze %dma_start3A_50 : memref<1x64xi32, #tpu.memory_space<vmem>> -> memref<64xi32, #tpu.memory_space<vmem>>
    %dma_start3A_52 = arith.constant 0 : i32
    %dma_start3A_53 = tpu.memref_slice %arg3[%add3A_42, %dma_start3A_52] : memref<5120x64xi32, #tpu.memory_space<hbm>> -> memref<1x64xi32, #tpu.memory_space<hbm>>
    %dma_start3A_54 = tpu.memref_squeeze %dma_start3A_53 : memref<1x64xi32, #tpu.memory_space<hbm>> -> memref<64xi32, #tpu.memory_space<hbm>>
    tpu.enqueue_dma source(%dma_start3A_54 : memref<64xi32, #tpu.memory_space<hbm>>) target(%dma_start3A_51 : memref<64xi32, #tpu.memory_space<vmem>>) target_semaphore(%arg10 : memref<!tpu.dma_semaphore, #tpu.memory_space<semaphore_mem>>)
    %add3A_55 = arith.constant 0 : i32
    %add3A_56 = arith.addi %mul3A_2, %add3A_55 : i32
    %dma_start3A_57 = arith.constant 0 : i32
    %dma_start3A_58 = arith.constant 0 : i32
    %dma_start3A_59 = tpu.memref_slice %arg8[%dma_start3A_57, %dma_start3A_58] : memref<5x64xi32, #tpu.memory_space<vmem>> -> memref<1x64xi32, #tpu.memory_space<vmem>>
    %dma_start3A_60 = tpu.memref_squeeze %dma_start3A_59 : memref<1x64xi32, #tpu.memory_space<vmem>> -> memref<64xi32, #tpu.memory_space<vmem>>
    %dma_start3A_61 = arith.constant 0 : i32
    %dma_start3A_62 = tpu.memref_slice %arg4[%add3A_56, %dma_start3A_61] : memref<5120x64xi32, #tpu.memory_space<hbm>> -> memref<1x64xi32, #tpu.memory_space<hbm>>
    %dma_start3A_63 = tpu.memref_squeeze %dma_start3A_62 : memref<1x64xi32, #tpu.memory_space<hbm>> -> memref<64xi32, #tpu.memory_space<hbm>>
    %dma_start3A_64 = arith.constant 0 : i32
    %dma_start3A_65 = tpu.memref_slice %arg8[%dma_start3A_57, %dma_start3A_64] : memref<5x64xi32, #tpu.memory_space<vmem>> -> memref<1x64xi32, #tpu.memory_space<vmem>>
    %dma_start3A_66 = tpu.memref_squeeze %dma_start3A_65 : memref<1x64xi32, #tpu.memory_space<vmem>> -> memref<64xi32, #tpu.memory_space<vmem>>
    %dma_start3A_67 = arith.constant 0 : i32
    %dma_start3A_68 = tpu.memref_slice %arg4[%add3A_56, %dma_start3A_67] : memref<5120x64xi32, #tpu.memory_space<hbm>> -> memref<1x64xi32, #tpu.memory_space<hbm>>
    %dma_start3A_69 = tpu.memref_squeeze %dma_start3A_68 : memref<1x64xi32, #tpu.memory_space<hbm>> -> memref<64xi32, #tpu.memory_space<hbm>>
    tpu.enqueue_dma source(%dma_start3A_69 : memref<64xi32, #tpu.memory_space<hbm>>) target(%dma_start3A_66 : memref<64xi32, #tpu.memory_space<vmem>>) target_semaphore(%arg10 : memref<!tpu.dma_semaphore, #tpu.memory_space<semaphore_mem>>)
    %add3A_70 = arith.constant 1 : i32
    %add3A_71 = arith.addi %mul3A_2, %add3A_70 : i32
    %dma_start3A_72 = arith.constant 1 : i32
    %dma_start3A_73 = arith.constant 0 : i32
    %dma_start3A_74 = tpu.memref_slice %arg7[%dma_start3A_72, %dma_start3A_73] : memref<5x64xi32, #tpu.memory_space<vmem>> -> memref<1x64xi32, #tpu.memory_space<vmem>>
    %dma_start3A_75 = tpu.memref_squeeze %dma_start3A_74 : memref<1x64xi32, #tpu.memory_space<vmem>> -> memref<64xi32, #tpu.memory_space<vmem>>
    %dma_start3A_76 = arith.constant 0 : i32
    %dma_start3A_77 = tpu.memref_slice %arg3[%add3A_71, %dma_start3A_76] : memref<5120x64xi32, #tpu.memory_space<hbm>> -> memref<1x64xi32, #tpu.memory_space<hbm>>
    %dma_start3A_78 = tpu.memref_squeeze %dma_start3A_77 : memref<1x64xi32, #tpu.memory_space<hbm>> -> memref<64xi32, #tpu.memory_space<hbm>>
    %dma_start3A_79 = arith.constant 0 : i32
    %dma_start3A_80 = tpu.memref_slice %arg7[%dma_start3A_72, %dma_start3A_79] : memref<5x64xi32, #tpu.memory_space<vmem>> -> memref<1x64xi32, #tpu.memory_space<vmem>>
    %dma_start3A_81 = tpu.memref_squeeze %dma_start3A_80 : memref<1x64xi32, #tpu.memory_space<vmem>> -> memref<64xi32, #tpu.memory_space<vmem>>
    %dma_start3A_82 = arith.constant 0 : i32
    %dma_start3A_83 = tpu.memref_slice %arg3[%add3A_71, %dma_start3A_82] : memref<5120x64xi32, #tpu.memory_space<hbm>> -> memref<1x64xi32, #tpu.memory_space<hbm>>
    %dma_start3A_84 = tpu.memref_squeeze %dma_start3A_83 : memref<1x64xi32, #tpu.memory_space<hbm>> -> memref<64xi32, #tpu.memory_space<hbm>>
    tpu.enqueue_dma source(%dma_start3A_84 : memref<64xi32, #tpu.memory_space<hbm>>) target(%dma_start3A_81 : memref<64xi32, #tpu.memory_space<vmem>>) target_semaphore(%arg11 : memref<!tpu.dma_semaphore, #tpu.memory_space<semaphore_mem>>)
    %add3A_85 = arith.constant 1 : i32
    %add3A_86 = arith.addi %mul3A_2, %add3A_85 : i32
    %dma_start3A_87 = arith.constant 1 : i32
    %dma_start3A_88 = arith.constant 0 : i32
    %dma_start3A_89 = tpu.memref_slice %arg8[%dma_start3A_87, %dma_start3A_88] : memref<5x64xi32, #tpu.memory_space<vmem>> -> memref<1x64xi32, #tpu.memory_space<vmem>>
    %dma_start3A_90 = tpu.memref_squeeze %dma_start3A_89 : memref<1x64xi32, #tpu.memory_space<vmem>> -> memref<64xi32, #tpu.memory_space<vmem>>
    %dma_start3A_91 = arith.constant 0 : i32
    %dma_start3A_92 = tpu.memref_slice %arg4[%add3A_86, %dma_start3A_91] : memref<5120x64xi32, #tpu.memory_space<hbm>> -> memref<1x64xi32, #tpu.memory_space<hbm>>
    %dma_start3A_93 = tpu.memref_squeeze %dma_start3A_92 : memref<1x64xi32, #tpu.memory_space<hbm>> -> memref<64xi32, #tpu.memory_space<hbm>>
    %dma_start3A_94 = arith.constant 0 : i32
    %dma_start3A_95 = tpu.memref_slice %arg8[%dma_start3A_87, %dma_start3A_94] : memref<5x64xi32, #tpu.memory_space<vmem>> -> memref<1x64xi32, #tpu.memory_space<vmem>>
    %dma_start3A_96 = tpu.memref_squeeze %dma_start3A_95 : memref<1x64xi32, #tpu.memory_space<vmem>> -> memref<64xi32, #tpu.memory_space<vmem>>
    %dma_start3A_97 = arith.constant 0 : i32
    %dma_start3A_98 = tpu.memref_slice %arg4[%add3A_86, %dma_start3A_97] : memref<5120x64xi32, #tpu.memory_space<hbm>> -> memref<1x64xi32, #tpu.memory_space<hbm>>
    %dma_start3A_99 = tpu.memref_squeeze %dma_start3A_98 : memref<1x64xi32, #tpu.memory_space<hbm>> -> memref<64xi32, #tpu.memory_space<hbm>>
    tpu.enqueue_dma source(%dma_start3A_99 : memref<64xi32, #tpu.memory_space<hbm>>) target(%dma_start3A_96 : memref<64xi32, #tpu.memory_space<vmem>>) target_semaphore(%arg11 : memref<!tpu.dma_semaphore, #tpu.memory_space<semaphore_mem>>)
    %add3A_100 = arith.constant 2 : i32
    %add3A_101 = arith.addi %mul3A_2, %add3A_100 : i32
    %dma_start3A_102 = arith.constant 2 : i32
    %dma_start3A_103 = arith.constant 0 : i32
    %dma_start3A_104 = tpu.memref_slice %arg7[%dma_start3A_102, %dma_start3A_103] : memref<5x64xi32, #tpu.memory_space<vmem>> -> memref<1x64xi32, #tpu.memory_space<vmem>>
    %dma_start3A_105 = tpu.memref_squeeze %dma_start3A_104 : memref<1x64xi32, #tpu.memory_space<vmem>> -> memref<64xi32, #tpu.memory_space<vmem>>
    %dma_start3A_106 = arith.constant 0 : i32
    %dma_start3A_107 = tpu.memref_slice %arg3[%add3A_101, %dma_start3A_106] : memref<5120x64xi32, #tpu.memory_space<hbm>> -> memref<1x64xi32, #tpu.memory_space<hbm>>
    %dma_start3A_108 = tpu.memref_squeeze %dma_start3A_107 : memref<1x64xi32, #tpu.memory_space<hbm>> -> memref<64xi32, #tpu.memory_space<hbm>>
    %dma_start3A_109 = arith.constant 0 : i32
    %dma_start3A_110 = tpu.memref_slice %arg7[%dma_start3A_102, %dma_start3A_109] : memref<5x64xi32, #tpu.memory_space<vmem>> -> memref<1x64xi32, #tpu.memory_space<vmem>>
    %dma_start3A_111 = tpu.memref_squeeze %dma_start3A_110 : memref<1x64xi32, #tpu.memory_space<vmem>> -> memref<64xi32, #tpu.memory_space<vmem>>
    %dma_start3A_112 = arith.constant 0 : i32
    %dma_start3A_113 = tpu.memref_slice %arg3[%add3A_101, %dma_start3A_112] : memref<5120x64xi32, #tpu.memory_space<hbm>> -> memref<1x64xi32, #tpu.memory_space<hbm>>
    %dma_start3A_114 = tpu.memref_squeeze %dma_start3A_113 : memref<1x64xi32, #tpu.memory_space<hbm>> -> memref<64xi32, #tpu.memory_space<hbm>>
    tpu.enqueue_dma source(%dma_start3A_114 : memref<64xi32, #tpu.memory_space<hbm>>) target(%dma_start3A_111 : memref<64xi32, #tpu.memory_space<vmem>>) target_semaphore(%arg12 : memref<!tpu.dma_semaphore, #tpu.memory_space<semaphore_mem>>)
    %add3A_115 = arith.constant 2 : i32
    %add3A_116 = arith.addi %mul3A_2, %add3A_115 : i32
    %dma_start3A_117 = arith.constant 2 : i32
    %dma_start3A_118 = arith.constant 0 : i32
    %dma_start3A_119 = tpu.memref_slice %arg8[%dma_start3A_117, %dma_start3A_118] : memref<5x64xi32, #tpu.memory_space<vmem>> -> memref<1x64xi32, #tpu.memory_space<vmem>>
    %dma_start3A_120 = tpu.memref_squeeze %dma_start3A_119 : memref<1x64xi32, #tpu.memory_space<vmem>> -> memref<64xi32, #tpu.memory_space<vmem>>
    %dma_start3A_121 = arith.constant 0 : i32
    %dma_start3A_122 = tpu.memref_slice %arg4[%add3A_116, %dma_start3A_121] : memref<5120x64xi32, #tpu.memory_space<hbm>> -> memref<1x64xi32, #tpu.memory_space<hbm>>
    %dma_start3A_123 = tpu.memref_squeeze %dma_start3A_122 : memref<1x64xi32, #tpu.memory_space<hbm>> -> memref<64xi32, #tpu.memory_space<hbm>>
    %dma_start3A_124 = arith.constant 0 : i32
    %dma_start3A_125 = tpu.memref_slice %arg8[%dma_start3A_117, %dma_start3A_124] : memref<5x64xi32, #tpu.memory_space<vmem>> -> memref<1x64xi32, #tpu.memory_space<vmem>>
    %dma_start3A_126 = tpu.memref_squeeze %dma_start3A_125 : memref<1x64xi32, #tpu.memory_space<vmem>> -> memref<64xi32, #tpu.memory_space<vmem>>
    %dma_start3A_127 = arith.constant 0 : i32
    %dma_start3A_128 = tpu.memref_slice %arg4[%add3A_116, %dma_start3A_127] : memref<5120x64xi32, #tpu.memory_space<hbm>> -> memref<1x64xi32, #tpu.memory_space<hbm>>
    %dma_start3A_129 = tpu.memref_squeeze %dma_start3A_128 : memref<1x64xi32, #tpu.memory_space<hbm>> -> memref<64xi32, #tpu.memory_space<hbm>>
    tpu.enqueue_dma source(%dma_start3A_129 : memref<64xi32, #tpu.memory_space<hbm>>) target(%dma_start3A_126 : memref<64xi32, #tpu.memory_space<vmem>>) target_semaphore(%arg12 : memref<!tpu.dma_semaphore, #tpu.memory_space<semaphore_mem>>)
    %add3A_130 = arith.constant 3 : i32
    %add3A_131 = arith.addi %mul3A_2, %add3A_130 : i32
    %dma_start3A_132 = arith.constant 3 : i32
    %dma_start3A_133 = arith.constant 0 : i32
    %dma_start3A_134 = tpu.memref_slice %arg7[%dma_start3A_132, %dma_start3A_133] : memref<5x64xi32, #tpu.memory_space<vmem>> -> memref<1x64xi32, #tpu.memory_space<vmem>>
    %dma_start3A_135 = tpu.memref_squeeze %dma_start3A_134 : memref<1x64xi32, #tpu.memory_space<vmem>> -> memref<64xi32, #tpu.memory_space<vmem>>
    %dma_start3A_136 = arith.constant 0 : i32
    %dma_start3A_137 = tpu.memref_slice %arg3[%add3A_131, %dma_start3A_136] : memref<5120x64xi32, #tpu.memory_space<hbm>> -> memref<1x64xi32, #tpu.memory_space<hbm>>
    %dma_start3A_138 = tpu.memref_squeeze %dma_start3A_137 : memref<1x64xi32, #tpu.memory_space<hbm>> -> memref<64xi32, #tpu.memory_space<hbm>>
    %dma_start3A_139 = arith.constant 0 : i32
    %dma_start3A_140 = tpu.memref_slice %arg7[%dma_start3A_132, %dma_start3A_139] : memref<5x64xi32, #tpu.memory_space<vmem>> -> memref<1x64xi32, #tpu.memory_space<vmem>>
    %dma_start3A_141 = tpu.memref_squeeze %dma_start3A_140 : memref<1x64xi32, #tpu.memory_space<vmem>> -> memref<64xi32, #tpu.memory_space<vmem>>
    %dma_start3A_142 = arith.constant 0 : i32
    %dma_start3A_143 = tpu.memref_slice %arg3[%add3A_131, %dma_start3A_142] : memref<5120x64xi32, #tpu.memory_space<hbm>> -> memref<1x64xi32, #tpu.memory_space<hbm>>
    %dma_start3A_144 = tpu.memref_squeeze %dma_start3A_143 : memref<1x64xi32, #tpu.memory_space<hbm>> -> memref<64xi32, #tpu.memory_space<hbm>>
    tpu.enqueue_dma source(%dma_start3A_144 : memref<64xi32, #tpu.memory_space<hbm>>) target(%dma_start3A_141 : memref<64xi32, #tpu.memory_space<vmem>>) target_semaphore(%arg13 : memref<!tpu.dma_semaphore, #tpu.memory_space<semaphore_mem>>)
    %add3A_145 = arith.constant 3 : i32
    %add3A_146 = arith.addi %mul3A_2, %add3A_145 : i32
    %dma_start3A_147 = arith.constant 3 : i32
    %dma_start3A_148 = arith.constant 0 : i32
    %dma_start3A_149 = tpu.memref_slice %arg8[%dma_start3A_147, %dma_start3A_148] : memref<5x64xi32, #tpu.memory_space<vmem>> -> memref<1x64xi32, #tpu.memory_space<vmem>>
    %dma_start3A_150 = tpu.memref_squeeze %dma_start3A_149 : memref<1x64xi32, #tpu.memory_space<vmem>> -> memref<64xi32, #tpu.memory_space<vmem>>
    %dma_start3A_151 = arith.constant 0 : i32
    %dma_start3A_152 = tpu.memref_slice %arg4[%add3A_146, %dma_start3A_151] : memref<5120x64xi32, #tpu.memory_space<hbm>> -> memref<1x64xi32, #tpu.memory_space<hbm>>
    %dma_start3A_153 = tpu.memref_squeeze %dma_start3A_152 : memref<1x64xi32, #tpu.memory_space<hbm>> -> memref<64xi32, #tpu.memory_space<hbm>>
    %dma_start3A_154 = arith.constant 0 : i32
    %dma_start3A_155 = tpu.memref_slice %arg8[%dma_start3A_147, %dma_start3A_154] : memref<5x64xi32, #tpu.memory_space<vmem>> -> memref<1x64xi32, #tpu.memory_space<vmem>>
    %dma_start3A_156 = tpu.memref_squeeze %dma_start3A_155 : memref<1x64xi32, #tpu.memory_space<vmem>> -> memref<64xi32, #tpu.memory_space<vmem>>
    %dma_start3A_157 = arith.constant 0 : i32
    %dma_start3A_158 = tpu.memref_slice %arg4[%add3A_146, %dma_start3A_157] : memref<5120x64xi32, #tpu.memory_space<hbm>> -> memref<1x64xi32, #tpu.memory_space<hbm>>
    %dma_start3A_159 = tpu.memref_squeeze %dma_start3A_158 : memref<1x64xi32, #tpu.memory_space<hbm>> -> memref<64xi32, #tpu.memory_space<hbm>>
    tpu.enqueue_dma source(%dma_start3A_159 : memref<64xi32, #tpu.memory_space<hbm>>) target(%dma_start3A_156 : memref<64xi32, #tpu.memory_space<vmem>>) target_semaphore(%arg13 : memref<!tpu.dma_semaphore, #tpu.memory_space<semaphore_mem>>)
    %add3A_160 = arith.constant 4 : i32
    %add3A_161 = arith.addi %mul3A_2, %add3A_160 : i32
    %dma_start3A_162 = arith.constant 4 : i32
    %dma_start3A_163 = arith.constant 0 : i32
    %dma_start3A_164 = tpu.memref_slice %arg7[%dma_start3A_162, %dma_start3A_163] : memref<5x64xi32, #tpu.memory_space<vmem>> -> memref<1x64xi32, #tpu.memory_space<vmem>>
    %dma_start3A_165 = tpu.memref_squeeze %dma_start3A_164 : memref<1x64xi32, #tpu.memory_space<vmem>> -> memref<64xi32, #tpu.memory_space<vmem>>
    %dma_start3A_166 = arith.constant 0 : i32
    %dma_start3A_167 = tpu.memref_slice %arg3[%add3A_161, %dma_start3A_166] : memref<5120x64xi32, #tpu.memory_space<hbm>> -> memref<1x64xi32, #tpu.memory_space<hbm>>
    %dma_start3A_168 = tpu.memref_squeeze %dma_start3A_167 : memref<1x64xi32, #tpu.memory_space<hbm>> -> memref<64xi32, #tpu.memory_space<hbm>>
    %dma_start3A_169 = arith.constant 0 : i32
    %dma_start3A_170 = tpu.memref_slice %arg7[%dma_start3A_162, %dma_start3A_169] : memref<5x64xi32, #tpu.memory_space<vmem>> -> memref<1x64xi32, #tpu.memory_space<vmem>>
    %dma_start3A_171 = tpu.memref_squeeze %dma_start3A_170 : memref<1x64xi32, #tpu.memory_space<vmem>> -> memref<64xi32, #tpu.memory_space<vmem>>
    %dma_start3A_172 = arith.constant 0 : i32
    %dma_start3A_173 = tpu.memref_slice %arg3[%add3A_161, %dma_start3A_172] : memref<5120x64xi32, #tpu.memory_space<hbm>> -> memref<1x64xi32, #tpu.memory_space<hbm>>
    %dma_start3A_174 = tpu.memref_squeeze %dma_start3A_173 : memref<1x64xi32, #tpu.memory_space<hbm>> -> memref<64xi32, #tpu.memory_space<hbm>>
    tpu.enqueue_dma source(%dma_start3A_174 : memref<64xi32, #tpu.memory_space<hbm>>) target(%dma_start3A_171 : memref<64xi32, #tpu.memory_space<vmem>>) target_semaphore(%arg14 : memref<!tpu.dma_semaphore, #tpu.memory_space<semaphore_mem>>)
    %add3A_175 = arith.constant 4 : i32
    %add3A_176 = arith.addi %mul3A_2, %add3A_175 : i32
    %dma_start3A_177 = arith.constant 4 : i32
    %dma_start3A_178 = arith.constant 0 : i32
    %dma_start3A_179 = tpu.memref_slice %arg8[%dma_start3A_177, %dma_start3A_178] : memref<5x64xi32, #tpu.memory_space<vmem>> -> memref<1x64xi32, #tpu.memory_space<vmem>>
    %dma_start3A_180 = tpu.memref_squeeze %dma_start3A_179 : memref<1x64xi32, #tpu.memory_space<vmem>> -> memref<64xi32, #tpu.memory_space<vmem>>
    %dma_start3A_181 = arith.constant 0 : i32
    %dma_start3A_182 = tpu.memref_slice %arg4[%add3A_176, %dma_start3A_181] : memref<5120x64xi32, #tpu.memory_space<hbm>> -> memref<1x64xi32, #tpu.memory_space<hbm>>
    %dma_start3A_183 = tpu.memref_squeeze %dma_start3A_182 : memref<1x64xi32, #tpu.memory_space<hbm>> -> memref<64xi32, #tpu.memory_space<hbm>>
    %dma_start3A_184 = arith.constant 0 : i32
    %dma_start3A_185 = tpu.memref_slice %arg8[%dma_start3A_177, %dma_start3A_184] : memref<5x64xi32, #tpu.memory_space<vmem>> -> memref<1x64xi32, #tpu.memory_space<vmem>>
    %dma_start3A_186 = tpu.memref_squeeze %dma_start3A_185 : memref<1x64xi32, #tpu.memory_space<vmem>> -> memref<64xi32, #tpu.memory_space<vmem>>
    %dma_start3A_187 = arith.constant 0 : i32
    %dma_start3A_188 = tpu.memref_slice %arg4[%add3A_176, %dma_start3A_187] : memref<5120x64xi32, #tpu.memory_space<hbm>> -> memref<1x64xi32, #tpu.memory_space<hbm>>
    %dma_start3A_189 = tpu.memref_squeeze %dma_start3A_188 : memref<1x64xi32, #tpu.memory_space<hbm>> -> memref<64xi32, #tpu.memory_space<hbm>>
    tpu.enqueue_dma source(%dma_start3A_189 : memref<64xi32, #tpu.memory_space<hbm>>) target(%dma_start3A_186 : memref<64xi32, #tpu.memory_space<vmem>>) target_semaphore(%arg14 : memref<!tpu.dma_semaphore, #tpu.memory_space<semaphore_mem>>)
    %add3A_190 = arith.constant 0 : i32
    %add3A_191 = arith.addi %mul3A_2, %add3A_190 : i32
    %dma_wait3A = arith.constant 0 : i32
    %dma_wait3A_192 = arith.constant 0 : i32
    %dma_wait3A_193 = tpu.memref_slice %arg7[%dma_wait3A, %dma_wait3A_192] : memref<5x64xi32, #tpu.memory_space<vmem>> -> memref<1x64xi32, #tpu.memory_space<vmem>>
    %dma_wait3A_194 = tpu.memref_squeeze %dma_wait3A_193 : memref<1x64xi32, #tpu.memory_space<vmem>> -> memref<64xi32, #tpu.memory_space<vmem>>
    %dma_wait3A_195 = arith.constant 0 : i32
    %dma_wait3A_196 = tpu.memref_slice %arg3[%add3A_191, %dma_wait3A_195] : memref<5120x64xi32, #tpu.memory_space<hbm>> -> memref<1x64xi32, #tpu.memory_space<hbm>>
    %dma_wait3A_197 = tpu.memref_squeeze %dma_wait3A_196 : memref<1x64xi32, #tpu.memory_space<hbm>> -> memref<64xi32, #tpu.memory_space<hbm>>
    %dma_wait3A_198 = arith.constant 0 : i32
    %dma_wait3A_199 = tpu.memref_slice %arg7[%dma_wait3A, %dma_wait3A_198] : memref<5x64xi32, #tpu.memory_space<vmem>> -> memref<1x64xi32, #tpu.memory_space<vmem>>
    %dma_wait3A_200 = tpu.memref_squeeze %dma_wait3A_199 : memref<1x64xi32, #tpu.memory_space<vmem>> -> memref<64xi32, #tpu.memory_space<vmem>>
    %dma_wait3A_201 = arith.constant 0 : i32
    %dma_wait3A_202 = tpu.memref_slice %arg3[%add3A_191, %dma_wait3A_201] : memref<5120x64xi32, #tpu.memory_space<hbm>> -> memref<1x64xi32, #tpu.memory_space<hbm>>
    %dma_wait3A_203 = tpu.memref_squeeze %dma_wait3A_202 : memref<1x64xi32, #tpu.memory_space<hbm>> -> memref<64xi32, #tpu.memory_space<hbm>>
    tpu.wait_dma2 semaphore(%arg10 : memref<!tpu.dma_semaphore, #tpu.memory_space<semaphore_mem>>) src(%dma_wait3A_203 : memref<64xi32, #tpu.memory_space<hbm>>) dst(%dma_wait3A_200 : memref<64xi32, #tpu.memory_space<vmem>>)
    %add3A_204 = arith.constant 0 : i32
    %add3A_205 = arith.addi %mul3A_2, %add3A_204 : i32
    %dma_wait3A_206 = arith.constant 0 : i32
    %dma_wait3A_207 = arith.constant 0 : i32
    %dma_wait3A_208 = tpu.memref_slice %arg8[%dma_wait3A_206, %dma_wait3A_207] : memref<5x64xi32, #tpu.memory_space<vmem>> -> memref<1x64xi32, #tpu.memory_space<vmem>>
    %dma_wait3A_209 = tpu.memref_squeeze %dma_wait3A_208 : memref<1x64xi32, #tpu.memory_space<vmem>> -> memref<64xi32, #tpu.memory_space<vmem>>
    %dma_wait3A_210 = arith.constant 0 : i32
    %dma_wait3A_211 = tpu.memref_slice %arg4[%add3A_205, %dma_wait3A_210] : memref<5120x64xi32, #tpu.memory_space<hbm>> -> memref<1x64xi32, #tpu.memory_space<hbm>>
    %dma_wait3A_212 = tpu.memref_squeeze %dma_wait3A_211 : memref<1x64xi32, #tpu.memory_space<hbm>> -> memref<64xi32, #tpu.memory_space<hbm>>
    %dma_wait3A_213 = arith.constant 0 : i32
    %dma_wait3A_214 = tpu.memref_slice %arg8[%dma_wait3A_206, %dma_wait3A_213] : memref<5x64xi32, #tpu.memory_space<vmem>> -> memref<1x64xi32, #tpu.memory_space<vmem>>
    %dma_wait3A_215 = tpu.memref_squeeze %dma_wait3A_214 : memref<1x64xi32, #tpu.memory_space<vmem>> -> memref<64xi32, #tpu.memory_space<vmem>>
    %dma_wait3A_216 = arith.constant 0 : i32
    %dma_wait3A_217 = tpu.memref_slice %arg4[%add3A_205, %dma_wait3A_216] : memref<5120x64xi32, #tpu.memory_space<hbm>> -> memref<1x64xi32, #tpu.memory_space<hbm>>
    %dma_wait3A_218 = tpu.memref_squeeze %dma_wait3A_217 : memref<1x64xi32, #tpu.memory_space<hbm>> -> memref<64xi32, #tpu.memory_space<hbm>>
    tpu.wait_dma2 semaphore(%arg10 : memref<!tpu.dma_semaphore, #tpu.memory_space<semaphore_mem>>) src(%dma_wait3A_218 : memref<64xi32, #tpu.memory_space<hbm>>) dst(%dma_wait3A_215 : memref<64xi32, #tpu.memory_space<vmem>>)
    %dma_start3A_219 = arith.constant 0 : i32
    %dma_start3A_220 = arith.constant 0 : i32
    %dma_start3A_221 = arith.constant 0 : i32
    %dma_start3A_222 = arith.constant 0 : i32
    %dma_start3A_223 = tpu.memref_slice %arg9[%dma_start3A_220, %dma_start3A_221, %dma_start3A_222] : memref<5x64x128xf32, #tpu.memory_space<vmem>> -> memref<1x64x128xf32, #tpu.memory_space<vmem>>
    %dma_start3A_224 = tpu.memref_squeeze %dma_start3A_223 : memref<1x64x128xf32, #tpu.memory_space<vmem>> -> memref<64x128xf32, #tpu.memory_space<vmem>>
    %dma_start3A_225 = arith.constant 0 : i32
    %dma_start3A_226 = tpu.memref_slice %arg7[%dma_start3A_219, %dma_start3A_225] : memref<5x64xi32, #tpu.memory_space<vmem>> -> memref<1x64xi32, #tpu.memory_space<vmem>>
    %dma_start3A_227 = tpu.memref_squeeze %dma_start3A_226 : memref<1x64xi32, #tpu.memory_space<vmem>> -> memref<64xi32, #tpu.memory_space<vmem>>
    %dma_start3A_228 = arith.constant 0 : i32
    %dma_start3A_229 = arith.constant 0 : i32
    %dma_start3A_230 = tpu.memref_slice %arg2[%dma_start3A_228, %dma_start3A_229] : memref<10000x128xf32, #tpu.memory_space<hbm>> -> memref<10000x128xf32, #tpu.memory_space<hbm>>
    tpu.enqueue_indirect_dma source(%dma_start3A_230 : memref<10000x128xf32, #tpu.memory_space<hbm>>) target(%dma_start3A_224 : memref<64x128xf32, #tpu.memory_space<vmem>>) offsets(%dma_start3A_227 : memref<64xi32, #tpu.memory_space<vmem>>) semaphore(%arg15 : memref<!tpu.dma_semaphore, #tpu.memory_space<semaphore_mem>>)
    %add3A_231 = arith.constant 1 : i32
    %add3A_232 = arith.addi %mul3A_2, %add3A_231 : i32
    %dma_wait3A_233 = arith.constant 1 : i32
    %dma_wait3A_234 = arith.constant 0 : i32
    %dma_wait3A_235 = tpu.memref_slice %arg7[%dma_wait3A_233, %dma_wait3A_234] : memref<5x64xi32, #tpu.memory_space<vmem>> -> memref<1x64xi32, #tpu.memory_space<vmem>>
    %dma_wait3A_236 = tpu.memref_squeeze %dma_wait3A_235 : memref<1x64xi32, #tpu.memory_space<vmem>> -> memref<64xi32, #tpu.memory_space<vmem>>
    %dma_wait3A_237 = arith.constant 0 : i32
    %dma_wait3A_238 = tpu.memref_slice %arg3[%add3A_232, %dma_wait3A_237] : memref<5120x64xi32, #tpu.memory_space<hbm>> -> memref<1x64xi32, #tpu.memory_space<hbm>>
    %dma_wait3A_239 = tpu.memref_squeeze %dma_wait3A_238 : memref<1x64xi32, #tpu.memory_space<hbm>> -> memref<64xi32, #tpu.memory_space<hbm>>
    %dma_wait3A_240 = arith.constant 0 : i32
    %dma_wait3A_241 = tpu.memref_slice %arg7[%dma_wait3A_233, %dma_wait3A_240] : memref<5x64xi32, #tpu.memory_space<vmem>> -> memref<1x64xi32, #tpu.memory_space<vmem>>
    %dma_wait3A_242 = tpu.memref_squeeze %dma_wait3A_241 : memref<1x64xi32, #tpu.memory_space<vmem>> -> memref<64xi32, #tpu.memory_space<vmem>>
    %dma_wait3A_243 = arith.constant 0 : i32
    %dma_wait3A_244 = tpu.memref_slice %arg3[%add3A_232, %dma_wait3A_243] : memref<5120x64xi32, #tpu.memory_space<hbm>> -> memref<1x64xi32, #tpu.memory_space<hbm>>
    %dma_wait3A_245 = tpu.memref_squeeze %dma_wait3A_244 : memref<1x64xi32, #tpu.memory_space<hbm>> -> memref<64xi32, #tpu.memory_space<hbm>>
    tpu.wait_dma2 semaphore(%arg11 : memref<!tpu.dma_semaphore, #tpu.memory_space<semaphore_mem>>) src(%dma_wait3A_245 : memref<64xi32, #tpu.memory_space<hbm>>) dst(%dma_wait3A_242 : memref<64xi32, #tpu.memory_space<vmem>>)
    %add3A_246 = arith.constant 1 : i32
    %add3A_247 = arith.addi %mul3A_2, %add3A_246 : i32
    %dma_wait3A_248 = arith.constant 1 : i32
    %dma_wait3A_249 = arith.constant 0 : i32
    %dma_wait3A_250 = tpu.memref_slice %arg8[%dma_wait3A_248, %dma_wait3A_249] : memref<5x64xi32, #tpu.memory_space<vmem>> -> memref<1x64xi32, #tpu.memory_space<vmem>>
    %dma_wait3A_251 = tpu.memref_squeeze %dma_wait3A_250 : memref<1x64xi32, #tpu.memory_space<vmem>> -> memref<64xi32, #tpu.memory_space<vmem>>
    %dma_wait3A_252 = arith.constant 0 : i32
    %dma_wait3A_253 = tpu.memref_slice %arg4[%add3A_247, %dma_wait3A_252] : memref<5120x64xi32, #tpu.memory_space<hbm>> -> memref<1x64xi32, #tpu.memory_space<hbm>>
    %dma_wait3A_254 = tpu.memref_squeeze %dma_wait3A_253 : memref<1x64xi32, #tpu.memory_space<hbm>> -> memref<64xi32, #tpu.memory_space<hbm>>
    %dma_wait3A_255 = arith.constant 0 : i32
    %dma_wait3A_256 = tpu.memref_slice %arg8[%dma_wait3A_248, %dma_wait3A_255] : memref<5x64xi32, #tpu.memory_space<vmem>> -> memref<1x64xi32, #tpu.memory_space<vmem>>
    %dma_wait3A_257 = tpu.memref_squeeze %dma_wait3A_256 : memref<1x64xi32, #tpu.memory_space<vmem>> -> memref<64xi32, #tpu.memory_space<vmem>>
    %dma_wait3A_258 = arith.constant 0 : i32
    %dma_wait3A_259 = tpu.memref_slice %arg4[%add3A_247, %dma_wait3A_258] : memref<5120x64xi32, #tpu.memory_space<hbm>> -> memref<1x64xi32, #tpu.memory_space<hbm>>
    %dma_wait3A_260 = tpu.memref_squeeze %dma_wait3A_259 : memref<1x64xi32, #tpu.memory_space<hbm>> -> memref<64xi32, #tpu.memory_space<hbm>>
    tpu.wait_dma2 semaphore(%arg11 : memref<!tpu.dma_semaphore, #tpu.memory_space<semaphore_mem>>) src(%dma_wait3A_260 : memref<64xi32, #tpu.memory_space<hbm>>) dst(%dma_wait3A_257 : memref<64xi32, #tpu.memory_space<vmem>>)
    %dma_start3A_261 = arith.constant 1 : i32
    %dma_start3A_262 = arith.constant 1 : i32
    %dma_start3A_263 = arith.constant 0 : i32
    %dma_start3A_264 = arith.constant 0 : i32
    %dma_start3A_265 = tpu.memref_slice %arg9[%dma_start3A_262, %dma_start3A_263, %dma_start3A_264] : memref<5x64x128xf32, #tpu.memory_space<vmem>> -> memref<1x64x128xf32, #tpu.memory_space<vmem>>
    %dma_start3A_266 = tpu.memref_squeeze %dma_start3A_265 : memref<1x64x128xf32, #tpu.memory_space<vmem>> -> memref<64x128xf32, #tpu.memory_space<vmem>>
    %dma_start3A_267 = arith.constant 0 : i32
    %dma_start3A_268 = tpu.memref_slice %arg7[%dma_start3A_261, %dma_start3A_267] : memref<5x64xi32, #tpu.memory_space<vmem>> -> memref<1x64xi32, #tpu.memory_space<vmem>>
    %dma_start3A_269 = tpu.memref_squeeze %dma_start3A_268 : memref<1x64xi32, #tpu.memory_space<vmem>> -> memref<64xi32, #tpu.memory_space<vmem>>
    %dma_start3A_270 = arith.constant 0 : i32
    %dma_start3A_271 = arith.constant 0 : i32
    %dma_start3A_272 = tpu.memref_slice %arg2[%dma_start3A_270, %dma_start3A_271] : memref<10000x128xf32, #tpu.memory_space<hbm>> -> memref<10000x128xf32, #tpu.memory_space<hbm>>
    tpu.enqueue_indirect_dma source(%dma_start3A_272 : memref<10000x128xf32, #tpu.memory_space<hbm>>) target(%dma_start3A_266 : memref<64x128xf32, #tpu.memory_space<vmem>>) offsets(%dma_start3A_269 : memref<64xi32, #tpu.memory_space<vmem>>) semaphore(%arg16 : memref<!tpu.dma_semaphore, #tpu.memory_space<semaphore_mem>>)
    %add3A_273 = arith.constant 2 : i32
    %add3A_274 = arith.addi %mul3A_2, %add3A_273 : i32
    %dma_wait3A_275 = arith.constant 2 : i32
    %dma_wait3A_276 = arith.constant 0 : i32
    %dma_wait3A_277 = tpu.memref_slice %arg7[%dma_wait3A_275, %dma_wait3A_276] : memref<5x64xi32, #tpu.memory_space<vmem>> -> memref<1x64xi32, #tpu.memory_space<vmem>>
    %dma_wait3A_278 = tpu.memref_squeeze %dma_wait3A_277 : memref<1x64xi32, #tpu.memory_space<vmem>> -> memref<64xi32, #tpu.memory_space<vmem>>
    %dma_wait3A_279 = arith.constant 0 : i32
    %dma_wait3A_280 = tpu.memref_slice %arg3[%add3A_274, %dma_wait3A_279] : memref<5120x64xi32, #tpu.memory_space<hbm>> -> memref<1x64xi32, #tpu.memory_space<hbm>>
    %dma_wait3A_281 = tpu.memref_squeeze %dma_wait3A_280 : memref<1x64xi32, #tpu.memory_space<hbm>> -> memref<64xi32, #tpu.memory_space<hbm>>
    %dma_wait3A_282 = arith.constant 0 : i32
    %dma_wait3A_283 = tpu.memref_slice %arg7[%dma_wait3A_275, %dma_wait3A_282] : memref<5x64xi32, #tpu.memory_space<vmem>> -> memref<1x64xi32, #tpu.memory_space<vmem>>
    %dma_wait3A_284 = tpu.memref_squeeze %dma_wait3A_283 : memref<1x64xi32, #tpu.memory_space<vmem>> -> memref<64xi32, #tpu.memory_space<vmem>>
    %dma_wait3A_285 = arith.constant 0 : i32
    %dma_wait3A_286 = tpu.memref_slice %arg3[%add3A_274, %dma_wait3A_285] : memref<5120x64xi32, #tpu.memory_space<hbm>> -> memref<1x64xi32, #tpu.memory_space<hbm>>
    %dma_wait3A_287 = tpu.memref_squeeze %dma_wait3A_286 : memref<1x64xi32, #tpu.memory_space<hbm>> -> memref<64xi32, #tpu.memory_space<hbm>>
    tpu.wait_dma2 semaphore(%arg12 : memref<!tpu.dma_semaphore, #tpu.memory_space<semaphore_mem>>) src(%dma_wait3A_287 : memref<64xi32, #tpu.memory_space<hbm>>) dst(%dma_wait3A_284 : memref<64xi32, #tpu.memory_space<vmem>>)
    %add3A_288 = arith.constant 2 : i32
    %add3A_289 = arith.addi %mul3A_2, %add3A_288 : i32
    %dma_wait3A_290 = arith.constant 2 : i32
    %dma_wait3A_291 = arith.constant 0 : i32
    %dma_wait3A_292 = tpu.memref_slice %arg8[%dma_wait3A_290, %dma_wait3A_291] : memref<5x64xi32, #tpu.memory_space<vmem>> -> memref<1x64xi32, #tpu.memory_space<vmem>>
    %dma_wait3A_293 = tpu.memref_squeeze %dma_wait3A_292 : memref<1x64xi32, #tpu.memory_space<vmem>> -> memref<64xi32, #tpu.memory_space<vmem>>
    %dma_wait3A_294 = arith.constant 0 : i32
    %dma_wait3A_295 = tpu.memref_slice %arg4[%add3A_289, %dma_wait3A_294] : memref<5120x64xi32, #tpu.memory_space<hbm>> -> memref<1x64xi32, #tpu.memory_space<hbm>>
    %dma_wait3A_296 = tpu.memref_squeeze %dma_wait3A_295 : memref<1x64xi32, #tpu.memory_space<hbm>> -> memref<64xi32, #tpu.memory_space<hbm>>
    %dma_wait3A_297 = arith.constant 0 : i32
    %dma_wait3A_298 = tpu.memref_slice %arg8[%dma_wait3A_290, %dma_wait3A_297] : memref<5x64xi32, #tpu.memory_space<vmem>> -> memref<1x64xi32, #tpu.memory_space<vmem>>
    %dma_wait3A_299 = tpu.memref_squeeze %dma_wait3A_298 : memref<1x64xi32, #tpu.memory_space<vmem>> -> memref<64xi32, #tpu.memory_space<vmem>>
    %dma_wait3A_300 = arith.constant 0 : i32
    %dma_wait3A_301 = tpu.memref_slice %arg4[%add3A_289, %dma_wait3A_300] : memref<5120x64xi32, #tpu.memory_space<hbm>> -> memref<1x64xi32, #tpu.memory_space<hbm>>
    %dma_wait3A_302 = tpu.memref_squeeze %dma_wait3A_301 : memref<1x64xi32, #tpu.memory_space<hbm>> -> memref<64xi32, #tpu.memory_space<hbm>>
    tpu.wait_dma2 semaphore(%arg12 : memref<!tpu.dma_semaphore, #tpu.memory_space<semaphore_mem>>) src(%dma_wait3A_302 : memref<64xi32, #tpu.memory_space<hbm>>) dst(%dma_wait3A_299 : memref<64xi32, #tpu.memory_space<vmem>>)
    %dma_start3A_303 = arith.constant 2 : i32
    %dma_start3A_304 = arith.constant 2 : i32
    %dma_start3A_305 = arith.constant 0 : i32
    %dma_start3A_306 = arith.constant 0 : i32
    %dma_start3A_307 = tpu.memref_slice %arg9[%dma_start3A_304, %dma_start3A_305, %dma_start3A_306] : memref<5x64x128xf32, #tpu.memory_space<vmem>> -> memref<1x64x128xf32, #tpu.memory_space<vmem>>
    %dma_start3A_308 = tpu.memref_squeeze %dma_start3A_307 : memref<1x64x128xf32, #tpu.memory_space<vmem>> -> memref<64x128xf32, #tpu.memory_space<vmem>>
    %dma_start3A_309 = arith.constant 0 : i32
    %dma_start3A_310 = tpu.memref_slice %arg7[%dma_start3A_303, %dma_start3A_309] : memref<5x64xi32, #tpu.memory_space<vmem>> -> memref<1x64xi32, #tpu.memory_space<vmem>>
    %dma_start3A_311 = tpu.memref_squeeze %dma_start3A_310 : memref<1x64xi32, #tpu.memory_space<vmem>> -> memref<64xi32, #tpu.memory_space<vmem>>
    %dma_start3A_312 = arith.constant 0 : i32
    %dma_start3A_313 = arith.constant 0 : i32
    %dma_start3A_314 = tpu.memref_slice %arg2[%dma_start3A_312, %dma_start3A_313] : memref<10000x128xf32, #tpu.memory_space<hbm>> -> memref<10000x128xf32, #tpu.memory_space<hbm>>
    tpu.enqueue_indirect_dma source(%dma_start3A_314 : memref<10000x128xf32, #tpu.memory_space<hbm>>) target(%dma_start3A_308 : memref<64x128xf32, #tpu.memory_space<vmem>>) offsets(%dma_start3A_311 : memref<64xi32, #tpu.memory_space<vmem>>) semaphore(%arg17 : memref<!tpu.dma_semaphore, #tpu.memory_space<semaphore_mem>>)
    %add3A_315 = arith.constant 3 : i32
    %add3A_316 = arith.addi %mul3A_2, %add3A_315 : i32
    %dma_wait3A_317 = arith.constant 3 : i32
    %dma_wait3A_318 = arith.constant 0 : i32
    %dma_wait3A_319 = tpu.memref_slice %arg7[%dma_wait3A_317, %dma_wait3A_318] : memref<5x64xi32, #tpu.memory_space<vmem>> -> memref<1x64xi32, #tpu.memory_space<vmem>>
    %dma_wait3A_320 = tpu.memref_squeeze %dma_wait3A_319 : memref<1x64xi32, #tpu.memory_space<vmem>> -> memref<64xi32, #tpu.memory_space<vmem>>
    %dma_wait3A_321 = arith.constant 0 : i32
    %dma_wait3A_322 = tpu.memref_slice %arg3[%add3A_316, %dma_wait3A_321] : memref<5120x64xi32, #tpu.memory_space<hbm>> -> memref<1x64xi32, #tpu.memory_space<hbm>>
    %dma_wait3A_323 = tpu.memref_squeeze %dma_wait3A_322 : memref<1x64xi32, #tpu.memory_space<hbm>> -> memref<64xi32, #tpu.memory_space<hbm>>
    %dma_wait3A_324 = arith.constant 0 : i32
    %dma_wait3A_325 = tpu.memref_slice %arg7[%dma_wait3A_317, %dma_wait3A_324] : memref<5x64xi32, #tpu.memory_space<vmem>> -> memref<1x64xi32, #tpu.memory_space<vmem>>
    %dma_wait3A_326 = tpu.memref_squeeze %dma_wait3A_325 : memref<1x64xi32, #tpu.memory_space<vmem>> -> memref<64xi32, #tpu.memory_space<vmem>>
    %dma_wait3A_327 = arith.constant 0 : i32
    %dma_wait3A_328 = tpu.memref_slice %arg3[%add3A_316, %dma_wait3A_327] : memref<5120x64xi32, #tpu.memory_space<hbm>> -> memref<1x64xi32, #tpu.memory_space<hbm>>
    %dma_wait3A_329 = tpu.memref_squeeze %dma_wait3A_328 : memref<1x64xi32, #tpu.memory_space<hbm>> -> memref<64xi32, #tpu.memory_space<hbm>>
    tpu.wait_dma2 semaphore(%arg13 : memref<!tpu.dma_semaphore, #tpu.memory_space<semaphore_mem>>) src(%dma_wait3A_329 : memref<64xi32, #tpu.memory_space<hbm>>) dst(%dma_wait3A_326 : memref<64xi32, #tpu.memory_space<vmem>>)
    %add3A_330 = arith.constant 3 : i32
    %add3A_331 = arith.addi %mul3A_2, %add3A_330 : i32
    %dma_wait3A_332 = arith.constant 3 : i32
    %dma_wait3A_333 = arith.constant 0 : i32
    %dma_wait3A_334 = tpu.memref_slice %arg8[%dma_wait3A_332, %dma_wait3A_333] : memref<5x64xi32, #tpu.memory_space<vmem>> -> memref<1x64xi32, #tpu.memory_space<vmem>>
    %dma_wait3A_335 = tpu.memref_squeeze %dma_wait3A_334 : memref<1x64xi32, #tpu.memory_space<vmem>> -> memref<64xi32, #tpu.memory_space<vmem>>
    %dma_wait3A_336 = arith.constant 0 : i32
    %dma_wait3A_337 = tpu.memref_slice %arg4[%add3A_331, %dma_wait3A_336] : memref<5120x64xi32, #tpu.memory_space<hbm>> -> memref<1x64xi32, #tpu.memory_space<hbm>>
    %dma_wait3A_338 = tpu.memref_squeeze %dma_wait3A_337 : memref<1x64xi32, #tpu.memory_space<hbm>> -> memref<64xi32, #tpu.memory_space<hbm>>
    %dma_wait3A_339 = arith.constant 0 : i32
    %dma_wait3A_340 = tpu.memref_slice %arg8[%dma_wait3A_332, %dma_wait3A_339] : memref<5x64xi32, #tpu.memory_space<vmem>> -> memref<1x64xi32, #tpu.memory_space<vmem>>
    %dma_wait3A_341 = tpu.memref_squeeze %dma_wait3A_340 : memref<1x64xi32, #tpu.memory_space<vmem>> -> memref<64xi32, #tpu.memory_space<vmem>>
    %dma_wait3A_342 = arith.constant 0 : i32
    %dma_wait3A_343 = tpu.memref_slice %arg4[%add3A_331, %dma_wait3A_342] : memref<5120x64xi32, #tpu.memory_space<hbm>> -> memref<1x64xi32, #tpu.memory_space<hbm>>
    %dma_wait3A_344 = tpu.memref_squeeze %dma_wait3A_343 : memref<1x64xi32, #tpu.memory_space<hbm>> -> memref<64xi32, #tpu.memory_space<hbm>>
    tpu.wait_dma2 semaphore(%arg13 : memref<!tpu.dma_semaphore, #tpu.memory_space<semaphore_mem>>) src(%dma_wait3A_344 : memref<64xi32, #tpu.memory_space<hbm>>) dst(%dma_wait3A_341 : memref<64xi32, #tpu.memory_space<vmem>>)
    %dma_start3A_345 = arith.constant 3 : i32
    %dma_start3A_346 = arith.constant 3 : i32
    %dma_start3A_347 = arith.constant 0 : i32
    %dma_start3A_348 = arith.constant 0 : i32
    %dma_start3A_349 = tpu.memref_slice %arg9[%dma_start3A_346, %dma_start3A_347, %dma_start3A_348] : memref<5x64x128xf32, #tpu.memory_space<vmem>> -> memref<1x64x128xf32, #tpu.memory_space<vmem>>
    %dma_start3A_350 = tpu.memref_squeeze %dma_start3A_349 : memref<1x64x128xf32, #tpu.memory_space<vmem>> -> memref<64x128xf32, #tpu.memory_space<vmem>>
    %dma_start3A_351 = arith.constant 0 : i32
    %dma_start3A_352 = tpu.memref_slice %arg7[%dma_start3A_345, %dma_start3A_351] : memref<5x64xi32, #tpu.memory_space<vmem>> -> memref<1x64xi32, #tpu.memory_space<vmem>>
    %dma_start3A_353 = tpu.memref_squeeze %dma_start3A_352 : memref<1x64xi32, #tpu.memory_space<vmem>> -> memref<64xi32, #tpu.memory_space<vmem>>
    %dma_start3A_354 = arith.constant 0 : i32
    %dma_start3A_355 = arith.constant 0 : i32
    %dma_start3A_356 = tpu.memref_slice %arg2[%dma_start3A_354, %dma_start3A_355] : memref<10000x128xf32, #tpu.memory_space<hbm>> -> memref<10000x128xf32, #tpu.memory_space<hbm>>
    tpu.enqueue_indirect_dma source(%dma_start3A_356 : memref<10000x128xf32, #tpu.memory_space<hbm>>) target(%dma_start3A_350 : memref<64x128xf32, #tpu.memory_space<vmem>>) offsets(%dma_start3A_353 : memref<64xi32, #tpu.memory_space<vmem>>) semaphore(%arg18 : memref<!tpu.dma_semaphore, #tpu.memory_space<semaphore_mem>>)
    %add3A_357 = arith.constant 4 : i32
    %add3A_358 = arith.addi %mul3A_2, %add3A_357 : i32
    %dma_wait3A_359 = arith.constant 4 : i32
    %dma_wait3A_360 = arith.constant 0 : i32
    %dma_wait3A_361 = tpu.memref_slice %arg7[%dma_wait3A_359, %dma_wait3A_360] : memref<5x64xi32, #tpu.memory_space<vmem>> -> memref<1x64xi32, #tpu.memory_space<vmem>>
    %dma_wait3A_362 = tpu.memref_squeeze %dma_wait3A_361 : memref<1x64xi32, #tpu.memory_space<vmem>> -> memref<64xi32, #tpu.memory_space<vmem>>
    %dma_wait3A_363 = arith.constant 0 : i32
    %dma_wait3A_364 = tpu.memref_slice %arg3[%add3A_358, %dma_wait3A_363] : memref<5120x64xi32, #tpu.memory_space<hbm>> -> memref<1x64xi32, #tpu.memory_space<hbm>>
    %dma_wait3A_365 = tpu.memref_squeeze %dma_wait3A_364 : memref<1x64xi32, #tpu.memory_space<hbm>> -> memref<64xi32, #tpu.memory_space<hbm>>
    %dma_wait3A_366 = arith.constant 0 : i32
    %dma_wait3A_367 = tpu.memref_slice %arg7[%dma_wait3A_359, %dma_wait3A_366] : memref<5x64xi32, #tpu.memory_space<vmem>> -> memref<1x64xi32, #tpu.memory_space<vmem>>
    %dma_wait3A_368 = tpu.memref_squeeze %dma_wait3A_367 : memref<1x64xi32, #tpu.memory_space<vmem>> -> memref<64xi32, #tpu.memory_space<vmem>>
    %dma_wait3A_369 = arith.constant 0 : i32
    %dma_wait3A_370 = tpu.memref_slice %arg3[%add3A_358, %dma_wait3A_369] : memref<5120x64xi32, #tpu.memory_space<hbm>> -> memref<1x64xi32, #tpu.memory_space<hbm>>
    %dma_wait3A_371 = tpu.memref_squeeze %dma_wait3A_370 : memref<1x64xi32, #tpu.memory_space<hbm>> -> memref<64xi32, #tpu.memory_space<hbm>>
    tpu.wait_dma2 semaphore(%arg14 : memref<!tpu.dma_semaphore, #tpu.memory_space<semaphore_mem>>) src(%dma_wait3A_371 : memref<64xi32, #tpu.memory_space<hbm>>) dst(%dma_wait3A_368 : memref<64xi32, #tpu.memory_space<vmem>>)
    %add3A_372 = arith.constant 4 : i32
    %add3A_373 = arith.addi %mul3A_2, %add3A_372 : i32
    %dma_wait3A_374 = arith.constant 4 : i32
    %dma_wait3A_375 = arith.constant 0 : i32
    %dma_wait3A_376 = tpu.memref_slice %arg8[%dma_wait3A_374, %dma_wait3A_375] : memref<5x64xi32, #tpu.memory_space<vmem>> -> memref<1x64xi32, #tpu.memory_space<vmem>>
    %dma_wait3A_377 = tpu.memref_squeeze %dma_wait3A_376 : memref<1x64xi32, #tpu.memory_space<vmem>> -> memref<64xi32, #tpu.memory_space<vmem>>
    %dma_wait3A_378 = arith.constant 0 : i32
    %dma_wait3A_379 = tpu.memref_slice %arg4[%add3A_373, %dma_wait3A_378] : memref<5120x64xi32, #tpu.memory_space<hbm>> -> memref<1x64xi32, #tpu.memory_space<hbm>>
    %dma_wait3A_380 = tpu.memref_squeeze %dma_wait3A_379 : memref<1x64xi32, #tpu.memory_space<hbm>> -> memref<64xi32, #tpu.memory_space<hbm>>
    %dma_wait3A_381 = arith.constant 0 : i32
    %dma_wait3A_382 = tpu.memref_slice %arg8[%dma_wait3A_374, %dma_wait3A_381] : memref<5x64xi32, #tpu.memory_space<vmem>> -> memref<1x64xi32, #tpu.memory_space<vmem>>
    %dma_wait3A_383 = tpu.memref_squeeze %dma_wait3A_382 : memref<1x64xi32, #tpu.memory_space<vmem>> -> memref<64xi32, #tpu.memory_space<vmem>>
    %dma_wait3A_384 = arith.constant 0 : i32
    %dma_wait3A_385 = tpu.memref_slice %arg4[%add3A_373, %dma_wait3A_384] : memref<5120x64xi32, #tpu.memory_space<hbm>> -> memref<1x64xi32, #tpu.memory_space<hbm>>
    %dma_wait3A_386 = tpu.memref_squeeze %dma_wait3A_385 : memref<1x64xi32, #tpu.memory_space<hbm>> -> memref<64xi32, #tpu.memory_space<hbm>>
    tpu.wait_dma2 semaphore(%arg14 : memref<!tpu.dma_semaphore, #tpu.memory_space<semaphore_mem>>) src(%dma_wait3A_386 : memref<64xi32, #tpu.memory_space<hbm>>) dst(%dma_wait3A_383 : memref<64xi32, #tpu.memory_space<vmem>>)
    %dma_start3A_387 = arith.constant 4 : i32
    %dma_start3A_388 = arith.constant 4 : i32
    %dma_start3A_389 = arith.constant 0 : i32
    %dma_start3A_390 = arith.constant 0 : i32
    %dma_start3A_391 = tpu.memref_slice %arg9[%dma_start3A_388, %dma_start3A_389, %dma_start3A_390] : memref<5x64x128xf32, #tpu.memory_space<vmem>> -> memref<1x64x128xf32, #tpu.memory_space<vmem>>
    %dma_start3A_392 = tpu.memref_squeeze %dma_start3A_391 : memref<1x64x128xf32, #tpu.memory_space<vmem>> -> memref<64x128xf32, #tpu.memory_space<vmem>>
    %dma_start3A_393 = arith.constant 0 : i32
    %dma_start3A_394 = tpu.memref_slice %arg7[%dma_start3A_387, %dma_start3A_393] : memref<5x64xi32, #tpu.memory_space<vmem>> -> memref<1x64xi32, #tpu.memory_space<vmem>>
    %dma_start3A_395 = tpu.memref_squeeze %dma_start3A_394 : memref<1x64xi32, #tpu.memory_space<vmem>> -> memref<64xi32, #tpu.memory_space<vmem>>
    %dma_start3A_396 = arith.constant 0 : i32
    %dma_start3A_397 = arith.constant 0 : i32
    %dma_start3A_398 = tpu.memref_slice %arg2[%dma_start3A_396, %dma_start3A_397] : memref<10000x128xf32, #tpu.memory_space<hbm>> -> memref<10000x128xf32, #tpu.memory_space<hbm>>
    tpu.enqueue_indirect_dma source(%dma_start3A_398 : memref<10000x128xf32, #tpu.memory_space<hbm>>) target(%dma_start3A_392 : memref<64x128xf32, #tpu.memory_space<vmem>>) offsets(%dma_start3A_395 : memref<64xi32, #tpu.memory_space<vmem>>) semaphore(%arg19 : memref<!tpu.dma_semaphore, #tpu.memory_space<semaphore_mem>>)
    %scan3A_399 = arith.constant 0 : i32
    %scan3A_400 = arith.constant 0 : i32
    %scan3A_401 = arith.constant 32 : i32
    %scan3A_402 = arith.addi %scan3A_400, %scan3A_401 : i32
    %scan3A_403 = arith.constant 1 : i32
    scf.for %scan3A_406 = %scan3A_400 to %scan3A_402 step %scan3A_403  : i32 {
      %mul3A_407 = arith.constant 5 : i32
      %mul3A_408 = arith.muli %scan3A_406, %mul3A_407 : i32
      %add3A_409 = arith.constant 0 : i32
      %add3A_410 = arith.addi %mul3A_408, %add3A_409 : i32
      %dma_wait3A_411 = arith.constant 0 : i32
      %dma_wait3A_412 = arith.constant 0 : i32
      %dma_wait3A_413 = arith.constant 0 : i32
      %dma_wait3A_414 = arith.constant 0 : i32
      %dma_wait3A_415 = tpu.memref_slice %arg9[%dma_wait3A_412, %dma_wait3A_413, %dma_wait3A_414] : memref<5x64x128xf32, #tpu.memory_space<vmem>> -> memref<1x64x128xf32, #tpu.memory_space<vmem>>
      %dma_wait3A_416 = tpu.memref_squeeze %dma_wait3A_415 : memref<1x64x128xf32, #tpu.memory_space<vmem>> -> memref<64x128xf32, #tpu.memory_space<vmem>>
      %dma_wait3A_417 = arith.constant 0 : i32
      %dma_wait3A_418 = tpu.memref_slice %arg7[%dma_wait3A_411, %dma_wait3A_417] : memref<5x64xi32, #tpu.memory_space<vmem>> -> memref<1x64xi32, #tpu.memory_space<vmem>>
      %dma_wait3A_419 = tpu.memref_squeeze %dma_wait3A_418 : memref<1x64xi32, #tpu.memory_space<vmem>> -> memref<64xi32, #tpu.memory_space<vmem>>
      %dma_wait3A_420 = arith.constant 0 : i32
      %dma_wait3A_421 = arith.constant 0 : i32
      %dma_wait3A_422 = tpu.memref_slice %arg2[%dma_wait3A_420, %dma_wait3A_421] : memref<10000x128xf32, #tpu.memory_space<hbm>> -> memref<10000x128xf32, #tpu.memory_space<hbm>>
      tpu.wait_indirect_dma semaphore(%arg15 : memref<!tpu.dma_semaphore, #tpu.memory_space<semaphore_mem>>) src(%dma_wait3A_422 : memref<10000x128xf32, #tpu.memory_space<hbm>>) dst(%dma_wait3A_416 : memref<64x128xf32, #tpu.memory_space<vmem>>)
      %dma_start3A_423 = arith.constant 0 : i32
      %dma_start3A_424 = arith.constant 0 : i32
      %dma_start3A_425 = arith.constant 0 : i32
      %dma_start3A_426 = arith.constant 0 : i32
      %dma_start3A_427 = tpu.memref_slice %arg9[%dma_start3A_423, %dma_start3A_425, %dma_start3A_426] : memref<5x64x128xf32, #tpu.memory_space<vmem>> -> memref<1x64x128xf32, #tpu.memory_space<vmem>>
      %dma_start3A_428 = tpu.memref_squeeze %dma_start3A_427 : memref<1x64x128xf32, #tpu.memory_space<vmem>> -> memref<64x128xf32, #tpu.memory_space<vmem>>
      %dma_start3A_429 = arith.constant 0 : i32
      %dma_start3A_430 = tpu.memref_slice %arg8[%dma_start3A_424, %dma_start3A_429] : memref<5x64xi32, #tpu.memory_space<vmem>> -> memref<1x64xi32, #tpu.memory_space<vmem>>
      %dma_start3A_431 = tpu.memref_squeeze %dma_start3A_430 : memref<1x64xi32, #tpu.memory_space<vmem>> -> memref<64xi32, #tpu.memory_space<vmem>>
      %dma_start3A_432 = arith.constant 0 : i32
      %dma_start3A_433 = arith.constant 0 : i32
      %dma_start3A_434 = tpu.memref_slice %arg6[%dma_start3A_432, %dma_start3A_433] : memref<10240x128xf32, #tpu.memory_space<vmem_shared>> -> memref<10240x128xf32, #tpu.memory_space<vmem_shared>>
      tpu.enqueue_indirect_dma source(%dma_start3A_428 : memref<64x128xf32, #tpu.memory_space<vmem>>) target(%dma_start3A_434 : memref<10240x128xf32, #tpu.memory_space<vmem_shared>>) offsets(%dma_start3A_431 : memref<64xi32, #tpu.memory_space<vmem>>) semaphore(%arg20 : memref<!tpu.dma_semaphore, #tpu.memory_space<semaphore_mem>>) {add = true}
      %mul3A_435 = arith.constant 5 : i32
      %mul3A_436 = arith.muli %scan3A_406, %mul3A_435 : i32
      %add3A_437 = arith.constant 1 : i32
      %add3A_438 = arith.addi %mul3A_436, %add3A_437 : i32
      %dma_wait3A_439 = arith.constant 1 : i32
      %dma_wait3A_440 = arith.constant 1 : i32
      %dma_wait3A_441 = arith.constant 0 : i32
      %dma_wait3A_442 = arith.constant 0 : i32
      %dma_wait3A_443 = tpu.memref_slice %arg9[%dma_wait3A_440, %dma_wait3A_441, %dma_wait3A_442] : memref<5x64x128xf32, #tpu.memory_space<vmem>> -> memref<1x64x128xf32, #tpu.memory_space<vmem>>
      %dma_wait3A_444 = tpu.memref_squeeze %dma_wait3A_443 : memref<1x64x128xf32, #tpu.memory_space<vmem>> -> memref<64x128xf32, #tpu.memory_space<vmem>>
      %dma_wait3A_445 = arith.constant 0 : i32
      %dma_wait3A_446 = tpu.memref_slice %arg7[%dma_wait3A_439, %dma_wait3A_445] : memref<5x64xi32, #tpu.memory_space<vmem>> -> memref<1x64xi32, #tpu.memory_space<vmem>>
      %dma_wait3A_447 = tpu.memref_squeeze %dma_wait3A_446 : memref<1x64xi32, #tpu.memory_space<vmem>> -> memref<64xi32, #tpu.memory_space<vmem>>
      %dma_wait3A_448 = arith.constant 0 : i32
      %dma_wait3A_449 = arith.constant 0 : i32
      %dma_wait3A_450 = tpu.memref_slice %arg2[%dma_wait3A_448, %dma_wait3A_449] : memref<10000x128xf32, #tpu.memory_space<hbm>> -> memref<10000x128xf32, #tpu.memory_space<hbm>>
      tpu.wait_indirect_dma semaphore(%arg16 : memref<!tpu.dma_semaphore, #tpu.memory_space<semaphore_mem>>) src(%dma_wait3A_450 : memref<10000x128xf32, #tpu.memory_space<hbm>>) dst(%dma_wait3A_444 : memref<64x128xf32, #tpu.memory_space<vmem>>)
      %dma_start3A_451 = arith.constant 1 : i32
      %dma_start3A_452 = arith.constant 1 : i32
      %dma_start3A_453 = arith.constant 0 : i32
      %dma_start3A_454 = arith.constant 0 : i32
      %dma_start3A_455 = tpu.memref_slice %arg9[%dma_start3A_451, %dma_start3A_453, %dma_start3A_454] : memref<5x64x128xf32, #tpu.memory_space<vmem>> -> memref<1x64x128xf32, #tpu.memory_space<vmem>>
      %dma_start3A_456 = tpu.memref_squeeze %dma_start3A_455 : memref<1x64x128xf32, #tpu.memory_space<vmem>> -> memref<64x128xf32, #tpu.memory_space<vmem>>
      %dma_start3A_457 = arith.constant 0 : i32
      %dma_start3A_458 = tpu.memref_slice %arg8[%dma_start3A_452, %dma_start3A_457] : memref<5x64xi32, #tpu.memory_space<vmem>> -> memref<1x64xi32, #tpu.memory_space<vmem>>
      %dma_start3A_459 = tpu.memref_squeeze %dma_start3A_458 : memref<1x64xi32, #tpu.memory_space<vmem>> -> memref<64xi32, #tpu.memory_space<vmem>>
      %dma_start3A_460 = arith.constant 0 : i32
      %dma_start3A_461 = arith.constant 0 : i32
      %dma_start3A_462 = tpu.memref_slice %arg6[%dma_start3A_460, %dma_start3A_461] : memref<10240x128xf32, #tpu.memory_space<vmem_shared>> -> memref<10240x128xf32, #tpu.memory_space<vmem_shared>>
      tpu.enqueue_indirect_dma source(%dma_start3A_456 : memref<64x128xf32, #tpu.memory_space<vmem>>) target(%dma_start3A_462 : memref<10240x128xf32, #tpu.memory_space<vmem_shared>>) offsets(%dma_start3A_459 : memref<64xi32, #tpu.memory_space<vmem>>) semaphore(%arg21 : memref<!tpu.dma_semaphore, #tpu.memory_space<semaphore_mem>>) {add = true}
      %mul3A_463 = arith.constant 5 : i32
      %mul3A_464 = arith.muli %scan3A_406, %mul3A_463 : i32
      %add3A_465 = arith.constant 2 : i32
      %add3A_466 = arith.addi %mul3A_464, %add3A_465 : i32
      %dma_wait3A_467 = arith.constant 2 : i32
      %dma_wait3A_468 = arith.constant 2 : i32
      %dma_wait3A_469 = arith.constant 0 : i32
      %dma_wait3A_470 = arith.constant 0 : i32
      %dma_wait3A_471 = tpu.memref_slice %arg9[%dma_wait3A_468, %dma_wait3A_469, %dma_wait3A_470] : memref<5x64x128xf32, #tpu.memory_space<vmem>> -> memref<1x64x128xf32, #tpu.memory_space<vmem>>
      %dma_wait3A_472 = tpu.memref_squeeze %dma_wait3A_471 : memref<1x64x128xf32, #tpu.memory_space<vmem>> -> memref<64x128xf32, #tpu.memory_space<vmem>>
      %dma_wait3A_473 = arith.constant 0 : i32
      %dma_wait3A_474 = tpu.memref_slice %arg7[%dma_wait3A_467, %dma_wait3A_473] : memref<5x64xi32, #tpu.memory_space<vmem>> -> memref<1x64xi32, #tpu.memory_space<vmem>>
      %dma_wait3A_475 = tpu.memref_squeeze %dma_wait3A_474 : memref<1x64xi32, #tpu.memory_space<vmem>> -> memref<64xi32, #tpu.memory_space<vmem>>
      %dma_wait3A_476 = arith.constant 0 : i32
      %dma_wait3A_477 = arith.constant 0 : i32
      %dma_wait3A_478 = tpu.memref_slice %arg2[%dma_wait3A_476, %dma_wait3A_477] : memref<10000x128xf32, #tpu.memory_space<hbm>> -> memref<10000x128xf32, #tpu.memory_space<hbm>>
      tpu.wait_indirect_dma semaphore(%arg17 : memref<!tpu.dma_semaphore, #tpu.memory_space<semaphore_mem>>) src(%dma_wait3A_478 : memref<10000x128xf32, #tpu.memory_space<hbm>>) dst(%dma_wait3A_472 : memref<64x128xf32, #tpu.memory_space<vmem>>)
      %dma_start3A_479 = arith.constant 2 : i32
      %dma_start3A_480 = arith.constant 2 : i32
      %dma_start3A_481 = arith.constant 0 : i32
      %dma_start3A_482 = arith.constant 0 : i32
      %dma_start3A_483 = tpu.memref_slice %arg9[%dma_start3A_479, %dma_start3A_481, %dma_start3A_482] : memref<5x64x128xf32, #tpu.memory_space<vmem>> -> memref<1x64x128xf32, #tpu.memory_space<vmem>>
      %dma_start3A_484 = tpu.memref_squeeze %dma_start3A_483 : memref<1x64x128xf32, #tpu.memory_space<vmem>> -> memref<64x128xf32, #tpu.memory_space<vmem>>
      %dma_start3A_485 = arith.constant 0 : i32
      %dma_start3A_486 = tpu.memref_slice %arg8[%dma_start3A_480, %dma_start3A_485] : memref<5x64xi32, #tpu.memory_space<vmem>> -> memref<1x64xi32, #tpu.memory_space<vmem>>
      %dma_start3A_487 = tpu.memref_squeeze %dma_start3A_486 : memref<1x64xi32, #tpu.memory_space<vmem>> -> memref<64xi32, #tpu.memory_space<vmem>>
      %dma_start3A_488 = arith.constant 0 : i32
      %dma_start3A_489 = arith.constant 0 : i32
      %dma_start3A_490 = tpu.memref_slice %arg6[%dma_start3A_488, %dma_start3A_489] : memref<10240x128xf32, #tpu.memory_space<vmem_shared>> -> memref<10240x128xf32, #tpu.memory_space<vmem_shared>>
      tpu.enqueue_indirect_dma source(%dma_start3A_484 : memref<64x128xf32, #tpu.memory_space<vmem>>) target(%dma_start3A_490 : memref<10240x128xf32, #tpu.memory_space<vmem_shared>>) offsets(%dma_start3A_487 : memref<64xi32, #tpu.memory_space<vmem>>) semaphore(%arg22 : memref<!tpu.dma_semaphore, #tpu.memory_space<semaphore_mem>>) {add = true}
      %mul3A_491 = arith.constant 5 : i32
      %mul3A_492 = arith.muli %scan3A_406, %mul3A_491 : i32
      %add3A_493 = arith.constant 3 : i32
      %add3A_494 = arith.addi %mul3A_492, %add3A_493 : i32
      %dma_wait3A_495 = arith.constant 3 : i32
      %dma_wait3A_496 = arith.constant 3 : i32
      %dma_wait3A_497 = arith.constant 0 : i32
      %dma_wait3A_498 = arith.constant 0 : i32
      %dma_wait3A_499 = tpu.memref_slice %arg9[%dma_wait3A_496, %dma_wait3A_497, %dma_wait3A_498] : memref<5x64x128xf32, #tpu.memory_space<vmem>> -> memref<1x64x128xf32, #tpu.memory_space<vmem>>
      %dma_wait3A_500 = tpu.memref_squeeze %dma_wait3A_499 : memref<1x64x128xf32, #tpu.memory_space<vmem>> -> memref<64x128xf32, #tpu.memory_space<vmem>>
      %dma_wait3A_501 = arith.constant 0 : i32
      %dma_wait3A_502 = tpu.memref_slice %arg7[%dma_wait3A_495, %dma_wait3A_501] : memref<5x64xi32, #tpu.memory_space<vmem>> -> memref<1x64xi32, #tpu.memory_space<vmem>>
      %dma_wait3A_503 = tpu.memref_squeeze %dma_wait3A_502 : memref<1x64xi32, #tpu.memory_space<vmem>> -> memref<64xi32, #tpu.memory_space<vmem>>
      %dma_wait3A_504 = arith.constant 0 : i32
      %dma_wait3A_505 = arith.constant 0 : i32
      %dma_wait3A_506 = tpu.memref_slice %arg2[%dma_wait3A_504, %dma_wait3A_505] : memref<10000x128xf32, #tpu.memory_space<hbm>> -> memref<10000x128xf32, #tpu.memory_space<hbm>>
      tpu.wait_indirect_dma semaphore(%arg18 : memref<!tpu.dma_semaphore, #tpu.memory_space<semaphore_mem>>) src(%dma_wait3A_506 : memref<10000x128xf32, #tpu.memory_space<hbm>>) dst(%dma_wait3A_500 : memref<64x128xf32, #tpu.memory_space<vmem>>)
      %dma_start3A_507 = arith.constant 3 : i32
      %dma_start3A_508 = arith.constant 3 : i32
      %dma_start3A_509 = arith.constant 0 : i32
      %dma_start3A_510 = arith.constant 0 : i32
      %dma_start3A_511 = tpu.memref_slice %arg9[%dma_start3A_507, %dma_start3A_509, %dma_start3A_510] : memref<5x64x128xf32, #tpu.memory_space<vmem>> -> memref<1x64x128xf32, #tpu.memory_space<vmem>>
      %dma_start3A_512 = tpu.memref_squeeze %dma_start3A_511 : memref<1x64x128xf32, #tpu.memory_space<vmem>> -> memref<64x128xf32, #tpu.memory_space<vmem>>
      %dma_start3A_513 = arith.constant 0 : i32
      %dma_start3A_514 = tpu.memref_slice %arg8[%dma_start3A_508, %dma_start3A_513] : memref<5x64xi32, #tpu.memory_space<vmem>> -> memref<1x64xi32, #tpu.memory_space<vmem>>
      %dma_start3A_515 = tpu.memref_squeeze %dma_start3A_514 : memref<1x64xi32, #tpu.memory_space<vmem>> -> memref<64xi32, #tpu.memory_space<vmem>>
      %dma_start3A_516 = arith.constant 0 : i32
      %dma_start3A_517 = arith.constant 0 : i32
      %dma_start3A_518 = tpu.memref_slice %arg6[%dma_start3A_516, %dma_start3A_517] : memref<10240x128xf32, #tpu.memory_space<vmem_shared>> -> memref<10240x128xf32, #tpu.memory_space<vmem_shared>>
      tpu.enqueue_indirect_dma source(%dma_start3A_512 : memref<64x128xf32, #tpu.memory_space<vmem>>) target(%dma_start3A_518 : memref<10240x128xf32, #tpu.memory_space<vmem_shared>>) offsets(%dma_start3A_515 : memref<64xi32, #tpu.memory_space<vmem>>) semaphore(%arg23 : memref<!tpu.dma_semaphore, #tpu.memory_space<semaphore_mem>>) {add = true}
      %mul3A_519 = arith.constant 5 : i32
      %mul3A_520 = arith.muli %scan3A_406, %mul3A_519 : i32
      %add3A_521 = arith.constant 4 : i32
      %add3A_522 = arith.addi %mul3A_520, %add3A_521 : i32
      %dma_wait3A_523 = arith.constant 4 : i32
      %dma_wait3A_524 = arith.constant 4 : i32
      %dma_wait3A_525 = arith.constant 0 : i32
      %dma_wait3A_526 = arith.constant 0 : i32
      %dma_wait3A_527 = tpu.memref_slice %arg9[%dma_wait3A_524, %dma_wait3A_525, %dma_wait3A_526] : memref<5x64x128xf32, #tpu.memory_space<vmem>> -> memref<1x64x128xf32, #tpu.memory_space<vmem>>
      %dma_wait3A_528 = tpu.memref_squeeze %dma_wait3A_527 : memref<1x64x128xf32, #tpu.memory_space<vmem>> -> memref<64x128xf32, #tpu.memory_space<vmem>>
      %dma_wait3A_529 = arith.constant 0 : i32
      %dma_wait3A_530 = tpu.memref_slice %arg7[%dma_wait3A_523, %dma_wait3A_529] : memref<5x64xi32, #tpu.memory_space<vmem>> -> memref<1x64xi32, #tpu.memory_space<vmem>>
      %dma_wait3A_531 = tpu.memref_squeeze %dma_wait3A_530 : memref<1x64xi32, #tpu.memory_space<vmem>> -> memref<64xi32, #tpu.memory_space<vmem>>
      %dma_wait3A_532 = arith.constant 0 : i32
      %dma_wait3A_533 = arith.constant 0 : i32
      %dma_wait3A_534 = tpu.memref_slice %arg2[%dma_wait3A_532, %dma_wait3A_533] : memref<10000x128xf32, #tpu.memory_space<hbm>> -> memref<10000x128xf32, #tpu.memory_space<hbm>>
      tpu.wait_indirect_dma semaphore(%arg19 : memref<!tpu.dma_semaphore, #tpu.memory_space<semaphore_mem>>) src(%dma_wait3A_534 : memref<10000x128xf32, #tpu.memory_space<hbm>>) dst(%dma_wait3A_528 : memref<64x128xf32, #tpu.memory_space<vmem>>)
      %dma_start3A_535 = arith.constant 4 : i32
      %dma_start3A_536 = arith.constant 4 : i32
      %dma_start3A_537 = arith.constant 0 : i32
      %dma_start3A_538 = arith.constant 0 : i32
      %dma_start3A_539 = tpu.memref_slice %arg9[%dma_start3A_535, %dma_start3A_537, %dma_start3A_538] : memref<5x64x128xf32, #tpu.memory_space<vmem>> -> memref<1x64x128xf32, #tpu.memory_space<vmem>>
      %dma_start3A_540 = tpu.memref_squeeze %dma_start3A_539 : memref<1x64x128xf32, #tpu.memory_space<vmem>> -> memref<64x128xf32, #tpu.memory_space<vmem>>
      %dma_start3A_541 = arith.constant 0 : i32
      %dma_start3A_542 = tpu.memref_slice %arg8[%dma_start3A_536, %dma_start3A_541] : memref<5x64xi32, #tpu.memory_space<vmem>> -> memref<1x64xi32, #tpu.memory_space<vmem>>
      %dma_start3A_543 = tpu.memref_squeeze %dma_start3A_542 : memref<1x64xi32, #tpu.memory_space<vmem>> -> memref<64xi32, #tpu.memory_space<vmem>>
      %dma_start3A_544 = arith.constant 0 : i32
      %dma_start3A_545 = arith.constant 0 : i32
      %dma_start3A_546 = tpu.memref_slice %arg6[%dma_start3A_544, %dma_start3A_545] : memref<10240x128xf32, #tpu.memory_space<vmem_shared>> -> memref<10240x128xf32, #tpu.memory_space<vmem_shared>>
      tpu.enqueue_indirect_dma source(%dma_start3A_540 : memref<64x128xf32, #tpu.memory_space<vmem>>) target(%dma_start3A_546 : memref<10240x128xf32, #tpu.memory_space<vmem_shared>>) offsets(%dma_start3A_543 : memref<64xi32, #tpu.memory_space<vmem>>) semaphore(%arg24 : memref<!tpu.dma_semaphore, #tpu.memory_space<semaphore_mem>>) {add = true}
      %dma_wait3A_547 = arith.constant 0 : i32
      %dma_wait3A_548 = arith.constant 0 : i32
      %dma_wait3A_549 = arith.constant 0 : i32
      %dma_wait3A_550 = arith.constant 0 : i32
      %dma_wait3A_551 = tpu.memref_slice %arg9[%dma_wait3A_547, %dma_wait3A_549, %dma_wait3A_550] : memref<5x64x128xf32, #tpu.memory_space<vmem>> -> memref<1x64x128xf32, #tpu.memory_space<vmem>>
      %dma_wait3A_552 = tpu.memref_squeeze %dma_wait3A_551 : memref<1x64x128xf32, #tpu.memory_space<vmem>> -> memref<64x128xf32, #tpu.memory_space<vmem>>
      %dma_wait3A_553 = arith.constant 0 : i32
      %dma_wait3A_554 = tpu.memref_slice %arg8[%dma_wait3A_548, %dma_wait3A_553] : memref<5x64xi32, #tpu.memory_space<vmem>> -> memref<1x64xi32, #tpu.memory_space<vmem>>
      %dma_wait3A_555 = tpu.memref_squeeze %dma_wait3A_554 : memref<1x64xi32, #tpu.memory_space<vmem>> -> memref<64xi32, #tpu.memory_space<vmem>>
      %dma_wait3A_556 = arith.constant 0 : i32
      %dma_wait3A_557 = arith.constant 0 : i32
      %dma_wait3A_558 = tpu.memref_slice %arg6[%dma_wait3A_556, %dma_wait3A_557] : memref<10240x128xf32, #tpu.memory_space<vmem_shared>> -> memref<10240x128xf32, #tpu.memory_space<vmem_shared>>
      tpu.wait_indirect_dma semaphore(%arg20 : memref<!tpu.dma_semaphore, #tpu.memory_space<semaphore_mem>>) src(%dma_wait3A_552 : memref<64x128xf32, #tpu.memory_space<vmem>>) dst(%dma_wait3A_558 : memref<10240x128xf32, #tpu.memory_space<vmem_shared>>)
      %add3A_559 = arith.constant 1 : i32
      %add3A_560 = arith.addi %scan3A_406, %add3A_559 : i32
      %lt3A = arith.constant 32 : i32
      %lt3A_561 = arith.cmpi slt, %add3A_560, %lt3A : i32
      %convert_element_type3A = arith.extui %lt3A_561 : i1 to i32
      %cond3A = arith.constant 0 : i32
      %cond3A_562 = arith.cmpi ne, %convert_element_type3A, %cond3A : i32
      scf.if %cond3A_562 {
        %add3A_674 = arith.constant 1 : i32
        %add3A_675 = arith.addi %scan3A_406, %add3A_674 : i32
        %mul3A_676 = arith.constant 5 : i32
        %mul3A_677 = arith.muli %add3A_675, %mul3A_676 : i32
        %add3A_678 = arith.constant 0 : i32
        %add3A_679 = arith.addi %mul3A_677, %add3A_678 : i32
        %add3A_680 = arith.addi %mul3A_2, %add3A_679 : i32
        %dma_start3A_681 = arith.constant 0 : i32
        %dma_start3A_682 = arith.constant 0 : i32
        %dma_start3A_683 = tpu.memref_slice %arg7[%dma_start3A_681, %dma_start3A_682] : memref<5x64xi32, #tpu.memory_space<vmem>> -> memref<1x64xi32, #tpu.memory_space<vmem>>
        %dma_start3A_684 = tpu.memref_squeeze %dma_start3A_683 : memref<1x64xi32, #tpu.memory_space<vmem>> -> memref<64xi32, #tpu.memory_space<vmem>>
        %dma_start3A_685 = arith.constant 0 : i32
        %dma_start3A_686 = tpu.memref_slice %arg3[%add3A_680, %dma_start3A_685] : memref<5120x64xi32, #tpu.memory_space<hbm>> -> memref<1x64xi32, #tpu.memory_space<hbm>>
        %dma_start3A_687 = tpu.memref_squeeze %dma_start3A_686 : memref<1x64xi32, #tpu.memory_space<hbm>> -> memref<64xi32, #tpu.memory_space<hbm>>
        %dma_start3A_688 = arith.constant 0 : i32
        %dma_start3A_689 = tpu.memref_slice %arg7[%dma_start3A_681, %dma_start3A_688] : memref<5x64xi32, #tpu.memory_space<vmem>> -> memref<1x64xi32, #tpu.memory_space<vmem>>
        %dma_start3A_690 = tpu.memref_squeeze %dma_start3A_689 : memref<1x64xi32, #tpu.memory_space<vmem>> -> memref<64xi32, #tpu.memory_space<vmem>>
        %dma_start3A_691 = arith.constant 0 : i32
        %dma_start3A_692 = tpu.memref_slice %arg3[%add3A_680, %dma_start3A_691] : memref<5120x64xi32, #tpu.memory_space<hbm>> -> memref<1x64xi32, #tpu.memory_space<hbm>>
        %dma_start3A_693 = tpu.memref_squeeze %dma_start3A_692 : memref<1x64xi32, #tpu.memory_space<hbm>> -> memref<64xi32, #tpu.memory_space<hbm>>
        tpu.enqueue_dma source(%dma_start3A_693 : memref<64xi32, #tpu.memory_space<hbm>>) target(%dma_start3A_690 : memref<64xi32, #tpu.memory_space<vmem>>) target_semaphore(%arg10 : memref<!tpu.dma_semaphore, #tpu.memory_space<semaphore_mem>>)
        %add3A_694 = arith.addi %mul3A_2, %add3A_679 : i32
        %dma_start3A_695 = arith.constant 0 : i32
        %dma_start3A_696 = arith.constant 0 : i32
        %dma_start3A_697 = tpu.memref_slice %arg8[%dma_start3A_695, %dma_start3A_696] : memref<5x64xi32, #tpu.memory_space<vmem>> -> memref<1x64xi32, #tpu.memory_space<vmem>>
        %dma_start3A_698 = tpu.memref_squeeze %dma_start3A_697 : memref<1x64xi32, #tpu.memory_space<vmem>> -> memref<64xi32, #tpu.memory_space<vmem>>
        %dma_start3A_699 = arith.constant 0 : i32
        %dma_start3A_700 = tpu.memref_slice %arg4[%add3A_694, %dma_start3A_699] : memref<5120x64xi32, #tpu.memory_space<hbm>> -> memref<1x64xi32, #tpu.memory_space<hbm>>
        %dma_start3A_701 = tpu.memref_squeeze %dma_start3A_700 : memref<1x64xi32, #tpu.memory_space<hbm>> -> memref<64xi32, #tpu.memory_space<hbm>>
        %dma_start3A_702 = arith.constant 0 : i32
        %dma_start3A_703 = tpu.memref_slice %arg8[%dma_start3A_695, %dma_start3A_702] : memref<5x64xi32, #tpu.memory_space<vmem>> -> memref<1x64xi32, #tpu.memory_space<vmem>>
        %dma_start3A_704 = tpu.memref_squeeze %dma_start3A_703 : memref<1x64xi32, #tpu.memory_space<vmem>> -> memref<64xi32, #tpu.memory_space<vmem>>
        %dma_start3A_705 = arith.constant 0 : i32
        %dma_start3A_706 = tpu.memref_slice %arg4[%add3A_694, %dma_start3A_705] : memref<5120x64xi32, #tpu.memory_space<hbm>> -> memref<1x64xi32, #tpu.memory_space<hbm>>
        %dma_start3A_707 = tpu.memref_squeeze %dma_start3A_706 : memref<1x64xi32, #tpu.memory_space<hbm>> -> memref<64xi32, #tpu.memory_space<hbm>>
        tpu.enqueue_dma source(%dma_start3A_707 : memref<64xi32, #tpu.memory_space<hbm>>) target(%dma_start3A_704 : memref<64xi32, #tpu.memory_space<vmem>>) target_semaphore(%arg10 : memref<!tpu.dma_semaphore, #tpu.memory_space<semaphore_mem>>)
      } else {
      }
      %dma_wait3A_563 = arith.constant 1 : i32
      %dma_wait3A_564 = arith.constant 1 : i32
      %dma_wait3A_565 = arith.constant 0 : i32
      %dma_wait3A_566 = arith.constant 0 : i32
      %dma_wait3A_567 = tpu.memref_slice %arg9[%dma_wait3A_563, %dma_wait3A_565, %dma_wait3A_566] : memref<5x64x128xf32, #tpu.memory_space<vmem>> -> memref<1x64x128xf32, #tpu.memory_space<vmem>>
      %dma_wait3A_568 = tpu.memref_squeeze %dma_wait3A_567 : memref<1x64x128xf32, #tpu.memory_space<vmem>> -> memref<64x128xf32, #tpu.memory_space<vmem>>
      %dma_wait3A_569 = arith.constant 0 : i32
      %dma_wait3A_570 = tpu.memref_slice %arg8[%dma_wait3A_564, %dma_wait3A_569] : memref<5x64xi32, #tpu.memory_space<vmem>> -> memref<1x64xi32, #tpu.memory_space<vmem>>
      %dma_wait3A_571 = tpu.memref_squeeze %dma_wait3A_570 : memref<1x64xi32, #tpu.memory_space<vmem>> -> memref<64xi32, #tpu.memory_space<vmem>>
      %dma_wait3A_572 = arith.constant 0 : i32
      %dma_wait3A_573 = arith.constant 0 : i32
      %dma_wait3A_574 = tpu.memref_slice %arg6[%dma_wait3A_572, %dma_wait3A_573] : memref<10240x128xf32, #tpu.memory_space<vmem_shared>> -> memref<10240x128xf32, #tpu.memory_space<vmem_shared>>
      tpu.wait_indirect_dma semaphore(%arg21 : memref<!tpu.dma_semaphore, #tpu.memory_space<semaphore_mem>>) src(%dma_wait3A_568 : memref<64x128xf32, #tpu.memory_space<vmem>>) dst(%dma_wait3A_574 : memref<10240x128xf32, #tpu.memory_space<vmem_shared>>)
      %add3A_575 = arith.constant 1 : i32
      %add3A_576 = arith.addi %scan3A_406, %add3A_575 : i32
      %lt3A_577 = arith.constant 32 : i32
      %lt3A_578 = arith.cmpi slt, %add3A_576, %lt3A_577 : i32
      %convert_element_type3A_579 = arith.extui %lt3A_578 : i1 to i32
      %cond3A_580 = arith.constant 0 : i32
      %cond3A_581 = arith.cmpi ne, %convert_element_type3A_579, %cond3A_580 : i32
      scf.if %cond3A_581 {
        %add3A_674 = arith.constant 1 : i32
        %add3A_675 = arith.addi %scan3A_406, %add3A_674 : i32
        %mul3A_676 = arith.constant 5 : i32
        %mul3A_677 = arith.muli %add3A_675, %mul3A_676 : i32
        %add3A_678 = arith.constant 1 : i32
        %add3A_679 = arith.addi %mul3A_677, %add3A_678 : i32
        %add3A_680 = arith.addi %mul3A_2, %add3A_679 : i32
        %dma_start3A_681 = arith.constant 1 : i32
        %dma_start3A_682 = arith.constant 0 : i32
        %dma_start3A_683 = tpu.memref_slice %arg7[%dma_start3A_681, %dma_start3A_682] : memref<5x64xi32, #tpu.memory_space<vmem>> -> memref<1x64xi32, #tpu.memory_space<vmem>>
        %dma_start3A_684 = tpu.memref_squeeze %dma_start3A_683 : memref<1x64xi32, #tpu.memory_space<vmem>> -> memref<64xi32, #tpu.memory_space<vmem>>
        %dma_start3A_685 = arith.constant 0 : i32
        %dma_start3A_686 = tpu.memref_slice %arg3[%add3A_680, %dma_start3A_685] : memref<5120x64xi32, #tpu.memory_space<hbm>> -> memref<1x64xi32, #tpu.memory_space<hbm>>
        %dma_start3A_687 = tpu.memref_squeeze %dma_start3A_686 : memref<1x64xi32, #tpu.memory_space<hbm>> -> memref<64xi32, #tpu.memory_space<hbm>>
        %dma_start3A_688 = arith.constant 0 : i32
        %dma_start3A_689 = tpu.memref_slice %arg7[%dma_start3A_681, %dma_start3A_688] : memref<5x64xi32, #tpu.memory_space<vmem>> -> memref<1x64xi32, #tpu.memory_space<vmem>>
        %dma_start3A_690 = tpu.memref_squeeze %dma_start3A_689 : memref<1x64xi32, #tpu.memory_space<vmem>> -> memref<64xi32, #tpu.memory_space<vmem>>
        %dma_start3A_691 = arith.constant 0 : i32
        %dma_start3A_692 = tpu.memref_slice %arg3[%add3A_680, %dma_start3A_691] : memref<5120x64xi32, #tpu.memory_space<hbm>> -> memref<1x64xi32, #tpu.memory_space<hbm>>
        %dma_start3A_693 = tpu.memref_squeeze %dma_start3A_692 : memref<1x64xi32, #tpu.memory_space<hbm>> -> memref<64xi32, #tpu.memory_space<hbm>>
        tpu.enqueue_dma source(%dma_start3A_693 : memref<64xi32, #tpu.memory_space<hbm>>) target(%dma_start3A_690 : memref<64xi32, #tpu.memory_space<vmem>>) target_semaphore(%arg11 : memref<!tpu.dma_semaphore, #tpu.memory_space<semaphore_mem>>)
        %add3A_694 = arith.addi %mul3A_2, %add3A_679 : i32
        %dma_start3A_695 = arith.constant 1 : i32
        %dma_start3A_696 = arith.constant 0 : i32
        %dma_start3A_697 = tpu.memref_slice %arg8[%dma_start3A_695, %dma_start3A_696] : memref<5x64xi32, #tpu.memory_space<vmem>> -> memref<1x64xi32, #tpu.memory_space<vmem>>
        %dma_start3A_698 = tpu.memref_squeeze %dma_start3A_697 : memref<1x64xi32, #tpu.memory_space<vmem>> -> memref<64xi32, #tpu.memory_space<vmem>>
        %dma_start3A_699 = arith.constant 0 : i32
        %dma_start3A_700 = tpu.memref_slice %arg4[%add3A_694, %dma_start3A_699] : memref<5120x64xi32, #tpu.memory_space<hbm>> -> memref<1x64xi32, #tpu.memory_space<hbm>>
        %dma_start3A_701 = tpu.memref_squeeze %dma_start3A_700 : memref<1x64xi32, #tpu.memory_space<hbm>> -> memref<64xi32, #tpu.memory_space<hbm>>
        %dma_start3A_702 = arith.constant 0 : i32
        %dma_start3A_703 = tpu.memref_slice %arg8[%dma_start3A_695, %dma_start3A_702] : memref<5x64xi32, #tpu.memory_space<vmem>> -> memref<1x64xi32, #tpu.memory_space<vmem>>
        %dma_start3A_704 = tpu.memref_squeeze %dma_start3A_703 : memref<1x64xi32, #tpu.memory_space<vmem>> -> memref<64xi32, #tpu.memory_space<vmem>>
        %dma_start3A_705 = arith.constant 0 : i32
        %dma_start3A_706 = tpu.memref_slice %arg4[%add3A_694, %dma_start3A_705] : memref<5120x64xi32, #tpu.memory_space<hbm>> -> memref<1x64xi32, #tpu.memory_space<hbm>>
        %dma_start3A_707 = tpu.memref_squeeze %dma_start3A_706 : memref<1x64xi32, #tpu.memory_space<hbm>> -> memref<64xi32, #tpu.memory_space<hbm>>
        tpu.enqueue_dma source(%dma_start3A_707 : memref<64xi32, #tpu.memory_space<hbm>>) target(%dma_start3A_704 : memref<64xi32, #tpu.memory_space<vmem>>) target_semaphore(%arg11 : memref<!tpu.dma_semaphore, #tpu.memory_space<semaphore_mem>>)
      } else {
      }
      %dma_wait3A_582 = arith.constant 2 : i32
      %dma_wait3A_583 = arith.constant 2 : i32
      %dma_wait3A_584 = arith.constant 0 : i32
      %dma_wait3A_585 = arith.constant 0 : i32
      %dma_wait3A_586 = tpu.memref_slice %arg9[%dma_wait3A_582, %dma_wait3A_584, %dma_wait3A_585] : memref<5x64x128xf32, #tpu.memory_space<vmem>> -> memref<1x64x128xf32, #tpu.memory_space<vmem>>
      %dma_wait3A_587 = tpu.memref_squeeze %dma_wait3A_586 : memref<1x64x128xf32, #tpu.memory_space<vmem>> -> memref<64x128xf32, #tpu.memory_space<vmem>>
      %dma_wait3A_588 = arith.constant 0 : i32
      %dma_wait3A_589 = tpu.memref_slice %arg8[%dma_wait3A_583, %dma_wait3A_588] : memref<5x64xi32, #tpu.memory_space<vmem>> -> memref<1x64xi32, #tpu.memory_space<vmem>>
      %dma_wait3A_590 = tpu.memref_squeeze %dma_wait3A_589 : memref<1x64xi32, #tpu.memory_space<vmem>> -> memref<64xi32, #tpu.memory_space<vmem>>
      %dma_wait3A_591 = arith.constant 0 : i32
      %dma_wait3A_592 = arith.constant 0 : i32
      %dma_wait3A_593 = tpu.memref_slice %arg6[%dma_wait3A_591, %dma_wait3A_592] : memref<10240x128xf32, #tpu.memory_space<vmem_shared>> -> memref<10240x128xf32, #tpu.memory_space<vmem_shared>>
      tpu.wait_indirect_dma semaphore(%arg22 : memref<!tpu.dma_semaphore, #tpu.memory_space<semaphore_mem>>) src(%dma_wait3A_587 : memref<64x128xf32, #tpu.memory_space<vmem>>) dst(%dma_wait3A_593 : memref<10240x128xf32, #tpu.memory_space<vmem_shared>>)
      %add3A_594 = arith.constant 1 : i32
      %add3A_595 = arith.addi %scan3A_406, %add3A_594 : i32
      %lt3A_596 = arith.constant 32 : i32
      %lt3A_597 = arith.cmpi slt, %add3A_595, %lt3A_596 : i32
      %convert_element_type3A_598 = arith.extui %lt3A_597 : i1 to i32
      %cond3A_599 = arith.constant 0 : i32
      %cond3A_600 = arith.cmpi ne, %convert_element_type3A_598, %cond3A_599 : i32
      scf.if %cond3A_600 {
        %add3A_674 = arith.constant 1 : i32
        %add3A_675 = arith.addi %scan3A_406, %add3A_674 : i32
        %mul3A_676 = arith.constant 5 : i32
        %mul3A_677 = arith.muli %add3A_675, %mul3A_676 : i32
        %add3A_678 = arith.constant 2 : i32
        %add3A_679 = arith.addi %mul3A_677, %add3A_678 : i32
        %add3A_680 = arith.addi %mul3A_2, %add3A_679 : i32
        %dma_start3A_681 = arith.constant 2 : i32
        %dma_start3A_682 = arith.constant 0 : i32
        %dma_start3A_683 = tpu.memref_slice %arg7[%dma_start3A_681, %dma_start3A_682] : memref<5x64xi32, #tpu.memory_space<vmem>> -> memref<1x64xi32, #tpu.memory_space<vmem>>
        %dma_start3A_684 = tpu.memref_squeeze %dma_start3A_683 : memref<1x64xi32, #tpu.memory_space<vmem>> -> memref<64xi32, #tpu.memory_space<vmem>>
        %dma_start3A_685 = arith.constant 0 : i32
        %dma_start3A_686 = tpu.memref_slice %arg3[%add3A_680, %dma_start3A_685] : memref<5120x64xi32, #tpu.memory_space<hbm>> -> memref<1x64xi32, #tpu.memory_space<hbm>>
        %dma_start3A_687 = tpu.memref_squeeze %dma_start3A_686 : memref<1x64xi32, #tpu.memory_space<hbm>> -> memref<64xi32, #tpu.memory_space<hbm>>
        %dma_start3A_688 = arith.constant 0 : i32
        %dma_start3A_689 = tpu.memref_slice %arg7[%dma_start3A_681, %dma_start3A_688] : memref<5x64xi32, #tpu.memory_space<vmem>> -> memref<1x64xi32, #tpu.memory_space<vmem>>
        %dma_start3A_690 = tpu.memref_squeeze %dma_start3A_689 : memref<1x64xi32, #tpu.memory_space<vmem>> -> memref<64xi32, #tpu.memory_space<vmem>>
        %dma_start3A_691 = arith.constant 0 : i32
        %dma_start3A_692 = tpu.memref_slice %arg3[%add3A_680, %dma_start3A_691] : memref<5120x64xi32, #tpu.memory_space<hbm>> -> memref<1x64xi32, #tpu.memory_space<hbm>>
        %dma_start3A_693 = tpu.memref_squeeze %dma_start3A_692 : memref<1x64xi32, #tpu.memory_space<hbm>> -> memref<64xi32, #tpu.memory_space<hbm>>
        tpu.enqueue_dma source(%dma_start3A_693 : memref<64xi32, #tpu.memory_space<hbm>>) target(%dma_start3A_690 : memref<64xi32, #tpu.memory_space<vmem>>) target_semaphore(%arg12 : memref<!tpu.dma_semaphore, #tpu.memory_space<semaphore_mem>>)
        %add3A_694 = arith.addi %mul3A_2, %add3A_679 : i32
        %dma_start3A_695 = arith.constant 2 : i32
        %dma_start3A_696 = arith.constant 0 : i32
        %dma_start3A_697 = tpu.memref_slice %arg8[%dma_start3A_695, %dma_start3A_696] : memref<5x64xi32, #tpu.memory_space<vmem>> -> memref<1x64xi32, #tpu.memory_space<vmem>>
        %dma_start3A_698 = tpu.memref_squeeze %dma_start3A_697 : memref<1x64xi32, #tpu.memory_space<vmem>> -> memref<64xi32, #tpu.memory_space<vmem>>
        %dma_start3A_699 = arith.constant 0 : i32
        %dma_start3A_700 = tpu.memref_slice %arg4[%add3A_694, %dma_start3A_699] : memref<5120x64xi32, #tpu.memory_space<hbm>> -> memref<1x64xi32, #tpu.memory_space<hbm>>
        %dma_start3A_701 = tpu.memref_squeeze %dma_start3A_700 : memref<1x64xi32, #tpu.memory_space<hbm>> -> memref<64xi32, #tpu.memory_space<hbm>>
        %dma_start3A_702 = arith.constant 0 : i32
        %dma_start3A_703 = tpu.memref_slice %arg8[%dma_start3A_695, %dma_start3A_702] : memref<5x64xi32, #tpu.memory_space<vmem>> -> memref<1x64xi32, #tpu.memory_space<vmem>>
        %dma_start3A_704 = tpu.memref_squeeze %dma_start3A_703 : memref<1x64xi32, #tpu.memory_space<vmem>> -> memref<64xi32, #tpu.memory_space<vmem>>
        %dma_start3A_705 = arith.constant 0 : i32
        %dma_start3A_706 = tpu.memref_slice %arg4[%add3A_694, %dma_start3A_705] : memref<5120x64xi32, #tpu.memory_space<hbm>> -> memref<1x64xi32, #tpu.memory_space<hbm>>
        %dma_start3A_707 = tpu.memref_squeeze %dma_start3A_706 : memref<1x64xi32, #tpu.memory_space<hbm>> -> memref<64xi32, #tpu.memory_space<hbm>>
        tpu.enqueue_dma source(%dma_start3A_707 : memref<64xi32, #tpu.memory_space<hbm>>) target(%dma_start3A_704 : memref<64xi32, #tpu.memory_space<vmem>>) target_semaphore(%arg12 : memref<!tpu.dma_semaphore, #tpu.memory_space<semaphore_mem>>)
      } else {
      }
      %dma_wait3A_601 = arith.constant 3 : i32
      %dma_wait3A_602 = arith.constant 3 : i32
      %dma_wait3A_603 = arith.constant 0 : i32
      %dma_wait3A_604 = arith.constant 0 : i32
      %dma_wait3A_605 = tpu.memref_slice %arg9[%dma_wait3A_601, %dma_wait3A_603, %dma_wait3A_604] : memref<5x64x128xf32, #tpu.memory_space<vmem>> -> memref<1x64x128xf32, #tpu.memory_space<vmem>>
      %dma_wait3A_606 = tpu.memref_squeeze %dma_wait3A_605 : memref<1x64x128xf32, #tpu.memory_space<vmem>> -> memref<64x128xf32, #tpu.memory_space<vmem>>
      %dma_wait3A_607 = arith.constant 0 : i32
      %dma_wait3A_608 = tpu.memref_slice %arg8[%dma_wait3A_602, %dma_wait3A_607] : memref<5x64xi32, #tpu.memory_space<vmem>> -> memref<1x64xi32, #tpu.memory_space<vmem>>
      %dma_wait3A_609 = tpu.memref_squeeze %dma_wait3A_608 : memref<1x64xi32, #tpu.memory_space<vmem>> -> memref<64xi32, #tpu.memory_space<vmem>>
      %dma_wait3A_610 = arith.constant 0 : i32
      %dma_wait3A_611 = arith.constant 0 : i32
      %dma_wait3A_612 = tpu.memref_slice %arg6[%dma_wait3A_610, %dma_wait3A_611] : memref<10240x128xf32, #tpu.memory_space<vmem_shared>> -> memref<10240x128xf32, #tpu.memory_space<vmem_shared>>
      tpu.wait_indirect_dma semaphore(%arg23 : memref<!tpu.dma_semaphore, #tpu.memory_space<semaphore_mem>>) src(%dma_wait3A_606 : memref<64x128xf32, #tpu.memory_space<vmem>>) dst(%dma_wait3A_612 : memref<10240x128xf32, #tpu.memory_space<vmem_shared>>)
      %add3A_613 = arith.constant 1 : i32
      %add3A_614 = arith.addi %scan3A_406, %add3A_613 : i32
      %lt3A_615 = arith.constant 32 : i32
      %lt3A_616 = arith.cmpi slt, %add3A_614, %lt3A_615 : i32
      %convert_element_type3A_617 = arith.extui %lt3A_616 : i1 to i32
      %cond3A_618 = arith.constant 0 : i32
      %cond3A_619 = arith.cmpi ne, %convert_element_type3A_617, %cond3A_618 : i32
      scf.if %cond3A_619 {
        %add3A_674 = arith.constant 1 : i32
        %add3A_675 = arith.addi %scan3A_406, %add3A_674 : i32
        %mul3A_676 = arith.constant 5 : i32
        %mul3A_677 = arith.muli %add3A_675, %mul3A_676 : i32
        %add3A_678 = arith.constant 3 : i32
        %add3A_679 = arith.addi %mul3A_677, %add3A_678 : i32
        %add3A_680 = arith.addi %mul3A_2, %add3A_679 : i32
        %dma_start3A_681 = arith.constant 3 : i32
        %dma_start3A_682 = arith.constant 0 : i32
        %dma_start3A_683 = tpu.memref_slice %arg7[%dma_start3A_681, %dma_start3A_682] : memref<5x64xi32, #tpu.memory_space<vmem>> -> memref<1x64xi32, #tpu.memory_space<vmem>>
        %dma_start3A_684 = tpu.memref_squeeze %dma_start3A_683 : memref<1x64xi32, #tpu.memory_space<vmem>> -> memref<64xi32, #tpu.memory_space<vmem>>
        %dma_start3A_685 = arith.constant 0 : i32
        %dma_start3A_686 = tpu.memref_slice %arg3[%add3A_680, %dma_start3A_685] : memref<5120x64xi32, #tpu.memory_space<hbm>> -> memref<1x64xi32, #tpu.memory_space<hbm>>
        %dma_start3A_687 = tpu.memref_squeeze %dma_start3A_686 : memref<1x64xi32, #tpu.memory_space<hbm>> -> memref<64xi32, #tpu.memory_space<hbm>>
        %dma_start3A_688 = arith.constant 0 : i32
        %dma_start3A_689 = tpu.memref_slice %arg7[%dma_start3A_681, %dma_start3A_688] : memref<5x64xi32, #tpu.memory_space<vmem>> -> memref<1x64xi32, #tpu.memory_space<vmem>>
        %dma_start3A_690 = tpu.memref_squeeze %dma_start3A_689 : memref<1x64xi32, #tpu.memory_space<vmem>> -> memref<64xi32, #tpu.memory_space<vmem>>
        %dma_start3A_691 = arith.constant 0 : i32
        %dma_start3A_692 = tpu.memref_slice %arg3[%add3A_680, %dma_start3A_691] : memref<5120x64xi32, #tpu.memory_space<hbm>> -> memref<1x64xi32, #tpu.memory_space<hbm>>
        %dma_start3A_693 = tpu.memref_squeeze %dma_start3A_692 : memref<1x64xi32, #tpu.memory_space<hbm>> -> memref<64xi32, #tpu.memory_space<hbm>>
        tpu.enqueue_dma source(%dma_start3A_693 : memref<64xi32, #tpu.memory_space<hbm>>) target(%dma_start3A_690 : memref<64xi32, #tpu.memory_space<vmem>>) target_semaphore(%arg13 : memref<!tpu.dma_semaphore, #tpu.memory_space<semaphore_mem>>)
        %add3A_694 = arith.addi %mul3A_2, %add3A_679 : i32
        %dma_start3A_695 = arith.constant 3 : i32
        %dma_start3A_696 = arith.constant 0 : i32
        %dma_start3A_697 = tpu.memref_slice %arg8[%dma_start3A_695, %dma_start3A_696] : memref<5x64xi32, #tpu.memory_space<vmem>> -> memref<1x64xi32, #tpu.memory_space<vmem>>
        %dma_start3A_698 = tpu.memref_squeeze %dma_start3A_697 : memref<1x64xi32, #tpu.memory_space<vmem>> -> memref<64xi32, #tpu.memory_space<vmem>>
        %dma_start3A_699 = arith.constant 0 : i32
        %dma_start3A_700 = tpu.memref_slice %arg4[%add3A_694, %dma_start3A_699] : memref<5120x64xi32, #tpu.memory_space<hbm>> -> memref<1x64xi32, #tpu.memory_space<hbm>>
        %dma_start3A_701 = tpu.memref_squeeze %dma_start3A_700 : memref<1x64xi32, #tpu.memory_space<hbm>> -> memref<64xi32, #tpu.memory_space<hbm>>
        %dma_start3A_702 = arith.constant 0 : i32
        %dma_start3A_703 = tpu.memref_slice %arg8[%dma_start3A_695, %dma_start3A_702] : memref<5x64xi32, #tpu.memory_space<vmem>> -> memref<1x64xi32, #tpu.memory_space<vmem>>
        %dma_start3A_704 = tpu.memref_squeeze %dma_start3A_703 : memref<1x64xi32, #tpu.memory_space<vmem>> -> memref<64xi32, #tpu.memory_space<vmem>>
        %dma_start3A_705 = arith.constant 0 : i32
        %dma_start3A_706 = tpu.memref_slice %arg4[%add3A_694, %dma_start3A_705] : memref<5120x64xi32, #tpu.memory_space<hbm>> -> memref<1x64xi32, #tpu.memory_space<hbm>>
        %dma_start3A_707 = tpu.memref_squeeze %dma_start3A_706 : memref<1x64xi32, #tpu.memory_space<hbm>> -> memref<64xi32, #tpu.memory_space<hbm>>
        tpu.enqueue_dma source(%dma_start3A_707 : memref<64xi32, #tpu.memory_space<hbm>>) target(%dma_start3A_704 : memref<64xi32, #tpu.memory_space<vmem>>) target_semaphore(%arg13 : memref<!tpu.dma_semaphore, #tpu.memory_space<semaphore_mem>>)
      } else {
      }
      %dma_wait3A_620 = arith.constant 4 : i32
      %dma_wait3A_621 = arith.constant 4 : i32
      %dma_wait3A_622 = arith.constant 0 : i32
      %dma_wait3A_623 = arith.constant 0 : i32
      %dma_wait3A_624 = tpu.memref_slice %arg9[%dma_wait3A_620, %dma_wait3A_622, %dma_wait3A_623] : memref<5x64x128xf32, #tpu.memory_space<vmem>> -> memref<1x64x128xf32, #tpu.memory_space<vmem>>
      %dma_wait3A_625 = tpu.memref_squeeze %dma_wait3A_624 : memref<1x64x128xf32, #tpu.memory_space<vmem>> -> memref<64x128xf32, #tpu.memory_space<vmem>>
      %dma_wait3A_626 = arith.constant 0 : i32
      %dma_wait3A_627 = tpu.memref_slice %arg8[%dma_wait3A_621, %dma_wait3A_626] : memref<5x64xi32, #tpu.memory_space<vmem>> -> memref<1x64xi32, #tpu.memory_space<vmem>>
      %dma_wait3A_628 = tpu.memref_squeeze %dma_wait3A_627 : memref<1x64xi32, #tpu.memory_space<vmem>> -> memref<64xi32, #tpu.memory_space<vmem>>
      %dma_wait3A_629 = arith.constant 0 : i32
      %dma_wait3A_630 = arith.constant 0 : i32
      %dma_wait3A_631 = tpu.memref_slice %arg6[%dma_wait3A_629, %dma_wait3A_630] : memref<10240x128xf32, #tpu.memory_space<vmem_shared>> -> memref<10240x128xf32, #tpu.memory_space<vmem_shared>>
      tpu.wait_indirect_dma semaphore(%arg24 : memref<!tpu.dma_semaphore, #tpu.memory_space<semaphore_mem>>) src(%dma_wait3A_625 : memref<64x128xf32, #tpu.memory_space<vmem>>) dst(%dma_wait3A_631 : memref<10240x128xf32, #tpu.memory_space<vmem_shared>>)
      %add3A_632 = arith.constant 1 : i32
      %add3A_633 = arith.addi %scan3A_406, %add3A_632 : i32
      %lt3A_634 = arith.constant 32 : i32
      %lt3A_635 = arith.cmpi slt, %add3A_633, %lt3A_634 : i32
      %convert_element_type3A_636 = arith.extui %lt3A_635 : i1 to i32
      %cond3A_637 = arith.constant 0 : i32
      %cond3A_638 = arith.cmpi ne, %convert_element_type3A_636, %cond3A_637 : i32
      scf.if %cond3A_638 {
        %add3A_674 = arith.constant 1 : i32
        %add3A_675 = arith.addi %scan3A_406, %add3A_674 : i32
        %mul3A_676 = arith.constant 5 : i32
        %mul3A_677 = arith.muli %add3A_675, %mul3A_676 : i32
        %add3A_678 = arith.constant 4 : i32
        %add3A_679 = arith.addi %mul3A_677, %add3A_678 : i32
        %add3A_680 = arith.addi %mul3A_2, %add3A_679 : i32
        %dma_start3A_681 = arith.constant 4 : i32
        %dma_start3A_682 = arith.constant 0 : i32
        %dma_start3A_683 = tpu.memref_slice %arg7[%dma_start3A_681, %dma_start3A_682] : memref<5x64xi32, #tpu.memory_space<vmem>> -> memref<1x64xi32, #tpu.memory_space<vmem>>
        %dma_start3A_684 = tpu.memref_squeeze %dma_start3A_683 : memref<1x64xi32, #tpu.memory_space<vmem>> -> memref<64xi32, #tpu.memory_space<vmem>>
        %dma_start3A_685 = arith.constant 0 : i32
        %dma_start3A_686 = tpu.memref_slice %arg3[%add3A_680, %dma_start3A_685] : memref<5120x64xi32, #tpu.memory_space<hbm>> -> memref<1x64xi32, #tpu.memory_space<hbm>>
        %dma_start3A_687 = tpu.memref_squeeze %dma_start3A_686 : memref<1x64xi32, #tpu.memory_space<hbm>> -> memref<64xi32, #tpu.memory_space<hbm>>
        %dma_start3A_688 = arith.constant 0 : i32
        %dma_start3A_689 = tpu.memref_slice %arg7[%dma_start3A_681, %dma_start3A_688] : memref<5x64xi32, #tpu.memory_space<vmem>> -> memref<1x64xi32, #tpu.memory_space<vmem>>
        %dma_start3A_690 = tpu.memref_squeeze %dma_start3A_689 : memref<1x64xi32, #tpu.memory_space<vmem>> -> memref<64xi32, #tpu.memory_space<vmem>>
        %dma_start3A_691 = arith.constant 0 : i32
        %dma_start3A_692 = tpu.memref_slice %arg3[%add3A_680, %dma_start3A_691] : memref<5120x64xi32, #tpu.memory_space<hbm>> -> memref<1x64xi32, #tpu.memory_space<hbm>>
        %dma_start3A_693 = tpu.memref_squeeze %dma_start3A_692 : memref<1x64xi32, #tpu.memory_space<hbm>> -> memref<64xi32, #tpu.memory_space<hbm>>
        tpu.enqueue_dma source(%dma_start3A_693 : memref<64xi32, #tpu.memory_space<hbm>>) target(%dma_start3A_690 : memref<64xi32, #tpu.memory_space<vmem>>) target_semaphore(%arg14 : memref<!tpu.dma_semaphore, #tpu.memory_space<semaphore_mem>>)
        %add3A_694 = arith.addi %mul3A_2, %add3A_679 : i32
        %dma_start3A_695 = arith.constant 4 : i32
        %dma_start3A_696 = arith.constant 0 : i32
        %dma_start3A_697 = tpu.memref_slice %arg8[%dma_start3A_695, %dma_start3A_696] : memref<5x64xi32, #tpu.memory_space<vmem>> -> memref<1x64xi32, #tpu.memory_space<vmem>>
        %dma_start3A_698 = tpu.memref_squeeze %dma_start3A_697 : memref<1x64xi32, #tpu.memory_space<vmem>> -> memref<64xi32, #tpu.memory_space<vmem>>
        %dma_start3A_699 = arith.constant 0 : i32
        %dma_start3A_700 = tpu.memref_slice %arg4[%add3A_694, %dma_start3A_699] : memref<5120x64xi32, #tpu.memory_space<hbm>> -> memref<1x64xi32, #tpu.memory_space<hbm>>
        %dma_start3A_701 = tpu.memref_squeeze %dma_start3A_700 : memref<1x64xi32, #tpu.memory_space<hbm>> -> memref<64xi32, #tpu.memory_space<hbm>>
        %dma_start3A_702 = arith.constant 0 : i32
        %dma_start3A_703 = tpu.memref_slice %arg8[%dma_start3A_695, %dma_start3A_702] : memref<5x64xi32, #tpu.memory_space<vmem>> -> memref<1x64xi32, #tpu.memory_space<vmem>>
        %dma_start3A_704 = tpu.memref_squeeze %dma_start3A_703 : memref<1x64xi32, #tpu.memory_space<vmem>> -> memref<64xi32, #tpu.memory_space<vmem>>
        %dma_start3A_705 = arith.constant 0 : i32
        %dma_start3A_706 = tpu.memref_slice %arg4[%add3A_694, %dma_start3A_705] : memref<5120x64xi32, #tpu.memory_space<hbm>> -> memref<1x64xi32, #tpu.memory_space<hbm>>
        %dma_start3A_707 = tpu.memref_squeeze %dma_start3A_706 : memref<1x64xi32, #tpu.memory_space<hbm>> -> memref<64xi32, #tpu.memory_space<hbm>>
        tpu.enqueue_dma source(%dma_start3A_707 : memref<64xi32, #tpu.memory_space<hbm>>) target(%dma_start3A_704 : memref<64xi32, #tpu.memory_space<vmem>>) target_semaphore(%arg14 : memref<!tpu.dma_semaphore, #tpu.memory_space<semaphore_mem>>)
      } else {
      }
      %add3A_639 = arith.constant 1 : i32
      %add3A_640 = arith.addi %scan3A_406, %add3A_639 : i32
      %lt3A_641 = arith.constant 32 : i32
      %lt3A_642 = arith.cmpi slt, %add3A_640, %lt3A_641 : i32
      %convert_element_type3A_643 = arith.extui %lt3A_642 : i1 to i32
      %cond3A_644 = arith.constant 0 : i32
      %cond3A_645 = arith.cmpi ne, %convert_element_type3A_643, %cond3A_644 : i32
      scf.if %cond3A_645 {
        %add3A_674 = arith.constant 1 : i32
        %add3A_675 = arith.addi %scan3A_406, %add3A_674 : i32
        %mul3A_676 = arith.constant 5 : i32
        %mul3A_677 = arith.muli %add3A_675, %mul3A_676 : i32
        %add3A_678 = arith.constant 0 : i32
        %add3A_679 = arith.addi %mul3A_677, %add3A_678 : i32
        %add3A_680 = arith.addi %mul3A_2, %add3A_679 : i32
        %dma_wait3A_681 = arith.constant 0 : i32
        %dma_wait3A_682 = arith.constant 0 : i32
        %dma_wait3A_683 = tpu.memref_slice %arg7[%dma_wait3A_681, %dma_wait3A_682] : memref<5x64xi32, #tpu.memory_space<vmem>> -> memref<1x64xi32, #tpu.memory_space<vmem>>
        %dma_wait3A_684 = tpu.memref_squeeze %dma_wait3A_683 : memref<1x64xi32, #tpu.memory_space<vmem>> -> memref<64xi32, #tpu.memory_space<vmem>>
        %dma_wait3A_685 = arith.constant 0 : i32
        %dma_wait3A_686 = tpu.memref_slice %arg3[%add3A_680, %dma_wait3A_685] : memref<5120x64xi32, #tpu.memory_space<hbm>> -> memref<1x64xi32, #tpu.memory_space<hbm>>
        %dma_wait3A_687 = tpu.memref_squeeze %dma_wait3A_686 : memref<1x64xi32, #tpu.memory_space<hbm>> -> memref<64xi32, #tpu.memory_space<hbm>>
        %dma_wait3A_688 = arith.constant 0 : i32
        %dma_wait3A_689 = tpu.memref_slice %arg7[%dma_wait3A_681, %dma_wait3A_688] : memref<5x64xi32, #tpu.memory_space<vmem>> -> memref<1x64xi32, #tpu.memory_space<vmem>>
        %dma_wait3A_690 = tpu.memref_squeeze %dma_wait3A_689 : memref<1x64xi32, #tpu.memory_space<vmem>> -> memref<64xi32, #tpu.memory_space<vmem>>
        %dma_wait3A_691 = arith.constant 0 : i32
        %dma_wait3A_692 = tpu.memref_slice %arg3[%add3A_680, %dma_wait3A_691] : memref<5120x64xi32, #tpu.memory_space<hbm>> -> memref<1x64xi32, #tpu.memory_space<hbm>>
        %dma_wait3A_693 = tpu.memref_squeeze %dma_wait3A_692 : memref<1x64xi32, #tpu.memory_space<hbm>> -> memref<64xi32, #tpu.memory_space<hbm>>
        tpu.wait_dma2 semaphore(%arg10 : memref<!tpu.dma_semaphore, #tpu.memory_space<semaphore_mem>>) src(%dma_wait3A_693 : memref<64xi32, #tpu.memory_space<hbm>>) dst(%dma_wait3A_690 : memref<64xi32, #tpu.memory_space<vmem>>)
        %add3A_694 = arith.addi %mul3A_2, %add3A_679 : i32
        %dma_wait3A_695 = arith.constant 0 : i32
        %dma_wait3A_696 = arith.constant 0 : i32
        %dma_wait3A_697 = tpu.memref_slice %arg8[%dma_wait3A_695, %dma_wait3A_696] : memref<5x64xi32, #tpu.memory_space<vmem>> -> memref<1x64xi32, #tpu.memory_space<vmem>>
        %dma_wait3A_698 = tpu.memref_squeeze %dma_wait3A_697 : memref<1x64xi32, #tpu.memory_space<vmem>> -> memref<64xi32, #tpu.memory_space<vmem>>
        %dma_wait3A_699 = arith.constant 0 : i32
        %dma_wait3A_700 = tpu.memref_slice %arg4[%add3A_694, %dma_wait3A_699] : memref<5120x64xi32, #tpu.memory_space<hbm>> -> memref<1x64xi32, #tpu.memory_space<hbm>>
        %dma_wait3A_701 = tpu.memref_squeeze %dma_wait3A_700 : memref<1x64xi32, #tpu.memory_space<hbm>> -> memref<64xi32, #tpu.memory_space<hbm>>
        %dma_wait3A_702 = arith.constant 0 : i32
        %dma_wait3A_703 = tpu.memref_slice %arg8[%dma_wait3A_695, %dma_wait3A_702] : memref<5x64xi32, #tpu.memory_space<vmem>> -> memref<1x64xi32, #tpu.memory_space<vmem>>
        %dma_wait3A_704 = tpu.memref_squeeze %dma_wait3A_703 : memref<1x64xi32, #tpu.memory_space<vmem>> -> memref<64xi32, #tpu.memory_space<vmem>>
        %dma_wait3A_705 = arith.constant 0 : i32
        %dma_wait3A_706 = tpu.memref_slice %arg4[%add3A_694, %dma_wait3A_705] : memref<5120x64xi32, #tpu.memory_space<hbm>> -> memref<1x64xi32, #tpu.memory_space<hbm>>
        %dma_wait3A_707 = tpu.memref_squeeze %dma_wait3A_706 : memref<1x64xi32, #tpu.memory_space<hbm>> -> memref<64xi32, #tpu.memory_space<hbm>>
        tpu.wait_dma2 semaphore(%arg10 : memref<!tpu.dma_semaphore, #tpu.memory_space<semaphore_mem>>) src(%dma_wait3A_707 : memref<64xi32, #tpu.memory_space<hbm>>) dst(%dma_wait3A_704 : memref<64xi32, #tpu.memory_space<vmem>>)
        %dma_start3A_708 = arith.constant 0 : i32
        %dma_start3A_709 = arith.constant 0 : i32
        %dma_start3A_710 = arith.constant 0 : i32
        %dma_start3A_711 = arith.constant 0 : i32
        %dma_start3A_712 = tpu.memref_slice %arg9[%dma_start3A_709, %dma_start3A_710, %dma_start3A_711] : memref<5x64x128xf32, #tpu.memory_space<vmem>> -> memref<1x64x128xf32, #tpu.memory_space<vmem>>
        %dma_start3A_713 = tpu.memref_squeeze %dma_start3A_712 : memref<1x64x128xf32, #tpu.memory_space<vmem>> -> memref<64x128xf32, #tpu.memory_space<vmem>>
        %dma_start3A_714 = arith.constant 0 : i32
        %dma_start3A_715 = tpu.memref_slice %arg7[%dma_start3A_708, %dma_start3A_714] : memref<5x64xi32, #tpu.memory_space<vmem>> -> memref<1x64xi32, #tpu.memory_space<vmem>>
        %dma_start3A_716 = tpu.memref_squeeze %dma_start3A_715 : memref<1x64xi32, #tpu.memory_space<vmem>> -> memref<64xi32, #tpu.memory_space<vmem>>
        %dma_start3A_717 = arith.constant 0 : i32
        %dma_start3A_718 = arith.constant 0 : i32
        %dma_start3A_719 = tpu.memref_slice %arg2[%dma_start3A_717, %dma_start3A_718] : memref<10000x128xf32, #tpu.memory_space<hbm>> -> memref<10000x128xf32, #tpu.memory_space<hbm>>
        tpu.enqueue_indirect_dma source(%dma_start3A_719 : memref<10000x128xf32, #tpu.memory_space<hbm>>) target(%dma_start3A_713 : memref<64x128xf32, #tpu.memory_space<vmem>>) offsets(%dma_start3A_716 : memref<64xi32, #tpu.memory_space<vmem>>) semaphore(%arg15 : memref<!tpu.dma_semaphore, #tpu.memory_space<semaphore_mem>>)
      } else {
      }
      %add3A_646 = arith.constant 1 : i32
      %add3A_647 = arith.addi %scan3A_406, %add3A_646 : i32
      %lt3A_648 = arith.constant 32 : i32
      %lt3A_649 = arith.cmpi slt, %add3A_647, %lt3A_648 : i32
      %convert_element_type3A_650 = arith.extui %lt3A_649 : i1 to i32
      %cond3A_651 = arith.constant 0 : i32
      %cond3A_652 = arith.cmpi ne, %convert_element_type3A_650, %cond3A_651 : i32
      scf.if %cond3A_652 {
        %add3A_674 = arith.constant 1 : i32
        %add3A_675 = arith.addi %scan3A_406, %add3A_674 : i32
        %mul3A_676 = arith.constant 5 : i32
        %mul3A_677 = arith.muli %add3A_675, %mul3A_676 : i32
        %add3A_678 = arith.constant 1 : i32
        %add3A_679 = arith.addi %mul3A_677, %add3A_678 : i32
        %add3A_680 = arith.addi %mul3A_2, %add3A_679 : i32
        %dma_wait3A_681 = arith.constant 1 : i32
        %dma_wait3A_682 = arith.constant 0 : i32
        %dma_wait3A_683 = tpu.memref_slice %arg7[%dma_wait3A_681, %dma_wait3A_682] : memref<5x64xi32, #tpu.memory_space<vmem>> -> memref<1x64xi32, #tpu.memory_space<vmem>>
        %dma_wait3A_684 = tpu.memref_squeeze %dma_wait3A_683 : memref<1x64xi32, #tpu.memory_space<vmem>> -> memref<64xi32, #tpu.memory_space<vmem>>
        %dma_wait3A_685 = arith.constant 0 : i32
        %dma_wait3A_686 = tpu.memref_slice %arg3[%add3A_680, %dma_wait3A_685] : memref<5120x64xi32, #tpu.memory_space<hbm>> -> memref<1x64xi32, #tpu.memory_space<hbm>>
        %dma_wait3A_687 = tpu.memref_squeeze %dma_wait3A_686 : memref<1x64xi32, #tpu.memory_space<hbm>> -> memref<64xi32, #tpu.memory_space<hbm>>
        %dma_wait3A_688 = arith.constant 0 : i32
        %dma_wait3A_689 = tpu.memref_slice %arg7[%dma_wait3A_681, %dma_wait3A_688] : memref<5x64xi32, #tpu.memory_space<vmem>> -> memref<1x64xi32, #tpu.memory_space<vmem>>
        %dma_wait3A_690 = tpu.memref_squeeze %dma_wait3A_689 : memref<1x64xi32, #tpu.memory_space<vmem>> -> memref<64xi32, #tpu.memory_space<vmem>>
        %dma_wait3A_691 = arith.constant 0 : i32
        %dma_wait3A_692 = tpu.memref_slice %arg3[%add3A_680, %dma_wait3A_691] : memref<5120x64xi32, #tpu.memory_space<hbm>> -> memref<1x64xi32, #tpu.memory_space<hbm>>
        %dma_wait3A_693 = tpu.memref_squeeze %dma_wait3A_692 : memref<1x64xi32, #tpu.memory_space<hbm>> -> memref<64xi32, #tpu.memory_space<hbm>>
        tpu.wait_dma2 semaphore(%arg11 : memref<!tpu.dma_semaphore, #tpu.memory_space<semaphore_mem>>) src(%dma_wait3A_693 : memref<64xi32, #tpu.memory_space<hbm>>) dst(%dma_wait3A_690 : memref<64xi32, #tpu.memory_space<vmem>>)
        %add3A_694 = arith.addi %mul3A_2, %add3A_679 : i32
        %dma_wait3A_695 = arith.constant 1 : i32
        %dma_wait3A_696 = arith.constant 0 : i32
        %dma_wait3A_697 = tpu.memref_slice %arg8[%dma_wait3A_695, %dma_wait3A_696] : memref<5x64xi32, #tpu.memory_space<vmem>> -> memref<1x64xi32, #tpu.memory_space<vmem>>
        %dma_wait3A_698 = tpu.memref_squeeze %dma_wait3A_697 : memref<1x64xi32, #tpu.memory_space<vmem>> -> memref<64xi32, #tpu.memory_space<vmem>>
        %dma_wait3A_699 = arith.constant 0 : i32
        %dma_wait3A_700 = tpu.memref_slice %arg4[%add3A_694, %dma_wait3A_699] : memref<5120x64xi32, #tpu.memory_space<hbm>> -> memref<1x64xi32, #tpu.memory_space<hbm>>
        %dma_wait3A_701 = tpu.memref_squeeze %dma_wait3A_700 : memref<1x64xi32, #tpu.memory_space<hbm>> -> memref<64xi32, #tpu.memory_space<hbm>>
        %dma_wait3A_702 = arith.constant 0 : i32
        %dma_wait3A_703 = tpu.memref_slice %arg8[%dma_wait3A_695, %dma_wait3A_702] : memref<5x64xi32, #tpu.memory_space<vmem>> -> memref<1x64xi32, #tpu.memory_space<vmem>>
        %dma_wait3A_704 = tpu.memref_squeeze %dma_wait3A_703 : memref<1x64xi32, #tpu.memory_space<vmem>> -> memref<64xi32, #tpu.memory_space<vmem>>
        %dma_wait3A_705 = arith.constant 0 : i32
        %dma_wait3A_706 = tpu.memref_slice %arg4[%add3A_694, %dma_wait3A_705] : memref<5120x64xi32, #tpu.memory_space<hbm>> -> memref<1x64xi32, #tpu.memory_space<hbm>>
        %dma_wait3A_707 = tpu.memref_squeeze %dma_wait3A_706 : memref<1x64xi32, #tpu.memory_space<hbm>> -> memref<64xi32, #tpu.memory_space<hbm>>
        tpu.wait_dma2 semaphore(%arg11 : memref<!tpu.dma_semaphore, #tpu.memory_space<semaphore_mem>>) src(%dma_wait3A_707 : memref<64xi32, #tpu.memory_space<hbm>>) dst(%dma_wait3A_704 : memref<64xi32, #tpu.memory_space<vmem>>)
        %dma_start3A_708 = arith.constant 1 : i32
        %dma_start3A_709 = arith.constant 1 : i32
        %dma_start3A_710 = arith.constant 0 : i32
        %dma_start3A_711 = arith.constant 0 : i32
        %dma_start3A_712 = tpu.memref_slice %arg9[%dma_start3A_709, %dma_start3A_710, %dma_start3A_711] : memref<5x64x128xf32, #tpu.memory_space<vmem>> -> memref<1x64x128xf32, #tpu.memory_space<vmem>>
        %dma_start3A_713 = tpu.memref_squeeze %dma_start3A_712 : memref<1x64x128xf32, #tpu.memory_space<vmem>> -> memref<64x128xf32, #tpu.memory_space<vmem>>
        %dma_start3A_714 = arith.constant 0 : i32
        %dma_start3A_715 = tpu.memref_slice %arg7[%dma_start3A_708, %dma_start3A_714] : memref<5x64xi32, #tpu.memory_space<vmem>> -> memref<1x64xi32, #tpu.memory_space<vmem>>
        %dma_start3A_716 = tpu.memref_squeeze %dma_start3A_715 : memref<1x64xi32, #tpu.memory_space<vmem>> -> memref<64xi32, #tpu.memory_space<vmem>>
        %dma_start3A_717 = arith.constant 0 : i32
        %dma_start3A_718 = arith.constant 0 : i32
        %dma_start3A_719 = tpu.memref_slice %arg2[%dma_start3A_717, %dma_start3A_718] : memref<10000x128xf32, #tpu.memory_space<hbm>> -> memref<10000x128xf32, #tpu.memory_space<hbm>>
        tpu.enqueue_indirect_dma source(%dma_start3A_719 : memref<10000x128xf32, #tpu.memory_space<hbm>>) target(%dma_start3A_713 : memref<64x128xf32, #tpu.memory_space<vmem>>) offsets(%dma_start3A_716 : memref<64xi32, #tpu.memory_space<vmem>>) semaphore(%arg16 : memref<!tpu.dma_semaphore, #tpu.memory_space<semaphore_mem>>)
      } else {
      }
      %add3A_653 = arith.constant 1 : i32
      %add3A_654 = arith.addi %scan3A_406, %add3A_653 : i32
      %lt3A_655 = arith.constant 32 : i32
      %lt3A_656 = arith.cmpi slt, %add3A_654, %lt3A_655 : i32
      %convert_element_type3A_657 = arith.extui %lt3A_656 : i1 to i32
      %cond3A_658 = arith.constant 0 : i32
      %cond3A_659 = arith.cmpi ne, %convert_element_type3A_657, %cond3A_658 : i32
      scf.if %cond3A_659 {
        %add3A_674 = arith.constant 1 : i32
        %add3A_675 = arith.addi %scan3A_406, %add3A_674 : i32
        %mul3A_676 = arith.constant 5 : i32
        %mul3A_677 = arith.muli %add3A_675, %mul3A_676 : i32
        %add3A_678 = arith.constant 2 : i32
        %add3A_679 = arith.addi %mul3A_677, %add3A_678 : i32
        %add3A_680 = arith.addi %mul3A_2, %add3A_679 : i32
        %dma_wait3A_681 = arith.constant 2 : i32
        %dma_wait3A_682 = arith.constant 0 : i32
        %dma_wait3A_683 = tpu.memref_slice %arg7[%dma_wait3A_681, %dma_wait3A_682] : memref<5x64xi32, #tpu.memory_space<vmem>> -> memref<1x64xi32, #tpu.memory_space<vmem>>
        %dma_wait3A_684 = tpu.memref_squeeze %dma_wait3A_683 : memref<1x64xi32, #tpu.memory_space<vmem>> -> memref<64xi32, #tpu.memory_space<vmem>>
        %dma_wait3A_685 = arith.constant 0 : i32
        %dma_wait3A_686 = tpu.memref_slice %arg3[%add3A_680, %dma_wait3A_685] : memref<5120x64xi32, #tpu.memory_space<hbm>> -> memref<1x64xi32, #tpu.memory_space<hbm>>
        %dma_wait3A_687 = tpu.memref_squeeze %dma_wait3A_686 : memref<1x64xi32, #tpu.memory_space<hbm>> -> memref<64xi32, #tpu.memory_space<hbm>>
        %dma_wait3A_688 = arith.constant 0 : i32
        %dma_wait3A_689 = tpu.memref_slice %arg7[%dma_wait3A_681, %dma_wait3A_688] : memref<5x64xi32, #tpu.memory_space<vmem>> -> memref<1x64xi32, #tpu.memory_space<vmem>>
        %dma_wait3A_690 = tpu.memref_squeeze %dma_wait3A_689 : memref<1x64xi32, #tpu.memory_space<vmem>> -> memref<64xi32, #tpu.memory_space<vmem>>
        %dma_wait3A_691 = arith.constant 0 : i32
        %dma_wait3A_692 = tpu.memref_slice %arg3[%add3A_680, %dma_wait3A_691] : memref<5120x64xi32, #tpu.memory_space<hbm>> -> memref<1x64xi32, #tpu.memory_space<hbm>>
        %dma_wait3A_693 = tpu.memref_squeeze %dma_wait3A_692 : memref<1x64xi32, #tpu.memory_space<hbm>> -> memref<64xi32, #tpu.memory_space<hbm>>
        tpu.wait_dma2 semaphore(%arg12 : memref<!tpu.dma_semaphore, #tpu.memory_space<semaphore_mem>>) src(%dma_wait3A_693 : memref<64xi32, #tpu.memory_space<hbm>>) dst(%dma_wait3A_690 : memref<64xi32, #tpu.memory_space<vmem>>)
        %add3A_694 = arith.addi %mul3A_2, %add3A_679 : i32
        %dma_wait3A_695 = arith.constant 2 : i32
        %dma_wait3A_696 = arith.constant 0 : i32
        %dma_wait3A_697 = tpu.memref_slice %arg8[%dma_wait3A_695, %dma_wait3A_696] : memref<5x64xi32, #tpu.memory_space<vmem>> -> memref<1x64xi32, #tpu.memory_space<vmem>>
        %dma_wait3A_698 = tpu.memref_squeeze %dma_wait3A_697 : memref<1x64xi32, #tpu.memory_space<vmem>> -> memref<64xi32, #tpu.memory_space<vmem>>
        %dma_wait3A_699 = arith.constant 0 : i32
        %dma_wait3A_700 = tpu.memref_slice %arg4[%add3A_694, %dma_wait3A_699] : memref<5120x64xi32, #tpu.memory_space<hbm>> -> memref<1x64xi32, #tpu.memory_space<hbm>>
        %dma_wait3A_701 = tpu.memref_squeeze %dma_wait3A_700 : memref<1x64xi32, #tpu.memory_space<hbm>> -> memref<64xi32, #tpu.memory_space<hbm>>
        %dma_wait3A_702 = arith.constant 0 : i32
        %dma_wait3A_703 = tpu.memref_slice %arg8[%dma_wait3A_695, %dma_wait3A_702] : memref<5x64xi32, #tpu.memory_space<vmem>> -> memref<1x64xi32, #tpu.memory_space<vmem>>
        %dma_wait3A_704 = tpu.memref_squeeze %dma_wait3A_703 : memref<1x64xi32, #tpu.memory_space<vmem>> -> memref<64xi32, #tpu.memory_space<vmem>>
        %dma_wait3A_705 = arith.constant 0 : i32
        %dma_wait3A_706 = tpu.memref_slice %arg4[%add3A_694, %dma_wait3A_705] : memref<5120x64xi32, #tpu.memory_space<hbm>> -> memref<1x64xi32, #tpu.memory_space<hbm>>
        %dma_wait3A_707 = tpu.memref_squeeze %dma_wait3A_706 : memref<1x64xi32, #tpu.memory_space<hbm>> -> memref<64xi32, #tpu.memory_space<hbm>>
        tpu.wait_dma2 semaphore(%arg12 : memref<!tpu.dma_semaphore, #tpu.memory_space<semaphore_mem>>) src(%dma_wait3A_707 : memref<64xi32, #tpu.memory_space<hbm>>) dst(%dma_wait3A_704 : memref<64xi32, #tpu.memory_space<vmem>>)
        %dma_start3A_708 = arith.constant 2 : i32
        %dma_start3A_709 = arith.constant 2 : i32
        %dma_start3A_710 = arith.constant 0 : i32
        %dma_start3A_711 = arith.constant 0 : i32
        %dma_start3A_712 = tpu.memref_slice %arg9[%dma_start3A_709, %dma_start3A_710, %dma_start3A_711] : memref<5x64x128xf32, #tpu.memory_space<vmem>> -> memref<1x64x128xf32, #tpu.memory_space<vmem>>
        %dma_start3A_713 = tpu.memref_squeeze %dma_start3A_712 : memref<1x64x128xf32, #tpu.memory_space<vmem>> -> memref<64x128xf32, #tpu.memory_space<vmem>>
        %dma_start3A_714 = arith.constant 0 : i32
        %dma_start3A_715 = tpu.memref_slice %arg7[%dma_start3A_708, %dma_start3A_714] : memref<5x64xi32, #tpu.memory_space<vmem>> -> memref<1x64xi32, #tpu.memory_space<vmem>>
        %dma_start3A_716 = tpu.memref_squeeze %dma_start3A_715 : memref<1x64xi32, #tpu.memory_space<vmem>> -> memref<64xi32, #tpu.memory_space<vmem>>
        %dma_start3A_717 = arith.constant 0 : i32
        %dma_start3A_718 = arith.constant 0 : i32
        %dma_start3A_719 = tpu.memref_slice %arg2[%dma_start3A_717, %dma_start3A_718] : memref<10000x128xf32, #tpu.memory_space<hbm>> -> memref<10000x128xf32, #tpu.memory_space<hbm>>
        tpu.enqueue_indirect_dma source(%dma_start3A_719 : memref<10000x128xf32, #tpu.memory_space<hbm>>) target(%dma_start3A_713 : memref<64x128xf32, #tpu.memory_space<vmem>>) offsets(%dma_start3A_716 : memref<64xi32, #tpu.memory_space<vmem>>) semaphore(%arg17 : memref<!tpu.dma_semaphore, #tpu.memory_space<semaphore_mem>>)
      } else {
      }
      %add3A_660 = arith.constant 1 : i32
      %add3A_661 = arith.addi %scan3A_406, %add3A_660 : i32
      %lt3A_662 = arith.constant 32 : i32
      %lt3A_663 = arith.cmpi slt, %add3A_661, %lt3A_662 : i32
      %convert_element_type3A_664 = arith.extui %lt3A_663 : i1 to i32
      %cond3A_665 = arith.constant 0 : i32
      %cond3A_666 = arith.cmpi ne, %convert_element_type3A_664, %cond3A_665 : i32
      scf.if %cond3A_666 {
        %add3A_674 = arith.constant 1 : i32
        %add3A_675 = arith.addi %scan3A_406, %add3A_674 : i32
        %mul3A_676 = arith.constant 5 : i32
        %mul3A_677 = arith.muli %add3A_675, %mul3A_676 : i32
        %add3A_678 = arith.constant 3 : i32
        %add3A_679 = arith.addi %mul3A_677, %add3A_678 : i32
        %add3A_680 = arith.addi %mul3A_2, %add3A_679 : i32
        %dma_wait3A_681 = arith.constant 3 : i32
        %dma_wait3A_682 = arith.constant 0 : i32
        %dma_wait3A_683 = tpu.memref_slice %arg7[%dma_wait3A_681, %dma_wait3A_682] : memref<5x64xi32, #tpu.memory_space<vmem>> -> memref<1x64xi32, #tpu.memory_space<vmem>>
        %dma_wait3A_684 = tpu.memref_squeeze %dma_wait3A_683 : memref<1x64xi32, #tpu.memory_space<vmem>> -> memref<64xi32, #tpu.memory_space<vmem>>
        %dma_wait3A_685 = arith.constant 0 : i32
        %dma_wait3A_686 = tpu.memref_slice %arg3[%add3A_680, %dma_wait3A_685] : memref<5120x64xi32, #tpu.memory_space<hbm>> -> memref<1x64xi32, #tpu.memory_space<hbm>>
        %dma_wait3A_687 = tpu.memref_squeeze %dma_wait3A_686 : memref<1x64xi32, #tpu.memory_space<hbm>> -> memref<64xi32, #tpu.memory_space<hbm>>
        %dma_wait3A_688 = arith.constant 0 : i32
        %dma_wait3A_689 = tpu.memref_slice %arg7[%dma_wait3A_681, %dma_wait3A_688] : memref<5x64xi32, #tpu.memory_space<vmem>> -> memref<1x64xi32, #tpu.memory_space<vmem>>
        %dma_wait3A_690 = tpu.memref_squeeze %dma_wait3A_689 : memref<1x64xi32, #tpu.memory_space<vmem>> -> memref<64xi32, #tpu.memory_space<vmem>>
        %dma_wait3A_691 = arith.constant 0 : i32
        %dma_wait3A_692 = tpu.memref_slice %arg3[%add3A_680, %dma_wait3A_691] : memref<5120x64xi32, #tpu.memory_space<hbm>> -> memref<1x64xi32, #tpu.memory_space<hbm>>
        %dma_wait3A_693 = tpu.memref_squeeze %dma_wait3A_692 : memref<1x64xi32, #tpu.memory_space<hbm>> -> memref<64xi32, #tpu.memory_space<hbm>>
        tpu.wait_dma2 semaphore(%arg13 : memref<!tpu.dma_semaphore, #tpu.memory_space<semaphore_mem>>) src(%dma_wait3A_693 : memref<64xi32, #tpu.memory_space<hbm>>) dst(%dma_wait3A_690 : memref<64xi32, #tpu.memory_space<vmem>>)
        %add3A_694 = arith.addi %mul3A_2, %add3A_679 : i32
        %dma_wait3A_695 = arith.constant 3 : i32
        %dma_wait3A_696 = arith.constant 0 : i32
        %dma_wait3A_697 = tpu.memref_slice %arg8[%dma_wait3A_695, %dma_wait3A_696] : memref<5x64xi32, #tpu.memory_space<vmem>> -> memref<1x64xi32, #tpu.memory_space<vmem>>
        %dma_wait3A_698 = tpu.memref_squeeze %dma_wait3A_697 : memref<1x64xi32, #tpu.memory_space<vmem>> -> memref<64xi32, #tpu.memory_space<vmem>>
        %dma_wait3A_699 = arith.constant 0 : i32
        %dma_wait3A_700 = tpu.memref_slice %arg4[%add3A_694, %dma_wait3A_699] : memref<5120x64xi32, #tpu.memory_space<hbm>> -> memref<1x64xi32, #tpu.memory_space<hbm>>
        %dma_wait3A_701 = tpu.memref_squeeze %dma_wait3A_700 : memref<1x64xi32, #tpu.memory_space<hbm>> -> memref<64xi32, #tpu.memory_space<hbm>>
        %dma_wait3A_702 = arith.constant 0 : i32
        %dma_wait3A_703 = tpu.memref_slice %arg8[%dma_wait3A_695, %dma_wait3A_702] : memref<5x64xi32, #tpu.memory_space<vmem>> -> memref<1x64xi32, #tpu.memory_space<vmem>>
        %dma_wait3A_704 = tpu.memref_squeeze %dma_wait3A_703 : memref<1x64xi32, #tpu.memory_space<vmem>> -> memref<64xi32, #tpu.memory_space<vmem>>
        %dma_wait3A_705 = arith.constant 0 : i32
        %dma_wait3A_706 = tpu.memref_slice %arg4[%add3A_694, %dma_wait3A_705] : memref<5120x64xi32, #tpu.memory_space<hbm>> -> memref<1x64xi32, #tpu.memory_space<hbm>>
        %dma_wait3A_707 = tpu.memref_squeeze %dma_wait3A_706 : memref<1x64xi32, #tpu.memory_space<hbm>> -> memref<64xi32, #tpu.memory_space<hbm>>
        tpu.wait_dma2 semaphore(%arg13 : memref<!tpu.dma_semaphore, #tpu.memory_space<semaphore_mem>>) src(%dma_wait3A_707 : memref<64xi32, #tpu.memory_space<hbm>>) dst(%dma_wait3A_704 : memref<64xi32, #tpu.memory_space<vmem>>)
        %dma_start3A_708 = arith.constant 3 : i32
        %dma_start3A_709 = arith.constant 3 : i32
        %dma_start3A_710 = arith.constant 0 : i32
        %dma_start3A_711 = arith.constant 0 : i32
        %dma_start3A_712 = tpu.memref_slice %arg9[%dma_start3A_709, %dma_start3A_710, %dma_start3A_711] : memref<5x64x128xf32, #tpu.memory_space<vmem>> -> memref<1x64x128xf32, #tpu.memory_space<vmem>>
        %dma_start3A_713 = tpu.memref_squeeze %dma_start3A_712 : memref<1x64x128xf32, #tpu.memory_space<vmem>> -> memref<64x128xf32, #tpu.memory_space<vmem>>
        %dma_start3A_714 = arith.constant 0 : i32
        %dma_start3A_715 = tpu.memref_slice %arg7[%dma_start3A_708, %dma_start3A_714] : memref<5x64xi32, #tpu.memory_space<vmem>> -> memref<1x64xi32, #tpu.memory_space<vmem>>
        %dma_start3A_716 = tpu.memref_squeeze %dma_start3A_715 : memref<1x64xi32, #tpu.memory_space<vmem>> -> memref<64xi32, #tpu.memory_space<vmem>>
        %dma_start3A_717 = arith.constant 0 : i32
        %dma_start3A_718 = arith.constant 0 : i32
        %dma_start3A_719 = tpu.memref_slice %arg2[%dma_start3A_717, %dma_start3A_718] : memref<10000x128xf32, #tpu.memory_space<hbm>> -> memref<10000x128xf32, #tpu.memory_space<hbm>>
        tpu.enqueue_indirect_dma source(%dma_start3A_719 : memref<10000x128xf32, #tpu.memory_space<hbm>>) target(%dma_start3A_713 : memref<64x128xf32, #tpu.memory_space<vmem>>) offsets(%dma_start3A_716 : memref<64xi32, #tpu.memory_space<vmem>>) semaphore(%arg18 : memref<!tpu.dma_semaphore, #tpu.memory_space<semaphore_mem>>)
      } else {
      }
      %add3A_667 = arith.constant 1 : i32
      %add3A_668 = arith.addi %scan3A_406, %add3A_667 : i32
      %lt3A_669 = arith.constant 32 : i32
      %lt3A_670 = arith.cmpi slt, %add3A_668, %lt3A_669 : i32
      %convert_element_type3A_671 = arith.extui %lt3A_670 : i1 to i32
      %cond3A_672 = arith.constant 0 : i32
      %cond3A_673 = arith.cmpi ne, %convert_element_type3A_671, %cond3A_672 : i32
      scf.if %cond3A_673 {
        %add3A_674 = arith.constant 1 : i32
        %add3A_675 = arith.addi %scan3A_406, %add3A_674 : i32
        %mul3A_676 = arith.constant 5 : i32
        %mul3A_677 = arith.muli %add3A_675, %mul3A_676 : i32
        %add3A_678 = arith.constant 4 : i32
        %add3A_679 = arith.addi %mul3A_677, %add3A_678 : i32
        %add3A_680 = arith.addi %mul3A_2, %add3A_679 : i32
        %dma_wait3A_681 = arith.constant 4 : i32
        %dma_wait3A_682 = arith.constant 0 : i32
        %dma_wait3A_683 = tpu.memref_slice %arg7[%dma_wait3A_681, %dma_wait3A_682] : memref<5x64xi32, #tpu.memory_space<vmem>> -> memref<1x64xi32, #tpu.memory_space<vmem>>
        %dma_wait3A_684 = tpu.memref_squeeze %dma_wait3A_683 : memref<1x64xi32, #tpu.memory_space<vmem>> -> memref<64xi32, #tpu.memory_space<vmem>>
        %dma_wait3A_685 = arith.constant 0 : i32
        %dma_wait3A_686 = tpu.memref_slice %arg3[%add3A_680, %dma_wait3A_685] : memref<5120x64xi32, #tpu.memory_space<hbm>> -> memref<1x64xi32, #tpu.memory_space<hbm>>
        %dma_wait3A_687 = tpu.memref_squeeze %dma_wait3A_686 : memref<1x64xi32, #tpu.memory_space<hbm>> -> memref<64xi32, #tpu.memory_space<hbm>>
        %dma_wait3A_688 = arith.constant 0 : i32
        %dma_wait3A_689 = tpu.memref_slice %arg7[%dma_wait3A_681, %dma_wait3A_688] : memref<5x64xi32, #tpu.memory_space<vmem>> -> memref<1x64xi32, #tpu.memory_space<vmem>>
        %dma_wait3A_690 = tpu.memref_squeeze %dma_wait3A_689 : memref<1x64xi32, #tpu.memory_space<vmem>> -> memref<64xi32, #tpu.memory_space<vmem>>
        %dma_wait3A_691 = arith.constant 0 : i32
        %dma_wait3A_692 = tpu.memref_slice %arg3[%add3A_680, %dma_wait3A_691] : memref<5120x64xi32, #tpu.memory_space<hbm>> -> memref<1x64xi32, #tpu.memory_space<hbm>>
        %dma_wait3A_693 = tpu.memref_squeeze %dma_wait3A_692 : memref<1x64xi32, #tpu.memory_space<hbm>> -> memref<64xi32, #tpu.memory_space<hbm>>
        tpu.wait_dma2 semaphore(%arg14 : memref<!tpu.dma_semaphore, #tpu.memory_space<semaphore_mem>>) src(%dma_wait3A_693 : memref<64xi32, #tpu.memory_space<hbm>>) dst(%dma_wait3A_690 : memref<64xi32, #tpu.memory_space<vmem>>)
        %add3A_694 = arith.addi %mul3A_2, %add3A_679 : i32
        %dma_wait3A_695 = arith.constant 4 : i32
        %dma_wait3A_696 = arith.constant 0 : i32
        %dma_wait3A_697 = tpu.memref_slice %arg8[%dma_wait3A_695, %dma_wait3A_696] : memref<5x64xi32, #tpu.memory_space<vmem>> -> memref<1x64xi32, #tpu.memory_space<vmem>>
        %dma_wait3A_698 = tpu.memref_squeeze %dma_wait3A_697 : memref<1x64xi32, #tpu.memory_space<vmem>> -> memref<64xi32, #tpu.memory_space<vmem>>
        %dma_wait3A_699 = arith.constant 0 : i32
        %dma_wait3A_700 = tpu.memref_slice %arg4[%add3A_694, %dma_wait3A_699] : memref<5120x64xi32, #tpu.memory_space<hbm>> -> memref<1x64xi32, #tpu.memory_space<hbm>>
        %dma_wait3A_701 = tpu.memref_squeeze %dma_wait3A_700 : memref<1x64xi32, #tpu.memory_space<hbm>> -> memref<64xi32, #tpu.memory_space<hbm>>
        %dma_wait3A_702 = arith.constant 0 : i32
        %dma_wait3A_703 = tpu.memref_slice %arg8[%dma_wait3A_695, %dma_wait3A_702] : memref<5x64xi32, #tpu.memory_space<vmem>> -> memref<1x64xi32, #tpu.memory_space<vmem>>
        %dma_wait3A_704 = tpu.memref_squeeze %dma_wait3A_703 : memref<1x64xi32, #tpu.memory_space<vmem>> -> memref<64xi32, #tpu.memory_space<vmem>>
        %dma_wait3A_705 = arith.constant 0 : i32
        %dma_wait3A_706 = tpu.memref_slice %arg4[%add3A_694, %dma_wait3A_705] : memref<5120x64xi32, #tpu.memory_space<hbm>> -> memref<1x64xi32, #tpu.memory_space<hbm>>
        %dma_wait3A_707 = tpu.memref_squeeze %dma_wait3A_706 : memref<1x64xi32, #tpu.memory_space<hbm>> -> memref<64xi32, #tpu.memory_space<hbm>>
        tpu.wait_dma2 semaphore(%arg14 : memref<!tpu.dma_semaphore, #tpu.memory_space<semaphore_mem>>) src(%dma_wait3A_707 : memref<64xi32, #tpu.memory_space<hbm>>) dst(%dma_wait3A_704 : memref<64xi32, #tpu.memory_space<vmem>>)
        %dma_start3A_708 = arith.constant 4 : i32
        %dma_start3A_709 = arith.constant 4 : i32
        %dma_start3A_710 = arith.constant 0 : i32
        %dma_start3A_711 = arith.constant 0 : i32
        %dma_start3A_712 = tpu.memref_slice %arg9[%dma_start3A_709, %dma_start3A_710, %dma_start3A_711] : memref<5x64x128xf32, #tpu.memory_space<vmem>> -> memref<1x64x128xf32, #tpu.memory_space<vmem>>
        %dma_start3A_713 = tpu.memref_squeeze %dma_start3A_712 : memref<1x64x128xf32, #tpu.memory_space<vmem>> -> memref<64x128xf32, #tpu.memory_space<vmem>>
        %dma_start3A_714 = arith.constant 0 : i32
        %dma_start3A_715 = tpu.memref_slice %arg7[%dma_start3A_708, %dma_start3A_714] : memref<5x64xi32, #tpu.memory_space<vmem>> -> memref<1x64xi32, #tpu.memory_space<vmem>>
        %dma_start3A_716 = tpu.memref_squeeze %dma_start3A_715 : memref<1x64xi32, #tpu.memory_space<vmem>> -> memref<64xi32, #tpu.memory_space<vmem>>
        %dma_start3A_717 = arith.constant 0 : i32
        %dma_start3A_718 = arith.constant 0 : i32
        %dma_start3A_719 = tpu.memref_slice %arg2[%dma_start3A_717, %dma_start3A_718] : memref<10000x128xf32, #tpu.memory_space<hbm>> -> memref<10000x128xf32, #tpu.memory_space<hbm>>
        tpu.enqueue_indirect_dma source(%dma_start3A_719 : memref<10000x128xf32, #tpu.memory_space<hbm>>) target(%dma_start3A_713 : memref<64x128xf32, #tpu.memory_space<vmem>>) offsets(%dma_start3A_716 : memref<64xi32, #tpu.memory_space<vmem>>) semaphore(%arg19 : memref<!tpu.dma_semaphore, #tpu.memory_space<semaphore_mem>>)
      } else {
      }
    }
    %scan3A_404 = arith.constant 32 : i32
    %barrier3A_405 = arith.constant 0 : index
    tpu.barrier barrier_id(%barrier3A_405)
    "tpu.region"() ({
      %run_scoped3A_406 = tpu.sem_alloc : memref<!tpu.dma_semaphore, #tpu.memory_space<semaphore_mem>>
      %dma_start3A_407 = arith.constant 0 : i32
      %dma_start3A_408 = tpu.memref_slice %arg5[%arg0, %mul3A_11, %dma_start3A_407] : memref<2x10240x128xf32, #tpu.memory_space<hbm>> -> memref<1x640x128xf32, #tpu.memory_space<hbm>>
      %dma_start3A_409 = tpu.memref_squeeze %dma_start3A_408 : memref<1x640x128xf32, #tpu.memory_space<hbm>> -> memref<640x128xf32, #tpu.memory_space<hbm>>
      %dma_start3A_410 = arith.constant 0 : i32
      %dma_start3A_411 = tpu.memref_slice %arg6[%mul3A_11, %dma_start3A_410] : memref<10240x128xf32, #tpu.memory_space<vmem_shared>> -> memref<640x128xf32, #tpu.memory_space<vmem_shared>>
      tpu.enqueue_dma source(%dma_start3A_411 : memref<640x128xf32, #tpu.memory_space<vmem_shared>>) target(%dma_start3A_409 : memref<640x128xf32, #tpu.memory_space<hbm>>) target_semaphore(%run_scoped3A_406 : memref<!tpu.dma_semaphore, #tpu.memory_space<semaphore_mem>>)
      %dma_wait3A_412 = arith.constant 0 : i32
      %dma_wait3A_413 = tpu.memref_slice %arg5[%arg0, %mul3A_11, %dma_wait3A_412] : memref<2x10240x128xf32, #tpu.memory_space<hbm>> -> memref<1x640x128xf32, #tpu.memory_space<hbm>>
      %dma_wait3A_414 = tpu.memref_squeeze %dma_wait3A_413 : memref<1x640x128xf32, #tpu.memory_space<hbm>> -> memref<640x128xf32, #tpu.memory_space<hbm>>
      %dma_wait3A_415 = arith.constant 0 : i32
      %dma_wait3A_416 = tpu.memref_slice %arg6[%mul3A_11, %dma_wait3A_415] : memref<10240x128xf32, #tpu.memory_space<vmem_shared>> -> memref<640x128xf32, #tpu.memory_space<vmem_shared>>
      tpu.wait_dma2 semaphore(%run_scoped3A_406 : memref<!tpu.dma_semaphore, #tpu.memory_space<semaphore_mem>>) src(%dma_wait3A_416 : memref<640x128xf32, #tpu.memory_space<vmem_shared>>) dst(%dma_wait3A_414 : memref<640x128xf32, #tpu.memory_space<hbm>>)
      tpu.yield
    }) : () -> ()
    return
  }
}

#map = affine_map<(d0, d1) -> (0, 0)>
#map1 = affine_map<(d0, d1) -> (0, 0, 0)>
module attributes {stable_mosaic.version = 14 : i64} {
  func.func @_prop(%arg0: i32, %arg1: i32, %arg2: memref<10000x128xf32, #tpu.memory_space<hbm>>, %arg3: memref<5120x64xi32, #tpu.memory_space<hbm>>, %arg4: memref<5120x64xi32, #tpu.memory_space<hbm>>, %arg5: memref<2x10240x128xf32, #tpu.memory_space<hbm>>, %arg6: memref<10240x128xf32, #tpu.memory_space<vmem_shared>>, %arg7: memref<5x64xi32, #tpu.memory_space<vmem>>, %arg8: memref<5x64xi32, #tpu.memory_space<vmem>>, %arg9: memref<5x64x128xf32, #tpu.memory_space<vmem>>, %arg10: memref<!tpu.dma_semaphore, #tpu.memory_space<semaphore_mem>>, %arg11: memref<!tpu.dma_semaphore, #tpu.memory_space<semaphore_mem>>, %arg12: memref<!tpu.dma_semaphore, #tpu.memory_space<semaphore_mem>>, %arg13: memref<!tpu.dma_semaphore, #tpu.memory_space<semaphore_mem>>, %arg14: memref<!tpu.dma_semaphore, #tpu.memory_space<semaphore_mem>>, %arg15: memref<!tpu.dma_semaphore, #tpu.memory_space<semaphore_mem>>, %arg16: memref<!tpu.dma_semaphore, #tpu.memory_space<semaphore_mem>>, %arg17: memref<!tpu.dma_semaphore, #tpu.memory_space<semaphore_mem>>, %arg18: memref<!tpu.dma_semaphore, #tpu.memory_space<semaphore_mem>>, %arg19: memref<!tpu.dma_semaphore, #tpu.memory_space<semaphore_mem>>, %arg20: memref<!tpu.dma_semaphore, #tpu.memory_space<semaphore_mem>>, %arg21: memref<!tpu.dma_semaphore, #tpu.memory_space<semaphore_mem>>, %arg22: memref<!tpu.dma_semaphore, #tpu.memory_space<semaphore_mem>>, %arg23: memref<!tpu.dma_semaphore, #tpu.memory_space<semaphore_mem>>, %arg24: memref<!tpu.dma_semaphore, #tpu.memory_space<semaphore_mem>>) attributes {dimension_semantics = [#tpu.dimension_semantics<core_parallel>, #tpu.dimension_semantics<subcore_parallel>], iteration_bounds = array<i64: 2, 16>, scalar_prefetch = 0 : i64, scratch_operands = 19 : i64, tpu.core_type = #tpu.core_type<sc_vector_subcore>, window_params = [{transform_indices = #map}, {transform_indices = #map}, {transform_indices = #map}, {transform_indices = #map1}]} {
    %mul3A = arith.constant 16 : i32
    %mul3A_0 = arith.muli %arg0, %mul3A : i32
    %add3A = arith.addi %mul3A_0, %arg1 : i32
    %mul3A_1 = arith.constant 160 : i32
    %mul3A_2 = arith.muli %add3A, %mul3A_1 : i32
    %broadcast_in_dim3A = arith.constant 0.000000e+00 : f32
    %broadcast_in_dim3A_3 = vector.broadcast %broadcast_in_dim3A : f32 to vector<16xf32>
    %scan3A = arith.constant 0 : i32
    %scan3A_4 = arith.constant 0 : i32
    %scan3A_5 = arith.constant 0 : i32
    %scan3A_6 = arith.constant 64 : i32
    %scan3A_7 = arith.addi %scan3A_5, %scan3A_6 : i32
    %scan3A_8 = arith.constant 1 : i32
    scf.for %scan3A_406 = %scan3A_5 to %scan3A_7 step %scan3A_8  : i32 {
      %swap3A = arith.constant 0 : i32
      %swap3A_407 = arith.constant 0 : i32
      %swap3A_408 = tpu.memref_slice %arg9[%scan3A_4, %swap3A, %swap3A_407] : memref<5x64x128xf32, #tpu.memory_space<vmem>> -> memref<1x64x128xf32, #tpu.memory_space<vmem>>
      %swap3A_409 = tpu.memref_squeeze %swap3A_408 : memref<1x64x128xf32, #tpu.memory_space<vmem>> -> memref<64x128xf32, #tpu.memory_space<vmem>>
      %swap3A_410 = arith.index_cast %scan3A_406 : i32 to index
      %swap3A_411 = arith.constant 0 : index
      %swap3A_412 = tpu.vector_load %swap3A_409[%swap3A_410, %swap3A_411] {strides = array<i32>} : memref<64x128xf32, #tpu.memory_space<vmem>>, vector<1x16xf32>,
      %swap3A_413 = vector.shape_cast %swap3A_412 : vector<1x16xf32> to vector<16xf32>
      %swap3A_414 = vector.shape_cast %broadcast_in_dim3A_3 : vector<16xf32> to vector<1x16xf32>
      tpu.vector_store %swap3A_409[%swap3A_410, %swap3A_411], %swap3A_414 {strides = array<i32>} : memref<64x128xf32, #tpu.memory_space<vmem>>, vector<1x16xf32>,
      %swap3A_415 = arith.constant 0 : i32
      %swap3A_416 = arith.constant 0 : i32
      %swap3A_417 = tpu.memref_slice %arg9[%scan3A_4, %swap3A_415, %swap3A_416] : memref<5x64x128xf32, #tpu.memory_space<vmem>> -> memref<1x64x128xf32, #tpu.memory_space<vmem>>
      %swap3A_418 = tpu.memref_squeeze %swap3A_417 : memref<1x64x128xf32, #tpu.memory_space<vmem>> -> memref<64x128xf32, #tpu.memory_space<vmem>>
      %swap3A_419 = arith.index_cast %scan3A_406 : i32 to index
      %swap3A_420 = arith.constant 16 : index
      %swap3A_421 = tpu.vector_load %swap3A_418[%swap3A_419, %swap3A_420] {strides = array<i32>} : memref<64x128xf32, #tpu.memory_space<vmem>>, vector<1x16xf32>,
      %swap3A_422 = vector.shape_cast %swap3A_421 : vector<1x16xf32> to vector<16xf32>
      %swap3A_423 = vector.shape_cast %broadcast_in_dim3A_3 : vector<16xf32> to vector<1x16xf32>
      tpu.vector_store %swap3A_418[%swap3A_419, %swap3A_420], %swap3A_423 {strides = array<i32>} : memref<64x128xf32, #tpu.memory_space<vmem>>, vector<1x16xf32>,
      %swap3A_424 = arith.constant 0 : i32
      %swap3A_425 = arith.constant 0 : i32
      %swap3A_426 = tpu.memref_slice %arg9[%scan3A_4, %swap3A_424, %swap3A_425] : memref<5x64x128xf32, #tpu.memory_space<vmem>> -> memref<1x64x128xf32, #tpu.memory_space<vmem>>
      %swap3A_427 = tpu.memref_squeeze %swap3A_426 : memref<1x64x128xf32, #tpu.memory_space<vmem>> -> memref<64x128xf32, #tpu.memory_space<vmem>>
      %swap3A_428 = arith.index_cast %scan3A_406 : i32 to index
      %swap3A_429 = arith.constant 32 : index
      %swap3A_430 = tpu.vector_load %swap3A_427[%swap3A_428, %swap3A_429] {strides = array<i32>} : memref<64x128xf32, #tpu.memory_space<vmem>>, vector<1x16xf32>,
      %swap3A_431 = vector.shape_cast %swap3A_430 : vector<1x16xf32> to vector<16xf32>
      %swap3A_432 = vector.shape_cast %broadcast_in_dim3A_3 : vector<16xf32> to vector<1x16xf32>
      tpu.vector_store %swap3A_427[%swap3A_428, %swap3A_429], %swap3A_432 {strides = array<i32>} : memref<64x128xf32, #tpu.memory_space<vmem>>, vector<1x16xf32>,
      %swap3A_433 = arith.constant 0 : i32
      %swap3A_434 = arith.constant 0 : i32
      %swap3A_435 = tpu.memref_slice %arg9[%scan3A_4, %swap3A_433, %swap3A_434] : memref<5x64x128xf32, #tpu.memory_space<vmem>> -> memref<1x64x128xf32, #tpu.memory_space<vmem>>
      %swap3A_436 = tpu.memref_squeeze %swap3A_435 : memref<1x64x128xf32, #tpu.memory_space<vmem>> -> memref<64x128xf32, #tpu.memory_space<vmem>>
      %swap3A_437 = arith.index_cast %scan3A_406 : i32 to index
      %swap3A_438 = arith.constant 48 : index
      %swap3A_439 = tpu.vector_load %swap3A_436[%swap3A_437, %swap3A_438] {strides = array<i32>} : memref<64x128xf32, #tpu.memory_space<vmem>>, vector<1x16xf32>,
      %swap3A_440 = vector.shape_cast %swap3A_439 : vector<1x16xf32> to vector<16xf32>
      %swap3A_441 = vector.shape_cast %broadcast_in_dim3A_3 : vector<16xf32> to vector<1x16xf32>
      tpu.vector_store %swap3A_436[%swap3A_437, %swap3A_438], %swap3A_441 {strides = array<i32>} : memref<64x128xf32, #tpu.memory_space<vmem>>, vector<1x16xf32>,
      %swap3A_442 = arith.constant 0 : i32
      %swap3A_443 = arith.constant 0 : i32
      %swap3A_444 = tpu.memref_slice %arg9[%scan3A_4, %swap3A_442, %swap3A_443] : memref<5x64x128xf32, #tpu.memory_space<vmem>> -> memref<1x64x128xf32, #tpu.memory_space<vmem>>
      %swap3A_445 = tpu.memref_squeeze %swap3A_444 : memref<1x64x128xf32, #tpu.memory_space<vmem>> -> memref<64x128xf32, #tpu.memory_space<vmem>>
      %swap3A_446 = arith.index_cast %scan3A_406 : i32 to index
      %swap3A_447 = arith.constant 64 : index
      %swap3A_448 = tpu.vector_load %swap3A_445[%swap3A_446, %swap3A_447] {strides = array<i32>} : memref<64x128xf32, #tpu.memory_space<vmem>>, vector<1x16xf32>,
      %swap3A_449 = vector.shape_cast %swap3A_448 : vector<1x16xf32> to vector<16xf32>
      %swap3A_450 = vector.shape_cast %broadcast_in_dim3A_3 : vector<16xf32> to vector<1x16xf32>
      tpu.vector_store %swap3A_445[%swap3A_446, %swap3A_447], %swap3A_450 {strides = array<i32>} : memref<64x128xf32, #tpu.memory_space<vmem>>, vector<1x16xf32>,
      %swap3A_451 = arith.constant 0 : i32
      %swap3A_452 = arith.constant 0 : i32
      %swap3A_453 = tpu.memref_slice %arg9[%scan3A_4, %swap3A_451, %swap3A_452] : memref<5x64x128xf32, #tpu.memory_space<vmem>> -> memref<1x64x128xf32, #tpu.memory_space<vmem>>
      %swap3A_454 = tpu.memref_squeeze %swap3A_453 : memref<1x64x128xf32, #tpu.memory_space<vmem>> -> memref<64x128xf32, #tpu.memory_space<vmem>>
      %swap3A_455 = arith.index_cast %scan3A_406 : i32 to index
      %swap3A_456 = arith.constant 80 : index
      %swap3A_457 = tpu.vector_load %swap3A_454[%swap3A_455, %swap3A_456] {strides = array<i32>} : memref<64x128xf32, #tpu.memory_space<vmem>>, vector<1x16xf32>,
      %swap3A_458 = vector.shape_cast %swap3A_457 : vector<1x16xf32> to vector<16xf32>
      %swap3A_459 = vector.shape_cast %broadcast_in_dim3A_3 : vector<16xf32> to vector<1x16xf32>
      tpu.vector_store %swap3A_454[%swap3A_455, %swap3A_456], %swap3A_459 {strides = array<i32>} : memref<64x128xf32, #tpu.memory_space<vmem>>, vector<1x16xf32>,
      %swap3A_460 = arith.constant 0 : i32
      %swap3A_461 = arith.constant 0 : i32
      %swap3A_462 = tpu.memref_slice %arg9[%scan3A_4, %swap3A_460, %swap3A_461] : memref<5x64x128xf32, #tpu.memory_space<vmem>> -> memref<1x64x128xf32, #tpu.memory_space<vmem>>
      %swap3A_463 = tpu.memref_squeeze %swap3A_462 : memref<1x64x128xf32, #tpu.memory_space<vmem>> -> memref<64x128xf32, #tpu.memory_space<vmem>>
      %swap3A_464 = arith.index_cast %scan3A_406 : i32 to index
      %swap3A_465 = arith.constant 96 : index
      %swap3A_466 = tpu.vector_load %swap3A_463[%swap3A_464, %swap3A_465] {strides = array<i32>} : memref<64x128xf32, #tpu.memory_space<vmem>>, vector<1x16xf32>,
      %swap3A_467 = vector.shape_cast %swap3A_466 : vector<1x16xf32> to vector<16xf32>
      %swap3A_468 = vector.shape_cast %broadcast_in_dim3A_3 : vector<16xf32> to vector<1x16xf32>
      tpu.vector_store %swap3A_463[%swap3A_464, %swap3A_465], %swap3A_468 {strides = array<i32>} : memref<64x128xf32, #tpu.memory_space<vmem>>, vector<1x16xf32>,
      %swap3A_469 = arith.constant 0 : i32
      %swap3A_470 = arith.constant 0 : i32
      %swap3A_471 = tpu.memref_slice %arg9[%scan3A_4, %swap3A_469, %swap3A_470] : memref<5x64x128xf32, #tpu.memory_space<vmem>> -> memref<1x64x128xf32, #tpu.memory_space<vmem>>
      %swap3A_472 = tpu.memref_squeeze %swap3A_471 : memref<1x64x128xf32, #tpu.memory_space<vmem>> -> memref<64x128xf32, #tpu.memory_space<vmem>>
      %swap3A_473 = arith.index_cast %scan3A_406 : i32 to index
      %swap3A_474 = arith.constant 112 : index
      %swap3A_475 = tpu.vector_load %swap3A_472[%swap3A_473, %swap3A_474] {strides = array<i32>} : memref<64x128xf32, #tpu.memory_space<vmem>>, vector<1x16xf32>,
      %swap3A_476 = vector.shape_cast %swap3A_475 : vector<1x16xf32> to vector<16xf32>
      %swap3A_477 = vector.shape_cast %broadcast_in_dim3A_3 : vector<16xf32> to vector<1x16xf32>
      tpu.vector_store %swap3A_472[%swap3A_473, %swap3A_474], %swap3A_477 {strides = array<i32>} : memref<64x128xf32, #tpu.memory_space<vmem>>, vector<1x16xf32>,
    }
    %scan3A_9 = arith.constant 64 : i32
    %mul3A_10 = arith.constant 640 : i32
    %mul3A_11 = arith.muli %arg1, %mul3A_10 : i32
    %add3A_12 = arith.constant 0 : i32
    %add3A_13 = arith.addi %mul3A_11, %add3A_12 : i32
    %run_scoped3A = arith.constant 0 : i32
    "tpu.region"() ({
      %run_scoped3A_406 = tpu.sem_alloc : memref<!tpu.dma_semaphore, #tpu.memory_space<semaphore_mem>>
      %dma_start3A_407 = arith.constant 0 : i32
      %dma_start3A_408 = arith.constant 0 : i32
      %dma_start3A_409 = tpu.memref_slice %arg9[%run_scoped3A, %dma_start3A_407, %dma_start3A_408] : memref<5x64x128xf32, #tpu.memory_space<vmem>> -> memref<1x64x128xf32, #tpu.memory_space<vmem>>
      %dma_start3A_410 = tpu.memref_squeeze %dma_start3A_409 : memref<1x64x128xf32, #tpu.memory_space<vmem>> -> memref<64x128xf32, #tpu.memory_space<vmem>>
      %dma_start3A_411 = arith.constant 0 : i32
      %dma_start3A_412 = tpu.memref_slice %arg6[%add3A_13, %dma_start3A_411] : memref<10240x128xf32, #tpu.memory_space<vmem_shared>> -> memref<64x128xf32, #tpu.memory_space<vmem_shared>>
      %dma_start3A_413 = arith.constant 0 : i32
      %dma_start3A_414 = tpu.memref_slice %arg6[%add3A_13, %dma_start3A_413] : memref<10240x128xf32, #tpu.memory_space<vmem_shared>> -> memref<64x128xf32, #tpu.memory_space<vmem_shared>>
      %dma_start3A_415 = arith.constant 0 : i32
      %dma_start3A_416 = arith.constant 0 : i32
      %dma_start3A_417 = tpu.memref_slice %arg9[%run_scoped3A, %dma_start3A_415, %dma_start3A_416] : memref<5x64x128xf32, #tpu.memory_space<vmem>> -> memref<1x64x128xf32, #tpu.memory_space<vmem>>
      %dma_start3A_418 = tpu.memref_squeeze %dma_start3A_417 : memref<1x64x128xf32, #tpu.memory_space<vmem>> -> memref<64x128xf32, #tpu.memory_space<vmem>>
      tpu.enqueue_dma source(%dma_start3A_418 : memref<64x128xf32, #tpu.memory_space<vmem>>) target(%dma_start3A_414 : memref<64x128xf32, #tpu.memory_space<vmem_shared>>) target_semaphore(%run_scoped3A_406 : memref<!tpu.dma_semaphore, #tpu.memory_space<semaphore_mem>>)
      %dma_wait3A_419 = arith.constant 0 : i32
      %dma_wait3A_420 = arith.constant 0 : i32
      %dma_wait3A_421 = tpu.memref_slice %arg9[%run_scoped3A, %dma_wait3A_419, %dma_wait3A_420] : memref<5x64x128xf32, #tpu.memory_space<vmem>> -> memref<1x64x128xf32, #tpu.memory_space<vmem>>
      %dma_wait3A_422 = tpu.memref_squeeze %dma_wait3A_421 : memref<1x64x128xf32, #tpu.memory_space<vmem>> -> memref<64x128xf32, #tpu.memory_space<vmem>>
      %dma_wait3A_423 = arith.constant 0 : i32
      %dma_wait3A_424 = tpu.memref_slice %arg6[%add3A_13, %dma_wait3A_423] : memref<10240x128xf32, #tpu.memory_space<vmem_shared>> -> memref<64x128xf32, #tpu.memory_space<vmem_shared>>
      %dma_wait3A_425 = arith.constant 0 : i32
      %dma_wait3A_426 = tpu.memref_slice %arg6[%add3A_13, %dma_wait3A_425] : memref<10240x128xf32, #tpu.memory_space<vmem_shared>> -> memref<64x128xf32, #tpu.memory_space<vmem_shared>>
      %dma_wait3A_427 = arith.constant 0 : i32
      %dma_wait3A_428 = arith.constant 0 : i32
      %dma_wait3A_429 = tpu.memref_slice %arg9[%run_scoped3A, %dma_wait3A_427, %dma_wait3A_428] : memref<5x64x128xf32, #tpu.memory_space<vmem>> -> memref<1x64x128xf32, #tpu.memory_space<vmem>>
      %dma_wait3A_430 = tpu.memref_squeeze %dma_wait3A_429 : memref<1x64x128xf32, #tpu.memory_space<vmem>> -> memref<64x128xf32, #tpu.memory_space<vmem>>
      tpu.wait_dma2 semaphore(%run_scoped3A_406 : memref<!tpu.dma_semaphore, #tpu.memory_space<semaphore_mem>>) src(%dma_wait3A_430 : memref<64x128xf32, #tpu.memory_space<vmem>>) dst(%dma_wait3A_426 : memref<64x128xf32, #tpu.memory_space<vmem_shared>>)
      tpu.yield
    }) : () -> ()
    %add3A_14 = arith.constant 64 : i32
    %add3A_15 = arith.addi %mul3A_11, %add3A_14 : i32
    %run_scoped3A_16 = arith.constant 0 : i32
    "tpu.region"() ({
      %run_scoped3A_406 = tpu.sem_alloc : memref<!tpu.dma_semaphore, #tpu.memory_space<semaphore_mem>>
      %dma_start3A_407 = arith.constant 0 : i32
      %dma_start3A_408 = arith.constant 0 : i32
      %dma_start3A_409 = tpu.memref_slice %arg9[%run_scoped3A_16, %dma_start3A_407, %dma_start3A_408] : memref<5x64x128xf32, #tpu.memory_space<vmem>> -> memref<1x64x128xf32, #tpu.memory_space<vmem>>
      %dma_start3A_410 = tpu.memref_squeeze %dma_start3A_409 : memref<1x64x128xf32, #tpu.memory_space<vmem>> -> memref<64x128xf32, #tpu.memory_space<vmem>>
      %dma_start3A_411 = arith.constant 0 : i32
      %dma_start3A_412 = tpu.memref_slice %arg6[%add3A_15, %dma_start3A_411] : memref<10240x128xf32, #tpu.memory_space<vmem_shared>> -> memref<64x128xf32, #tpu.memory_space<vmem_shared>>
      %dma_start3A_413 = arith.constant 0 : i32
      %dma_start3A_414 = tpu.memref_slice %arg6[%add3A_15, %dma_start3A_413] : memref<10240x128xf32, #tpu.memory_space<vmem_shared>> -> memref<64x128xf32, #tpu.memory_space<vmem_shared>>
      %dma_start3A_415 = arith.constant 0 : i32
      %dma_start3A_416 = arith.constant 0 : i32
      %dma_start3A_417 = tpu.memref_slice %arg9[%run_scoped3A_16, %dma_start3A_415, %dma_start3A_416] : memref<5x64x128xf32, #tpu.memory_space<vmem>> -> memref<1x64x128xf32, #tpu.memory_space<vmem>>
      %dma_start3A_418 = tpu.memref_squeeze %dma_start3A_417 : memref<1x64x128xf32, #tpu.memory_space<vmem>> -> memref<64x128xf32, #tpu.memory_space<vmem>>
      tpu.enqueue_dma source(%dma_start3A_418 : memref<64x128xf32, #tpu.memory_space<vmem>>) target(%dma_start3A_414 : memref<64x128xf32, #tpu.memory_space<vmem_shared>>) target_semaphore(%run_scoped3A_406 : memref<!tpu.dma_semaphore, #tpu.memory_space<semaphore_mem>>)
      %dma_wait3A_419 = arith.constant 0 : i32
      %dma_wait3A_420 = arith.constant 0 : i32
      %dma_wait3A_421 = tpu.memref_slice %arg9[%run_scoped3A_16, %dma_wait3A_419, %dma_wait3A_420] : memref<5x64x128xf32, #tpu.memory_space<vmem>> -> memref<1x64x128xf32, #tpu.memory_space<vmem>>
      %dma_wait3A_422 = tpu.memref_squeeze %dma_wait3A_421 : memref<1x64x128xf32, #tpu.memory_space<vmem>> -> memref<64x128xf32, #tpu.memory_space<vmem>>
      %dma_wait3A_423 = arith.constant 0 : i32
      %dma_wait3A_424 = tpu.memref_slice %arg6[%add3A_15, %dma_wait3A_423] : memref<10240x128xf32, #tpu.memory_space<vmem_shared>> -> memref<64x128xf32, #tpu.memory_space<vmem_shared>>
      %dma_wait3A_425 = arith.constant 0 : i32
      %dma_wait3A_426 = tpu.memref_slice %arg6[%add3A_15, %dma_wait3A_425] : memref<10240x128xf32, #tpu.memory_space<vmem_shared>> -> memref<64x128xf32, #tpu.memory_space<vmem_shared>>
      %dma_wait3A_427 = arith.constant 0 : i32
      %dma_wait3A_428 = arith.constant 0 : i32
      %dma_wait3A_429 = tpu.memref_slice %arg9[%run_scoped3A_16, %dma_wait3A_427, %dma_wait3A_428] : memref<5x64x128xf32, #tpu.memory_space<vmem>> -> memref<1x64x128xf32, #tpu.memory_space<vmem>>
      %dma_wait3A_430 = tpu.memref_squeeze %dma_wait3A_429 : memref<1x64x128xf32, #tpu.memory_space<vmem>> -> memref<64x128xf32, #tpu.memory_space<vmem>>
      tpu.wait_dma2 semaphore(%run_scoped3A_406 : memref<!tpu.dma_semaphore, #tpu.memory_space<semaphore_mem>>) src(%dma_wait3A_430 : memref<64x128xf32, #tpu.memory_space<vmem>>) dst(%dma_wait3A_426 : memref<64x128xf32, #tpu.memory_space<vmem_shared>>)
      tpu.yield
    }) : () -> ()
    %add3A_17 = arith.constant 128 : i32
    %add3A_18 = arith.addi %mul3A_11, %add3A_17 : i32
    %run_scoped3A_19 = arith.constant 0 : i32
    "tpu.region"() ({
      %run_scoped3A_406 = tpu.sem_alloc : memref<!tpu.dma_semaphore, #tpu.memory_space<semaphore_mem>>
      %dma_start3A_407 = arith.constant 0 : i32
      %dma_start3A_408 = arith.constant 0 : i32
      %dma_start3A_409 = tpu.memref_slice %arg9[%run_scoped3A_19, %dma_start3A_407, %dma_start3A_408] : memref<5x64x128xf32, #tpu.memory_space<vmem>> -> memref<1x64x128xf32, #tpu.memory_space<vmem>>
      %dma_start3A_410 = tpu.memref_squeeze %dma_start3A_409 : memref<1x64x128xf32, #tpu.memory_space<vmem>> -> memref<64x128xf32, #tpu.memory_space<vmem>>
      %dma_start3A_411 = arith.constant 0 : i32
      %dma_start3A_412 = tpu.memref_slice %arg6[%add3A_18, %dma_start3A_411] : memref<10240x128xf32, #tpu.memory_space<vmem_shared>> -> memref<64x128xf32, #tpu.memory_space<vmem_shared>>
      %dma_start3A_413 = arith.constant 0 : i32
      %dma_start3A_414 = tpu.memref_slice %arg6[%add3A_18, %dma_start3A_413] : memref<10240x128xf32, #tpu.memory_space<vmem_shared>> -> memref<64x128xf32, #tpu.memory_space<vmem_shared>>
      %dma_start3A_415 = arith.constant 0 : i32
      %dma_start3A_416 = arith.constant 0 : i32
      %dma_start3A_417 = tpu.memref_slice %arg9[%run_scoped3A_19, %dma_start3A_415, %dma_start3A_416] : memref<5x64x128xf32, #tpu.memory_space<vmem>> -> memref<1x64x128xf32, #tpu.memory_space<vmem>>
      %dma_start3A_418 = tpu.memref_squeeze %dma_start3A_417 : memref<1x64x128xf32, #tpu.memory_space<vmem>> -> memref<64x128xf32, #tpu.memory_space<vmem>>
      tpu.enqueue_dma source(%dma_start3A_418 : memref<64x128xf32, #tpu.memory_space<vmem>>) target(%dma_start3A_414 : memref<64x128xf32, #tpu.memory_space<vmem_shared>>) target_semaphore(%run_scoped3A_406 : memref<!tpu.dma_semaphore, #tpu.memory_space<semaphore_mem>>)
      %dma_wait3A_419 = arith.constant 0 : i32
      %dma_wait3A_420 = arith.constant 0 : i32
      %dma_wait3A_421 = tpu.memref_slice %arg9[%run_scoped3A_19, %dma_wait3A_419, %dma_wait3A_420] : memref<5x64x128xf32, #tpu.memory_space<vmem>> -> memref<1x64x128xf32, #tpu.memory_space<vmem>>
      %dma_wait3A_422 = tpu.memref_squeeze %dma_wait3A_421 : memref<1x64x128xf32, #tpu.memory_space<vmem>> -> memref<64x128xf32, #tpu.memory_space<vmem>>
      %dma_wait3A_423 = arith.constant 0 : i32
      %dma_wait3A_424 = tpu.memref_slice %arg6[%add3A_18, %dma_wait3A_423] : memref<10240x128xf32, #tpu.memory_space<vmem_shared>> -> memref<64x128xf32, #tpu.memory_space<vmem_shared>>
      %dma_wait3A_425 = arith.constant 0 : i32
      %dma_wait3A_426 = tpu.memref_slice %arg6[%add3A_18, %dma_wait3A_425] : memref<10240x128xf32, #tpu.memory_space<vmem_shared>> -> memref<64x128xf32, #tpu.memory_space<vmem_shared>>
      %dma_wait3A_427 = arith.constant 0 : i32
      %dma_wait3A_428 = arith.constant 0 : i32
      %dma_wait3A_429 = tpu.memref_slice %arg9[%run_scoped3A_19, %dma_wait3A_427, %dma_wait3A_428] : memref<5x64x128xf32, #tpu.memory_space<vmem>> -> memref<1x64x128xf32, #tpu.memory_space<vmem>>
      %dma_wait3A_430 = tpu.memref_squeeze %dma_wait3A_429 : memref<1x64x128xf32, #tpu.memory_space<vmem>> -> memref<64x128xf32, #tpu.memory_space<vmem>>
      tpu.wait_dma2 semaphore(%run_scoped3A_406 : memref<!tpu.dma_semaphore, #tpu.memory_space<semaphore_mem>>) src(%dma_wait3A_430 : memref<64x128xf32, #tpu.memory_space<vmem>>) dst(%dma_wait3A_426 : memref<64x128xf32, #tpu.memory_space<vmem_shared>>)
      tpu.yield
    }) : () -> ()
    %add3A_20 = arith.constant 192 : i32
    %add3A_21 = arith.addi %mul3A_11, %add3A_20 : i32
    %run_scoped3A_22 = arith.constant 0 : i32
    "tpu.region"() ({
      %run_scoped3A_406 = tpu.sem_alloc : memref<!tpu.dma_semaphore, #tpu.memory_space<semaphore_mem>>
      %dma_start3A_407 = arith.constant 0 : i32
      %dma_start3A_408 = arith.constant 0 : i32
      %dma_start3A_409 = tpu.memref_slice %arg9[%run_scoped3A_22, %dma_start3A_407, %dma_start3A_408] : memref<5x64x128xf32, #tpu.memory_space<vmem>> -> memref<1x64x128xf32, #tpu.memory_space<vmem>>
      %dma_start3A_410 = tpu.memref_squeeze %dma_start3A_409 : memref<1x64x128xf32, #tpu.memory_space<vmem>> -> memref<64x128xf32, #tpu.memory_space<vmem>>
      %dma_start3A_411 = arith.constant 0 : i32
      %dma_start3A_412 = tpu.memref_slice %arg6[%add3A_21, %dma_start3A_411] : memref<10240x128xf32, #tpu.memory_space<vmem_shared>> -> memref<64x128xf32, #tpu.memory_space<vmem_shared>>
      %dma_start3A_413 = arith.constant 0 : i32
      %dma_start3A_414 = tpu.memref_slice %arg6[%add3A_21, %dma_start3A_413] : memref<10240x128xf32, #tpu.memory_space<vmem_shared>> -> memref<64x128xf32, #tpu.memory_space<vmem_shared>>
      %dma_start3A_415 = arith.constant 0 : i32
      %dma_start3A_416 = arith.constant 0 : i32
      %dma_start3A_417 = tpu.memref_slice %arg9[%run_scoped3A_22, %dma_start3A_415, %dma_start3A_416] : memref<5x64x128xf32, #tpu.memory_space<vmem>> -> memref<1x64x128xf32, #tpu.memory_space<vmem>>
      %dma_start3A_418 = tpu.memref_squeeze %dma_start3A_417 : memref<1x64x128xf32, #tpu.memory_space<vmem>> -> memref<64x128xf32, #tpu.memory_space<vmem>>
      tpu.enqueue_dma source(%dma_start3A_418 : memref<64x128xf32, #tpu.memory_space<vmem>>) target(%dma_start3A_414 : memref<64x128xf32, #tpu.memory_space<vmem_shared>>) target_semaphore(%run_scoped3A_406 : memref<!tpu.dma_semaphore, #tpu.memory_space<semaphore_mem>>)
      %dma_wait3A_419 = arith.constant 0 : i32
      %dma_wait3A_420 = arith.constant 0 : i32
      %dma_wait3A_421 = tpu.memref_slice %arg9[%run_scoped3A_22, %dma_wait3A_419, %dma_wait3A_420] : memref<5x64x128xf32, #tpu.memory_space<vmem>> -> memref<1x64x128xf32, #tpu.memory_space<vmem>>
      %dma_wait3A_422 = tpu.memref_squeeze %dma_wait3A_421 : memref<1x64x128xf32, #tpu.memory_space<vmem>> -> memref<64x128xf32, #tpu.memory_space<vmem>>
      %dma_wait3A_423 = arith.constant 0 : i32
      %dma_wait3A_424 = tpu.memref_slice %arg6[%add3A_21, %dma_wait3A_423] : memref<10240x128xf32, #tpu.memory_space<vmem_shared>> -> memref<64x128xf32, #tpu.memory_space<vmem_shared>>
      %dma_wait3A_425 = arith.constant 0 : i32
      %dma_wait3A_426 = tpu.memref_slice %arg6[%add3A_21, %dma_wait3A_425] : memref<10240x128xf32, #tpu.memory_space<vmem_shared>> -> memref<64x128xf32, #tpu.memory_space<vmem_shared>>
      %dma_wait3A_427 = arith.constant 0 : i32
      %dma_wait3A_428 = arith.constant 0 : i32
      %dma_wait3A_429 = tpu.memref_slice %arg9[%run_scoped3A_22, %dma_wait3A_427, %dma_wait3A_428] : memref<5x64x128xf32, #tpu.memory_space<vmem>> -> memref<1x64x128xf32, #tpu.memory_space<vmem>>
      %dma_wait3A_430 = tpu.memref_squeeze %dma_wait3A_429 : memref<1x64x128xf32, #tpu.memory_space<vmem>> -> memref<64x128xf32, #tpu.memory_space<vmem>>
      tpu.wait_dma2 semaphore(%run_scoped3A_406 : memref<!tpu.dma_semaphore, #tpu.memory_space<semaphore_mem>>) src(%dma_wait3A_430 : memref<64x128xf32, #tpu.memory_space<vmem>>) dst(%dma_wait3A_426 : memref<64x128xf32, #tpu.memory_space<vmem_shared>>)
      tpu.yield
    }) : () -> ()
    %add3A_23 = arith.constant 256 : i32
    %add3A_24 = arith.addi %mul3A_11, %add3A_23 : i32
    %run_scoped3A_25 = arith.constant 0 : i32
    "tpu.region"() ({
      %run_scoped3A_406 = tpu.sem_alloc : memref<!tpu.dma_semaphore, #tpu.memory_space<semaphore_mem>>
      %dma_start3A_407 = arith.constant 0 : i32
      %dma_start3A_408 = arith.constant 0 : i32
      %dma_start3A_409 = tpu.memref_slice %arg9[%run_scoped3A_25, %dma_start3A_407, %dma_start3A_408] : memref<5x64x128xf32, #tpu.memory_space<vmem>> -> memref<1x64x128xf32, #tpu.memory_space<vmem>>
      %dma_start3A_410 = tpu.memref_squeeze %dma_start3A_409 : memref<1x64x128xf32, #tpu.memory_space<vmem>> -> memref<64x128xf32, #tpu.memory_space<vmem>>
      %dma_start3A_411 = arith.constant 0 : i32
      %dma_start3A_412 = tpu.memref_slice %arg6[%add3A_24, %dma_start3A_411] : memref<10240x128xf32, #tpu.memory_space<vmem_shared>> -> memref<64x128xf32, #tpu.memory_space<vmem_shared>>
      %dma_start3A_413 = arith.constant 0 : i32
      %dma_start3A_414 = tpu.memref_slice %arg6[%add3A_24, %dma_start3A_413] : memref<10240x128xf32, #tpu.memory_space<vmem_shared>> -> memref<64x128xf32, #tpu.memory_space<vmem_shared>>
      %dma_start3A_415 = arith.constant 0 : i32
      %dma_start3A_416 = arith.constant 0 : i32
      %dma_start3A_417 = tpu.memref_slice %arg9[%run_scoped3A_25, %dma_start3A_415, %dma_start3A_416] : memref<5x64x128xf32, #tpu.memory_space<vmem>> -> memref<1x64x128xf32, #tpu.memory_space<vmem>>
      %dma_start3A_418 = tpu.memref_squeeze %dma_start3A_417 : memref<1x64x128xf32, #tpu.memory_space<vmem>> -> memref<64x128xf32, #tpu.memory_space<vmem>>
      tpu.enqueue_dma source(%dma_start3A_418 : memref<64x128xf32, #tpu.memory_space<vmem>>) target(%dma_start3A_414 : memref<64x128xf32, #tpu.memory_space<vmem_shared>>) target_semaphore(%run_scoped3A_406 : memref<!tpu.dma_semaphore, #tpu.memory_space<semaphore_mem>>)
      %dma_wait3A_419 = arith.constant 0 : i32
      %dma_wait3A_420 = arith.constant 0 : i32
      %dma_wait3A_421 = tpu.memref_slice %arg9[%run_scoped3A_25, %dma_wait3A_419, %dma_wait3A_420] : memref<5x64x128xf32, #tpu.memory_space<vmem>> -> memref<1x64x128xf32, #tpu.memory_space<vmem>>
      %dma_wait3A_422 = tpu.memref_squeeze %dma_wait3A_421 : memref<1x64x128xf32, #tpu.memory_space<vmem>> -> memref<64x128xf32, #tpu.memory_space<vmem>>
      %dma_wait3A_423 = arith.constant 0 : i32
      %dma_wait3A_424 = tpu.memref_slice %arg6[%add3A_24, %dma_wait3A_423] : memref<10240x128xf32, #tpu.memory_space<vmem_shared>> -> memref<64x128xf32, #tpu.memory_space<vmem_shared>>
      %dma_wait3A_425 = arith.constant 0 : i32
      %dma_wait3A_426 = tpu.memref_slice %arg6[%add3A_24, %dma_wait3A_425] : memref<10240x128xf32, #tpu.memory_space<vmem_shared>> -> memref<64x128xf32, #tpu.memory_space<vmem_shared>>
      %dma_wait3A_427 = arith.constant 0 : i32
      %dma_wait3A_428 = arith.constant 0 : i32
      %dma_wait3A_429 = tpu.memref_slice %arg9[%run_scoped3A_25, %dma_wait3A_427, %dma_wait3A_428] : memref<5x64x128xf32, #tpu.memory_space<vmem>> -> memref<1x64x128xf32, #tpu.memory_space<vmem>>
      %dma_wait3A_430 = tpu.memref_squeeze %dma_wait3A_429 : memref<1x64x128xf32, #tpu.memory_space<vmem>> -> memref<64x128xf32, #tpu.memory_space<vmem>>
      tpu.wait_dma2 semaphore(%run_scoped3A_406 : memref<!tpu.dma_semaphore, #tpu.memory_space<semaphore_mem>>) src(%dma_wait3A_430 : memref<64x128xf32, #tpu.memory_space<vmem>>) dst(%dma_wait3A_426 : memref<64x128xf32, #tpu.memory_space<vmem_shared>>)
      tpu.yield
    }) : () -> ()
    %add3A_26 = arith.constant 320 : i32
    %add3A_27 = arith.addi %mul3A_11, %add3A_26 : i32
    %run_scoped3A_28 = arith.constant 0 : i32
    "tpu.region"() ({
      %run_scoped3A_406 = tpu.sem_alloc : memref<!tpu.dma_semaphore, #tpu.memory_space<semaphore_mem>>
      %dma_start3A_407 = arith.constant 0 : i32
      %dma_start3A_408 = arith.constant 0 : i32
      %dma_start3A_409 = tpu.memref_slice %arg9[%run_scoped3A_28, %dma_start3A_407, %dma_start3A_408] : memref<5x64x128xf32, #tpu.memory_space<vmem>> -> memref<1x64x128xf32, #tpu.memory_space<vmem>>
      %dma_start3A_410 = tpu.memref_squeeze %dma_start3A_409 : memref<1x64x128xf32, #tpu.memory_space<vmem>> -> memref<64x128xf32, #tpu.memory_space<vmem>>
      %dma_start3A_411 = arith.constant 0 : i32
      %dma_start3A_412 = tpu.memref_slice %arg6[%add3A_27, %dma_start3A_411] : memref<10240x128xf32, #tpu.memory_space<vmem_shared>> -> memref<64x128xf32, #tpu.memory_space<vmem_shared>>
      %dma_start3A_413 = arith.constant 0 : i32
      %dma_start3A_414 = tpu.memref_slice %arg6[%add3A_27, %dma_start3A_413] : memref<10240x128xf32, #tpu.memory_space<vmem_shared>> -> memref<64x128xf32, #tpu.memory_space<vmem_shared>>
      %dma_start3A_415 = arith.constant 0 : i32
      %dma_start3A_416 = arith.constant 0 : i32
      %dma_start3A_417 = tpu.memref_slice %arg9[%run_scoped3A_28, %dma_start3A_415, %dma_start3A_416] : memref<5x64x128xf32, #tpu.memory_space<vmem>> -> memref<1x64x128xf32, #tpu.memory_space<vmem>>
      %dma_start3A_418 = tpu.memref_squeeze %dma_start3A_417 : memref<1x64x128xf32, #tpu.memory_space<vmem>> -> memref<64x128xf32, #tpu.memory_space<vmem>>
      tpu.enqueue_dma source(%dma_start3A_418 : memref<64x128xf32, #tpu.memory_space<vmem>>) target(%dma_start3A_414 : memref<64x128xf32, #tpu.memory_space<vmem_shared>>) target_semaphore(%run_scoped3A_406 : memref<!tpu.dma_semaphore, #tpu.memory_space<semaphore_mem>>)
      %dma_wait3A_419 = arith.constant 0 : i32
      %dma_wait3A_420 = arith.constant 0 : i32
      %dma_wait3A_421 = tpu.memref_slice %arg9[%run_scoped3A_28, %dma_wait3A_419, %dma_wait3A_420] : memref<5x64x128xf32, #tpu.memory_space<vmem>> -> memref<1x64x128xf32, #tpu.memory_space<vmem>>
      %dma_wait3A_422 = tpu.memref_squeeze %dma_wait3A_421 : memref<1x64x128xf32, #tpu.memory_space<vmem>> -> memref<64x128xf32, #tpu.memory_space<vmem>>
      %dma_wait3A_423 = arith.constant 0 : i32
      %dma_wait3A_424 = tpu.memref_slice %arg6[%add3A_27, %dma_wait3A_423] : memref<10240x128xf32, #tpu.memory_space<vmem_shared>> -> memref<64x128xf32, #tpu.memory_space<vmem_shared>>
      %dma_wait3A_425 = arith.constant 0 : i32
      %dma_wait3A_426 = tpu.memref_slice %arg6[%add3A_27, %dma_wait3A_425] : memref<10240x128xf32, #tpu.memory_space<vmem_shared>> -> memref<64x128xf32, #tpu.memory_space<vmem_shared>>
      %dma_wait3A_427 = arith.constant 0 : i32
      %dma_wait3A_428 = arith.constant 0 : i32
      %dma_wait3A_429 = tpu.memref_slice %arg9[%run_scoped3A_28, %dma_wait3A_427, %dma_wait3A_428] : memref<5x64x128xf32, #tpu.memory_space<vmem>> -> memref<1x64x128xf32, #tpu.memory_space<vmem>>
      %dma_wait3A_430 = tpu.memref_squeeze %dma_wait3A_429 : memref<1x64x128xf32, #tpu.memory_space<vmem>> -> memref<64x128xf32, #tpu.memory_space<vmem>>
      tpu.wait_dma2 semaphore(%run_scoped3A_406 : memref<!tpu.dma_semaphore, #tpu.memory_space<semaphore_mem>>) src(%dma_wait3A_430 : memref<64x128xf32, #tpu.memory_space<vmem>>) dst(%dma_wait3A_426 : memref<64x128xf32, #tpu.memory_space<vmem_shared>>)
      tpu.yield
    }) : () -> ()
    %add3A_29 = arith.constant 384 : i32
    %add3A_30 = arith.addi %mul3A_11, %add3A_29 : i32
    %run_scoped3A_31 = arith.constant 0 : i32
    "tpu.region"() ({
      %run_scoped3A_406 = tpu.sem_alloc : memref<!tpu.dma_semaphore, #tpu.memory_space<semaphore_mem>>
      %dma_start3A_407 = arith.constant 0 : i32
      %dma_start3A_408 = arith.constant 0 : i32
      %dma_start3A_409 = tpu.memref_slice %arg9[%run_scoped3A_31, %dma_start3A_407, %dma_start3A_408] : memref<5x64x128xf32, #tpu.memory_space<vmem>> -> memref<1x64x128xf32, #tpu.memory_space<vmem>>
      %dma_start3A_410 = tpu.memref_squeeze %dma_start3A_409 : memref<1x64x128xf32, #tpu.memory_space<vmem>> -> memref<64x128xf32, #tpu.memory_space<vmem>>
      %dma_start3A_411 = arith.constant 0 : i32
      %dma_start3A_412 = tpu.memref_slice %arg6[%add3A_30, %dma_start3A_411] : memref<10240x128xf32, #tpu.memory_space<vmem_shared>> -> memref<64x128xf32, #tpu.memory_space<vmem_shared>>
      %dma_start3A_413 = arith.constant 0 : i32
      %dma_start3A_414 = tpu.memref_slice %arg6[%add3A_30, %dma_start3A_413] : memref<10240x128xf32, #tpu.memory_space<vmem_shared>> -> memref<64x128xf32, #tpu.memory_space<vmem_shared>>
      %dma_start3A_415 = arith.constant 0 : i32
      %dma_start3A_416 = arith.constant 0 : i32
      %dma_start3A_417 = tpu.memref_slice %arg9[%run_scoped3A_31, %dma_start3A_415, %dma_start3A_416] : memref<5x64x128xf32, #tpu.memory_space<vmem>> -> memref<1x64x128xf32, #tpu.memory_space<vmem>>
      %dma_start3A_418 = tpu.memref_squeeze %dma_start3A_417 : memref<1x64x128xf32, #tpu.memory_space<vmem>> -> memref<64x128xf32, #tpu.memory_space<vmem>>
      tpu.enqueue_dma source(%dma_start3A_418 : memref<64x128xf32, #tpu.memory_space<vmem>>) target(%dma_start3A_414 : memref<64x128xf32, #tpu.memory_space<vmem_shared>>) target_semaphore(%run_scoped3A_406 : memref<!tpu.dma_semaphore, #tpu.memory_space<semaphore_mem>>)
      %dma_wait3A_419 = arith.constant 0 : i32
      %dma_wait3A_420 = arith.constant 0 : i32
      %dma_wait3A_421 = tpu.memref_slice %arg9[%run_scoped3A_31, %dma_wait3A_419, %dma_wait3A_420] : memref<5x64x128xf32, #tpu.memory_space<vmem>> -> memref<1x64x128xf32, #tpu.memory_space<vmem>>
      %dma_wait3A_422 = tpu.memref_squeeze %dma_wait3A_421 : memref<1x64x128xf32, #tpu.memory_space<vmem>> -> memref<64x128xf32, #tpu.memory_space<vmem>>
      %dma_wait3A_423 = arith.constant 0 : i32
      %dma_wait3A_424 = tpu.memref_slice %arg6[%add3A_30, %dma_wait3A_423] : memref<10240x128xf32, #tpu.memory_space<vmem_shared>> -> memref<64x128xf32, #tpu.memory_space<vmem_shared>>
      %dma_wait3A_425 = arith.constant 0 : i32
      %dma_wait3A_426 = tpu.memref_slice %arg6[%add3A_30, %dma_wait3A_425] : memref<10240x128xf32, #tpu.memory_space<vmem_shared>> -> memref<64x128xf32, #tpu.memory_space<vmem_shared>>
      %dma_wait3A_427 = arith.constant 0 : i32
      %dma_wait3A_428 = arith.constant 0 : i32
      %dma_wait3A_429 = tpu.memref_slice %arg9[%run_scoped3A_31, %dma_wait3A_427, %dma_wait3A_428] : memref<5x64x128xf32, #tpu.memory_space<vmem>> -> memref<1x64x128xf32, #tpu.memory_space<vmem>>
      %dma_wait3A_430 = tpu.memref_squeeze %dma_wait3A_429 : memref<1x64x128xf32, #tpu.memory_space<vmem>> -> memref<64x128xf32, #tpu.memory_space<vmem>>
      tpu.wait_dma2 semaphore(%run_scoped3A_406 : memref<!tpu.dma_semaphore, #tpu.memory_space<semaphore_mem>>) src(%dma_wait3A_430 : memref<64x128xf32, #tpu.memory_space<vmem>>) dst(%dma_wait3A_426 : memref<64x128xf32, #tpu.memory_space<vmem_shared>>)
      tpu.yield
    }) : () -> ()
    %add3A_32 = arith.constant 448 : i32
    %add3A_33 = arith.addi %mul3A_11, %add3A_32 : i32
    %run_scoped3A_34 = arith.constant 0 : i32
    "tpu.region"() ({
      %run_scoped3A_406 = tpu.sem_alloc : memref<!tpu.dma_semaphore, #tpu.memory_space<semaphore_mem>>
      %dma_start3A_407 = arith.constant 0 : i32
      %dma_start3A_408 = arith.constant 0 : i32
      %dma_start3A_409 = tpu.memref_slice %arg9[%run_scoped3A_34, %dma_start3A_407, %dma_start3A_408] : memref<5x64x128xf32, #tpu.memory_space<vmem>> -> memref<1x64x128xf32, #tpu.memory_space<vmem>>
      %dma_start3A_410 = tpu.memref_squeeze %dma_start3A_409 : memref<1x64x128xf32, #tpu.memory_space<vmem>> -> memref<64x128xf32, #tpu.memory_space<vmem>>
      %dma_start3A_411 = arith.constant 0 : i32
      %dma_start3A_412 = tpu.memref_slice %arg6[%add3A_33, %dma_start3A_411] : memref<10240x128xf32, #tpu.memory_space<vmem_shared>> -> memref<64x128xf32, #tpu.memory_space<vmem_shared>>
      %dma_start3A_413 = arith.constant 0 : i32
      %dma_start3A_414 = tpu.memref_slice %arg6[%add3A_33, %dma_start3A_413] : memref<10240x128xf32, #tpu.memory_space<vmem_shared>> -> memref<64x128xf32, #tpu.memory_space<vmem_shared>>
      %dma_start3A_415 = arith.constant 0 : i32
      %dma_start3A_416 = arith.constant 0 : i32
      %dma_start3A_417 = tpu.memref_slice %arg9[%run_scoped3A_34, %dma_start3A_415, %dma_start3A_416] : memref<5x64x128xf32, #tpu.memory_space<vmem>> -> memref<1x64x128xf32, #tpu.memory_space<vmem>>
      %dma_start3A_418 = tpu.memref_squeeze %dma_start3A_417 : memref<1x64x128xf32, #tpu.memory_space<vmem>> -> memref<64x128xf32, #tpu.memory_space<vmem>>
      tpu.enqueue_dma source(%dma_start3A_418 : memref<64x128xf32, #tpu.memory_space<vmem>>) target(%dma_start3A_414 : memref<64x128xf32, #tpu.memory_space<vmem_shared>>) target_semaphore(%run_scoped3A_406 : memref<!tpu.dma_semaphore, #tpu.memory_space<semaphore_mem>>)
      %dma_wait3A_419 = arith.constant 0 : i32
      %dma_wait3A_420 = arith.constant 0 : i32
      %dma_wait3A_421 = tpu.memref_slice %arg9[%run_scoped3A_34, %dma_wait3A_419, %dma_wait3A_420] : memref<5x64x128xf32, #tpu.memory_space<vmem>> -> memref<1x64x128xf32, #tpu.memory_space<vmem>>
      %dma_wait3A_422 = tpu.memref_squeeze %dma_wait3A_421 : memref<1x64x128xf32, #tpu.memory_space<vmem>> -> memref<64x128xf32, #tpu.memory_space<vmem>>
      %dma_wait3A_423 = arith.constant 0 : i32
      %dma_wait3A_424 = tpu.memref_slice %arg6[%add3A_33, %dma_wait3A_423] : memref<10240x128xf32, #tpu.memory_space<vmem_shared>> -> memref<64x128xf32, #tpu.memory_space<vmem_shared>>
      %dma_wait3A_425 = arith.constant 0 : i32
      %dma_wait3A_426 = tpu.memref_slice %arg6[%add3A_33, %dma_wait3A_425] : memref<10240x128xf32, #tpu.memory_space<vmem_shared>> -> memref<64x128xf32, #tpu.memory_space<vmem_shared>>
      %dma_wait3A_427 = arith.constant 0 : i32
      %dma_wait3A_428 = arith.constant 0 : i32
      %dma_wait3A_429 = tpu.memref_slice %arg9[%run_scoped3A_34, %dma_wait3A_427, %dma_wait3A_428] : memref<5x64x128xf32, #tpu.memory_space<vmem>> -> memref<1x64x128xf32, #tpu.memory_space<vmem>>
      %dma_wait3A_430 = tpu.memref_squeeze %dma_wait3A_429 : memref<1x64x128xf32, #tpu.memory_space<vmem>> -> memref<64x128xf32, #tpu.memory_space<vmem>>
      tpu.wait_dma2 semaphore(%run_scoped3A_406 : memref<!tpu.dma_semaphore, #tpu.memory_space<semaphore_mem>>) src(%dma_wait3A_430 : memref<64x128xf32, #tpu.memory_space<vmem>>) dst(%dma_wait3A_426 : memref<64x128xf32, #tpu.memory_space<vmem_shared>>)
      tpu.yield
    }) : () -> ()
    %add3A_35 = arith.constant 512 : i32
    %add3A_36 = arith.addi %mul3A_11, %add3A_35 : i32
    %run_scoped3A_37 = arith.constant 0 : i32
    "tpu.region"() ({
      %run_scoped3A_406 = tpu.sem_alloc : memref<!tpu.dma_semaphore, #tpu.memory_space<semaphore_mem>>
      %dma_start3A_407 = arith.constant 0 : i32
      %dma_start3A_408 = arith.constant 0 : i32
      %dma_start3A_409 = tpu.memref_slice %arg9[%run_scoped3A_37, %dma_start3A_407, %dma_start3A_408] : memref<5x64x128xf32, #tpu.memory_space<vmem>> -> memref<1x64x128xf32, #tpu.memory_space<vmem>>
      %dma_start3A_410 = tpu.memref_squeeze %dma_start3A_409 : memref<1x64x128xf32, #tpu.memory_space<vmem>> -> memref<64x128xf32, #tpu.memory_space<vmem>>
      %dma_start3A_411 = arith.constant 0 : i32
      %dma_start3A_412 = tpu.memref_slice %arg6[%add3A_36, %dma_start3A_411] : memref<10240x128xf32, #tpu.memory_space<vmem_shared>> -> memref<64x128xf32, #tpu.memory_space<vmem_shared>>
      %dma_start3A_413 = arith.constant 0 : i32
      %dma_start3A_414 = tpu.memref_slice %arg6[%add3A_36, %dma_start3A_413] : memref<10240x128xf32, #tpu.memory_space<vmem_shared>> -> memref<64x128xf32, #tpu.memory_space<vmem_shared>>
      %dma_start3A_415 = arith.constant 0 : i32
      %dma_start3A_416 = arith.constant 0 : i32
      %dma_start3A_417 = tpu.memref_slice %arg9[%run_scoped3A_37, %dma_start3A_415, %dma_start3A_416] : memref<5x64x128xf32, #tpu.memory_space<vmem>> -> memref<1x64x128xf32, #tpu.memory_space<vmem>>
      %dma_start3A_418 = tpu.memref_squeeze %dma_start3A_417 : memref<1x64x128xf32, #tpu.memory_space<vmem>> -> memref<64x128xf32, #tpu.memory_space<vmem>>
      tpu.enqueue_dma source(%dma_start3A_418 : memref<64x128xf32, #tpu.memory_space<vmem>>) target(%dma_start3A_414 : memref<64x128xf32, #tpu.memory_space<vmem_shared>>) target_semaphore(%run_scoped3A_406 : memref<!tpu.dma_semaphore, #tpu.memory_space<semaphore_mem>>)
      %dma_wait3A_419 = arith.constant 0 : i32
      %dma_wait3A_420 = arith.constant 0 : i32
      %dma_wait3A_421 = tpu.memref_slice %arg9[%run_scoped3A_37, %dma_wait3A_419, %dma_wait3A_420] : memref<5x64x128xf32, #tpu.memory_space<vmem>> -> memref<1x64x128xf32, #tpu.memory_space<vmem>>
      %dma_wait3A_422 = tpu.memref_squeeze %dma_wait3A_421 : memref<1x64x128xf32, #tpu.memory_space<vmem>> -> memref<64x128xf32, #tpu.memory_space<vmem>>
      %dma_wait3A_423 = arith.constant 0 : i32
      %dma_wait3A_424 = tpu.memref_slice %arg6[%add3A_36, %dma_wait3A_423] : memref<10240x128xf32, #tpu.memory_space<vmem_shared>> -> memref<64x128xf32, #tpu.memory_space<vmem_shared>>
      %dma_wait3A_425 = arith.constant 0 : i32
      %dma_wait3A_426 = tpu.memref_slice %arg6[%add3A_36, %dma_wait3A_425] : memref<10240x128xf32, #tpu.memory_space<vmem_shared>> -> memref<64x128xf32, #tpu.memory_space<vmem_shared>>
      %dma_wait3A_427 = arith.constant 0 : i32
      %dma_wait3A_428 = arith.constant 0 : i32
      %dma_wait3A_429 = tpu.memref_slice %arg9[%run_scoped3A_37, %dma_wait3A_427, %dma_wait3A_428] : memref<5x64x128xf32, #tpu.memory_space<vmem>> -> memref<1x64x128xf32, #tpu.memory_space<vmem>>
      %dma_wait3A_430 = tpu.memref_squeeze %dma_wait3A_429 : memref<1x64x128xf32, #tpu.memory_space<vmem>> -> memref<64x128xf32, #tpu.memory_space<vmem>>
      tpu.wait_dma2 semaphore(%run_scoped3A_406 : memref<!tpu.dma_semaphore, #tpu.memory_space<semaphore_mem>>) src(%dma_wait3A_430 : memref<64x128xf32, #tpu.memory_space<vmem>>) dst(%dma_wait3A_426 : memref<64x128xf32, #tpu.memory_space<vmem_shared>>)
      tpu.yield
    }) : () -> ()
    %add3A_38 = arith.constant 576 : i32
    %add3A_39 = arith.addi %mul3A_11, %add3A_38 : i32
    %run_scoped3A_40 = arith.constant 0 : i32
    "tpu.region"() ({
      %run_scoped3A_406 = tpu.sem_alloc : memref<!tpu.dma_semaphore, #tpu.memory_space<semaphore_mem>>
      %dma_start3A_407 = arith.constant 0 : i32
      %dma_start3A_408 = arith.constant 0 : i32
      %dma_start3A_409 = tpu.memref_slice %arg9[%run_scoped3A_40, %dma_start3A_407, %dma_start3A_408] : memref<5x64x128xf32, #tpu.memory_space<vmem>> -> memref<1x64x128xf32, #tpu.memory_space<vmem>>
      %dma_start3A_410 = tpu.memref_squeeze %dma_start3A_409 : memref<1x64x128xf32, #tpu.memory_space<vmem>> -> memref<64x128xf32, #tpu.memory_space<vmem>>
      %dma_start3A_411 = arith.constant 0 : i32
      %dma_start3A_412 = tpu.memref_slice %arg6[%add3A_39, %dma_start3A_411] : memref<10240x128xf32, #tpu.memory_space<vmem_shared>> -> memref<64x128xf32, #tpu.memory_space<vmem_shared>>
      %dma_start3A_413 = arith.constant 0 : i32
      %dma_start3A_414 = tpu.memref_slice %arg6[%add3A_39, %dma_start3A_413] : memref<10240x128xf32, #tpu.memory_space<vmem_shared>> -> memref<64x128xf32, #tpu.memory_space<vmem_shared>>
      %dma_start3A_415 = arith.constant 0 : i32
      %dma_start3A_416 = arith.constant 0 : i32
      %dma_start3A_417 = tpu.memref_slice %arg9[%run_scoped3A_40, %dma_start3A_415, %dma_start3A_416] : memref<5x64x128xf32, #tpu.memory_space<vmem>> -> memref<1x64x128xf32, #tpu.memory_space<vmem>>
      %dma_start3A_418 = tpu.memref_squeeze %dma_start3A_417 : memref<1x64x128xf32, #tpu.memory_space<vmem>> -> memref<64x128xf32, #tpu.memory_space<vmem>>
      tpu.enqueue_dma source(%dma_start3A_418 : memref<64x128xf32, #tpu.memory_space<vmem>>) target(%dma_start3A_414 : memref<64x128xf32, #tpu.memory_space<vmem_shared>>) target_semaphore(%run_scoped3A_406 : memref<!tpu.dma_semaphore, #tpu.memory_space<semaphore_mem>>)
      %dma_wait3A_419 = arith.constant 0 : i32
      %dma_wait3A_420 = arith.constant 0 : i32
      %dma_wait3A_421 = tpu.memref_slice %arg9[%run_scoped3A_40, %dma_wait3A_419, %dma_wait3A_420] : memref<5x64x128xf32, #tpu.memory_space<vmem>> -> memref<1x64x128xf32, #tpu.memory_space<vmem>>
      %dma_wait3A_422 = tpu.memref_squeeze %dma_wait3A_421 : memref<1x64x128xf32, #tpu.memory_space<vmem>> -> memref<64x128xf32, #tpu.memory_space<vmem>>
      %dma_wait3A_423 = arith.constant 0 : i32
      %dma_wait3A_424 = tpu.memref_slice %arg6[%add3A_39, %dma_wait3A_423] : memref<10240x128xf32, #tpu.memory_space<vmem_shared>> -> memref<64x128xf32, #tpu.memory_space<vmem_shared>>
      %dma_wait3A_425 = arith.constant 0 : i32
      %dma_wait3A_426 = tpu.memref_slice %arg6[%add3A_39, %dma_wait3A_425] : memref<10240x128xf32, #tpu.memory_space<vmem_shared>> -> memref<64x128xf32, #tpu.memory_space<vmem_shared>>
      %dma_wait3A_427 = arith.constant 0 : i32
      %dma_wait3A_428 = arith.constant 0 : i32
      %dma_wait3A_429 = tpu.memref_slice %arg9[%run_scoped3A_40, %dma_wait3A_427, %dma_wait3A_428] : memref<5x64x128xf32, #tpu.memory_space<vmem>> -> memref<1x64x128xf32, #tpu.memory_space<vmem>>
      %dma_wait3A_430 = tpu.memref_squeeze %dma_wait3A_429 : memref<1x64x128xf32, #tpu.memory_space<vmem>> -> memref<64x128xf32, #tpu.memory_space<vmem>>
      tpu.wait_dma2 semaphore(%run_scoped3A_406 : memref<!tpu.dma_semaphore, #tpu.memory_space<semaphore_mem>>) src(%dma_wait3A_430 : memref<64x128xf32, #tpu.memory_space<vmem>>) dst(%dma_wait3A_426 : memref<64x128xf32, #tpu.memory_space<vmem_shared>>)
      tpu.yield
    }) : () -> ()
    %barrier3A = arith.constant 0 : index
    tpu.barrier barrier_id(%barrier3A)
    %add3A_41 = arith.constant 0 : i32
    %add3A_42 = arith.addi %mul3A_2, %add3A_41 : i32
    %dma_start3A = arith.constant 0 : i32
    %dma_start3A_43 = arith.constant 0 : i32
    %dma_start3A_44 = tpu.memref_slice %arg7[%dma_start3A, %dma_start3A_43] : memref<5x64xi32, #tpu.memory_space<vmem>> -> memref<1x64xi32, #tpu.memory_space<vmem>>
    %dma_start3A_45 = tpu.memref_squeeze %dma_start3A_44 : memref<1x64xi32, #tpu.memory_space<vmem>> -> memref<64xi32, #tpu.memory_space<vmem>>
    %dma_start3A_46 = arith.constant 0 : i32
    %dma_start3A_47 = tpu.memref_slice %arg3[%add3A_42, %dma_start3A_46] : memref<5120x64xi32, #tpu.memory_space<hbm>> -> memref<1x64xi32, #tpu.memory_space<hbm>>
    %dma_start3A_48 = tpu.memref_squeeze %dma_start3A_47 : memref<1x64xi32, #tpu.memory_space<hbm>> -> memref<64xi32, #tpu.memory_space<hbm>>
    %dma_start3A_49 = arith.constant 0 : i32
    %dma_start3A_50 = tpu.memref_slice %arg7[%dma_start3A, %dma_start3A_49] : memref<5x64xi32, #tpu.memory_space<vmem>> -> memref<1x64xi32, #tpu.memory_space<vmem>>
    %dma_start3A_51 = tpu.memref_squeeze %dma_start3A_50 : memref<1x64xi32, #tpu.memory_space<vmem>> -> memref<64xi32, #tpu.memory_space<vmem>>
    %dma_start3A_52 = arith.constant 0 : i32
    %dma_start3A_53 = tpu.memref_slice %arg3[%add3A_42, %dma_start3A_52] : memref<5120x64xi32, #tpu.memory_space<hbm>> -> memref<1x64xi32, #tpu.memory_space<hbm>>
    %dma_start3A_54 = tpu.memref_squeeze %dma_start3A_53 : memref<1x64xi32, #tpu.memory_space<hbm>> -> memref<64xi32, #tpu.memory_space<hbm>>
    tpu.enqueue_dma source(%dma_start3A_54 : memref<64xi32, #tpu.memory_space<hbm>>) target(%dma_start3A_51 : memref<64xi32, #tpu.memory_space<vmem>>) target_semaphore(%arg10 : memref<!tpu.dma_semaphore, #tpu.memory_space<semaphore_mem>>)
    %add3A_55 = arith.constant 0 : i32
    %add3A_56 = arith.addi %mul3A_2, %add3A_55 : i32
    %dma_start3A_57 = arith.constant 0 : i32
    %dma_start3A_58 = arith.constant 0 : i32
    %dma_start3A_59 = tpu.memref_slice %arg8[%dma_start3A_57, %dma_start3A_58] : memref<5x64xi32, #tpu.memory_space<vmem>> -> memref<1x64xi32, #tpu.memory_space<vmem>>
    %dma_start3A_60 = tpu.memref_squeeze %dma_start3A_59 : memref<1x64xi32, #tpu.memory_space<vmem>> -> memref<64xi32, #tpu.memory_space<vmem>>
    %dma_start3A_61 = arith.constant 0 : i32
    %dma_start3A_62 = tpu.memref_slice %arg4[%add3A_56, %dma_start3A_61] : memref<5120x64xi32, #tpu.memory_space<hbm>> -> memref<1x64xi32, #tpu.memory_space<hbm>>
    %dma_start3A_63 = tpu.memref_squeeze %dma_start3A_62 : memref<1x64xi32, #tpu.memory_space<hbm>> -> memref<64xi32, #tpu.memory_space<hbm>>
    %dma_start3A_64 = arith.constant 0 : i32
    %dma_start3A_65 = tpu.memref_slice %arg8[%dma_start3A_57, %dma_start3A_64] : memref<5x64xi32, #tpu.memory_space<vmem>> -> memref<1x64xi32, #tpu.memory_space<vmem>>
    %dma_start3A_66 = tpu.memref_squeeze %dma_start3A_65 : memref<1x64xi32, #tpu.memory_space<vmem>> -> memref<64xi32, #tpu.memory_space<vmem>>
    %dma_start3A_67 = arith.constant 0 : i32
    %dma_start3A_68 = tpu.memref_slice %arg4[%add3A_56, %dma_start3A_67] : memref<5120x64xi32, #tpu.memory_space<hbm>> -> memref<1x64xi32, #tpu.memory_space<hbm>>
    %dma_start3A_69 = tpu.memref_squeeze %dma_start3A_68 : memref<1x64xi32, #tpu.memory_space<hbm>> -> memref<64xi32, #tpu.memory_space<hbm>>
    tpu.enqueue_dma source(%dma_start3A_69 : memref<64xi32, #tpu.memory_space<hbm>>) target(%dma_start3A_66 : memref<64xi32, #tpu.memory_space<vmem>>) target_semaphore(%arg10 : memref<!tpu.dma_semaphore, #tpu.memory_space<semaphore_mem>>)
    %add3A_70 = arith.constant 1 : i32
    %add3A_71 = arith.addi %mul3A_2, %add3A_70 : i32
    %dma_start3A_72 = arith.constant 1 : i32
    %dma_start3A_73 = arith.constant 0 : i32
    %dma_start3A_74 = tpu.memref_slice %arg7[%dma_start3A_72, %dma_start3A_73] : memref<5x64xi32, #tpu.memory_space<vmem>> -> memref<1x64xi32, #tpu.memory_space<vmem>>
    %dma_start3A_75 = tpu.memref_squeeze %dma_start3A_74 : memref<1x64xi32, #tpu.memory_space<vmem>> -> memref<64xi32, #tpu.memory_space<vmem>>
    %dma_start3A_76 = arith.constant 0 : i32
    %dma_start3A_77 = tpu.memref_slice %arg3[%add3A_71, %dma_start3A_76] : memref<5120x64xi32, #tpu.memory_space<hbm>> -> memref<1x64xi32, #tpu.memory_space<hbm>>
    %dma_start3A_78 = tpu.memref_squeeze %dma_start3A_77 : memref<1x64xi32, #tpu.memory_space<hbm>> -> memref<64xi32, #tpu.memory_space<hbm>>
    %dma_start3A_79 = arith.constant 0 : i32
    %dma_start3A_80 = tpu.memref_slice %arg7[%dma_start3A_72, %dma_start3A_79] : memref<5x64xi32, #tpu.memory_space<vmem>> -> memref<1x64xi32, #tpu.memory_space<vmem>>
    %dma_start3A_81 = tpu.memref_squeeze %dma_start3A_80 : memref<1x64xi32, #tpu.memory_space<vmem>> -> memref<64xi32, #tpu.memory_space<vmem>>
    %dma_start3A_82 = arith.constant 0 : i32
    %dma_start3A_83 = tpu.memref_slice %arg3[%add3A_71, %dma_start3A_82] : memref<5120x64xi32, #tpu.memory_space<hbm>> -> memref<1x64xi32, #tpu.memory_space<hbm>>
    %dma_start3A_84 = tpu.memref_squeeze %dma_start3A_83 : memref<1x64xi32, #tpu.memory_space<hbm>> -> memref<64xi32, #tpu.memory_space<hbm>>
    tpu.enqueue_dma source(%dma_start3A_84 : memref<64xi32, #tpu.memory_space<hbm>>) target(%dma_start3A_81 : memref<64xi32, #tpu.memory_space<vmem>>) target_semaphore(%arg11 : memref<!tpu.dma_semaphore, #tpu.memory_space<semaphore_mem>>)
    %add3A_85 = arith.constant 1 : i32
    %add3A_86 = arith.addi %mul3A_2, %add3A_85 : i32
    %dma_start3A_87 = arith.constant 1 : i32
    %dma_start3A_88 = arith.constant 0 : i32
    %dma_start3A_89 = tpu.memref_slice %arg8[%dma_start3A_87, %dma_start3A_88] : memref<5x64xi32, #tpu.memory_space<vmem>> -> memref<1x64xi32, #tpu.memory_space<vmem>>
    %dma_start3A_90 = tpu.memref_squeeze %dma_start3A_89 : memref<1x64xi32, #tpu.memory_space<vmem>> -> memref<64xi32, #tpu.memory_space<vmem>>
    %dma_start3A_91 = arith.constant 0 : i32
    %dma_start3A_92 = tpu.memref_slice %arg4[%add3A_86, %dma_start3A_91] : memref<5120x64xi32, #tpu.memory_space<hbm>> -> memref<1x64xi32, #tpu.memory_space<hbm>>
    %dma_start3A_93 = tpu.memref_squeeze %dma_start3A_92 : memref<1x64xi32, #tpu.memory_space<hbm>> -> memref<64xi32, #tpu.memory_space<hbm>>
    %dma_start3A_94 = arith.constant 0 : i32
    %dma_start3A_95 = tpu.memref_slice %arg8[%dma_start3A_87, %dma_start3A_94] : memref<5x64xi32, #tpu.memory_space<vmem>> -> memref<1x64xi32, #tpu.memory_space<vmem>>
    %dma_start3A_96 = tpu.memref_squeeze %dma_start3A_95 : memref<1x64xi32, #tpu.memory_space<vmem>> -> memref<64xi32, #tpu.memory_space<vmem>>
    %dma_start3A_97 = arith.constant 0 : i32
    %dma_start3A_98 = tpu.memref_slice %arg4[%add3A_86, %dma_start3A_97] : memref<5120x64xi32, #tpu.memory_space<hbm>> -> memref<1x64xi32, #tpu.memory_space<hbm>>
    %dma_start3A_99 = tpu.memref_squeeze %dma_start3A_98 : memref<1x64xi32, #tpu.memory_space<hbm>> -> memref<64xi32, #tpu.memory_space<hbm>>
    tpu.enqueue_dma source(%dma_start3A_99 : memref<64xi32, #tpu.memory_space<hbm>>) target(%dma_start3A_96 : memref<64xi32, #tpu.memory_space<vmem>>) target_semaphore(%arg11 : memref<!tpu.dma_semaphore, #tpu.memory_space<semaphore_mem>>)
    %add3A_100 = arith.constant 2 : i32
    %add3A_101 = arith.addi %mul3A_2, %add3A_100 : i32
    %dma_start3A_102 = arith.constant 2 : i32
    %dma_start3A_103 = arith.constant 0 : i32
    %dma_start3A_104 = tpu.memref_slice %arg7[%dma_start3A_102, %dma_start3A_103] : memref<5x64xi32, #tpu.memory_space<vmem>> -> memref<1x64xi32, #tpu.memory_space<vmem>>
    %dma_start3A_105 = tpu.memref_squeeze %dma_start3A_104 : memref<1x64xi32, #tpu.memory_space<vmem>> -> memref<64xi32, #tpu.memory_space<vmem>>
    %dma_start3A_106 = arith.constant 0 : i32
    %dma_start3A_107 = tpu.memref_slice %arg3[%add3A_101, %dma_start3A_106] : memref<5120x64xi32, #tpu.memory_space<hbm>> -> memref<1x64xi32, #tpu.memory_space<hbm>>
    %dma_start3A_108 = tpu.memref_squeeze %dma_start3A_107 : memref<1x64xi32, #tpu.memory_space<hbm>> -> memref<64xi32, #tpu.memory_space<hbm>>
    %dma_start3A_109 = arith.constant 0 : i32
    %dma_start3A_110 = tpu.memref_slice %arg7[%dma_start3A_102, %dma_start3A_109] : memref<5x64xi32, #tpu.memory_space<vmem>> -> memref<1x64xi32, #tpu.memory_space<vmem>>
    %dma_start3A_111 = tpu.memref_squeeze %dma_start3A_110 : memref<1x64xi32, #tpu.memory_space<vmem>> -> memref<64xi32, #tpu.memory_space<vmem>>
    %dma_start3A_112 = arith.constant 0 : i32
    %dma_start3A_113 = tpu.memref_slice %arg3[%add3A_101, %dma_start3A_112] : memref<5120x64xi32, #tpu.memory_space<hbm>> -> memref<1x64xi32, #tpu.memory_space<hbm>>
    %dma_start3A_114 = tpu.memref_squeeze %dma_start3A_113 : memref<1x64xi32, #tpu.memory_space<hbm>> -> memref<64xi32, #tpu.memory_space<hbm>>
    tpu.enqueue_dma source(%dma_start3A_114 : memref<64xi32, #tpu.memory_space<hbm>>) target(%dma_start3A_111 : memref<64xi32, #tpu.memory_space<vmem>>) target_semaphore(%arg12 : memref<!tpu.dma_semaphore, #tpu.memory_space<semaphore_mem>>)
    %add3A_115 = arith.constant 2 : i32
    %add3A_116 = arith.addi %mul3A_2, %add3A_115 : i32
    %dma_start3A_117 = arith.constant 2 : i32
    %dma_start3A_118 = arith.constant 0 : i32
    %dma_start3A_119 = tpu.memref_slice %arg8[%dma_start3A_117, %dma_start3A_118] : memref<5x64xi32, #tpu.memory_space<vmem>> -> memref<1x64xi32, #tpu.memory_space<vmem>>
    %dma_start3A_120 = tpu.memref_squeeze %dma_start3A_119 : memref<1x64xi32, #tpu.memory_space<vmem>> -> memref<64xi32, #tpu.memory_space<vmem>>
    %dma_start3A_121 = arith.constant 0 : i32
    %dma_start3A_122 = tpu.memref_slice %arg4[%add3A_116, %dma_start3A_121] : memref<5120x64xi32, #tpu.memory_space<hbm>> -> memref<1x64xi32, #tpu.memory_space<hbm>>
    %dma_start3A_123 = tpu.memref_squeeze %dma_start3A_122 : memref<1x64xi32, #tpu.memory_space<hbm>> -> memref<64xi32, #tpu.memory_space<hbm>>
    %dma_start3A_124 = arith.constant 0 : i32
    %dma_start3A_125 = tpu.memref_slice %arg8[%dma_start3A_117, %dma_start3A_124] : memref<5x64xi32, #tpu.memory_space<vmem>> -> memref<1x64xi32, #tpu.memory_space<vmem>>
    %dma_start3A_126 = tpu.memref_squeeze %dma_start3A_125 : memref<1x64xi32, #tpu.memory_space<vmem>> -> memref<64xi32, #tpu.memory_space<vmem>>
    %dma_start3A_127 = arith.constant 0 : i32
    %dma_start3A_128 = tpu.memref_slice %arg4[%add3A_116, %dma_start3A_127] : memref<5120x64xi32, #tpu.memory_space<hbm>> -> memref<1x64xi32, #tpu.memory_space<hbm>>
    %dma_start3A_129 = tpu.memref_squeeze %dma_start3A_128 : memref<1x64xi32, #tpu.memory_space<hbm>> -> memref<64xi32, #tpu.memory_space<hbm>>
    tpu.enqueue_dma source(%dma_start3A_129 : memref<64xi32, #tpu.memory_space<hbm>>) target(%dma_start3A_126 : memref<64xi32, #tpu.memory_space<vmem>>) target_semaphore(%arg12 : memref<!tpu.dma_semaphore, #tpu.memory_space<semaphore_mem>>)
    %add3A_130 = arith.constant 3 : i32
    %add3A_131 = arith.addi %mul3A_2, %add3A_130 : i32
    %dma_start3A_132 = arith.constant 3 : i32
    %dma_start3A_133 = arith.constant 0 : i32
    %dma_start3A_134 = tpu.memref_slice %arg7[%dma_start3A_132, %dma_start3A_133] : memref<5x64xi32, #tpu.memory_space<vmem>> -> memref<1x64xi32, #tpu.memory_space<vmem>>
    %dma_start3A_135 = tpu.memref_squeeze %dma_start3A_134 : memref<1x64xi32, #tpu.memory_space<vmem>> -> memref<64xi32, #tpu.memory_space<vmem>>
    %dma_start3A_136 = arith.constant 0 : i32
    %dma_start3A_137 = tpu.memref_slice %arg3[%add3A_131, %dma_start3A_136] : memref<5120x64xi32, #tpu.memory_space<hbm>> -> memref<1x64xi32, #tpu.memory_space<hbm>>
    %dma_start3A_138 = tpu.memref_squeeze %dma_start3A_137 : memref<1x64xi32, #tpu.memory_space<hbm>> -> memref<64xi32, #tpu.memory_space<hbm>>
    %dma_start3A_139 = arith.constant 0 : i32
    %dma_start3A_140 = tpu.memref_slice %arg7[%dma_start3A_132, %dma_start3A_139] : memref<5x64xi32, #tpu.memory_space<vmem>> -> memref<1x64xi32, #tpu.memory_space<vmem>>
    %dma_start3A_141 = tpu.memref_squeeze %dma_start3A_140 : memref<1x64xi32, #tpu.memory_space<vmem>> -> memref<64xi32, #tpu.memory_space<vmem>>
    %dma_start3A_142 = arith.constant 0 : i32
    %dma_start3A_143 = tpu.memref_slice %arg3[%add3A_131, %dma_start3A_142] : memref<5120x64xi32, #tpu.memory_space<hbm>> -> memref<1x64xi32, #tpu.memory_space<hbm>>
    %dma_start3A_144 = tpu.memref_squeeze %dma_start3A_143 : memref<1x64xi32, #tpu.memory_space<hbm>> -> memref<64xi32, #tpu.memory_space<hbm>>
    tpu.enqueue_dma source(%dma_start3A_144 : memref<64xi32, #tpu.memory_space<hbm>>) target(%dma_start3A_141 : memref<64xi32, #tpu.memory_space<vmem>>) target_semaphore(%arg13 : memref<!tpu.dma_semaphore, #tpu.memory_space<semaphore_mem>>)
    %add3A_145 = arith.constant 3 : i32
    %add3A_146 = arith.addi %mul3A_2, %add3A_145 : i32
    %dma_start3A_147 = arith.constant 3 : i32
    %dma_start3A_148 = arith.constant 0 : i32
    %dma_start3A_149 = tpu.memref_slice %arg8[%dma_start3A_147, %dma_start3A_148] : memref<5x64xi32, #tpu.memory_space<vmem>> -> memref<1x64xi32, #tpu.memory_space<vmem>>
    %dma_start3A_150 = tpu.memref_squeeze %dma_start3A_149 : memref<1x64xi32, #tpu.memory_space<vmem>> -> memref<64xi32, #tpu.memory_space<vmem>>
    %dma_start3A_151 = arith.constant 0 : i32
    %dma_start3A_152 = tpu.memref_slice %arg4[%add3A_146, %dma_start3A_151] : memref<5120x64xi32, #tpu.memory_space<hbm>> -> memref<1x64xi32, #tpu.memory_space<hbm>>
    %dma_start3A_153 = tpu.memref_squeeze %dma_start3A_152 : memref<1x64xi32, #tpu.memory_space<hbm>> -> memref<64xi32, #tpu.memory_space<hbm>>
    %dma_start3A_154 = arith.constant 0 : i32
    %dma_start3A_155 = tpu.memref_slice %arg8[%dma_start3A_147, %dma_start3A_154] : memref<5x64xi32, #tpu.memory_space<vmem>> -> memref<1x64xi32, #tpu.memory_space<vmem>>
    %dma_start3A_156 = tpu.memref_squeeze %dma_start3A_155 : memref<1x64xi32, #tpu.memory_space<vmem>> -> memref<64xi32, #tpu.memory_space<vmem>>
    %dma_start3A_157 = arith.constant 0 : i32
    %dma_start3A_158 = tpu.memref_slice %arg4[%add3A_146, %dma_start3A_157] : memref<5120x64xi32, #tpu.memory_space<hbm>> -> memref<1x64xi32, #tpu.memory_space<hbm>>
    %dma_start3A_159 = tpu.memref_squeeze %dma_start3A_158 : memref<1x64xi32, #tpu.memory_space<hbm>> -> memref<64xi32, #tpu.memory_space<hbm>>
    tpu.enqueue_dma source(%dma_start3A_159 : memref<64xi32, #tpu.memory_space<hbm>>) target(%dma_start3A_156 : memref<64xi32, #tpu.memory_space<vmem>>) target_semaphore(%arg13 : memref<!tpu.dma_semaphore, #tpu.memory_space<semaphore_mem>>)
    %add3A_160 = arith.constant 4 : i32
    %add3A_161 = arith.addi %mul3A_2, %add3A_160 : i32
    %dma_start3A_162 = arith.constant 4 : i32
    %dma_start3A_163 = arith.constant 0 : i32
    %dma_start3A_164 = tpu.memref_slice %arg7[%dma_start3A_162, %dma_start3A_163] : memref<5x64xi32, #tpu.memory_space<vmem>> -> memref<1x64xi32, #tpu.memory_space<vmem>>
    %dma_start3A_165 = tpu.memref_squeeze %dma_start3A_164 : memref<1x64xi32, #tpu.memory_space<vmem>> -> memref<64xi32, #tpu.memory_space<vmem>>
    %dma_start3A_166 = arith.constant 0 : i32
    %dma_start3A_167 = tpu.memref_slice %arg3[%add3A_161, %dma_start3A_166] : memref<5120x64xi32, #tpu.memory_space<hbm>> -> memref<1x64xi32, #tpu.memory_space<hbm>>
    %dma_start3A_168 = tpu.memref_squeeze %dma_start3A_167 : memref<1x64xi32, #tpu.memory_space<hbm>> -> memref<64xi32, #tpu.memory_space<hbm>>
    %dma_start3A_169 = arith.constant 0 : i32
    %dma_start3A_170 = tpu.memref_slice %arg7[%dma_start3A_162, %dma_start3A_169] : memref<5x64xi32, #tpu.memory_space<vmem>> -> memref<1x64xi32, #tpu.memory_space<vmem>>
    %dma_start3A_171 = tpu.memref_squeeze %dma_start3A_170 : memref<1x64xi32, #tpu.memory_space<vmem>> -> memref<64xi32, #tpu.memory_space<vmem>>
    %dma_start3A_172 = arith.constant 0 : i32
    %dma_start3A_173 = tpu.memref_slice %arg3[%add3A_161, %dma_start3A_172] : memref<5120x64xi32, #tpu.memory_space<hbm>> -> memref<1x64xi32, #tpu.memory_space<hbm>>
    %dma_start3A_174 = tpu.memref_squeeze %dma_start3A_173 : memref<1x64xi32, #tpu.memory_space<hbm>> -> memref<64xi32, #tpu.memory_space<hbm>>
    tpu.enqueue_dma source(%dma_start3A_174 : memref<64xi32, #tpu.memory_space<hbm>>) target(%dma_start3A_171 : memref<64xi32, #tpu.memory_space<vmem>>) target_semaphore(%arg14 : memref<!tpu.dma_semaphore, #tpu.memory_space<semaphore_mem>>)
    %add3A_175 = arith.constant 4 : i32
    %add3A_176 = arith.addi %mul3A_2, %add3A_175 : i32
    %dma_start3A_177 = arith.constant 4 : i32
    %dma_start3A_178 = arith.constant 0 : i32
    %dma_start3A_179 = tpu.memref_slice %arg8[%dma_start3A_177, %dma_start3A_178] : memref<5x64xi32, #tpu.memory_space<vmem>> -> memref<1x64xi32, #tpu.memory_space<vmem>>
    %dma_start3A_180 = tpu.memref_squeeze %dma_start3A_179 : memref<1x64xi32, #tpu.memory_space<vmem>> -> memref<64xi32, #tpu.memory_space<vmem>>
    %dma_start3A_181 = arith.constant 0 : i32
    %dma_start3A_182 = tpu.memref_slice %arg4[%add3A_176, %dma_start3A_181] : memref<5120x64xi32, #tpu.memory_space<hbm>> -> memref<1x64xi32, #tpu.memory_space<hbm>>
    %dma_start3A_183 = tpu.memref_squeeze %dma_start3A_182 : memref<1x64xi32, #tpu.memory_space<hbm>> -> memref<64xi32, #tpu.memory_space<hbm>>
    %dma_start3A_184 = arith.constant 0 : i32
    %dma_start3A_185 = tpu.memref_slice %arg8[%dma_start3A_177, %dma_start3A_184] : memref<5x64xi32, #tpu.memory_space<vmem>> -> memref<1x64xi32, #tpu.memory_space<vmem>>
    %dma_start3A_186 = tpu.memref_squeeze %dma_start3A_185 : memref<1x64xi32, #tpu.memory_space<vmem>> -> memref<64xi32, #tpu.memory_space<vmem>>
    %dma_start3A_187 = arith.constant 0 : i32
    %dma_start3A_188 = tpu.memref_slice %arg4[%add3A_176, %dma_start3A_187] : memref<5120x64xi32, #tpu.memory_space<hbm>> -> memref<1x64xi32, #tpu.memory_space<hbm>>
    %dma_start3A_189 = tpu.memref_squeeze %dma_start3A_188 : memref<1x64xi32, #tpu.memory_space<hbm>> -> memref<64xi32, #tpu.memory_space<hbm>>
    tpu.enqueue_dma source(%dma_start3A_189 : memref<64xi32, #tpu.memory_space<hbm>>) target(%dma_start3A_186 : memref<64xi32, #tpu.memory_space<vmem>>) target_semaphore(%arg14 : memref<!tpu.dma_semaphore, #tpu.memory_space<semaphore_mem>>)
    %add3A_190 = arith.constant 0 : i32
    %add3A_191 = arith.addi %mul3A_2, %add3A_190 : i32
    %dma_wait3A = arith.constant 0 : i32
    %dma_wait3A_192 = arith.constant 0 : i32
    %dma_wait3A_193 = tpu.memref_slice %arg7[%dma_wait3A, %dma_wait3A_192] : memref<5x64xi32, #tpu.memory_space<vmem>> -> memref<1x64xi32, #tpu.memory_space<vmem>>
    %dma_wait3A_194 = tpu.memref_squeeze %dma_wait3A_193 : memref<1x64xi32, #tpu.memory_space<vmem>> -> memref<64xi32, #tpu.memory_space<vmem>>
    %dma_wait3A_195 = arith.constant 0 : i32
    %dma_wait3A_196 = tpu.memref_slice %arg3[%add3A_191, %dma_wait3A_195] : memref<5120x64xi32, #tpu.memory_space<hbm>> -> memref<1x64xi32, #tpu.memory_space<hbm>>
    %dma_wait3A_197 = tpu.memref_squeeze %dma_wait3A_196 : memref<1x64xi32, #tpu.memory_space<hbm>> -> memref<64xi32, #tpu.memory_space<hbm>>
    %dma_wait3A_198 = arith.constant 0 : i32
    %dma_wait3A_199 = tpu.memref_slice %arg7[%dma_wait3A, %dma_wait3A_198] : memref<5x64xi32, #tpu.memory_space<vmem>> -> memref<1x64xi32, #tpu.memory_space<vmem>>
    %dma_wait3A_200 = tpu.memref_squeeze %dma_wait3A_199 : memref<1x64xi32, #tpu.memory_space<vmem>> -> memref<64xi32, #tpu.memory_space<vmem>>
    %dma_wait3A_201 = arith.constant 0 : i32
    %dma_wait3A_202 = tpu.memref_slice %arg3[%add3A_191, %dma_wait3A_201] : memref<5120x64xi32, #tpu.memory_space<hbm>> -> memref<1x64xi32, #tpu.memory_space<hbm>>
    %dma_wait3A_203 = tpu.memref_squeeze %dma_wait3A_202 : memref<1x64xi32, #tpu.memory_space<hbm>> -> memref<64xi32, #tpu.memory_space<hbm>>
    tpu.wait_dma2 semaphore(%arg10 : memref<!tpu.dma_semaphore, #tpu.memory_space<semaphore_mem>>) src(%dma_wait3A_203 : memref<64xi32, #tpu.memory_space<hbm>>) dst(%dma_wait3A_200 : memref<64xi32, #tpu.memory_space<vmem>>)
    %add3A_204 = arith.constant 0 : i32
    %add3A_205 = arith.addi %mul3A_2, %add3A_204 : i32
    %dma_wait3A_206 = arith.constant 0 : i32
    %dma_wait3A_207 = arith.constant 0 : i32
    %dma_wait3A_208 = tpu.memref_slice %arg8[%dma_wait3A_206, %dma_wait3A_207] : memref<5x64xi32, #tpu.memory_space<vmem>> -> memref<1x64xi32, #tpu.memory_space<vmem>>
    %dma_wait3A_209 = tpu.memref_squeeze %dma_wait3A_208 : memref<1x64xi32, #tpu.memory_space<vmem>> -> memref<64xi32, #tpu.memory_space<vmem>>
    %dma_wait3A_210 = arith.constant 0 : i32
    %dma_wait3A_211 = tpu.memref_slice %arg4[%add3A_205, %dma_wait3A_210] : memref<5120x64xi32, #tpu.memory_space<hbm>> -> memref<1x64xi32, #tpu.memory_space<hbm>>
    %dma_wait3A_212 = tpu.memref_squeeze %dma_wait3A_211 : memref<1x64xi32, #tpu.memory_space<hbm>> -> memref<64xi32, #tpu.memory_space<hbm>>
    %dma_wait3A_213 = arith.constant 0 : i32
    %dma_wait3A_214 = tpu.memref_slice %arg8[%dma_wait3A_206, %dma_wait3A_213] : memref<5x64xi32, #tpu.memory_space<vmem>> -> memref<1x64xi32, #tpu.memory_space<vmem>>
    %dma_wait3A_215 = tpu.memref_squeeze %dma_wait3A_214 : memref<1x64xi32, #tpu.memory_space<vmem>> -> memref<64xi32, #tpu.memory_space<vmem>>
    %dma_wait3A_216 = arith.constant 0 : i32
    %dma_wait3A_217 = tpu.memref_slice %arg4[%add3A_205, %dma_wait3A_216] : memref<5120x64xi32, #tpu.memory_space<hbm>> -> memref<1x64xi32, #tpu.memory_space<hbm>>
    %dma_wait3A_218 = tpu.memref_squeeze %dma_wait3A_217 : memref<1x64xi32, #tpu.memory_space<hbm>> -> memref<64xi32, #tpu.memory_space<hbm>>
    tpu.wait_dma2 semaphore(%arg10 : memref<!tpu.dma_semaphore, #tpu.memory_space<semaphore_mem>>) src(%dma_wait3A_218 : memref<64xi32, #tpu.memory_space<hbm>>) dst(%dma_wait3A_215 : memref<64xi32, #tpu.memory_space<vmem>>)
    %dma_start3A_219 = arith.constant 0 : i32
    %dma_start3A_220 = arith.constant 0 : i32
    %dma_start3A_221 = arith.constant 0 : i32
    %dma_start3A_222 = arith.constant 0 : i32
    %dma_start3A_223 = tpu.memref_slice %arg9[%dma_start3A_220, %dma_start3A_221, %dma_start3A_222] : memref<5x64x128xf32, #tpu.memory_space<vmem>> -> memref<1x64x128xf32, #tpu.memory_space<vmem>>
    %dma_start3A_224 = tpu.memref_squeeze %dma_start3A_223 : memref<1x64x128xf32, #tpu.memory_space<vmem>> -> memref<64x128xf32, #tpu.memory_space<vmem>>
    %dma_start3A_225 = arith.constant 0 : i32
    %dma_start3A_226 = tpu.memref_slice %arg7[%dma_start3A_219, %dma_start3A_225] : memref<5x64xi32, #tpu.memory_space<vmem>> -> memref<1x64xi32, #tpu.memory_space<vmem>>
    %dma_start3A_227 = tpu.memref_squeeze %dma_start3A_226 : memref<1x64xi32, #tpu.memory_space<vmem>> -> memref<64xi32, #tpu.memory_space<vmem>>
    %dma_start3A_228 = arith.constant 0 : i32
    %dma_start3A_229 = arith.constant 0 : i32
    %dma_start3A_230 = tpu.memref_slice %arg2[%dma_start3A_228, %dma_start3A_229] : memref<10000x128xf32, #tpu.memory_space<hbm>> -> memref<10000x128xf32, #tpu.memory_space<hbm>>
    tpu.enqueue_indirect_dma source(%dma_start3A_230 : memref<10000x128xf32, #tpu.memory_space<hbm>>) target(%dma_start3A_224 : memref<64x128xf32, #tpu.memory_space<vmem>>) offsets(%dma_start3A_227 : memref<64xi32, #tpu.memory_space<vmem>>) semaphore(%arg15 : memref<!tpu.dma_semaphore, #tpu.memory_space<semaphore_mem>>)
    %add3A_231 = arith.constant 1 : i32
    %add3A_232 = arith.addi %mul3A_2, %add3A_231 : i32
    %dma_wait3A_233 = arith.constant 1 : i32
    %dma_wait3A_234 = arith.constant 0 : i32
    %dma_wait3A_235 = tpu.memref_slice %arg7[%dma_wait3A_233, %dma_wait3A_234] : memref<5x64xi32, #tpu.memory_space<vmem>> -> memref<1x64xi32, #tpu.memory_space<vmem>>
    %dma_wait3A_236 = tpu.memref_squeeze %dma_wait3A_235 : memref<1x64xi32, #tpu.memory_space<vmem>> -> memref<64xi32, #tpu.memory_space<vmem>>
    %dma_wait3A_237 = arith.constant 0 : i32
    %dma_wait3A_238 = tpu.memref_slice %arg3[%add3A_232, %dma_wait3A_237] : memref<5120x64xi32, #tpu.memory_space<hbm>> -> memref<1x64xi32, #tpu.memory_space<hbm>>
    %dma_wait3A_239 = tpu.memref_squeeze %dma_wait3A_238 : memref<1x64xi32, #tpu.memory_space<hbm>> -> memref<64xi32, #tpu.memory_space<hbm>>
    %dma_wait3A_240 = arith.constant 0 : i32
    %dma_wait3A_241 = tpu.memref_slice %arg7[%dma_wait3A_233, %dma_wait3A_240] : memref<5x64xi32, #tpu.memory_space<vmem>> -> memref<1x64xi32, #tpu.memory_space<vmem>>
    %dma_wait3A_242 = tpu.memref_squeeze %dma_wait3A_241 : memref<1x64xi32, #tpu.memory_space<vmem>> -> memref<64xi32, #tpu.memory_space<vmem>>
    %dma_wait3A_243 = arith.constant 0 : i32
    %dma_wait3A_244 = tpu.memref_slice %arg3[%add3A_232, %dma_wait3A_243] : memref<5120x64xi32, #tpu.memory_space<hbm>> -> memref<1x64xi32, #tpu.memory_space<hbm>>
    %dma_wait3A_245 = tpu.memref_squeeze %dma_wait3A_244 : memref<1x64xi32, #tpu.memory_space<hbm>> -> memref<64xi32, #tpu.memory_space<hbm>>
    tpu.wait_dma2 semaphore(%arg11 : memref<!tpu.dma_semaphore, #tpu.memory_space<semaphore_mem>>) src(%dma_wait3A_245 : memref<64xi32, #tpu.memory_space<hbm>>) dst(%dma_wait3A_242 : memref<64xi32, #tpu.memory_space<vmem>>)
    %add3A_246 = arith.constant 1 : i32
    %add3A_247 = arith.addi %mul3A_2, %add3A_246 : i32
    %dma_wait3A_248 = arith.constant 1 : i32
    %dma_wait3A_249 = arith.constant 0 : i32
    %dma_wait3A_250 = tpu.memref_slice %arg8[%dma_wait3A_248, %dma_wait3A_249] : memref<5x64xi32, #tpu.memory_space<vmem>> -> memref<1x64xi32, #tpu.memory_space<vmem>>
    %dma_wait3A_251 = tpu.memref_squeeze %dma_wait3A_250 : memref<1x64xi32, #tpu.memory_space<vmem>> -> memref<64xi32, #tpu.memory_space<vmem>>
    %dma_wait3A_252 = arith.constant 0 : i32
    %dma_wait3A_253 = tpu.memref_slice %arg4[%add3A_247, %dma_wait3A_252] : memref<5120x64xi32, #tpu.memory_space<hbm>> -> memref<1x64xi32, #tpu.memory_space<hbm>>
    %dma_wait3A_254 = tpu.memref_squeeze %dma_wait3A_253 : memref<1x64xi32, #tpu.memory_space<hbm>> -> memref<64xi32, #tpu.memory_space<hbm>>
    %dma_wait3A_255 = arith.constant 0 : i32
    %dma_wait3A_256 = tpu.memref_slice %arg8[%dma_wait3A_248, %dma_wait3A_255] : memref<5x64xi32, #tpu.memory_space<vmem>> -> memref<1x64xi32, #tpu.memory_space<vmem>>
    %dma_wait3A_257 = tpu.memref_squeeze %dma_wait3A_256 : memref<1x64xi32, #tpu.memory_space<vmem>> -> memref<64xi32, #tpu.memory_space<vmem>>
    %dma_wait3A_258 = arith.constant 0 : i32
    %dma_wait3A_259 = tpu.memref_slice %arg4[%add3A_247, %dma_wait3A_258] : memref<5120x64xi32, #tpu.memory_space<hbm>> -> memref<1x64xi32, #tpu.memory_space<hbm>>
    %dma_wait3A_260 = tpu.memref_squeeze %dma_wait3A_259 : memref<1x64xi32, #tpu.memory_space<hbm>> -> memref<64xi32, #tpu.memory_space<hbm>>
    tpu.wait_dma2 semaphore(%arg11 : memref<!tpu.dma_semaphore, #tpu.memory_space<semaphore_mem>>) src(%dma_wait3A_260 : memref<64xi32, #tpu.memory_space<hbm>>) dst(%dma_wait3A_257 : memref<64xi32, #tpu.memory_space<vmem>>)
    %dma_start3A_261 = arith.constant 1 : i32
    %dma_start3A_262 = arith.constant 1 : i32
    %dma_start3A_263 = arith.constant 0 : i32
    %dma_start3A_264 = arith.constant 0 : i32
    %dma_start3A_265 = tpu.memref_slice %arg9[%dma_start3A_262, %dma_start3A_263, %dma_start3A_264] : memref<5x64x128xf32, #tpu.memory_space<vmem>> -> memref<1x64x128xf32, #tpu.memory_space<vmem>>
    %dma_start3A_266 = tpu.memref_squeeze %dma_start3A_265 : memref<1x64x128xf32, #tpu.memory_space<vmem>> -> memref<64x128xf32, #tpu.memory_space<vmem>>
    %dma_start3A_267 = arith.constant 0 : i32
    %dma_start3A_268 = tpu.memref_slice %arg7[%dma_start3A_261, %dma_start3A_267] : memref<5x64xi32, #tpu.memory_space<vmem>> -> memref<1x64xi32, #tpu.memory_space<vmem>>
    %dma_start3A_269 = tpu.memref_squeeze %dma_start3A_268 : memref<1x64xi32, #tpu.memory_space<vmem>> -> memref<64xi32, #tpu.memory_space<vmem>>
    %dma_start3A_270 = arith.constant 0 : i32
    %dma_start3A_271 = arith.constant 0 : i32
    %dma_start3A_272 = tpu.memref_slice %arg2[%dma_start3A_270, %dma_start3A_271] : memref<10000x128xf32, #tpu.memory_space<hbm>> -> memref<10000x128xf32, #tpu.memory_space<hbm>>
    tpu.enqueue_indirect_dma source(%dma_start3A_272 : memref<10000x128xf32, #tpu.memory_space<hbm>>) target(%dma_start3A_266 : memref<64x128xf32, #tpu.memory_space<vmem>>) offsets(%dma_start3A_269 : memref<64xi32, #tpu.memory_space<vmem>>) semaphore(%arg16 : memref<!tpu.dma_semaphore, #tpu.memory_space<semaphore_mem>>)
    %add3A_273 = arith.constant 2 : i32
    %add3A_274 = arith.addi %mul3A_2, %add3A_273 : i32
    %dma_wait3A_275 = arith.constant 2 : i32
    %dma_wait3A_276 = arith.constant 0 : i32
    %dma_wait3A_277 = tpu.memref_slice %arg7[%dma_wait3A_275, %dma_wait3A_276] : memref<5x64xi32, #tpu.memory_space<vmem>> -> memref<1x64xi32, #tpu.memory_space<vmem>>
    %dma_wait3A_278 = tpu.memref_squeeze %dma_wait3A_277 : memref<1x64xi32, #tpu.memory_space<vmem>> -> memref<64xi32, #tpu.memory_space<vmem>>
    %dma_wait3A_279 = arith.constant 0 : i32
    %dma_wait3A_280 = tpu.memref_slice %arg3[%add3A_274, %dma_wait3A_279] : memref<5120x64xi32, #tpu.memory_space<hbm>> -> memref<1x64xi32, #tpu.memory_space<hbm>>
    %dma_wait3A_281 = tpu.memref_squeeze %dma_wait3A_280 : memref<1x64xi32, #tpu.memory_space<hbm>> -> memref<64xi32, #tpu.memory_space<hbm>>
    %dma_wait3A_282 = arith.constant 0 : i32
    %dma_wait3A_283 = tpu.memref_slice %arg7[%dma_wait3A_275, %dma_wait3A_282] : memref<5x64xi32, #tpu.memory_space<vmem>> -> memref<1x64xi32, #tpu.memory_space<vmem>>
    %dma_wait3A_284 = tpu.memref_squeeze %dma_wait3A_283 : memref<1x64xi32, #tpu.memory_space<vmem>> -> memref<64xi32, #tpu.memory_space<vmem>>
    %dma_wait3A_285 = arith.constant 0 : i32
    %dma_wait3A_286 = tpu.memref_slice %arg3[%add3A_274, %dma_wait3A_285] : memref<5120x64xi32, #tpu.memory_space<hbm>> -> memref<1x64xi32, #tpu.memory_space<hbm>>
    %dma_wait3A_287 = tpu.memref_squeeze %dma_wait3A_286 : memref<1x64xi32, #tpu.memory_space<hbm>> -> memref<64xi32, #tpu.memory_space<hbm>>
    tpu.wait_dma2 semaphore(%arg12 : memref<!tpu.dma_semaphore, #tpu.memory_space<semaphore_mem>>) src(%dma_wait3A_287 : memref<64xi32, #tpu.memory_space<hbm>>) dst(%dma_wait3A_284 : memref<64xi32, #tpu.memory_space<vmem>>)
    %add3A_288 = arith.constant 2 : i32
    %add3A_289 = arith.addi %mul3A_2, %add3A_288 : i32
    %dma_wait3A_290 = arith.constant 2 : i32
    %dma_wait3A_291 = arith.constant 0 : i32
    %dma_wait3A_292 = tpu.memref_slice %arg8[%dma_wait3A_290, %dma_wait3A_291] : memref<5x64xi32, #tpu.memory_space<vmem>> -> memref<1x64xi32, #tpu.memory_space<vmem>>
    %dma_wait3A_293 = tpu.memref_squeeze %dma_wait3A_292 : memref<1x64xi32, #tpu.memory_space<vmem>> -> memref<64xi32, #tpu.memory_space<vmem>>
    %dma_wait3A_294 = arith.constant 0 : i32
    %dma_wait3A_295 = tpu.memref_slice %arg4[%add3A_289, %dma_wait3A_294] : memref<5120x64xi32, #tpu.memory_space<hbm>> -> memref<1x64xi32, #tpu.memory_space<hbm>>
    %dma_wait3A_296 = tpu.memref_squeeze %dma_wait3A_295 : memref<1x64xi32, #tpu.memory_space<hbm>> -> memref<64xi32, #tpu.memory_space<hbm>>
    %dma_wait3A_297 = arith.constant 0 : i32
    %dma_wait3A_298 = tpu.memref_slice %arg8[%dma_wait3A_290, %dma_wait3A_297] : memref<5x64xi32, #tpu.memory_space<vmem>> -> memref<1x64xi32, #tpu.memory_space<vmem>>
    %dma_wait3A_299 = tpu.memref_squeeze %dma_wait3A_298 : memref<1x64xi32, #tpu.memory_space<vmem>> -> memref<64xi32, #tpu.memory_space<vmem>>
    %dma_wait3A_300 = arith.constant 0 : i32
    %dma_wait3A_301 = tpu.memref_slice %arg4[%add3A_289, %dma_wait3A_300] : memref<5120x64xi32, #tpu.memory_space<hbm>> -> memref<1x64xi32, #tpu.memory_space<hbm>>
    %dma_wait3A_302 = tpu.memref_squeeze %dma_wait3A_301 : memref<1x64xi32, #tpu.memory_space<hbm>> -> memref<64xi32, #tpu.memory_space<hbm>>
    tpu.wait_dma2 semaphore(%arg12 : memref<!tpu.dma_semaphore, #tpu.memory_space<semaphore_mem>>) src(%dma_wait3A_302 : memref<64xi32, #tpu.memory_space<hbm>>) dst(%dma_wait3A_299 : memref<64xi32, #tpu.memory_space<vmem>>)
    %dma_start3A_303 = arith.constant 2 : i32
    %dma_start3A_304 = arith.constant 2 : i32
    %dma_start3A_305 = arith.constant 0 : i32
    %dma_start3A_306 = arith.constant 0 : i32
    %dma_start3A_307 = tpu.memref_slice %arg9[%dma_start3A_304, %dma_start3A_305, %dma_start3A_306] : memref<5x64x128xf32, #tpu.memory_space<vmem>> -> memref<1x64x128xf32, #tpu.memory_space<vmem>>
    %dma_start3A_308 = tpu.memref_squeeze %dma_start3A_307 : memref<1x64x128xf32, #tpu.memory_space<vmem>> -> memref<64x128xf32, #tpu.memory_space<vmem>>
    %dma_start3A_309 = arith.constant 0 : i32
    %dma_start3A_310 = tpu.memref_slice %arg7[%dma_start3A_303, %dma_start3A_309] : memref<5x64xi32, #tpu.memory_space<vmem>> -> memref<1x64xi32, #tpu.memory_space<vmem>>
    %dma_start3A_311 = tpu.memref_squeeze %dma_start3A_310 : memref<1x64xi32, #tpu.memory_space<vmem>> -> memref<64xi32, #tpu.memory_space<vmem>>
    %dma_start3A_312 = arith.constant 0 : i32
    %dma_start3A_313 = arith.constant 0 : i32
    %dma_start3A_314 = tpu.memref_slice %arg2[%dma_start3A_312, %dma_start3A_313] : memref<10000x128xf32, #tpu.memory_space<hbm>> -> memref<10000x128xf32, #tpu.memory_space<hbm>>
    tpu.enqueue_indirect_dma source(%dma_start3A_314 : memref<10000x128xf32, #tpu.memory_space<hbm>>) target(%dma_start3A_308 : memref<64x128xf32, #tpu.memory_space<vmem>>) offsets(%dma_start3A_311 : memref<64xi32, #tpu.memory_space<vmem>>) semaphore(%arg17 : memref<!tpu.dma_semaphore, #tpu.memory_space<semaphore_mem>>)
    %add3A_315 = arith.constant 3 : i32
    %add3A_316 = arith.addi %mul3A_2, %add3A_315 : i32
    %dma_wait3A_317 = arith.constant 3 : i32
    %dma_wait3A_318 = arith.constant 0 : i32
    %dma_wait3A_319 = tpu.memref_slice %arg7[%dma_wait3A_317, %dma_wait3A_318] : memref<5x64xi32, #tpu.memory_space<vmem>> -> memref<1x64xi32, #tpu.memory_space<vmem>>
    %dma_wait3A_320 = tpu.memref_squeeze %dma_wait3A_319 : memref<1x64xi32, #tpu.memory_space<vmem>> -> memref<64xi32, #tpu.memory_space<vmem>>
    %dma_wait3A_321 = arith.constant 0 : i32
    %dma_wait3A_322 = tpu.memref_slice %arg3[%add3A_316, %dma_wait3A_321] : memref<5120x64xi32, #tpu.memory_space<hbm>> -> memref<1x64xi32, #tpu.memory_space<hbm>>
    %dma_wait3A_323 = tpu.memref_squeeze %dma_wait3A_322 : memref<1x64xi32, #tpu.memory_space<hbm>> -> memref<64xi32, #tpu.memory_space<hbm>>
    %dma_wait3A_324 = arith.constant 0 : i32
    %dma_wait3A_325 = tpu.memref_slice %arg7[%dma_wait3A_317, %dma_wait3A_324] : memref<5x64xi32, #tpu.memory_space<vmem>> -> memref<1x64xi32, #tpu.memory_space<vmem>>
    %dma_wait3A_326 = tpu.memref_squeeze %dma_wait3A_325 : memref<1x64xi32, #tpu.memory_space<vmem>> -> memref<64xi32, #tpu.memory_space<vmem>>
    %dma_wait3A_327 = arith.constant 0 : i32
    %dma_wait3A_328 = tpu.memref_slice %arg3[%add3A_316, %dma_wait3A_327] : memref<5120x64xi32, #tpu.memory_space<hbm>> -> memref<1x64xi32, #tpu.memory_space<hbm>>
    %dma_wait3A_329 = tpu.memref_squeeze %dma_wait3A_328 : memref<1x64xi32, #tpu.memory_space<hbm>> -> memref<64xi32, #tpu.memory_space<hbm>>
    tpu.wait_dma2 semaphore(%arg13 : memref<!tpu.dma_semaphore, #tpu.memory_space<semaphore_mem>>) src(%dma_wait3A_329 : memref<64xi32, #tpu.memory_space<hbm>>) dst(%dma_wait3A_326 : memref<64xi32, #tpu.memory_space<vmem>>)
    %add3A_330 = arith.constant 3 : i32
    %add3A_331 = arith.addi %mul3A_2, %add3A_330 : i32
    %dma_wait3A_332 = arith.constant 3 : i32
    %dma_wait3A_333 = arith.constant 0 : i32
    %dma_wait3A_334 = tpu.memref_slice %arg8[%dma_wait3A_332, %dma_wait3A_333] : memref<5x64xi32, #tpu.memory_space<vmem>> -> memref<1x64xi32, #tpu.memory_space<vmem>>
    %dma_wait3A_335 = tpu.memref_squeeze %dma_wait3A_334 : memref<1x64xi32, #tpu.memory_space<vmem>> -> memref<64xi32, #tpu.memory_space<vmem>>
    %dma_wait3A_336 = arith.constant 0 : i32
    %dma_wait3A_337 = tpu.memref_slice %arg4[%add3A_331, %dma_wait3A_336] : memref<5120x64xi32, #tpu.memory_space<hbm>> -> memref<1x64xi32, #tpu.memory_space<hbm>>
    %dma_wait3A_338 = tpu.memref_squeeze %dma_wait3A_337 : memref<1x64xi32, #tpu.memory_space<hbm>> -> memref<64xi32, #tpu.memory_space<hbm>>
    %dma_wait3A_339 = arith.constant 0 : i32
    %dma_wait3A_340 = tpu.memref_slice %arg8[%dma_wait3A_332, %dma_wait3A_339] : memref<5x64xi32, #tpu.memory_space<vmem>> -> memref<1x64xi32, #tpu.memory_space<vmem>>
    %dma_wait3A_341 = tpu.memref_squeeze %dma_wait3A_340 : memref<1x64xi32, #tpu.memory_space<vmem>> -> memref<64xi32, #tpu.memory_space<vmem>>
    %dma_wait3A_342 = arith.constant 0 : i32
    %dma_wait3A_343 = tpu.memref_slice %arg4[%add3A_331, %dma_wait3A_342] : memref<5120x64xi32, #tpu.memory_space<hbm>> -> memref<1x64xi32, #tpu.memory_space<hbm>>
    %dma_wait3A_344 = tpu.memref_squeeze %dma_wait3A_343 : memref<1x64xi32, #tpu.memory_space<hbm>> -> memref<64xi32, #tpu.memory_space<hbm>>
    tpu.wait_dma2 semaphore(%arg13 : memref<!tpu.dma_semaphore, #tpu.memory_space<semaphore_mem>>) src(%dma_wait3A_344 : memref<64xi32, #tpu.memory_space<hbm>>) dst(%dma_wait3A_341 : memref<64xi32, #tpu.memory_space<vmem>>)
    %dma_start3A_345 = arith.constant 3 : i32
    %dma_start3A_346 = arith.constant 3 : i32
    %dma_start3A_347 = arith.constant 0 : i32
    %dma_start3A_348 = arith.constant 0 : i32
    %dma_start3A_349 = tpu.memref_slice %arg9[%dma_start3A_346, %dma_start3A_347, %dma_start3A_348] : memref<5x64x128xf32, #tpu.memory_space<vmem>> -> memref<1x64x128xf32, #tpu.memory_space<vmem>>
    %dma_start3A_350 = tpu.memref_squeeze %dma_start3A_349 : memref<1x64x128xf32, #tpu.memory_space<vmem>> -> memref<64x128xf32, #tpu.memory_space<vmem>>
    %dma_start3A_351 = arith.constant 0 : i32
    %dma_start3A_352 = tpu.memref_slice %arg7[%dma_start3A_345, %dma_start3A_351] : memref<5x64xi32, #tpu.memory_space<vmem>> -> memref<1x64xi32, #tpu.memory_space<vmem>>
    %dma_start3A_353 = tpu.memref_squeeze %dma_start3A_352 : memref<1x64xi32, #tpu.memory_space<vmem>> -> memref<64xi32, #tpu.memory_space<vmem>>
    %dma_start3A_354 = arith.constant 0 : i32
    %dma_start3A_355 = arith.constant 0 : i32
    %dma_start3A_356 = tpu.memref_slice %arg2[%dma_start3A_354, %dma_start3A_355] : memref<10000x128xf32, #tpu.memory_space<hbm>> -> memref<10000x128xf32, #tpu.memory_space<hbm>>
    tpu.enqueue_indirect_dma source(%dma_start3A_356 : memref<10000x128xf32, #tpu.memory_space<hbm>>) target(%dma_start3A_350 : memref<64x128xf32, #tpu.memory_space<vmem>>) offsets(%dma_start3A_353 : memref<64xi32, #tpu.memory_space<vmem>>) semaphore(%arg18 : memref<!tpu.dma_semaphore, #tpu.memory_space<semaphore_mem>>)
    %add3A_357 = arith.constant 4 : i32
    %add3A_358 = arith.addi %mul3A_2, %add3A_357 : i32
    %dma_wait3A_359 = arith.constant 4 : i32
    %dma_wait3A_360 = arith.constant 0 : i32
    %dma_wait3A_361 = tpu.memref_slice %arg7[%dma_wait3A_359, %dma_wait3A_360] : memref<5x64xi32, #tpu.memory_space<vmem>> -> memref<1x64xi32, #tpu.memory_space<vmem>>
    %dma_wait3A_362 = tpu.memref_squeeze %dma_wait3A_361 : memref<1x64xi32, #tpu.memory_space<vmem>> -> memref<64xi32, #tpu.memory_space<vmem>>
    %dma_wait3A_363 = arith.constant 0 : i32
    %dma_wait3A_364 = tpu.memref_slice %arg3[%add3A_358, %dma_wait3A_363] : memref<5120x64xi32, #tpu.memory_space<hbm>> -> memref<1x64xi32, #tpu.memory_space<hbm>>
    %dma_wait3A_365 = tpu.memref_squeeze %dma_wait3A_364 : memref<1x64xi32, #tpu.memory_space<hbm>> -> memref<64xi32, #tpu.memory_space<hbm>>
    %dma_wait3A_366 = arith.constant 0 : i32
    %dma_wait3A_367 = tpu.memref_slice %arg7[%dma_wait3A_359, %dma_wait3A_366] : memref<5x64xi32, #tpu.memory_space<vmem>> -> memref<1x64xi32, #tpu.memory_space<vmem>>
    %dma_wait3A_368 = tpu.memref_squeeze %dma_wait3A_367 : memref<1x64xi32, #tpu.memory_space<vmem>> -> memref<64xi32, #tpu.memory_space<vmem>>
    %dma_wait3A_369 = arith.constant 0 : i32
    %dma_wait3A_370 = tpu.memref_slice %arg3[%add3A_358, %dma_wait3A_369] : memref<5120x64xi32, #tpu.memory_space<hbm>> -> memref<1x64xi32, #tpu.memory_space<hbm>>
    %dma_wait3A_371 = tpu.memref_squeeze %dma_wait3A_370 : memref<1x64xi32, #tpu.memory_space<hbm>> -> memref<64xi32, #tpu.memory_space<hbm>>
    tpu.wait_dma2 semaphore(%arg14 : memref<!tpu.dma_semaphore, #tpu.memory_space<semaphore_mem>>) src(%dma_wait3A_371 : memref<64xi32, #tpu.memory_space<hbm>>) dst(%dma_wait3A_368 : memref<64xi32, #tpu.memory_space<vmem>>)
    %add3A_372 = arith.constant 4 : i32
    %add3A_373 = arith.addi %mul3A_2, %add3A_372 : i32
    %dma_wait3A_374 = arith.constant 4 : i32
    %dma_wait3A_375 = arith.constant 0 : i32
    %dma_wait3A_376 = tpu.memref_slice %arg8[%dma_wait3A_374, %dma_wait3A_375] : memref<5x64xi32, #tpu.memory_space<vmem>> -> memref<1x64xi32, #tpu.memory_space<vmem>>
    %dma_wait3A_377 = tpu.memref_squeeze %dma_wait3A_376 : memref<1x64xi32, #tpu.memory_space<vmem>> -> memref<64xi32, #tpu.memory_space<vmem>>
    %dma_wait3A_378 = arith.constant 0 : i32
    %dma_wait3A_379 = tpu.memref_slice %arg4[%add3A_373, %dma_wait3A_378] : memref<5120x64xi32, #tpu.memory_space<hbm>> -> memref<1x64xi32, #tpu.memory_space<hbm>>
    %dma_wait3A_380 = tpu.memref_squeeze %dma_wait3A_379 : memref<1x64xi32, #tpu.memory_space<hbm>> -> memref<64xi32, #tpu.memory_space<hbm>>
    %dma_wait3A_381 = arith.constant 0 : i32
    %dma_wait3A_382 = tpu.memref_slice %arg8[%dma_wait3A_374, %dma_wait3A_381] : memref<5x64xi32, #tpu.memory_space<vmem>> -> memref<1x64xi32, #tpu.memory_space<vmem>>
    %dma_wait3A_383 = tpu.memref_squeeze %dma_wait3A_382 : memref<1x64xi32, #tpu.memory_space<vmem>> -> memref<64xi32, #tpu.memory_space<vmem>>
    %dma_wait3A_384 = arith.constant 0 : i32
    %dma_wait3A_385 = tpu.memref_slice %arg4[%add3A_373, %dma_wait3A_384] : memref<5120x64xi32, #tpu.memory_space<hbm>> -> memref<1x64xi32, #tpu.memory_space<hbm>>
    %dma_wait3A_386 = tpu.memref_squeeze %dma_wait3A_385 : memref<1x64xi32, #tpu.memory_space<hbm>> -> memref<64xi32, #tpu.memory_space<hbm>>
    tpu.wait_dma2 semaphore(%arg14 : memref<!tpu.dma_semaphore, #tpu.memory_space<semaphore_mem>>) src(%dma_wait3A_386 : memref<64xi32, #tpu.memory_space<hbm>>) dst(%dma_wait3A_383 : memref<64xi32, #tpu.memory_space<vmem>>)
    %dma_start3A_387 = arith.constant 4 : i32
    %dma_start3A_388 = arith.constant 4 : i32
    %dma_start3A_389 = arith.constant 0 : i32
    %dma_start3A_390 = arith.constant 0 : i32
    %dma_start3A_391 = tpu.memref_slice %arg9[%dma_start3A_388, %dma_start3A_389, %dma_start3A_390] : memref<5x64x128xf32, #tpu.memory_space<vmem>> -> memref<1x64x128xf32, #tpu.memory_space<vmem>>
    %dma_start3A_392 = tpu.memref_squeeze %dma_start3A_391 : memref<1x64x128xf32, #tpu.memory_space<vmem>> -> memref<64x128xf32, #tpu.memory_space<vmem>>
    %dma_start3A_393 = arith.constant 0 : i32
    %dma_start3A_394 = tpu.memref_slice %arg7[%dma_start3A_387, %dma_start3A_393] : memref<5x64xi32, #tpu.memory_space<vmem>> -> memref<1x64xi32, #tpu.memory_space<vmem>>
    %dma_start3A_395 = tpu.memref_squeeze %dma_start3A_394 : memref<1x64xi32, #tpu.memory_space<vmem>> -> memref<64xi32, #tpu.memory_space<vmem>>
    %dma_start3A_396 = arith.constant 0 : i32
    %dma_start3A_397 = arith.constant 0 : i32
    %dma_start3A_398 = tpu.memref_slice %arg2[%dma_start3A_396, %dma_start3A_397] : memref<10000x128xf32, #tpu.memory_space<hbm>> -> memref<10000x128xf32, #tpu.memory_space<hbm>>
    tpu.enqueue_indirect_dma source(%dma_start3A_398 : memref<10000x128xf32, #tpu.memory_space<hbm>>) target(%dma_start3A_392 : memref<64x128xf32, #tpu.memory_space<vmem>>) offsets(%dma_start3A_395 : memref<64xi32, #tpu.memory_space<vmem>>) semaphore(%arg19 : memref<!tpu.dma_semaphore, #tpu.memory_space<semaphore_mem>>)
    %scan3A_399 = arith.constant 0 : i32
    %scan3A_400 = arith.constant 0 : i32
    %scan3A_401 = arith.constant 32 : i32
    %scan3A_402 = arith.addi %scan3A_400, %scan3A_401 : i32
    %scan3A_403 = arith.constant 1 : i32
    scf.for %scan3A_406 = %scan3A_400 to %scan3A_402 step %scan3A_403  : i32 {
      %mul3A_407 = arith.constant 5 : i32
      %mul3A_408 = arith.muli %scan3A_406, %mul3A_407 : i32
      %add3A_409 = arith.constant 0 : i32
      %add3A_410 = arith.addi %mul3A_408, %add3A_409 : i32
      %dma_wait3A_411 = arith.constant 0 : i32
      %dma_wait3A_412 = arith.constant 0 : i32
      %dma_wait3A_413 = arith.constant 0 : i32
      %dma_wait3A_414 = arith.constant 0 : i32
      %dma_wait3A_415 = tpu.memref_slice %arg9[%dma_wait3A_412, %dma_wait3A_413, %dma_wait3A_414] : memref<5x64x128xf32, #tpu.memory_space<vmem>> -> memref<1x64x128xf32, #tpu.memory_space<vmem>>
      %dma_wait3A_416 = tpu.memref_squeeze %dma_wait3A_415 : memref<1x64x128xf32, #tpu.memory_space<vmem>> -> memref<64x128xf32, #tpu.memory_space<vmem>>
      %dma_wait3A_417 = arith.constant 0 : i32
      %dma_wait3A_418 = tpu.memref_slice %arg7[%dma_wait3A_411, %dma_wait3A_417] : memref<5x64xi32, #tpu.memory_space<vmem>> -> memref<1x64xi32, #tpu.memory_space<vmem>>
      %dma_wait3A_419 = tpu.memref_squeeze %dma_wait3A_418 : memref<1x64xi32, #tpu.memory_space<vmem>> -> memref<64xi32, #tpu.memory_space<vmem>>
      %dma_wait3A_420 = arith.constant 0 : i32
      %dma_wait3A_421 = arith.constant 0 : i32
      %dma_wait3A_422 = tpu.memref_slice %arg2[%dma_wait3A_420, %dma_wait3A_421] : memref<10000x128xf32, #tpu.memory_space<hbm>> -> memref<10000x128xf32, #tpu.memory_space<hbm>>
      tpu.wait_indirect_dma semaphore(%arg15 : memref<!tpu.dma_semaphore, #tpu.memory_space<semaphore_mem>>) src(%dma_wait3A_422 : memref<10000x128xf32, #tpu.memory_space<hbm>>) dst(%dma_wait3A_416 : memref<64x128xf32, #tpu.memory_space<vmem>>)
      %dma_start3A_423 = arith.constant 0 : i32
      %dma_start3A_424 = arith.constant 0 : i32
      %dma_start3A_425 = arith.constant 0 : i32
      %dma_start3A_426 = arith.constant 0 : i32
      %dma_start3A_427 = tpu.memref_slice %arg9[%dma_start3A_423, %dma_start3A_425, %dma_start3A_426] : memref<5x64x128xf32, #tpu.memory_space<vmem>> -> memref<1x64x128xf32, #tpu.memory_space<vmem>>
      %dma_start3A_428 = tpu.memref_squeeze %dma_start3A_427 : memref<1x64x128xf32, #tpu.memory_space<vmem>> -> memref<64x128xf32, #tpu.memory_space<vmem>>
      %dma_start3A_429 = arith.constant 0 : i32
      %dma_start3A_430 = tpu.memref_slice %arg8[%dma_start3A_424, %dma_start3A_429] : memref<5x64xi32, #tpu.memory_space<vmem>> -> memref<1x64xi32, #tpu.memory_space<vmem>>
      %dma_start3A_431 = tpu.memref_squeeze %dma_start3A_430 : memref<1x64xi32, #tpu.memory_space<vmem>> -> memref<64xi32, #tpu.memory_space<vmem>>
      %dma_start3A_432 = arith.constant 0 : i32
      %dma_start3A_433 = arith.constant 0 : i32
      %dma_start3A_434 = tpu.memref_slice %arg6[%dma_start3A_432, %dma_start3A_433] : memref<10240x128xf32, #tpu.memory_space<vmem_shared>> -> memref<10240x128xf32, #tpu.memory_space<vmem_shared>>
      tpu.enqueue_indirect_dma source(%dma_start3A_428 : memref<64x128xf32, #tpu.memory_space<vmem>>) target(%dma_start3A_434 : memref<10240x128xf32, #tpu.memory_space<vmem_shared>>) offsets(%dma_start3A_431 : memref<64xi32, #tpu.memory_space<vmem>>) semaphore(%arg20 : memref<!tpu.dma_semaphore, #tpu.memory_space<semaphore_mem>>) {add = true}
      %mul3A_435 = arith.constant 5 : i32
      %mul3A_436 = arith.muli %scan3A_406, %mul3A_435 : i32
      %add3A_437 = arith.constant 1 : i32
      %add3A_438 = arith.addi %mul3A_436, %add3A_437 : i32
      %dma_wait3A_439 = arith.constant 1 : i32
      %dma_wait3A_440 = arith.constant 1 : i32
      %dma_wait3A_441 = arith.constant 0 : i32
      %dma_wait3A_442 = arith.constant 0 : i32
      %dma_wait3A_443 = tpu.memref_slice %arg9[%dma_wait3A_440, %dma_wait3A_441, %dma_wait3A_442] : memref<5x64x128xf32, #tpu.memory_space<vmem>> -> memref<1x64x128xf32, #tpu.memory_space<vmem>>
      %dma_wait3A_444 = tpu.memref_squeeze %dma_wait3A_443 : memref<1x64x128xf32, #tpu.memory_space<vmem>> -> memref<64x128xf32, #tpu.memory_space<vmem>>
      %dma_wait3A_445 = arith.constant 0 : i32
      %dma_wait3A_446 = tpu.memref_slice %arg7[%dma_wait3A_439, %dma_wait3A_445] : memref<5x64xi32, #tpu.memory_space<vmem>> -> memref<1x64xi32, #tpu.memory_space<vmem>>
      %dma_wait3A_447 = tpu.memref_squeeze %dma_wait3A_446 : memref<1x64xi32, #tpu.memory_space<vmem>> -> memref<64xi32, #tpu.memory_space<vmem>>
      %dma_wait3A_448 = arith.constant 0 : i32
      %dma_wait3A_449 = arith.constant 0 : i32
      %dma_wait3A_450 = tpu.memref_slice %arg2[%dma_wait3A_448, %dma_wait3A_449] : memref<10000x128xf32, #tpu.memory_space<hbm>> -> memref<10000x128xf32, #tpu.memory_space<hbm>>
      tpu.wait_indirect_dma semaphore(%arg16 : memref<!tpu.dma_semaphore, #tpu.memory_space<semaphore_mem>>) src(%dma_wait3A_450 : memref<10000x128xf32, #tpu.memory_space<hbm>>) dst(%dma_wait3A_444 : memref<64x128xf32, #tpu.memory_space<vmem>>)
      %dma_start3A_451 = arith.constant 1 : i32
      %dma_start3A_452 = arith.constant 1 : i32
      %dma_start3A_453 = arith.constant 0 : i32
      %dma_start3A_454 = arith.constant 0 : i32
      %dma_start3A_455 = tpu.memref_slice %arg9[%dma_start3A_451, %dma_start3A_453, %dma_start3A_454] : memref<5x64x128xf32, #tpu.memory_space<vmem>> -> memref<1x64x128xf32, #tpu.memory_space<vmem>>
      %dma_start3A_456 = tpu.memref_squeeze %dma_start3A_455 : memref<1x64x128xf32, #tpu.memory_space<vmem>> -> memref<64x128xf32, #tpu.memory_space<vmem>>
      %dma_start3A_457 = arith.constant 0 : i32
      %dma_start3A_458 = tpu.memref_slice %arg8[%dma_start3A_452, %dma_start3A_457] : memref<5x64xi32, #tpu.memory_space<vmem>> -> memref<1x64xi32, #tpu.memory_space<vmem>>
      %dma_start3A_459 = tpu.memref_squeeze %dma_start3A_458 : memref<1x64xi32, #tpu.memory_space<vmem>> -> memref<64xi32, #tpu.memory_space<vmem>>
      %dma_start3A_460 = arith.constant 0 : i32
      %dma_start3A_461 = arith.constant 0 : i32
      %dma_start3A_462 = tpu.memref_slice %arg6[%dma_start3A_460, %dma_start3A_461] : memref<10240x128xf32, #tpu.memory_space<vmem_shared>> -> memref<10240x128xf32, #tpu.memory_space<vmem_shared>>
      tpu.enqueue_indirect_dma source(%dma_start3A_456 : memref<64x128xf32, #tpu.memory_space<vmem>>) target(%dma_start3A_462 : memref<10240x128xf32, #tpu.memory_space<vmem_shared>>) offsets(%dma_start3A_459 : memref<64xi32, #tpu.memory_space<vmem>>) semaphore(%arg21 : memref<!tpu.dma_semaphore, #tpu.memory_space<semaphore_mem>>) {add = true}
      %mul3A_463 = arith.constant 5 : i32
      %mul3A_464 = arith.muli %scan3A_406, %mul3A_463 : i32
      %add3A_465 = arith.constant 2 : i32
      %add3A_466 = arith.addi %mul3A_464, %add3A_465 : i32
      %dma_wait3A_467 = arith.constant 2 : i32
      %dma_wait3A_468 = arith.constant 2 : i32
      %dma_wait3A_469 = arith.constant 0 : i32
      %dma_wait3A_470 = arith.constant 0 : i32
      %dma_wait3A_471 = tpu.memref_slice %arg9[%dma_wait3A_468, %dma_wait3A_469, %dma_wait3A_470] : memref<5x64x128xf32, #tpu.memory_space<vmem>> -> memref<1x64x128xf32, #tpu.memory_space<vmem>>
      %dma_wait3A_472 = tpu.memref_squeeze %dma_wait3A_471 : memref<1x64x128xf32, #tpu.memory_space<vmem>> -> memref<64x128xf32, #tpu.memory_space<vmem>>
      %dma_wait3A_473 = arith.constant 0 : i32
      %dma_wait3A_474 = tpu.memref_slice %arg7[%dma_wait3A_467, %dma_wait3A_473] : memref<5x64xi32, #tpu.memory_space<vmem>> -> memref<1x64xi32, #tpu.memory_space<vmem>>
      %dma_wait3A_475 = tpu.memref_squeeze %dma_wait3A_474 : memref<1x64xi32, #tpu.memory_space<vmem>> -> memref<64xi32, #tpu.memory_space<vmem>>
      %dma_wait3A_476 = arith.constant 0 : i32
      %dma_wait3A_477 = arith.constant 0 : i32
      %dma_wait3A_478 = tpu.memref_slice %arg2[%dma_wait3A_476, %dma_wait3A_477] : memref<10000x128xf32, #tpu.memory_space<hbm>> -> memref<10000x128xf32, #tpu.memory_space<hbm>>
      tpu.wait_indirect_dma semaphore(%arg17 : memref<!tpu.dma_semaphore, #tpu.memory_space<semaphore_mem>>) src(%dma_wait3A_478 : memref<10000x128xf32, #tpu.memory_space<hbm>>) dst(%dma_wait3A_472 : memref<64x128xf32, #tpu.memory_space<vmem>>)
      %dma_start3A_479 = arith.constant 2 : i32
      %dma_start3A_480 = arith.constant 2 : i32
      %dma_start3A_481 = arith.constant 0 : i32
      %dma_start3A_482 = arith.constant 0 : i32
      %dma_start3A_483 = tpu.memref_slice %arg9[%dma_start3A_479, %dma_start3A_481, %dma_start3A_482] : memref<5x64x128xf32, #tpu.memory_space<vmem>> -> memref<1x64x128xf32, #tpu.memory_space<vmem>>
      %dma_start3A_484 = tpu.memref_squeeze %dma_start3A_483 : memref<1x64x128xf32, #tpu.memory_space<vmem>> -> memref<64x128xf32, #tpu.memory_space<vmem>>
      %dma_start3A_485 = arith.constant 0 : i32
      %dma_start3A_486 = tpu.memref_slice %arg8[%dma_start3A_480, %dma_start3A_485] : memref<5x64xi32, #tpu.memory_space<vmem>> -> memref<1x64xi32, #tpu.memory_space<vmem>>
      %dma_start3A_487 = tpu.memref_squeeze %dma_start3A_486 : memref<1x64xi32, #tpu.memory_space<vmem>> -> memref<64xi32, #tpu.memory_space<vmem>>
      %dma_start3A_488 = arith.constant 0 : i32
      %dma_start3A_489 = arith.constant 0 : i32
      %dma_start3A_490 = tpu.memref_slice %arg6[%dma_start3A_488, %dma_start3A_489] : memref<10240x128xf32, #tpu.memory_space<vmem_shared>> -> memref<10240x128xf32, #tpu.memory_space<vmem_shared>>
      tpu.enqueue_indirect_dma source(%dma_start3A_484 : memref<64x128xf32, #tpu.memory_space<vmem>>) target(%dma_start3A_490 : memref<10240x128xf32, #tpu.memory_space<vmem_shared>>) offsets(%dma_start3A_487 : memref<64xi32, #tpu.memory_space<vmem>>) semaphore(%arg22 : memref<!tpu.dma_semaphore, #tpu.memory_space<semaphore_mem>>) {add = true}
      %mul3A_491 = arith.constant 5 : i32
      %mul3A_492 = arith.muli %scan3A_406, %mul3A_491 : i32
      %add3A_493 = arith.constant 3 : i32
      %add3A_494 = arith.addi %mul3A_492, %add3A_493 : i32
      %dma_wait3A_495 = arith.constant 3 : i32
      %dma_wait3A_496 = arith.constant 3 : i32
      %dma_wait3A_497 = arith.constant 0 : i32
      %dma_wait3A_498 = arith.constant 0 : i32
      %dma_wait3A_499 = tpu.memref_slice %arg9[%dma_wait3A_496, %dma_wait3A_497, %dma_wait3A_498] : memref<5x64x128xf32, #tpu.memory_space<vmem>> -> memref<1x64x128xf32, #tpu.memory_space<vmem>>
      %dma_wait3A_500 = tpu.memref_squeeze %dma_wait3A_499 : memref<1x64x128xf32, #tpu.memory_space<vmem>> -> memref<64x128xf32, #tpu.memory_space<vmem>>
      %dma_wait3A_501 = arith.constant 0 : i32
      %dma_wait3A_502 = tpu.memref_slice %arg7[%dma_wait3A_495, %dma_wait3A_501] : memref<5x64xi32, #tpu.memory_space<vmem>> -> memref<1x64xi32, #tpu.memory_space<vmem>>
      %dma_wait3A_503 = tpu.memref_squeeze %dma_wait3A_502 : memref<1x64xi32, #tpu.memory_space<vmem>> -> memref<64xi32, #tpu.memory_space<vmem>>
      %dma_wait3A_504 = arith.constant 0 : i32
      %dma_wait3A_505 = arith.constant 0 : i32
      %dma_wait3A_506 = tpu.memref_slice %arg2[%dma_wait3A_504, %dma_wait3A_505] : memref<10000x128xf32, #tpu.memory_space<hbm>> -> memref<10000x128xf32, #tpu.memory_space<hbm>>
      tpu.wait_indirect_dma semaphore(%arg18 : memref<!tpu.dma_semaphore, #tpu.memory_space<semaphore_mem>>) src(%dma_wait3A_506 : memref<10000x128xf32, #tpu.memory_space<hbm>>) dst(%dma_wait3A_500 : memref<64x128xf32, #tpu.memory_space<vmem>>)
      %dma_start3A_507 = arith.constant 3 : i32
      %dma_start3A_508 = arith.constant 3 : i32
      %dma_start3A_509 = arith.constant 0 : i32
      %dma_start3A_510 = arith.constant 0 : i32
      %dma_start3A_511 = tpu.memref_slice %arg9[%dma_start3A_507, %dma_start3A_509, %dma_start3A_510] : memref<5x64x128xf32, #tpu.memory_space<vmem>> -> memref<1x64x128xf32, #tpu.memory_space<vmem>>
      %dma_start3A_512 = tpu.memref_squeeze %dma_start3A_511 : memref<1x64x128xf32, #tpu.memory_space<vmem>> -> memref<64x128xf32, #tpu.memory_space<vmem>>
      %dma_start3A_513 = arith.constant 0 : i32
      %dma_start3A_514 = tpu.memref_slice %arg8[%dma_start3A_508, %dma_start3A_513] : memref<5x64xi32, #tpu.memory_space<vmem>> -> memref<1x64xi32, #tpu.memory_space<vmem>>
      %dma_start3A_515 = tpu.memref_squeeze %dma_start3A_514 : memref<1x64xi32, #tpu.memory_space<vmem>> -> memref<64xi32, #tpu.memory_space<vmem>>
      %dma_start3A_516 = arith.constant 0 : i32
      %dma_start3A_517 = arith.constant 0 : i32
      %dma_start3A_518 = tpu.memref_slice %arg6[%dma_start3A_516, %dma_start3A_517] : memref<10240x128xf32, #tpu.memory_space<vmem_shared>> -> memref<10240x128xf32, #tpu.memory_space<vmem_shared>>
      tpu.enqueue_indirect_dma source(%dma_start3A_512 : memref<64x128xf32, #tpu.memory_space<vmem>>) target(%dma_start3A_518 : memref<10240x128xf32, #tpu.memory_space<vmem_shared>>) offsets(%dma_start3A_515 : memref<64xi32, #tpu.memory_space<vmem>>) semaphore(%arg23 : memref<!tpu.dma_semaphore, #tpu.memory_space<semaphore_mem>>) {add = true}
      %mul3A_519 = arith.constant 5 : i32
      %mul3A_520 = arith.muli %scan3A_406, %mul3A_519 : i32
      %add3A_521 = arith.constant 4 : i32
      %add3A_522 = arith.addi %mul3A_520, %add3A_521 : i32
      %dma_wait3A_523 = arith.constant 4 : i32
      %dma_wait3A_524 = arith.constant 4 : i32
      %dma_wait3A_525 = arith.constant 0 : i32
      %dma_wait3A_526 = arith.constant 0 : i32
      %dma_wait3A_527 = tpu.memref_slice %arg9[%dma_wait3A_524, %dma_wait3A_525, %dma_wait3A_526] : memref<5x64x128xf32, #tpu.memory_space<vmem>> -> memref<1x64x128xf32, #tpu.memory_space<vmem>>
      %dma_wait3A_528 = tpu.memref_squeeze %dma_wait3A_527 : memref<1x64x128xf32, #tpu.memory_space<vmem>> -> memref<64x128xf32, #tpu.memory_space<vmem>>
      %dma_wait3A_529 = arith.constant 0 : i32
      %dma_wait3A_530 = tpu.memref_slice %arg7[%dma_wait3A_523, %dma_wait3A_529] : memref<5x64xi32, #tpu.memory_space<vmem>> -> memref<1x64xi32, #tpu.memory_space<vmem>>
      %dma_wait3A_531 = tpu.memref_squeeze %dma_wait3A_530 : memref<1x64xi32, #tpu.memory_space<vmem>> -> memref<64xi32, #tpu.memory_space<vmem>>
      %dma_wait3A_532 = arith.constant 0 : i32
      %dma_wait3A_533 = arith.constant 0 : i32
      %dma_wait3A_534 = tpu.memref_slice %arg2[%dma_wait3A_532, %dma_wait3A_533] : memref<10000x128xf32, #tpu.memory_space<hbm>> -> memref<10000x128xf32, #tpu.memory_space<hbm>>
      tpu.wait_indirect_dma semaphore(%arg19 : memref<!tpu.dma_semaphore, #tpu.memory_space<semaphore_mem>>) src(%dma_wait3A_534 : memref<10000x128xf32, #tpu.memory_space<hbm>>) dst(%dma_wait3A_528 : memref<64x128xf32, #tpu.memory_space<vmem>>)
      %dma_start3A_535 = arith.constant 4 : i32
      %dma_start3A_536 = arith.constant 4 : i32
      %dma_start3A_537 = arith.constant 0 : i32
      %dma_start3A_538 = arith.constant 0 : i32
      %dma_start3A_539 = tpu.memref_slice %arg9[%dma_start3A_535, %dma_start3A_537, %dma_start3A_538] : memref<5x64x128xf32, #tpu.memory_space<vmem>> -> memref<1x64x128xf32, #tpu.memory_space<vmem>>
      %dma_start3A_540 = tpu.memref_squeeze %dma_start3A_539 : memref<1x64x128xf32, #tpu.memory_space<vmem>> -> memref<64x128xf32, #tpu.memory_space<vmem>>
      %dma_start3A_541 = arith.constant 0 : i32
      %dma_start3A_542 = tpu.memref_slice %arg8[%dma_start3A_536, %dma_start3A_541] : memref<5x64xi32, #tpu.memory_space<vmem>> -> memref<1x64xi32, #tpu.memory_space<vmem>>
      %dma_start3A_543 = tpu.memref_squeeze %dma_start3A_542 : memref<1x64xi32, #tpu.memory_space<vmem>> -> memref<64xi32, #tpu.memory_space<vmem>>
      %dma_start3A_544 = arith.constant 0 : i32
      %dma_start3A_545 = arith.constant 0 : i32
      %dma_start3A_546 = tpu.memref_slice %arg6[%dma_start3A_544, %dma_start3A_545] : memref<10240x128xf32, #tpu.memory_space<vmem_shared>> -> memref<10240x128xf32, #tpu.memory_space<vmem_shared>>
      tpu.enqueue_indirect_dma source(%dma_start3A_540 : memref<64x128xf32, #tpu.memory_space<vmem>>) target(%dma_start3A_546 : memref<10240x128xf32, #tpu.memory_space<vmem_shared>>) offsets(%dma_start3A_543 : memref<64xi32, #tpu.memory_space<vmem>>) semaphore(%arg24 : memref<!tpu.dma_semaphore, #tpu.memory_space<semaphore_mem>>) {add = true}
      %dma_wait3A_547 = arith.constant 0 : i32
      %dma_wait3A_548 = arith.constant 0 : i32
      %dma_wait3A_549 = arith.constant 0 : i32
      %dma_wait3A_550 = arith.constant 0 : i32
      %dma_wait3A_551 = tpu.memref_slice %arg9[%dma_wait3A_547, %dma_wait3A_549, %dma_wait3A_550] : memref<5x64x128xf32, #tpu.memory_space<vmem>> -> memref<1x64x128xf32, #tpu.memory_space<vmem>>
      %dma_wait3A_552 = tpu.memref_squeeze %dma_wait3A_551 : memref<1x64x128xf32, #tpu.memory_space<vmem>> -> memref<64x128xf32, #tpu.memory_space<vmem>>
      %dma_wait3A_553 = arith.constant 0 : i32
      %dma_wait3A_554 = tpu.memref_slice %arg8[%dma_wait3A_548, %dma_wait3A_553] : memref<5x64xi32, #tpu.memory_space<vmem>> -> memref<1x64xi32, #tpu.memory_space<vmem>>
      %dma_wait3A_555 = tpu.memref_squeeze %dma_wait3A_554 : memref<1x64xi32, #tpu.memory_space<vmem>> -> memref<64xi32, #tpu.memory_space<vmem>>
      %dma_wait3A_556 = arith.constant 0 : i32
      %dma_wait3A_557 = arith.constant 0 : i32
      %dma_wait3A_558 = tpu.memref_slice %arg6[%dma_wait3A_556, %dma_wait3A_557] : memref<10240x128xf32, #tpu.memory_space<vmem_shared>> -> memref<10240x128xf32, #tpu.memory_space<vmem_shared>>
      tpu.wait_indirect_dma semaphore(%arg20 : memref<!tpu.dma_semaphore, #tpu.memory_space<semaphore_mem>>) src(%dma_wait3A_552 : memref<64x128xf32, #tpu.memory_space<vmem>>) dst(%dma_wait3A_558 : memref<10240x128xf32, #tpu.memory_space<vmem_shared>>)
      %add3A_559 = arith.constant 1 : i32
      %add3A_560 = arith.addi %scan3A_406, %add3A_559 : i32
      %lt3A = arith.constant 32 : i32
      %lt3A_561 = arith.cmpi slt, %add3A_560, %lt3A : i32
      %convert_element_type3A = arith.extui %lt3A_561 : i1 to i32
      %cond3A = arith.constant 0 : i32
      %cond3A_562 = arith.cmpi ne, %convert_element_type3A, %cond3A : i32
      scf.if %cond3A_562 {
        %add3A_674 = arith.constant 1 : i32
        %add3A_675 = arith.addi %scan3A_406, %add3A_674 : i32
        %mul3A_676 = arith.constant 5 : i32
        %mul3A_677 = arith.muli %add3A_675, %mul3A_676 : i32
        %add3A_678 = arith.constant 0 : i32
        %add3A_679 = arith.addi %mul3A_677, %add3A_678 : i32
        %add3A_680 = arith.addi %mul3A_2, %add3A_679 : i32
        %dma_start3A_681 = arith.constant 0 : i32
        %dma_start3A_682 = arith.constant 0 : i32
        %dma_start3A_683 = tpu.memref_slice %arg7[%dma_start3A_681, %dma_start3A_682] : memref<5x64xi32, #tpu.memory_space<vmem>> -> memref<1x64xi32, #tpu.memory_space<vmem>>
        %dma_start3A_684 = tpu.memref_squeeze %dma_start3A_683 : memref<1x64xi32, #tpu.memory_space<vmem>> -> memref<64xi32, #tpu.memory_space<vmem>>
        %dma_start3A_685 = arith.constant 0 : i32
        %dma_start3A_686 = tpu.memref_slice %arg3[%add3A_680, %dma_start3A_685] : memref<5120x64xi32, #tpu.memory_space<hbm>> -> memref<1x64xi32, #tpu.memory_space<hbm>>
        %dma_start3A_687 = tpu.memref_squeeze %dma_start3A_686 : memref<1x64xi32, #tpu.memory_space<hbm>> -> memref<64xi32, #tpu.memory_space<hbm>>
        %dma_start3A_688 = arith.constant 0 : i32
        %dma_start3A_689 = tpu.memref_slice %arg7[%dma_start3A_681, %dma_start3A_688] : memref<5x64xi32, #tpu.memory_space<vmem>> -> memref<1x64xi32, #tpu.memory_space<vmem>>
        %dma_start3A_690 = tpu.memref_squeeze %dma_start3A_689 : memref<1x64xi32, #tpu.memory_space<vmem>> -> memref<64xi32, #tpu.memory_space<vmem>>
        %dma_start3A_691 = arith.constant 0 : i32
        %dma_start3A_692 = tpu.memref_slice %arg3[%add3A_680, %dma_start3A_691] : memref<5120x64xi32, #tpu.memory_space<hbm>> -> memref<1x64xi32, #tpu.memory_space<hbm>>
        %dma_start3A_693 = tpu.memref_squeeze %dma_start3A_692 : memref<1x64xi32, #tpu.memory_space<hbm>> -> memref<64xi32, #tpu.memory_space<hbm>>
        tpu.enqueue_dma source(%dma_start3A_693 : memref<64xi32, #tpu.memory_space<hbm>>) target(%dma_start3A_690 : memref<64xi32, #tpu.memory_space<vmem>>) target_semaphore(%arg10 : memref<!tpu.dma_semaphore, #tpu.memory_space<semaphore_mem>>)
        %add3A_694 = arith.addi %mul3A_2, %add3A_679 : i32
        %dma_start3A_695 = arith.constant 0 : i32
        %dma_start3A_696 = arith.constant 0 : i32
        %dma_start3A_697 = tpu.memref_slice %arg8[%dma_start3A_695, %dma_start3A_696] : memref<5x64xi32, #tpu.memory_space<vmem>> -> memref<1x64xi32, #tpu.memory_space<vmem>>
        %dma_start3A_698 = tpu.memref_squeeze %dma_start3A_697 : memref<1x64xi32, #tpu.memory_space<vmem>> -> memref<64xi32, #tpu.memory_space<vmem>>
        %dma_start3A_699 = arith.constant 0 : i32
        %dma_start3A_700 = tpu.memref_slice %arg4[%add3A_694, %dma_start3A_699] : memref<5120x64xi32, #tpu.memory_space<hbm>> -> memref<1x64xi32, #tpu.memory_space<hbm>>
        %dma_start3A_701 = tpu.memref_squeeze %dma_start3A_700 : memref<1x64xi32, #tpu.memory_space<hbm>> -> memref<64xi32, #tpu.memory_space<hbm>>
        %dma_start3A_702 = arith.constant 0 : i32
        %dma_start3A_703 = tpu.memref_slice %arg8[%dma_start3A_695, %dma_start3A_702] : memref<5x64xi32, #tpu.memory_space<vmem>> -> memref<1x64xi32, #tpu.memory_space<vmem>>
        %dma_start3A_704 = tpu.memref_squeeze %dma_start3A_703 : memref<1x64xi32, #tpu.memory_space<vmem>> -> memref<64xi32, #tpu.memory_space<vmem>>
        %dma_start3A_705 = arith.constant 0 : i32
        %dma_start3A_706 = tpu.memref_slice %arg4[%add3A_694, %dma_start3A_705] : memref<5120x64xi32, #tpu.memory_space<hbm>> -> memref<1x64xi32, #tpu.memory_space<hbm>>
        %dma_start3A_707 = tpu.memref_squeeze %dma_start3A_706 : memref<1x64xi32, #tpu.memory_space<hbm>> -> memref<64xi32, #tpu.memory_space<hbm>>
        tpu.enqueue_dma source(%dma_start3A_707 : memref<64xi32, #tpu.memory_space<hbm>>) target(%dma_start3A_704 : memref<64xi32, #tpu.memory_space<vmem>>) target_semaphore(%arg10 : memref<!tpu.dma_semaphore, #tpu.memory_space<semaphore_mem>>)
      } else {
      }
      %dma_wait3A_563 = arith.constant 1 : i32
      %dma_wait3A_564 = arith.constant 1 : i32
      %dma_wait3A_565 = arith.constant 0 : i32
      %dma_wait3A_566 = arith.constant 0 : i32
      %dma_wait3A_567 = tpu.memref_slice %arg9[%dma_wait3A_563, %dma_wait3A_565, %dma_wait3A_566] : memref<5x64x128xf32, #tpu.memory_space<vmem>> -> memref<1x64x128xf32, #tpu.memory_space<vmem>>
      %dma_wait3A_568 = tpu.memref_squeeze %dma_wait3A_567 : memref<1x64x128xf32, #tpu.memory_space<vmem>> -> memref<64x128xf32, #tpu.memory_space<vmem>>
      %dma_wait3A_569 = arith.constant 0 : i32
      %dma_wait3A_570 = tpu.memref_slice %arg8[%dma_wait3A_564, %dma_wait3A_569] : memref<5x64xi32, #tpu.memory_space<vmem>> -> memref<1x64xi32, #tpu.memory_space<vmem>>
      %dma_wait3A_571 = tpu.memref_squeeze %dma_wait3A_570 : memref<1x64xi32, #tpu.memory_space<vmem>> -> memref<64xi32, #tpu.memory_space<vmem>>
      %dma_wait3A_572 = arith.constant 0 : i32
      %dma_wait3A_573 = arith.constant 0 : i32
      %dma_wait3A_574 = tpu.memref_slice %arg6[%dma_wait3A_572, %dma_wait3A_573] : memref<10240x128xf32, #tpu.memory_space<vmem_shared>> -> memref<10240x128xf32, #tpu.memory_space<vmem_shared>>
      tpu.wait_indirect_dma semaphore(%arg21 : memref<!tpu.dma_semaphore, #tpu.memory_space<semaphore_mem>>) src(%dma_wait3A_568 : memref<64x128xf32, #tpu.memory_space<vmem>>) dst(%dma_wait3A_574 : memref<10240x128xf32, #tpu.memory_space<vmem_shared>>)
      %add3A_575 = arith.constant 1 : i32
      %add3A_576 = arith.addi %scan3A_406, %add3A_575 : i32
      %lt3A_577 = arith.constant 32 : i32
      %lt3A_578 = arith.cmpi slt, %add3A_576, %lt3A_577 : i32
      %convert_element_type3A_579 = arith.extui %lt3A_578 : i1 to i32
      %cond3A_580 = arith.constant 0 : i32
      %cond3A_581 = arith.cmpi ne, %convert_element_type3A_579, %cond3A_580 : i32
      scf.if %cond3A_581 {
        %add3A_674 = arith.constant 1 : i32
        %add3A_675 = arith.addi %scan3A_406, %add3A_674 : i32
        %mul3A_676 = arith.constant 5 : i32
        %mul3A_677 = arith.muli %add3A_675, %mul3A_676 : i32
        %add3A_678 = arith.constant 1 : i32
        %add3A_679 = arith.addi %mul3A_677, %add3A_678 : i32
        %add3A_680 = arith.addi %mul3A_2, %add3A_679 : i32
        %dma_start3A_681 = arith.constant 1 : i32
        %dma_start3A_682 = arith.constant 0 : i32
        %dma_start3A_683 = tpu.memref_slice %arg7[%dma_start3A_681, %dma_start3A_682] : memref<5x64xi32, #tpu.memory_space<vmem>> -> memref<1x64xi32, #tpu.memory_space<vmem>>
        %dma_start3A_684 = tpu.memref_squeeze %dma_start3A_683 : memref<1x64xi32, #tpu.memory_space<vmem>> -> memref<64xi32, #tpu.memory_space<vmem>>
        %dma_start3A_685 = arith.constant 0 : i32
        %dma_start3A_686 = tpu.memref_slice %arg3[%add3A_680, %dma_start3A_685] : memref<5120x64xi32, #tpu.memory_space<hbm>> -> memref<1x64xi32, #tpu.memory_space<hbm>>
        %dma_start3A_687 = tpu.memref_squeeze %dma_start3A_686 : memref<1x64xi32, #tpu.memory_space<hbm>> -> memref<64xi32, #tpu.memory_space<hbm>>
        %dma_start3A_688 = arith.constant 0 : i32
        %dma_start3A_689 = tpu.memref_slice %arg7[%dma_start3A_681, %dma_start3A_688] : memref<5x64xi32, #tpu.memory_space<vmem>> -> memref<1x64xi32, #tpu.memory_space<vmem>>
        %dma_start3A_690 = tpu.memref_squeeze %dma_start3A_689 : memref<1x64xi32, #tpu.memory_space<vmem>> -> memref<64xi32, #tpu.memory_space<vmem>>
        %dma_start3A_691 = arith.constant 0 : i32
        %dma_start3A_692 = tpu.memref_slice %arg3[%add3A_680, %dma_start3A_691] : memref<5120x64xi32, #tpu.memory_space<hbm>> -> memref<1x64xi32, #tpu.memory_space<hbm>>
        %dma_start3A_693 = tpu.memref_squeeze %dma_start3A_692 : memref<1x64xi32, #tpu.memory_space<hbm>> -> memref<64xi32, #tpu.memory_space<hbm>>
        tpu.enqueue_dma source(%dma_start3A_693 : memref<64xi32, #tpu.memory_space<hbm>>) target(%dma_start3A_690 : memref<64xi32, #tpu.memory_space<vmem>>) target_semaphore(%arg11 : memref<!tpu.dma_semaphore, #tpu.memory_space<semaphore_mem>>)
        %add3A_694 = arith.addi %mul3A_2, %add3A_679 : i32
        %dma_start3A_695 = arith.constant 1 : i32
        %dma_start3A_696 = arith.constant 0 : i32
        %dma_start3A_697 = tpu.memref_slice %arg8[%dma_start3A_695, %dma_start3A_696] : memref<5x64xi32, #tpu.memory_space<vmem>> -> memref<1x64xi32, #tpu.memory_space<vmem>>
        %dma_start3A_698 = tpu.memref_squeeze %dma_start3A_697 : memref<1x64xi32, #tpu.memory_space<vmem>> -> memref<64xi32, #tpu.memory_space<vmem>>
        %dma_start3A_699 = arith.constant 0 : i32
        %dma_start3A_700 = tpu.memref_slice %arg4[%add3A_694, %dma_start3A_699] : memref<5120x64xi32, #tpu.memory_space<hbm>> -> memref<1x64xi32, #tpu.memory_space<hbm>>
        %dma_start3A_701 = tpu.memref_squeeze %dma_start3A_700 : memref<1x64xi32, #tpu.memory_space<hbm>> -> memref<64xi32, #tpu.memory_space<hbm>>
        %dma_start3A_702 = arith.constant 0 : i32
        %dma_start3A_703 = tpu.memref_slice %arg8[%dma_start3A_695, %dma_start3A_702] : memref<5x64xi32, #tpu.memory_space<vmem>> -> memref<1x64xi32, #tpu.memory_space<vmem>>
        %dma_start3A_704 = tpu.memref_squeeze %dma_start3A_703 : memref<1x64xi32, #tpu.memory_space<vmem>> -> memref<64xi32, #tpu.memory_space<vmem>>
        %dma_start3A_705 = arith.constant 0 : i32
        %dma_start3A_706 = tpu.memref_slice %arg4[%add3A_694, %dma_start3A_705] : memref<5120x64xi32, #tpu.memory_space<hbm>> -> memref<1x64xi32, #tpu.memory_space<hbm>>
        %dma_start3A_707 = tpu.memref_squeeze %dma_start3A_706 : memref<1x64xi32, #tpu.memory_space<hbm>> -> memref<64xi32, #tpu.memory_space<hbm>>
        tpu.enqueue_dma source(%dma_start3A_707 : memref<64xi32, #tpu.memory_space<hbm>>) target(%dma_start3A_704 : memref<64xi32, #tpu.memory_space<vmem>>) target_semaphore(%arg11 : memref<!tpu.dma_semaphore, #tpu.memory_space<semaphore_mem>>)
      } else {
      }
      %dma_wait3A_582 = arith.constant 2 : i32
      %dma_wait3A_583 = arith.constant 2 : i32
      %dma_wait3A_584 = arith.constant 0 : i32
      %dma_wait3A_585 = arith.constant 0 : i32
      %dma_wait3A_586 = tpu.memref_slice %arg9[%dma_wait3A_582, %dma_wait3A_584, %dma_wait3A_585] : memref<5x64x128xf32, #tpu.memory_space<vmem>> -> memref<1x64x128xf32, #tpu.memory_space<vmem>>
      %dma_wait3A_587 = tpu.memref_squeeze %dma_wait3A_586 : memref<1x64x128xf32, #tpu.memory_space<vmem>> -> memref<64x128xf32, #tpu.memory_space<vmem>>
      %dma_wait3A_588 = arith.constant 0 : i32
      %dma_wait3A_589 = tpu.memref_slice %arg8[%dma_wait3A_583, %dma_wait3A_588] : memref<5x64xi32, #tpu.memory_space<vmem>> -> memref<1x64xi32, #tpu.memory_space<vmem>>
      %dma_wait3A_590 = tpu.memref_squeeze %dma_wait3A_589 : memref<1x64xi32, #tpu.memory_space<vmem>> -> memref<64xi32, #tpu.memory_space<vmem>>
      %dma_wait3A_591 = arith.constant 0 : i32
      %dma_wait3A_592 = arith.constant 0 : i32
      %dma_wait3A_593 = tpu.memref_slice %arg6[%dma_wait3A_591, %dma_wait3A_592] : memref<10240x128xf32, #tpu.memory_space<vmem_shared>> -> memref<10240x128xf32, #tpu.memory_space<vmem_shared>>
      tpu.wait_indirect_dma semaphore(%arg22 : memref<!tpu.dma_semaphore, #tpu.memory_space<semaphore_mem>>) src(%dma_wait3A_587 : memref<64x128xf32, #tpu.memory_space<vmem>>) dst(%dma_wait3A_593 : memref<10240x128xf32, #tpu.memory_space<vmem_shared>>)
      %add3A_594 = arith.constant 1 : i32
      %add3A_595 = arith.addi %scan3A_406, %add3A_594 : i32
      %lt3A_596 = arith.constant 32 : i32
      %lt3A_597 = arith.cmpi slt, %add3A_595, %lt3A_596 : i32
      %convert_element_type3A_598 = arith.extui %lt3A_597 : i1 to i32
      %cond3A_599 = arith.constant 0 : i32
      %cond3A_600 = arith.cmpi ne, %convert_element_type3A_598, %cond3A_599 : i32
      scf.if %cond3A_600 {
        %add3A_674 = arith.constant 1 : i32
        %add3A_675 = arith.addi %scan3A_406, %add3A_674 : i32
        %mul3A_676 = arith.constant 5 : i32
        %mul3A_677 = arith.muli %add3A_675, %mul3A_676 : i32
        %add3A_678 = arith.constant 2 : i32
        %add3A_679 = arith.addi %mul3A_677, %add3A_678 : i32
        %add3A_680 = arith.addi %mul3A_2, %add3A_679 : i32
        %dma_start3A_681 = arith.constant 2 : i32
        %dma_start3A_682 = arith.constant 0 : i32
        %dma_start3A_683 = tpu.memref_slice %arg7[%dma_start3A_681, %dma_start3A_682] : memref<5x64xi32, #tpu.memory_space<vmem>> -> memref<1x64xi32, #tpu.memory_space<vmem>>
        %dma_start3A_684 = tpu.memref_squeeze %dma_start3A_683 : memref<1x64xi32, #tpu.memory_space<vmem>> -> memref<64xi32, #tpu.memory_space<vmem>>
        %dma_start3A_685 = arith.constant 0 : i32
        %dma_start3A_686 = tpu.memref_slice %arg3[%add3A_680, %dma_start3A_685] : memref<5120x64xi32, #tpu.memory_space<hbm>> -> memref<1x64xi32, #tpu.memory_space<hbm>>
        %dma_start3A_687 = tpu.memref_squeeze %dma_start3A_686 : memref<1x64xi32, #tpu.memory_space<hbm>> -> memref<64xi32, #tpu.memory_space<hbm>>
        %dma_start3A_688 = arith.constant 0 : i32
        %dma_start3A_689 = tpu.memref_slice %arg7[%dma_start3A_681, %dma_start3A_688] : memref<5x64xi32, #tpu.memory_space<vmem>> -> memref<1x64xi32, #tpu.memory_space<vmem>>
        %dma_start3A_690 = tpu.memref_squeeze %dma_start3A_689 : memref<1x64xi32, #tpu.memory_space<vmem>> -> memref<64xi32, #tpu.memory_space<vmem>>
        %dma_start3A_691 = arith.constant 0 : i32
        %dma_start3A_692 = tpu.memref_slice %arg3[%add3A_680, %dma_start3A_691] : memref<5120x64xi32, #tpu.memory_space<hbm>> -> memref<1x64xi32, #tpu.memory_space<hbm>>
        %dma_start3A_693 = tpu.memref_squeeze %dma_start3A_692 : memref<1x64xi32, #tpu.memory_space<hbm>> -> memref<64xi32, #tpu.memory_space<hbm>>
        tpu.enqueue_dma source(%dma_start3A_693 : memref<64xi32, #tpu.memory_space<hbm>>) target(%dma_start3A_690 : memref<64xi32, #tpu.memory_space<vmem>>) target_semaphore(%arg12 : memref<!tpu.dma_semaphore, #tpu.memory_space<semaphore_mem>>)
        %add3A_694 = arith.addi %mul3A_2, %add3A_679 : i32
        %dma_start3A_695 = arith.constant 2 : i32
        %dma_start3A_696 = arith.constant 0 : i32
        %dma_start3A_697 = tpu.memref_slice %arg8[%dma_start3A_695, %dma_start3A_696] : memref<5x64xi32, #tpu.memory_space<vmem>> -> memref<1x64xi32, #tpu.memory_space<vmem>>
        %dma_start3A_698 = tpu.memref_squeeze %dma_start3A_697 : memref<1x64xi32, #tpu.memory_space<vmem>> -> memref<64xi32, #tpu.memory_space<vmem>>
        %dma_start3A_699 = arith.constant 0 : i32
        %dma_start3A_700 = tpu.memref_slice %arg4[%add3A_694, %dma_start3A_699] : memref<5120x64xi32, #tpu.memory_space<hbm>> -> memref<1x64xi32, #tpu.memory_space<hbm>>
        %dma_start3A_701 = tpu.memref_squeeze %dma_start3A_700 : memref<1x64xi32, #tpu.memory_space<hbm>> -> memref<64xi32, #tpu.memory_space<hbm>>
        %dma_start3A_702 = arith.constant 0 : i32
        %dma_start3A_703 = tpu.memref_slice %arg8[%dma_start3A_695, %dma_start3A_702] : memref<5x64xi32, #tpu.memory_space<vmem>> -> memref<1x64xi32, #tpu.memory_space<vmem>>
        %dma_start3A_704 = tpu.memref_squeeze %dma_start3A_703 : memref<1x64xi32, #tpu.memory_space<vmem>> -> memref<64xi32, #tpu.memory_space<vmem>>
        %dma_start3A_705 = arith.constant 0 : i32
        %dma_start3A_706 = tpu.memref_slice %arg4[%add3A_694, %dma_start3A_705] : memref<5120x64xi32, #tpu.memory_space<hbm>> -> memref<1x64xi32, #tpu.memory_space<hbm>>
        %dma_start3A_707 = tpu.memref_squeeze %dma_start3A_706 : memref<1x64xi32, #tpu.memory_space<hbm>> -> memref<64xi32, #tpu.memory_space<hbm>>
        tpu.enqueue_dma source(%dma_start3A_707 : memref<64xi32, #tpu.memory_space<hbm>>) target(%dma_start3A_704 : memref<64xi32, #tpu.memory_space<vmem>>) target_semaphore(%arg12 : memref<!tpu.dma_semaphore, #tpu.memory_space<semaphore_mem>>)
      } else {
      }
      %dma_wait3A_601 = arith.constant 3 : i32
      %dma_wait3A_602 = arith.constant 3 : i32
      %dma_wait3A_603 = arith.constant 0 : i32
      %dma_wait3A_604 = arith.constant 0 : i32
      %dma_wait3A_605 = tpu.memref_slice %arg9[%dma_wait3A_601, %dma_wait3A_603, %dma_wait3A_604] : memref<5x64x128xf32, #tpu.memory_space<vmem>> -> memref<1x64x128xf32, #tpu.memory_space<vmem>>
      %dma_wait3A_606 = tpu.memref_squeeze %dma_wait3A_605 : memref<1x64x128xf32, #tpu.memory_space<vmem>> -> memref<64x128xf32, #tpu.memory_space<vmem>>
      %dma_wait3A_607 = arith.constant 0 : i32
      %dma_wait3A_608 = tpu.memref_slice %arg8[%dma_wait3A_602, %dma_wait3A_607] : memref<5x64xi32, #tpu.memory_space<vmem>> -> memref<1x64xi32, #tpu.memory_space<vmem>>
      %dma_wait3A_609 = tpu.memref_squeeze %dma_wait3A_608 : memref<1x64xi32, #tpu.memory_space<vmem>> -> memref<64xi32, #tpu.memory_space<vmem>>
      %dma_wait3A_610 = arith.constant 0 : i32
      %dma_wait3A_611 = arith.constant 0 : i32
      %dma_wait3A_612 = tpu.memref_slice %arg6[%dma_wait3A_610, %dma_wait3A_611] : memref<10240x128xf32, #tpu.memory_space<vmem_shared>> -> memref<10240x128xf32, #tpu.memory_space<vmem_shared>>
      tpu.wait_indirect_dma semaphore(%arg23 : memref<!tpu.dma_semaphore, #tpu.memory_space<semaphore_mem>>) src(%dma_wait3A_606 : memref<64x128xf32, #tpu.memory_space<vmem>>) dst(%dma_wait3A_612 : memref<10240x128xf32, #tpu.memory_space<vmem_shared>>)
      %add3A_613 = arith.constant 1 : i32
      %add3A_614 = arith.addi %scan3A_406, %add3A_613 : i32
      %lt3A_615 = arith.constant 32 : i32
      %lt3A_616 = arith.cmpi slt, %add3A_614, %lt3A_615 : i32
      %convert_element_type3A_617 = arith.extui %lt3A_616 : i1 to i32
      %cond3A_618 = arith.constant 0 : i32
      %cond3A_619 = arith.cmpi ne, %convert_element_type3A_617, %cond3A_618 : i32
      scf.if %cond3A_619 {
        %add3A_674 = arith.constant 1 : i32
        %add3A_675 = arith.addi %scan3A_406, %add3A_674 : i32
        %mul3A_676 = arith.constant 5 : i32
        %mul3A_677 = arith.muli %add3A_675, %mul3A_676 : i32
        %add3A_678 = arith.constant 3 : i32
        %add3A_679 = arith.addi %mul3A_677, %add3A_678 : i32
        %add3A_680 = arith.addi %mul3A_2, %add3A_679 : i32
        %dma_start3A_681 = arith.constant 3 : i32
        %dma_start3A_682 = arith.constant 0 : i32
        %dma_start3A_683 = tpu.memref_slice %arg7[%dma_start3A_681, %dma_start3A_682] : memref<5x64xi32, #tpu.memory_space<vmem>> -> memref<1x64xi32, #tpu.memory_space<vmem>>
        %dma_start3A_684 = tpu.memref_squeeze %dma_start3A_683 : memref<1x64xi32, #tpu.memory_space<vmem>> -> memref<64xi32, #tpu.memory_space<vmem>>
        %dma_start3A_685 = arith.constant 0 : i32
        %dma_start3A_686 = tpu.memref_slice %arg3[%add3A_680, %dma_start3A_685] : memref<5120x64xi32, #tpu.memory_space<hbm>> -> memref<1x64xi32, #tpu.memory_space<hbm>>
        %dma_start3A_687 = tpu.memref_squeeze %dma_start3A_686 : memref<1x64xi32, #tpu.memory_space<hbm>> -> memref<64xi32, #tpu.memory_space<hbm>>
        %dma_start3A_688 = arith.constant 0 : i32
        %dma_start3A_689 = tpu.memref_slice %arg7[%dma_start3A_681, %dma_start3A_688] : memref<5x64xi32, #tpu.memory_space<vmem>> -> memref<1x64xi32, #tpu.memory_space<vmem>>
        %dma_start3A_690 = tpu.memref_squeeze %dma_start3A_689 : memref<1x64xi32, #tpu.memory_space<vmem>> -> memref<64xi32, #tpu.memory_space<vmem>>
        %dma_start3A_691 = arith.constant 0 : i32
        %dma_start3A_692 = tpu.memref_slice %arg3[%add3A_680, %dma_start3A_691] : memref<5120x64xi32, #tpu.memory_space<hbm>> -> memref<1x64xi32, #tpu.memory_space<hbm>>
        %dma_start3A_693 = tpu.memref_squeeze %dma_start3A_692 : memref<1x64xi32, #tpu.memory_space<hbm>> -> memref<64xi32, #tpu.memory_space<hbm>>
        tpu.enqueue_dma source(%dma_start3A_693 : memref<64xi32, #tpu.memory_space<hbm>>) target(%dma_start3A_690 : memref<64xi32, #tpu.memory_space<vmem>>) target_semaphore(%arg13 : memref<!tpu.dma_semaphore, #tpu.memory_space<semaphore_mem>>)
        %add3A_694 = arith.addi %mul3A_2, %add3A_679 : i32
        %dma_start3A_695 = arith.constant 3 : i32
        %dma_start3A_696 = arith.constant 0 : i32
        %dma_start3A_697 = tpu.memref_slice %arg8[%dma_start3A_695, %dma_start3A_696] : memref<5x64xi32, #tpu.memory_space<vmem>> -> memref<1x64xi32, #tpu.memory_space<vmem>>
        %dma_start3A_698 = tpu.memref_squeeze %dma_start3A_697 : memref<1x64xi32, #tpu.memory_space<vmem>> -> memref<64xi32, #tpu.memory_space<vmem>>
        %dma_start3A_699 = arith.constant 0 : i32
        %dma_start3A_700 = tpu.memref_slice %arg4[%add3A_694, %dma_start3A_699] : memref<5120x64xi32, #tpu.memory_space<hbm>> -> memref<1x64xi32, #tpu.memory_space<hbm>>
        %dma_start3A_701 = tpu.memref_squeeze %dma_start3A_700 : memref<1x64xi32, #tpu.memory_space<hbm>> -> memref<64xi32, #tpu.memory_space<hbm>>
        %dma_start3A_702 = arith.constant 0 : i32
        %dma_start3A_703 = tpu.memref_slice %arg8[%dma_start3A_695, %dma_start3A_702] : memref<5x64xi32, #tpu.memory_space<vmem>> -> memref<1x64xi32, #tpu.memory_space<vmem>>
        %dma_start3A_704 = tpu.memref_squeeze %dma_start3A_703 : memref<1x64xi32, #tpu.memory_space<vmem>> -> memref<64xi32, #tpu.memory_space<vmem>>
        %dma_start3A_705 = arith.constant 0 : i32
        %dma_start3A_706 = tpu.memref_slice %arg4[%add3A_694, %dma_start3A_705] : memref<5120x64xi32, #tpu.memory_space<hbm>> -> memref<1x64xi32, #tpu.memory_space<hbm>>
        %dma_start3A_707 = tpu.memref_squeeze %dma_start3A_706 : memref<1x64xi32, #tpu.memory_space<hbm>> -> memref<64xi32, #tpu.memory_space<hbm>>
        tpu.enqueue_dma source(%dma_start3A_707 : memref<64xi32, #tpu.memory_space<hbm>>) target(%dma_start3A_704 : memref<64xi32, #tpu.memory_space<vmem>>) target_semaphore(%arg13 : memref<!tpu.dma_semaphore, #tpu.memory_space<semaphore_mem>>)
      } else {
      }
      %dma_wait3A_620 = arith.constant 4 : i32
      %dma_wait3A_621 = arith.constant 4 : i32
      %dma_wait3A_622 = arith.constant 0 : i32
      %dma_wait3A_623 = arith.constant 0 : i32
      %dma_wait3A_624 = tpu.memref_slice %arg9[%dma_wait3A_620, %dma_wait3A_622, %dma_wait3A_623] : memref<5x64x128xf32, #tpu.memory_space<vmem>> -> memref<1x64x128xf32, #tpu.memory_space<vmem>>
      %dma_wait3A_625 = tpu.memref_squeeze %dma_wait3A_624 : memref<1x64x128xf32, #tpu.memory_space<vmem>> -> memref<64x128xf32, #tpu.memory_space<vmem>>
      %dma_wait3A_626 = arith.constant 0 : i32
      %dma_wait3A_627 = tpu.memref_slice %arg8[%dma_wait3A_621, %dma_wait3A_626] : memref<5x64xi32, #tpu.memory_space<vmem>> -> memref<1x64xi32, #tpu.memory_space<vmem>>
      %dma_wait3A_628 = tpu.memref_squeeze %dma_wait3A_627 : memref<1x64xi32, #tpu.memory_space<vmem>> -> memref<64xi32, #tpu.memory_space<vmem>>
      %dma_wait3A_629 = arith.constant 0 : i32
      %dma_wait3A_630 = arith.constant 0 : i32
      %dma_wait3A_631 = tpu.memref_slice %arg6[%dma_wait3A_629, %dma_wait3A_630] : memref<10240x128xf32, #tpu.memory_space<vmem_shared>> -> memref<10240x128xf32, #tpu.memory_space<vmem_shared>>
      tpu.wait_indirect_dma semaphore(%arg24 : memref<!tpu.dma_semaphore, #tpu.memory_space<semaphore_mem>>) src(%dma_wait3A_625 : memref<64x128xf32, #tpu.memory_space<vmem>>) dst(%dma_wait3A_631 : memref<10240x128xf32, #tpu.memory_space<vmem_shared>>)
      %add3A_632 = arith.constant 1 : i32
      %add3A_633 = arith.addi %scan3A_406, %add3A_632 : i32
      %lt3A_634 = arith.constant 32 : i32
      %lt3A_635 = arith.cmpi slt, %add3A_633, %lt3A_634 : i32
      %convert_element_type3A_636 = arith.extui %lt3A_635 : i1 to i32
      %cond3A_637 = arith.constant 0 : i32
      %cond3A_638 = arith.cmpi ne, %convert_element_type3A_636, %cond3A_637 : i32
      scf.if %cond3A_638 {
        %add3A_674 = arith.constant 1 : i32
        %add3A_675 = arith.addi %scan3A_406, %add3A_674 : i32
        %mul3A_676 = arith.constant 5 : i32
        %mul3A_677 = arith.muli %add3A_675, %mul3A_676 : i32
        %add3A_678 = arith.constant 4 : i32
        %add3A_679 = arith.addi %mul3A_677, %add3A_678 : i32
        %add3A_680 = arith.addi %mul3A_2, %add3A_679 : i32
        %dma_start3A_681 = arith.constant 4 : i32
        %dma_start3A_682 = arith.constant 0 : i32
        %dma_start3A_683 = tpu.memref_slice %arg7[%dma_start3A_681, %dma_start3A_682] : memref<5x64xi32, #tpu.memory_space<vmem>> -> memref<1x64xi32, #tpu.memory_space<vmem>>
        %dma_start3A_684 = tpu.memref_squeeze %dma_start3A_683 : memref<1x64xi32, #tpu.memory_space<vmem>> -> memref<64xi32, #tpu.memory_space<vmem>>
        %dma_start3A_685 = arith.constant 0 : i32
        %dma_start3A_686 = tpu.memref_slice %arg3[%add3A_680, %dma_start3A_685] : memref<5120x64xi32, #tpu.memory_space<hbm>> -> memref<1x64xi32, #tpu.memory_space<hbm>>
        %dma_start3A_687 = tpu.memref_squeeze %dma_start3A_686 : memref<1x64xi32, #tpu.memory_space<hbm>> -> memref<64xi32, #tpu.memory_space<hbm>>
        %dma_start3A_688 = arith.constant 0 : i32
        %dma_start3A_689 = tpu.memref_slice %arg7[%dma_start3A_681, %dma_start3A_688] : memref<5x64xi32, #tpu.memory_space<vmem>> -> memref<1x64xi32, #tpu.memory_space<vmem>>
        %dma_start3A_690 = tpu.memref_squeeze %dma_start3A_689 : memref<1x64xi32, #tpu.memory_space<vmem>> -> memref<64xi32, #tpu.memory_space<vmem>>
        %dma_start3A_691 = arith.constant 0 : i32
        %dma_start3A_692 = tpu.memref_slice %arg3[%add3A_680, %dma_start3A_691] : memref<5120x64xi32, #tpu.memory_space<hbm>> -> memref<1x64xi32, #tpu.memory_space<hbm>>
        %dma_start3A_693 = tpu.memref_squeeze %dma_start3A_692 : memref<1x64xi32, #tpu.memory_space<hbm>> -> memref<64xi32, #tpu.memory_space<hbm>>
        tpu.enqueue_dma source(%dma_start3A_693 : memref<64xi32, #tpu.memory_space<hbm>>) target(%dma_start3A_690 : memref<64xi32, #tpu.memory_space<vmem>>) target_semaphore(%arg14 : memref<!tpu.dma_semaphore, #tpu.memory_space<semaphore_mem>>)
        %add3A_694 = arith.addi %mul3A_2, %add3A_679 : i32
        %dma_start3A_695 = arith.constant 4 : i32
        %dma_start3A_696 = arith.constant 0 : i32
        %dma_start3A_697 = tpu.memref_slice %arg8[%dma_start3A_695, %dma_start3A_696] : memref<5x64xi32, #tpu.memory_space<vmem>> -> memref<1x64xi32, #tpu.memory_space<vmem>>
        %dma_start3A_698 = tpu.memref_squeeze %dma_start3A_697 : memref<1x64xi32, #tpu.memory_space<vmem>> -> memref<64xi32, #tpu.memory_space<vmem>>
        %dma_start3A_699 = arith.constant 0 : i32
        %dma_start3A_700 = tpu.memref_slice %arg4[%add3A_694, %dma_start3A_699] : memref<5120x64xi32, #tpu.memory_space<hbm>> -> memref<1x64xi32, #tpu.memory_space<hbm>>
        %dma_start3A_701 = tpu.memref_squeeze %dma_start3A_700 : memref<1x64xi32, #tpu.memory_space<hbm>> -> memref<64xi32, #tpu.memory_space<hbm>>
        %dma_start3A_702 = arith.constant 0 : i32
        %dma_start3A_703 = tpu.memref_slice %arg8[%dma_start3A_695, %dma_start3A_702] : memref<5x64xi32, #tpu.memory_space<vmem>> -> memref<1x64xi32, #tpu.memory_space<vmem>>
        %dma_start3A_704 = tpu.memref_squeeze %dma_start3A_703 : memref<1x64xi32, #tpu.memory_space<vmem>> -> memref<64xi32, #tpu.memory_space<vmem>>
        %dma_start3A_705 = arith.constant 0 : i32
        %dma_start3A_706 = tpu.memref_slice %arg4[%add3A_694, %dma_start3A_705] : memref<5120x64xi32, #tpu.memory_space<hbm>> -> memref<1x64xi32, #tpu.memory_space<hbm>>
        %dma_start3A_707 = tpu.memref_squeeze %dma_start3A_706 : memref<1x64xi32, #tpu.memory_space<hbm>> -> memref<64xi32, #tpu.memory_space<hbm>>
        tpu.enqueue_dma source(%dma_start3A_707 : memref<64xi32, #tpu.memory_space<hbm>>) target(%dma_start3A_704 : memref<64xi32, #tpu.memory_space<vmem>>) target_semaphore(%arg14 : memref<!tpu.dma_semaphore, #tpu.memory_space<semaphore_mem>>)
      } else {
      }
      %add3A_639 = arith.constant 1 : i32
      %add3A_640 = arith.addi %scan3A_406, %add3A_639 : i32
      %lt3A_641 = arith.constant 32 : i32
      %lt3A_642 = arith.cmpi slt, %add3A_640, %lt3A_641 : i32
      %convert_element_type3A_643 = arith.extui %lt3A_642 : i1 to i32
      %cond3A_644 = arith.constant 0 : i32
      %cond3A_645 = arith.cmpi ne, %convert_element_type3A_643, %cond3A_644 : i32
      scf.if %cond3A_645 {
        %add3A_674 = arith.constant 1 : i32
        %add3A_675 = arith.addi %scan3A_406, %add3A_674 : i32
        %mul3A_676 = arith.constant 5 : i32
        %mul3A_677 = arith.muli %add3A_675, %mul3A_676 : i32
        %add3A_678 = arith.constant 0 : i32
        %add3A_679 = arith.addi %mul3A_677, %add3A_678 : i32
        %add3A_680 = arith.addi %mul3A_2, %add3A_679 : i32
        %dma_wait3A_681 = arith.constant 0 : i32
        %dma_wait3A_682 = arith.constant 0 : i32
        %dma_wait3A_683 = tpu.memref_slice %arg7[%dma_wait3A_681, %dma_wait3A_682] : memref<5x64xi32, #tpu.memory_space<vmem>> -> memref<1x64xi32, #tpu.memory_space<vmem>>
        %dma_wait3A_684 = tpu.memref_squeeze %dma_wait3A_683 : memref<1x64xi32, #tpu.memory_space<vmem>> -> memref<64xi32, #tpu.memory_space<vmem>>
        %dma_wait3A_685 = arith.constant 0 : i32
        %dma_wait3A_686 = tpu.memref_slice %arg3[%add3A_680, %dma_wait3A_685] : memref<5120x64xi32, #tpu.memory_space<hbm>> -> memref<1x64xi32, #tpu.memory_space<hbm>>
        %dma_wait3A_687 = tpu.memref_squeeze %dma_wait3A_686 : memref<1x64xi32, #tpu.memory_space<hbm>> -> memref<64xi32, #tpu.memory_space<hbm>>
        %dma_wait3A_688 = arith.constant 0 : i32
        %dma_wait3A_689 = tpu.memref_slice %arg7[%dma_wait3A_681, %dma_wait3A_688] : memref<5x64xi32, #tpu.memory_space<vmem>> -> memref<1x64xi32, #tpu.memory_space<vmem>>
        %dma_wait3A_690 = tpu.memref_squeeze %dma_wait3A_689 : memref<1x64xi32, #tpu.memory_space<vmem>> -> memref<64xi32, #tpu.memory_space<vmem>>
        %dma_wait3A_691 = arith.constant 0 : i32
        %dma_wait3A_692 = tpu.memref_slice %arg3[%add3A_680, %dma_wait3A_691] : memref<5120x64xi32, #tpu.memory_space<hbm>> -> memref<1x64xi32, #tpu.memory_space<hbm>>
        %dma_wait3A_693 = tpu.memref_squeeze %dma_wait3A_692 : memref<1x64xi32, #tpu.memory_space<hbm>> -> memref<64xi32, #tpu.memory_space<hbm>>
        tpu.wait_dma2 semaphore(%arg10 : memref<!tpu.dma_semaphore, #tpu.memory_space<semaphore_mem>>) src(%dma_wait3A_693 : memref<64xi32, #tpu.memory_space<hbm>>) dst(%dma_wait3A_690 : memref<64xi32, #tpu.memory_space<vmem>>)
        %add3A_694 = arith.addi %mul3A_2, %add3A_679 : i32
        %dma_wait3A_695 = arith.constant 0 : i32
        %dma_wait3A_696 = arith.constant 0 : i32
        %dma_wait3A_697 = tpu.memref_slice %arg8[%dma_wait3A_695, %dma_wait3A_696] : memref<5x64xi32, #tpu.memory_space<vmem>> -> memref<1x64xi32, #tpu.memory_space<vmem>>
        %dma_wait3A_698 = tpu.memref_squeeze %dma_wait3A_697 : memref<1x64xi32, #tpu.memory_space<vmem>> -> memref<64xi32, #tpu.memory_space<vmem>>
        %dma_wait3A_699 = arith.constant 0 : i32
        %dma_wait3A_700 = tpu.memref_slice %arg4[%add3A_694, %dma_wait3A_699] : memref<5120x64xi32, #tpu.memory_space<hbm>> -> memref<1x64xi32, #tpu.memory_space<hbm>>
        %dma_wait3A_701 = tpu.memref_squeeze %dma_wait3A_700 : memref<1x64xi32, #tpu.memory_space<hbm>> -> memref<64xi32, #tpu.memory_space<hbm>>
        %dma_wait3A_702 = arith.constant 0 : i32
        %dma_wait3A_703 = tpu.memref_slice %arg8[%dma_wait3A_695, %dma_wait3A_702] : memref<5x64xi32, #tpu.memory_space<vmem>> -> memref<1x64xi32, #tpu.memory_space<vmem>>
        %dma_wait3A_704 = tpu.memref_squeeze %dma_wait3A_703 : memref<1x64xi32, #tpu.memory_space<vmem>> -> memref<64xi32, #tpu.memory_space<vmem>>
        %dma_wait3A_705 = arith.constant 0 : i32
        %dma_wait3A_706 = tpu.memref_slice %arg4[%add3A_694, %dma_wait3A_705] : memref<5120x64xi32, #tpu.memory_space<hbm>> -> memref<1x64xi32, #tpu.memory_space<hbm>>
        %dma_wait3A_707 = tpu.memref_squeeze %dma_wait3A_706 : memref<1x64xi32, #tpu.memory_space<hbm>> -> memref<64xi32, #tpu.memory_space<hbm>>
        tpu.wait_dma2 semaphore(%arg10 : memref<!tpu.dma_semaphore, #tpu.memory_space<semaphore_mem>>) src(%dma_wait3A_707 : memref<64xi32, #tpu.memory_space<hbm>>) dst(%dma_wait3A_704 : memref<64xi32, #tpu.memory_space<vmem>>)
        %dma_start3A_708 = arith.constant 0 : i32
        %dma_start3A_709 = arith.constant 0 : i32
        %dma_start3A_710 = arith.constant 0 : i32
        %dma_start3A_711 = arith.constant 0 : i32
        %dma_start3A_712 = tpu.memref_slice %arg9[%dma_start3A_709, %dma_start3A_710, %dma_start3A_711] : memref<5x64x128xf32, #tpu.memory_space<vmem>> -> memref<1x64x128xf32, #tpu.memory_space<vmem>>
        %dma_start3A_713 = tpu.memref_squeeze %dma_start3A_712 : memref<1x64x128xf32, #tpu.memory_space<vmem>> -> memref<64x128xf32, #tpu.memory_space<vmem>>
        %dma_start3A_714 = arith.constant 0 : i32
        %dma_start3A_715 = tpu.memref_slice %arg7[%dma_start3A_708, %dma_start3A_714] : memref<5x64xi32, #tpu.memory_space<vmem>> -> memref<1x64xi32, #tpu.memory_space<vmem>>
        %dma_start3A_716 = tpu.memref_squeeze %dma_start3A_715 : memref<1x64xi32, #tpu.memory_space<vmem>> -> memref<64xi32, #tpu.memory_space<vmem>>
        %dma_start3A_717 = arith.constant 0 : i32
        %dma_start3A_718 = arith.constant 0 : i32
        %dma_start3A_719 = tpu.memref_slice %arg2[%dma_start3A_717, %dma_start3A_718] : memref<10000x128xf32, #tpu.memory_space<hbm>> -> memref<10000x128xf32, #tpu.memory_space<hbm>>
        tpu.enqueue_indirect_dma source(%dma_start3A_719 : memref<10000x128xf32, #tpu.memory_space<hbm>>) target(%dma_start3A_713 : memref<64x128xf32, #tpu.memory_space<vmem>>) offsets(%dma_start3A_716 : memref<64xi32, #tpu.memory_space<vmem>>) semaphore(%arg15 : memref<!tpu.dma_semaphore, #tpu.memory_space<semaphore_mem>>)
      } else {
      }
      %add3A_646 = arith.constant 1 : i32
      %add3A_647 = arith.addi %scan3A_406, %add3A_646 : i32
      %lt3A_648 = arith.constant 32 : i32
      %lt3A_649 = arith.cmpi slt, %add3A_647, %lt3A_648 : i32
      %convert_element_type3A_650 = arith.extui %lt3A_649 : i1 to i32
      %cond3A_651 = arith.constant 0 : i32
      %cond3A_652 = arith.cmpi ne, %convert_element_type3A_650, %cond3A_651 : i32
      scf.if %cond3A_652 {
        %add3A_674 = arith.constant 1 : i32
        %add3A_675 = arith.addi %scan3A_406, %add3A_674 : i32
        %mul3A_676 = arith.constant 5 : i32
        %mul3A_677 = arith.muli %add3A_675, %mul3A_676 : i32
        %add3A_678 = arith.constant 1 : i32
        %add3A_679 = arith.addi %mul3A_677, %add3A_678 : i32
        %add3A_680 = arith.addi %mul3A_2, %add3A_679 : i32
        %dma_wait3A_681 = arith.constant 1 : i32
        %dma_wait3A_682 = arith.constant 0 : i32
        %dma_wait3A_683 = tpu.memref_slice %arg7[%dma_wait3A_681, %dma_wait3A_682] : memref<5x64xi32, #tpu.memory_space<vmem>> -> memref<1x64xi32, #tpu.memory_space<vmem>>
        %dma_wait3A_684 = tpu.memref_squeeze %dma_wait3A_683 : memref<1x64xi32, #tpu.memory_space<vmem>> -> memref<64xi32, #tpu.memory_space<vmem>>
        %dma_wait3A_685 = arith.constant 0 : i32
        %dma_wait3A_686 = tpu.memref_slice %arg3[%add3A_680, %dma_wait3A_685] : memref<5120x64xi32, #tpu.memory_space<hbm>> -> memref<1x64xi32, #tpu.memory_space<hbm>>
        %dma_wait3A_687 = tpu.memref_squeeze %dma_wait3A_686 : memref<1x64xi32, #tpu.memory_space<hbm>> -> memref<64xi32, #tpu.memory_space<hbm>>
        %dma_wait3A_688 = arith.constant 0 : i32
        %dma_wait3A_689 = tpu.memref_slice %arg7[%dma_wait3A_681, %dma_wait3A_688] : memref<5x64xi32, #tpu.memory_space<vmem>> -> memref<1x64xi32, #tpu.memory_space<vmem>>
        %dma_wait3A_690 = tpu.memref_squeeze %dma_wait3A_689 : memref<1x64xi32, #tpu.memory_space<vmem>> -> memref<64xi32, #tpu.memory_space<vmem>>
        %dma_wait3A_691 = arith.constant 0 : i32
        %dma_wait3A_692 = tpu.memref_slice %arg3[%add3A_680, %dma_wait3A_691] : memref<5120x64xi32, #tpu.memory_space<hbm>> -> memref<1x64xi32, #tpu.memory_space<hbm>>
        %dma_wait3A_693 = tpu.memref_squeeze %dma_wait3A_692 : memref<1x64xi32, #tpu.memory_space<hbm>> -> memref<64xi32, #tpu.memory_space<hbm>>
        tpu.wait_dma2 semaphore(%arg11 : memref<!tpu.dma_semaphore, #tpu.memory_space<semaphore_mem>>) src(%dma_wait3A_693 : memref<64xi32, #tpu.memory_space<hbm>>) dst(%dma_wait3A_690 : memref<64xi32, #tpu.memory_space<vmem>>)
        %add3A_694 = arith.addi %mul3A_2, %add3A_679 : i32
        %dma_wait3A_695 = arith.constant 1 : i32
        %dma_wait3A_696 = arith.constant 0 : i32
        %dma_wait3A_697 = tpu.memref_slice %arg8[%dma_wait3A_695, %dma_wait3A_696] : memref<5x64xi32, #tpu.memory_space<vmem>> -> memref<1x64xi32, #tpu.memory_space<vmem>>
        %dma_wait3A_698 = tpu.memref_squeeze %dma_wait3A_697 : memref<1x64xi32, #tpu.memory_space<vmem>> -> memref<64xi32, #tpu.memory_space<vmem>>
        %dma_wait3A_699 = arith.constant 0 : i32
        %dma_wait3A_700 = tpu.memref_slice %arg4[%add3A_694, %dma_wait3A_699] : memref<5120x64xi32, #tpu.memory_space<hbm>> -> memref<1x64xi32, #tpu.memory_space<hbm>>
        %dma_wait3A_701 = tpu.memref_squeeze %dma_wait3A_700 : memref<1x64xi32, #tpu.memory_space<hbm>> -> memref<64xi32, #tpu.memory_space<hbm>>
        %dma_wait3A_702 = arith.constant 0 : i32
        %dma_wait3A_703 = tpu.memref_slice %arg8[%dma_wait3A_695, %dma_wait3A_702] : memref<5x64xi32, #tpu.memory_space<vmem>> -> memref<1x64xi32, #tpu.memory_space<vmem>>
        %dma_wait3A_704 = tpu.memref_squeeze %dma_wait3A_703 : memref<1x64xi32, #tpu.memory_space<vmem>> -> memref<64xi32, #tpu.memory_space<vmem>>
        %dma_wait3A_705 = arith.constant 0 : i32
        %dma_wait3A_706 = tpu.memref_slice %arg4[%add3A_694, %dma_wait3A_705] : memref<5120x64xi32, #tpu.memory_space<hbm>> -> memref<1x64xi32, #tpu.memory_space<hbm>>
        %dma_wait3A_707 = tpu.memref_squeeze %dma_wait3A_706 : memref<1x64xi32, #tpu.memory_space<hbm>> -> memref<64xi32, #tpu.memory_space<hbm>>
        tpu.wait_dma2 semaphore(%arg11 : memref<!tpu.dma_semaphore, #tpu.memory_space<semaphore_mem>>) src(%dma_wait3A_707 : memref<64xi32, #tpu.memory_space<hbm>>) dst(%dma_wait3A_704 : memref<64xi32, #tpu.memory_space<vmem>>)
        %dma_start3A_708 = arith.constant 1 : i32
        %dma_start3A_709 = arith.constant 1 : i32
        %dma_start3A_710 = arith.constant 0 : i32
        %dma_start3A_711 = arith.constant 0 : i32
        %dma_start3A_712 = tpu.memref_slice %arg9[%dma_start3A_709, %dma_start3A_710, %dma_start3A_711] : memref<5x64x128xf32, #tpu.memory_space<vmem>> -> memref<1x64x128xf32, #tpu.memory_space<vmem>>
        %dma_start3A_713 = tpu.memref_squeeze %dma_start3A_712 : memref<1x64x128xf32, #tpu.memory_space<vmem>> -> memref<64x128xf32, #tpu.memory_space<vmem>>
        %dma_start3A_714 = arith.constant 0 : i32
        %dma_start3A_715 = tpu.memref_slice %arg7[%dma_start3A_708, %dma_start3A_714] : memref<5x64xi32, #tpu.memory_space<vmem>> -> memref<1x64xi32, #tpu.memory_space<vmem>>
        %dma_start3A_716 = tpu.memref_squeeze %dma_start3A_715 : memref<1x64xi32, #tpu.memory_space<vmem>> -> memref<64xi32, #tpu.memory_space<vmem>>
        %dma_start3A_717 = arith.constant 0 : i32
        %dma_start3A_718 = arith.constant 0 : i32
        %dma_start3A_719 = tpu.memref_slice %arg2[%dma_start3A_717, %dma_start3A_718] : memref<10000x128xf32, #tpu.memory_space<hbm>> -> memref<10000x128xf32, #tpu.memory_space<hbm>>
        tpu.enqueue_indirect_dma source(%dma_start3A_719 : memref<10000x128xf32, #tpu.memory_space<hbm>>) target(%dma_start3A_713 : memref<64x128xf32, #tpu.memory_space<vmem>>) offsets(%dma_start3A_716 : memref<64xi32, #tpu.memory_space<vmem>>) semaphore(%arg16 : memref<!tpu.dma_semaphore, #tpu.memory_space<semaphore_mem>>)
      } else {
      }
      %add3A_653 = arith.constant 1 : i32
      %add3A_654 = arith.addi %scan3A_406, %add3A_653 : i32
      %lt3A_655 = arith.constant 32 : i32
      %lt3A_656 = arith.cmpi slt, %add3A_654, %lt3A_655 : i32
      %convert_element_type3A_657 = arith.extui %lt3A_656 : i1 to i32
      %cond3A_658 = arith.constant 0 : i32
      %cond3A_659 = arith.cmpi ne, %convert_element_type3A_657, %cond3A_658 : i32
      scf.if %cond3A_659 {
        %add3A_674 = arith.constant 1 : i32
        %add3A_675 = arith.addi %scan3A_406, %add3A_674 : i32
        %mul3A_676 = arith.constant 5 : i32
        %mul3A_677 = arith.muli %add3A_675, %mul3A_676 : i32
        %add3A_678 = arith.constant 2 : i32
        %add3A_679 = arith.addi %mul3A_677, %add3A_678 : i32
        %add3A_680 = arith.addi %mul3A_2, %add3A_679 : i32
        %dma_wait3A_681 = arith.constant 2 : i32
        %dma_wait3A_682 = arith.constant 0 : i32
        %dma_wait3A_683 = tpu.memref_slice %arg7[%dma_wait3A_681, %dma_wait3A_682] : memref<5x64xi32, #tpu.memory_space<vmem>> -> memref<1x64xi32, #tpu.memory_space<vmem>>
        %dma_wait3A_684 = tpu.memref_squeeze %dma_wait3A_683 : memref<1x64xi32, #tpu.memory_space<vmem>> -> memref<64xi32, #tpu.memory_space<vmem>>
        %dma_wait3A_685 = arith.constant 0 : i32
        %dma_wait3A_686 = tpu.memref_slice %arg3[%add3A_680, %dma_wait3A_685] : memref<5120x64xi32, #tpu.memory_space<hbm>> -> memref<1x64xi32, #tpu.memory_space<hbm>>
        %dma_wait3A_687 = tpu.memref_squeeze %dma_wait3A_686 : memref<1x64xi32, #tpu.memory_space<hbm>> -> memref<64xi32, #tpu.memory_space<hbm>>
        %dma_wait3A_688 = arith.constant 0 : i32
        %dma_wait3A_689 = tpu.memref_slice %arg7[%dma_wait3A_681, %dma_wait3A_688] : memref<5x64xi32, #tpu.memory_space<vmem>> -> memref<1x64xi32, #tpu.memory_space<vmem>>
        %dma_wait3A_690 = tpu.memref_squeeze %dma_wait3A_689 : memref<1x64xi32, #tpu.memory_space<vmem>> -> memref<64xi32, #tpu.memory_space<vmem>>
        %dma_wait3A_691 = arith.constant 0 : i32
        %dma_wait3A_692 = tpu.memref_slice %arg3[%add3A_680, %dma_wait3A_691] : memref<5120x64xi32, #tpu.memory_space<hbm>> -> memref<1x64xi32, #tpu.memory_space<hbm>>
        %dma_wait3A_693 = tpu.memref_squeeze %dma_wait3A_692 : memref<1x64xi32, #tpu.memory_space<hbm>> -> memref<64xi32, #tpu.memory_space<hbm>>
        tpu.wait_dma2 semaphore(%arg12 : memref<!tpu.dma_semaphore, #tpu.memory_space<semaphore_mem>>) src(%dma_wait3A_693 : memref<64xi32, #tpu.memory_space<hbm>>) dst(%dma_wait3A_690 : memref<64xi32, #tpu.memory_space<vmem>>)
        %add3A_694 = arith.addi %mul3A_2, %add3A_679 : i32
        %dma_wait3A_695 = arith.constant 2 : i32
        %dma_wait3A_696 = arith.constant 0 : i32
        %dma_wait3A_697 = tpu.memref_slice %arg8[%dma_wait3A_695, %dma_wait3A_696] : memref<5x64xi32, #tpu.memory_space<vmem>> -> memref<1x64xi32, #tpu.memory_space<vmem>>
        %dma_wait3A_698 = tpu.memref_squeeze %dma_wait3A_697 : memref<1x64xi32, #tpu.memory_space<vmem>> -> memref<64xi32, #tpu.memory_space<vmem>>
        %dma_wait3A_699 = arith.constant 0 : i32
        %dma_wait3A_700 = tpu.memref_slice %arg4[%add3A_694, %dma_wait3A_699] : memref<5120x64xi32, #tpu.memory_space<hbm>> -> memref<1x64xi32, #tpu.memory_space<hbm>>
        %dma_wait3A_701 = tpu.memref_squeeze %dma_wait3A_700 : memref<1x64xi32, #tpu.memory_space<hbm>> -> memref<64xi32, #tpu.memory_space<hbm>>
        %dma_wait3A_702 = arith.constant 0 : i32
        %dma_wait3A_703 = tpu.memref_slice %arg8[%dma_wait3A_695, %dma_wait3A_702] : memref<5x64xi32, #tpu.memory_space<vmem>> -> memref<1x64xi32, #tpu.memory_space<vmem>>
        %dma_wait3A_704 = tpu.memref_squeeze %dma_wait3A_703 : memref<1x64xi32, #tpu.memory_space<vmem>> -> memref<64xi32, #tpu.memory_space<vmem>>
        %dma_wait3A_705 = arith.constant 0 : i32
        %dma_wait3A_706 = tpu.memref_slice %arg4[%add3A_694, %dma_wait3A_705] : memref<5120x64xi32, #tpu.memory_space<hbm>> -> memref<1x64xi32, #tpu.memory_space<hbm>>
        %dma_wait3A_707 = tpu.memref_squeeze %dma_wait3A_706 : memref<1x64xi32, #tpu.memory_space<hbm>> -> memref<64xi32, #tpu.memory_space<hbm>>
        tpu.wait_dma2 semaphore(%arg12 : memref<!tpu.dma_semaphore, #tpu.memory_space<semaphore_mem>>) src(%dma_wait3A_707 : memref<64xi32, #tpu.memory_space<hbm>>) dst(%dma_wait3A_704 : memref<64xi32, #tpu.memory_space<vmem>>)
        %dma_start3A_708 = arith.constant 2 : i32
        %dma_start3A_709 = arith.constant 2 : i32
        %dma_start3A_710 = arith.constant 0 : i32
        %dma_start3A_711 = arith.constant 0 : i32
        %dma_start3A_712 = tpu.memref_slice %arg9[%dma_start3A_709, %dma_start3A_710, %dma_start3A_711] : memref<5x64x128xf32, #tpu.memory_space<vmem>> -> memref<1x64x128xf32, #tpu.memory_space<vmem>>
        %dma_start3A_713 = tpu.memref_squeeze %dma_start3A_712 : memref<1x64x128xf32, #tpu.memory_space<vmem>> -> memref<64x128xf32, #tpu.memory_space<vmem>>
        %dma_start3A_714 = arith.constant 0 : i32
        %dma_start3A_715 = tpu.memref_slice %arg7[%dma_start3A_708, %dma_start3A_714] : memref<5x64xi32, #tpu.memory_space<vmem>> -> memref<1x64xi32, #tpu.memory_space<vmem>>
        %dma_start3A_716 = tpu.memref_squeeze %dma_start3A_715 : memref<1x64xi32, #tpu.memory_space<vmem>> -> memref<64xi32, #tpu.memory_space<vmem>>
        %dma_start3A_717 = arith.constant 0 : i32
        %dma_start3A_718 = arith.constant 0 : i32
        %dma_start3A_719 = tpu.memref_slice %arg2[%dma_start3A_717, %dma_start3A_718] : memref<10000x128xf32, #tpu.memory_space<hbm>> -> memref<10000x128xf32, #tpu.memory_space<hbm>>
        tpu.enqueue_indirect_dma source(%dma_start3A_719 : memref<10000x128xf32, #tpu.memory_space<hbm>>) target(%dma_start3A_713 : memref<64x128xf32, #tpu.memory_space<vmem>>) offsets(%dma_start3A_716 : memref<64xi32, #tpu.memory_space<vmem>>) semaphore(%arg17 : memref<!tpu.dma_semaphore, #tpu.memory_space<semaphore_mem>>)
      } else {
      }
      %add3A_660 = arith.constant 1 : i32
      %add3A_661 = arith.addi %scan3A_406, %add3A_660 : i32
      %lt3A_662 = arith.constant 32 : i32
      %lt3A_663 = arith.cmpi slt, %add3A_661, %lt3A_662 : i32
      %convert_element_type3A_664 = arith.extui %lt3A_663 : i1 to i32
      %cond3A_665 = arith.constant 0 : i32
      %cond3A_666 = arith.cmpi ne, %convert_element_type3A_664, %cond3A_665 : i32
      scf.if %cond3A_666 {
        %add3A_674 = arith.constant 1 : i32
        %add3A_675 = arith.addi %scan3A_406, %add3A_674 : i32
        %mul3A_676 = arith.constant 5 : i32
        %mul3A_677 = arith.muli %add3A_675, %mul3A_676 : i32
        %add3A_678 = arith.constant 3 : i32
        %add3A_679 = arith.addi %mul3A_677, %add3A_678 : i32
        %add3A_680 = arith.addi %mul3A_2, %add3A_679 : i32
        %dma_wait3A_681 = arith.constant 3 : i32
        %dma_wait3A_682 = arith.constant 0 : i32
        %dma_wait3A_683 = tpu.memref_slice %arg7[%dma_wait3A_681, %dma_wait3A_682] : memref<5x64xi32, #tpu.memory_space<vmem>> -> memref<1x64xi32, #tpu.memory_space<vmem>>
        %dma_wait3A_684 = tpu.memref_squeeze %dma_wait3A_683 : memref<1x64xi32, #tpu.memory_space<vmem>> -> memref<64xi32, #tpu.memory_space<vmem>>
        %dma_wait3A_685 = arith.constant 0 : i32
        %dma_wait3A_686 = tpu.memref_slice %arg3[%add3A_680, %dma_wait3A_685] : memref<5120x64xi32, #tpu.memory_space<hbm>> -> memref<1x64xi32, #tpu.memory_space<hbm>>
        %dma_wait3A_687 = tpu.memref_squeeze %dma_wait3A_686 : memref<1x64xi32, #tpu.memory_space<hbm>> -> memref<64xi32, #tpu.memory_space<hbm>>
        %dma_wait3A_688 = arith.constant 0 : i32
        %dma_wait3A_689 = tpu.memref_slice %arg7[%dma_wait3A_681, %dma_wait3A_688] : memref<5x64xi32, #tpu.memory_space<vmem>> -> memref<1x64xi32, #tpu.memory_space<vmem>>
        %dma_wait3A_690 = tpu.memref_squeeze %dma_wait3A_689 : memref<1x64xi32, #tpu.memory_space<vmem>> -> memref<64xi32, #tpu.memory_space<vmem>>
        %dma_wait3A_691 = arith.constant 0 : i32
        %dma_wait3A_692 = tpu.memref_slice %arg3[%add3A_680, %dma_wait3A_691] : memref<5120x64xi32, #tpu.memory_space<hbm>> -> memref<1x64xi32, #tpu.memory_space<hbm>>
        %dma_wait3A_693 = tpu.memref_squeeze %dma_wait3A_692 : memref<1x64xi32, #tpu.memory_space<hbm>> -> memref<64xi32, #tpu.memory_space<hbm>>
        tpu.wait_dma2 semaphore(%arg13 : memref<!tpu.dma_semaphore, #tpu.memory_space<semaphore_mem>>) src(%dma_wait3A_693 : memref<64xi32, #tpu.memory_space<hbm>>) dst(%dma_wait3A_690 : memref<64xi32, #tpu.memory_space<vmem>>)
        %add3A_694 = arith.addi %mul3A_2, %add3A_679 : i32
        %dma_wait3A_695 = arith.constant 3 : i32
        %dma_wait3A_696 = arith.constant 0 : i32
        %dma_wait3A_697 = tpu.memref_slice %arg8[%dma_wait3A_695, %dma_wait3A_696] : memref<5x64xi32, #tpu.memory_space<vmem>> -> memref<1x64xi32, #tpu.memory_space<vmem>>
        %dma_wait3A_698 = tpu.memref_squeeze %dma_wait3A_697 : memref<1x64xi32, #tpu.memory_space<vmem>> -> memref<64xi32, #tpu.memory_space<vmem>>
        %dma_wait3A_699 = arith.constant 0 : i32
        %dma_wait3A_700 = tpu.memref_slice %arg4[%add3A_694, %dma_wait3A_699] : memref<5120x64xi32, #tpu.memory_space<hbm>> -> memref<1x64xi32, #tpu.memory_space<hbm>>
        %dma_wait3A_701 = tpu.memref_squeeze %dma_wait3A_700 : memref<1x64xi32, #tpu.memory_space<hbm>> -> memref<64xi32, #tpu.memory_space<hbm>>
        %dma_wait3A_702 = arith.constant 0 : i32
        %dma_wait3A_703 = tpu.memref_slice %arg8[%dma_wait3A_695, %dma_wait3A_702] : memref<5x64xi32, #tpu.memory_space<vmem>> -> memref<1x64xi32, #tpu.memory_space<vmem>>
        %dma_wait3A_704 = tpu.memref_squeeze %dma_wait3A_703 : memref<1x64xi32, #tpu.memory_space<vmem>> -> memref<64xi32, #tpu.memory_space<vmem>>
        %dma_wait3A_705 = arith.constant 0 : i32
        %dma_wait3A_706 = tpu.memref_slice %arg4[%add3A_694, %dma_wait3A_705] : memref<5120x64xi32, #tpu.memory_space<hbm>> -> memref<1x64xi32, #tpu.memory_space<hbm>>
        %dma_wait3A_707 = tpu.memref_squeeze %dma_wait3A_706 : memref<1x64xi32, #tpu.memory_space<hbm>> -> memref<64xi32, #tpu.memory_space<hbm>>
        tpu.wait_dma2 semaphore(%arg13 : memref<!tpu.dma_semaphore, #tpu.memory_space<semaphore_mem>>) src(%dma_wait3A_707 : memref<64xi32, #tpu.memory_space<hbm>>) dst(%dma_wait3A_704 : memref<64xi32, #tpu.memory_space<vmem>>)
        %dma_start3A_708 = arith.constant 3 : i32
        %dma_start3A_709 = arith.constant 3 : i32
        %dma_start3A_710 = arith.constant 0 : i32
        %dma_start3A_711 = arith.constant 0 : i32
        %dma_start3A_712 = tpu.memref_slice %arg9[%dma_start3A_709, %dma_start3A_710, %dma_start3A_711] : memref<5x64x128xf32, #tpu.memory_space<vmem>> -> memref<1x64x128xf32, #tpu.memory_space<vmem>>
        %dma_start3A_713 = tpu.memref_squeeze %dma_start3A_712 : memref<1x64x128xf32, #tpu.memory_space<vmem>> -> memref<64x128xf32, #tpu.memory_space<vmem>>
        %dma_start3A_714 = arith.constant 0 : i32
        %dma_start3A_715 = tpu.memref_slice %arg7[%dma_start3A_708, %dma_start3A_714] : memref<5x64xi32, #tpu.memory_space<vmem>> -> memref<1x64xi32, #tpu.memory_space<vmem>>
        %dma_start3A_716 = tpu.memref_squeeze %dma_start3A_715 : memref<1x64xi32, #tpu.memory_space<vmem>> -> memref<64xi32, #tpu.memory_space<vmem>>
        %dma_start3A_717 = arith.constant 0 : i32
        %dma_start3A_718 = arith.constant 0 : i32
        %dma_start3A_719 = tpu.memref_slice %arg2[%dma_start3A_717, %dma_start3A_718] : memref<10000x128xf32, #tpu.memory_space<hbm>> -> memref<10000x128xf32, #tpu.memory_space<hbm>>
        tpu.enqueue_indirect_dma source(%dma_start3A_719 : memref<10000x128xf32, #tpu.memory_space<hbm>>) target(%dma_start3A_713 : memref<64x128xf32, #tpu.memory_space<vmem>>) offsets(%dma_start3A_716 : memref<64xi32, #tpu.memory_space<vmem>>) semaphore(%arg18 : memref<!tpu.dma_semaphore, #tpu.memory_space<semaphore_mem>>)
      } else {
      }
      %add3A_667 = arith.constant 1 : i32
      %add3A_668 = arith.addi %scan3A_406, %add3A_667 : i32
      %lt3A_669 = arith.constant 32 : i32
      %lt3A_670 = arith.cmpi slt, %add3A_668, %lt3A_669 : i32
      %convert_element_type3A_671 = arith.extui %lt3A_670 : i1 to i32
      %cond3A_672 = arith.constant 0 : i32
      %cond3A_673 = arith.cmpi ne, %convert_element_type3A_671, %cond3A_672 : i32
      scf.if %cond3A_673 {
        %add3A_674 = arith.constant 1 : i32
        %add3A_675 = arith.addi %scan3A_406, %add3A_674 : i32
        %mul3A_676 = arith.constant 5 : i32
        %mul3A_677 = arith.muli %add3A_675, %mul3A_676 : i32
        %add3A_678 = arith.constant 4 : i32
        %add3A_679 = arith.addi %mul3A_677, %add3A_678 : i32
        %add3A_680 = arith.addi %mul3A_2, %add3A_679 : i32
        %dma_wait3A_681 = arith.constant 4 : i32
        %dma_wait3A_682 = arith.constant 0 : i32
        %dma_wait3A_683 = tpu.memref_slice %arg7[%dma_wait3A_681, %dma_wait3A_682] : memref<5x64xi32, #tpu.memory_space<vmem>> -> memref<1x64xi32, #tpu.memory_space<vmem>>
        %dma_wait3A_684 = tpu.memref_squeeze %dma_wait3A_683 : memref<1x64xi32, #tpu.memory_space<vmem>> -> memref<64xi32, #tpu.memory_space<vmem>>
        %dma_wait3A_685 = arith.constant 0 : i32
        %dma_wait3A_686 = tpu.memref_slice %arg3[%add3A_680, %dma_wait3A_685] : memref<5120x64xi32, #tpu.memory_space<hbm>> -> memref<1x64xi32, #tpu.memory_space<hbm>>
        %dma_wait3A_687 = tpu.memref_squeeze %dma_wait3A_686 : memref<1x64xi32, #tpu.memory_space<hbm>> -> memref<64xi32, #tpu.memory_space<hbm>>
        %dma_wait3A_688 = arith.constant 0 : i32
        %dma_wait3A_689 = tpu.memref_slice %arg7[%dma_wait3A_681, %dma_wait3A_688] : memref<5x64xi32, #tpu.memory_space<vmem>> -> memref<1x64xi32, #tpu.memory_space<vmem>>
        %dma_wait3A_690 = tpu.memref_squeeze %dma_wait3A_689 : memref<1x64xi32, #tpu.memory_space<vmem>> -> memref<64xi32, #tpu.memory_space<vmem>>
        %dma_wait3A_691 = arith.constant 0 : i32
        %dma_wait3A_692 = tpu.memref_slice %arg3[%add3A_680, %dma_wait3A_691] : memref<5120x64xi32, #tpu.memory_space<hbm>> -> memref<1x64xi32, #tpu.memory_space<hbm>>
        %dma_wait3A_693 = tpu.memref_squeeze %dma_wait3A_692 : memref<1x64xi32, #tpu.memory_space<hbm>> -> memref<64xi32, #tpu.memory_space<hbm>>
        tpu.wait_dma2 semaphore(%arg14 : memref<!tpu.dma_semaphore, #tpu.memory_space<semaphore_mem>>) src(%dma_wait3A_693 : memref<64xi32, #tpu.memory_space<hbm>>) dst(%dma_wait3A_690 : memref<64xi32, #tpu.memory_space<vmem>>)
        %add3A_694 = arith.addi %mul3A_2, %add3A_679 : i32
        %dma_wait3A_695 = arith.constant 4 : i32
        %dma_wait3A_696 = arith.constant 0 : i32
        %dma_wait3A_697 = tpu.memref_slice %arg8[%dma_wait3A_695, %dma_wait3A_696] : memref<5x64xi32, #tpu.memory_space<vmem>> -> memref<1x64xi32, #tpu.memory_space<vmem>>
        %dma_wait3A_698 = tpu.memref_squeeze %dma_wait3A_697 : memref<1x64xi32, #tpu.memory_space<vmem>> -> memref<64xi32, #tpu.memory_space<vmem>>
        %dma_wait3A_699 = arith.constant 0 : i32
        %dma_wait3A_700 = tpu.memref_slice %arg4[%add3A_694, %dma_wait3A_699] : memref<5120x64xi32, #tpu.memory_space<hbm>> -> memref<1x64xi32, #tpu.memory_space<hbm>>
        %dma_wait3A_701 = tpu.memref_squeeze %dma_wait3A_700 : memref<1x64xi32, #tpu.memory_space<hbm>> -> memref<64xi32, #tpu.memory_space<hbm>>
        %dma_wait3A_702 = arith.constant 0 : i32
        %dma_wait3A_703 = tpu.memref_slice %arg8[%dma_wait3A_695, %dma_wait3A_702] : memref<5x64xi32, #tpu.memory_space<vmem>> -> memref<1x64xi32, #tpu.memory_space<vmem>>
        %dma_wait3A_704 = tpu.memref_squeeze %dma_wait3A_703 : memref<1x64xi32, #tpu.memory_space<vmem>> -> memref<64xi32, #tpu.memory_space<vmem>>
        %dma_wait3A_705 = arith.constant 0 : i32
        %dma_wait3A_706 = tpu.memref_slice %arg4[%add3A_694, %dma_wait3A_705] : memref<5120x64xi32, #tpu.memory_space<hbm>> -> memref<1x64xi32, #tpu.memory_space<hbm>>
        %dma_wait3A_707 = tpu.memref_squeeze %dma_wait3A_706 : memref<1x64xi32, #tpu.memory_space<hbm>> -> memref<64xi32, #tpu.memory_space<hbm>>
        tpu.wait_dma2 semaphore(%arg14 : memref<!tpu.dma_semaphore, #tpu.memory_space<semaphore_mem>>) src(%dma_wait3A_707 : memref<64xi32, #tpu.memory_space<hbm>>) dst(%dma_wait3A_704 : memref<64xi32, #tpu.memory_space<vmem>>)
        %dma_start3A_708 = arith.constant 4 : i32
        %dma_start3A_709 = arith.constant 4 : i32
        %dma_start3A_710 = arith.constant 0 : i32
        %dma_start3A_711 = arith.constant 0 : i32
        %dma_start3A_712 = tpu.memref_slice %arg9[%dma_start3A_709, %dma_start3A_710, %dma_start3A_711] : memref<5x64x128xf32, #tpu.memory_space<vmem>> -> memref<1x64x128xf32, #tpu.memory_space<vmem>>
        %dma_start3A_713 = tpu.memref_squeeze %dma_start3A_712 : memref<1x64x128xf32, #tpu.memory_space<vmem>> -> memref<64x128xf32, #tpu.memory_space<vmem>>
        %dma_start3A_714 = arith.constant 0 : i32
        %dma_start3A_715 = tpu.memref_slice %arg7[%dma_start3A_708, %dma_start3A_714] : memref<5x64xi32, #tpu.memory_space<vmem>> -> memref<1x64xi32, #tpu.memory_space<vmem>>
        %dma_start3A_716 = tpu.memref_squeeze %dma_start3A_715 : memref<1x64xi32, #tpu.memory_space<vmem>> -> memref<64xi32, #tpu.memory_space<vmem>>
        %dma_start3A_717 = arith.constant 0 : i32
        %dma_start3A_718 = arith.constant 0 : i32
        %dma_start3A_719 = tpu.memref_slice %arg2[%dma_start3A_717, %dma_start3A_718] : memref<10000x128xf32, #tpu.memory_space<hbm>> -> memref<10000x128xf32, #tpu.memory_space<hbm>>
        tpu.enqueue_indirect_dma source(%dma_start3A_719 : memref<10000x128xf32, #tpu.memory_space<hbm>>) target(%dma_start3A_713 : memref<64x128xf32, #tpu.memory_space<vmem>>) offsets(%dma_start3A_716 : memref<64xi32, #tpu.memory_space<vmem>>) semaphore(%arg19 : memref<!tpu.dma_semaphore, #tpu.memory_space<semaphore_mem>>)
      } else {
      }
    }
    %scan3A_404 = arith.constant 32 : i32
    %barrier3A_405 = arith.constant 0 : index
    tpu.barrier barrier_id(%barrier3A_405)
    "tpu.region"() ({
      %run_scoped3A_406 = tpu.sem_alloc : memref<!tpu.dma_semaphore, #tpu.memory_space<semaphore_mem>>
      %dma_start3A_407 = arith.constant 0 : i32
      %dma_start3A_408 = tpu.memref_slice %arg5[%arg0, %mul3A_11, %dma_start3A_407] : memref<2x10240x128xf32, #tpu.memory_space<hbm>> -> memref<1x640x128xf32, #tpu.memory_space<hbm>>
      %dma_start3A_409 = tpu.memref_squeeze %dma_start3A_408 : memref<1x640x128xf32, #tpu.memory_space<hbm>> -> memref<640x128xf32, #tpu.memory_space<hbm>>
      %dma_start3A_410 = arith.constant 0 : i32
      %dma_start3A_411 = tpu.memref_slice %arg6[%mul3A_11, %dma_start3A_410] : memref<10240x128xf32, #tpu.memory_space<vmem_shared>> -> memref<640x128xf32, #tpu.memory_space<vmem_shared>>
      tpu.enqueue_dma source(%dma_start3A_411 : memref<640x128xf32, #tpu.memory_space<vmem_shared>>) target(%dma_start3A_409 : memref<640x128xf32, #tpu.memory_space<hbm>>) target_semaphore(%run_scoped3A_406 : memref<!tpu.dma_semaphore, #tpu.memory_space<semaphore_mem>>)
      %dma_wait3A_412 = arith.constant 0 : i32
      %dma_wait3A_413 = tpu.memref_slice %arg5[%arg0, %mul3A_11, %dma_wait3A_412] : memref<2x10240x128xf32, #tpu.memory_space<hbm>> -> memref<1x640x128xf32, #tpu.memory_space<hbm>>
      %dma_wait3A_414 = tpu.memref_squeeze %dma_wait3A_413 : memref<1x640x128xf32, #tpu.memory_space<hbm>> -> memref<640x128xf32, #tpu.memory_space<hbm>>
      %dma_wait3A_415 = arith.constant 0 : i32
      %dma_wait3A_416 = tpu.memref_slice %arg6[%mul3A_11, %dma_wait3A_415] : memref<10240x128xf32, #tpu.memory_space<vmem_shared>> -> memref<640x128xf32, #tpu.memory_space<vmem_shared>>
      tpu.wait_dma2 semaphore(%run_scoped3A_406 : memref<!tpu.dma_semaphore, #tpu.memory_space<semaphore_mem>>) src(%dma_wait3A_416 : memref<640x128xf32, #tpu.memory_space<vmem_shared>>) dst(%dma_wait3A_414 : memref<640x128xf32, #tpu.memory_space<hbm>>)
      tpu.yield
    }) : () -> ()
    return
  }
}

module attributes {stable_mosaic.version = 14 : i64} {
  func.func @_prep_body(%arg0: i32, %arg1: memref<2x1000x128xf32, #tpu.memory_space<vmem>>, %arg2: memref<1000x128xf32, #tpu.memory_space<vmem>>, %arg3: memref<1000x1xf32, #tpu.memory_space<vmem>>, %arg4: memref<1000x128xf32, #tpu.memory_space<vmem>>, %arg5: memref<1000x128xf32, #tpu.memory_space<vmem>>) attributes {dimension_semantics = [#tpu.dimension_semantics<arbitrary>], iteration_bounds = array<i64: 10>, scalar_prefetch = 0 : i64, scratch_operands = 0 : i64, tpu.core_type = #tpu.core_type<tc>, window_params = [{transform_indices = @transform_0, window_bounds = array<i64: 2, 1000, 128>}, {transform_indices = @transform_1, window_bounds = array<i64: 1000, 128>}, {transform_indices = @transform_2, window_bounds = array<i64: 1000, 1>}, {transform_indices = @transform_3, window_bounds = array<i64: 1000, 128>}, {transform_indices = @transform_4, window_bounds = array<i64: 1000, 128>}]} {
    %get3A = arith.constant 0 : index
    %get3A_0 = arith.constant 0 : index
    %get3A_1 = arith.constant 0 : index
    %get3A_2 = vector.load %arg1[%get3A, %get3A_0, %get3A_1] : memref<2x1000x128xf32, #tpu.memory_space<vmem>>, vector<1x1000x1xf32>
    %get3A_3 = vector.shape_cast %get3A_2 : vector<1x1000x1xf32> to vector<1000x1xf32>
    %get3A_4 = arith.constant 1 : index
    %get3A_5 = arith.constant 0 : index
    %get3A_6 = arith.constant 0 : index
    %get3A_7 = vector.load %arg1[%get3A_4, %get3A_5, %get3A_6] : memref<2x1000x128xf32, #tpu.memory_space<vmem>>, vector<1x1000x1xf32>
    %get3A_8 = vector.shape_cast %get3A_7 : vector<1x1000x1xf32> to vector<1000x1xf32>
    %add3A = arith.addf %get3A_3, %get3A_8 : vector<1000x1xf32>
    %add3A_9 = arith.constant 1.000000e+00 : f32
    %add3A_10 = vector.broadcast %add3A_9 : f32 to vector<1000x1xf32>
    %add3A_11 = arith.addf %add3A, %add3A_10 : vector<1000x1xf32>
    %rsqrt3A = math.rsqrt %add3A_11 : vector<1000x1xf32>
    %swap3A = arith.constant 0 : index
    %swap3A_12 = arith.constant 0 : index
    %swap3A_13 = vector.load %arg3[%swap3A, %swap3A_12] : memref<1000x1xf32, #tpu.memory_space<vmem>>, vector<1000x1xf32>
    tpu.vector_store %arg3[%swap3A, %swap3A_12], %rsqrt3A {strides = array<i32>} : memref<1000x1xf32, #tpu.memory_space<vmem>>, vector<1000x1xf32>,
    %get3A_14 = arith.constant 0 : index
    %get3A_15 = arith.constant 0 : index
    %get3A_16 = vector.load %arg2[%get3A_14, %get3A_15] : memref<1000x128xf32, #tpu.memory_space<vmem>>, vector<1000x128xf32>
    %mul3A = vector.broadcast %rsqrt3A : vector<1000x1xf32> to vector<1000x128xf32>
    %mul3A_17 = arith.mulf %get3A_16, %mul3A : vector<1000x128xf32>
    %swap3A_18 = arith.constant 0 : index
    %swap3A_19 = arith.constant 0 : index
    %swap3A_20 = vector.load %arg4[%swap3A_18, %swap3A_19] : memref<1000x128xf32, #tpu.memory_space<vmem>>, vector<1000x128xf32>
    tpu.vector_store %arg4[%swap3A_18, %swap3A_19], %mul3A_17 {strides = array<i32>} : memref<1000x128xf32, #tpu.memory_space<vmem>>, vector<1000x128xf32>,
    %mul3A_21 = arith.constant 1.000000e-01 : f32
    %mul3A_22 = vector.broadcast %mul3A_21 : f32 to vector<1000x128xf32>
    %mul3A_23 = arith.mulf %mul3A_22, %get3A_16 : vector<1000x128xf32>
    %mul3A_24 = arith.mulf %rsqrt3A, %rsqrt3A : vector<1000x1xf32>
    %mul3A_25 = vector.broadcast %mul3A_24 : vector<1000x1xf32> to vector<1000x128xf32>
    %mul3A_26 = arith.mulf %mul3A_23, %mul3A_25 : vector<1000x128xf32>
    %swap3A_27 = arith.constant 0 : index
    %swap3A_28 = arith.constant 0 : index
    %swap3A_29 = vector.load %arg5[%swap3A_27, %swap3A_28] : memref<1000x128xf32, #tpu.memory_space<vmem>>, vector<1000x128xf32>
    tpu.vector_store %arg5[%swap3A_27, %swap3A_28], %mul3A_26 {strides = array<i32>} : memref<1000x128xf32, #tpu.memory_space<vmem>>, vector<1000x128xf32>,
    return
  }
  func.func @transform_0(%arg0: i32) -> (i32, i32, i32) {
    %c0_i32 = arith.constant 0 : i32
    %c0_i32_0 = arith.constant 0 : i32
    %c0_i32_1 = arith.constant 0 : i32
    return %c0_i32, %arg0, %c0_i32_0 : i32, i32, i32
  }
  func.func @transform_1(%arg0: i32) -> (i32, i32) {
    %c0_i32 = arith.constant 0 : i32
    %c0_i32_0 = arith.constant 0 : i32
    return %arg0, %c0_i32 : i32, i32
  }
  func.func @transform_2(%arg0: i32) -> (i32, i32) {
    %c0_i32 = arith.constant 0 : i32
    %c0_i32_0 = arith.constant 0 : i32
    return %arg0, %c0_i32 : i32, i32
  }
  func.func @transform_3(%arg0: i32) -> (i32, i32) {
    %c0_i32 = arith.constant 0 : i32
    %c0_i32_0 = arith.constant 0 : i32
    return %arg0, %c0_i32 : i32, i32
  }
  func.func @transform_4(%arg0: i32) -> (i32, i32) {
    %c0_i32 = arith.constant 0 : i32
    %c0_i32_0 = arith.constant 0 : i32
    return %arg0, %c0_i32 : i32, i32
  }
}

module attributes {stable_mosaic.version = 14 : i64} {
  func.func @_blend_body(%arg0: i32, %arg1: memref<2x1000x128xf32, #tpu.memory_space<vmem>>, %arg2: memref<1000x128xf32, #tpu.memory_space<vmem>>, %arg3: memref<1000x128xf32, #tpu.memory_space<vmem>>, %arg4: memref<1000x1xf32, #tpu.memory_space<vmem>>, %arg5: memref<1000x128xf32, #tpu.memory_space<vmem>>, %arg6: memref<1000x128xf32, #tpu.memory_space<vmem>>) attributes {dimension_semantics = [#tpu.dimension_semantics<arbitrary>], iteration_bounds = array<i64: 10>, scalar_prefetch = 0 : i64, scratch_operands = 0 : i64, tpu.core_type = #tpu.core_type<tc>, window_params = [{transform_indices = @transform_0, window_bounds = array<i64: 2, 1000, 128>}, {transform_indices = @transform_1, window_bounds = array<i64: 1000, 128>}, {transform_indices = @transform_2, window_bounds = array<i64: 1000, 128>}, {transform_indices = @transform_3, window_bounds = array<i64: 1000, 1>}, {transform_indices = @transform_4, window_bounds = array<i64: 1000, 128>}, {transform_indices = @transform_5, window_bounds = array<i64: 1000, 128>}]} {
    %get3A = arith.constant 0 : index
    %get3A_0 = arith.constant 0 : index
    %get3A_1 = vector.load %arg4[%get3A, %get3A_0] : memref<1000x1xf32, #tpu.memory_space<vmem>>, vector<1000x1xf32>
    %get3A_2 = arith.constant 0 : index
    %get3A_3 = arith.constant 0 : index
    %get3A_4 = arith.constant 0 : index
    %get3A_5 = vector.load %arg1[%get3A_2, %get3A_3, %get3A_4] : memref<2x1000x128xf32, #tpu.memory_space<vmem>>, vector<1x1000x128xf32>
    %get3A_6 = vector.shape_cast %get3A_5 : vector<1x1000x128xf32> to vector<1000x128xf32>
    %get3A_7 = arith.constant 1 : index
    %get3A_8 = arith.constant 0 : index
    %get3A_9 = arith.constant 0 : index
    %get3A_10 = vector.load %arg1[%get3A_7, %get3A_8, %get3A_9] : memref<2x1000x128xf32, #tpu.memory_space<vmem>>, vector<1x1000x128xf32>
    %get3A_11 = vector.shape_cast %get3A_10 : vector<1x1000x128xf32> to vector<1000x128xf32>
    %add3A = arith.addf %get3A_6, %get3A_11 : vector<1000x128xf32>
    %mul3A = vector.broadcast %get3A_1 : vector<1000x1xf32> to vector<1000x128xf32>
    %mul3A_12 = arith.mulf %add3A, %mul3A : vector<1000x128xf32>
    %mul3A_13 = arith.constant 1.000000e-01 : f32
    %mul3A_14 = vector.broadcast %mul3A_13 : f32 to vector<1000x128xf32>
    %mul3A_15 = arith.mulf %mul3A_14, %mul3A_12 : vector<1000x128xf32>
    %get3A_16 = arith.constant 0 : index
    %get3A_17 = arith.constant 0 : index
    %get3A_18 = vector.load %arg3[%get3A_16, %get3A_17] : memref<1000x128xf32, #tpu.memory_space<vmem>>, vector<1000x128xf32>
    %add3A_19 = arith.addf %mul3A_15, %get3A_18 : vector<1000x128xf32>
    %get3A_20 = arith.constant 0 : index
    %get3A_21 = arith.constant 0 : index
    %get3A_22 = vector.load %arg2[%get3A_20, %get3A_21] : memref<1000x128xf32, #tpu.memory_space<vmem>>, vector<1000x128xf32>
    %mul3A_23 = arith.constant 0.899999976 : f32
    %mul3A_24 = vector.broadcast %mul3A_23 : f32 to vector<1000x128xf32>
    %mul3A_25 = arith.mulf %mul3A_24, %get3A_22 : vector<1000x128xf32>
    %add3A_26 = arith.addf %add3A_19, %mul3A_25 : vector<1000x128xf32>
    %swap3A = arith.constant 0 : index
    %swap3A_27 = arith.constant 0 : index
    %swap3A_28 = vector.load %arg5[%swap3A, %swap3A_27] : memref<1000x128xf32, #tpu.memory_space<vmem>>, vector<1000x128xf32>
    tpu.vector_store %arg5[%swap3A, %swap3A_27], %add3A_26 {strides = array<i32>} : memref<1000x128xf32, #tpu.memory_space<vmem>>, vector<1000x128xf32>,
    %mul3A_29 = vector.broadcast %get3A_1 : vector<1000x1xf32> to vector<1000x128xf32>
    %mul3A_30 = arith.mulf %add3A_26, %mul3A_29 : vector<1000x128xf32>
    %swap3A_31 = arith.constant 0 : index
    %swap3A_32 = arith.constant 0 : index
    %swap3A_33 = vector.load %arg6[%swap3A_31, %swap3A_32] : memref<1000x128xf32, #tpu.memory_space<vmem>>, vector<1000x128xf32>
    tpu.vector_store %arg6[%swap3A_31, %swap3A_32], %mul3A_30 {strides = array<i32>} : memref<1000x128xf32, #tpu.memory_space<vmem>>, vector<1000x128xf32>,
    return
  }
  func.func @transform_0(%arg0: i32) -> (i32, i32, i32) {
    %c0_i32 = arith.constant 0 : i32
    %c0_i32_0 = arith.constant 0 : i32
    %c0_i32_1 = arith.constant 0 : i32
    return %c0_i32, %arg0, %c0_i32_0 : i32, i32, i32
  }
  func.func @transform_1(%arg0: i32) -> (i32, i32) {
    %c0_i32 = arith.constant 0 : i32
    %c0_i32_0 = arith.constant 0 : i32
    return %arg0, %c0_i32 : i32, i32
  }
  func.func @transform_2(%arg0: i32) -> (i32, i32) {
    %c0_i32 = arith.constant 0 : i32
    %c0_i32_0 = arith.constant 0 : i32
    return %arg0, %c0_i32 : i32, i32
  }
  func.func @transform_3(%arg0: i32) -> (i32, i32) {
    %c0_i32 = arith.constant 0 : i32
    %c0_i32_0 = arith.constant 0 : i32
    return %arg0, %c0_i32 : i32, i32
  }
  func.func @transform_4(%arg0: i32) -> (i32, i32) {
    %c0_i32 = arith.constant 0 : i32
    %c0_i32_0 = arith.constant 0 : i32
    return %arg0, %c0_i32 : i32, i32
  }
  func.func @transform_5(%arg0: i32) -> (i32, i32) {
    %c0_i32 = arith.constant 0 : i32
    %c0_i32_0 = arith.constant 0 : i32
    return %arg0, %c0_i32 : i32, i32
  }
}

module attributes {stable_mosaic.version = 14 : i64} {
  func.func @_blend_body(%arg0: i32, %arg1: memref<2x1000x128xf32, #tpu.memory_space<vmem>>, %arg2: memref<1000x128xf32, #tpu.memory_space<vmem>>, %arg3: memref<1000x128xf32, #tpu.memory_space<vmem>>, %arg4: memref<1000x1xf32, #tpu.memory_space<vmem>>, %arg5: memref<1000x128xf32, #tpu.memory_space<vmem>>) attributes {dimension_semantics = [#tpu.dimension_semantics<arbitrary>], iteration_bounds = array<i64: 10>, scalar_prefetch = 0 : i64, scratch_operands = 0 : i64, tpu.core_type = #tpu.core_type<tc>, window_params = [{transform_indices = @transform_0, window_bounds = array<i64: 2, 1000, 128>}, {transform_indices = @transform_1, window_bounds = array<i64: 1000, 128>}, {transform_indices = @transform_2, window_bounds = array<i64: 1000, 128>}, {transform_indices = @transform_3, window_bounds = array<i64: 1000, 1>}, {transform_indices = @transform_4, window_bounds = array<i64: 1000, 128>}]} {
    %get3A = arith.constant 0 : index
    %get3A_0 = arith.constant 0 : index
    %get3A_1 = vector.load %arg4[%get3A, %get3A_0] : memref<1000x1xf32, #tpu.memory_space<vmem>>, vector<1000x1xf32>
    %get3A_2 = arith.constant 0 : index
    %get3A_3 = arith.constant 0 : index
    %get3A_4 = arith.constant 0 : index
    %get3A_5 = vector.load %arg1[%get3A_2, %get3A_3, %get3A_4] : memref<2x1000x128xf32, #tpu.memory_space<vmem>>, vector<1x1000x128xf32>
    %get3A_6 = vector.shape_cast %get3A_5 : vector<1x1000x128xf32> to vector<1000x128xf32>
    %get3A_7 = arith.constant 1 : index
    %get3A_8 = arith.constant 0 : index
    %get3A_9 = arith.constant 0 : index
    %get3A_10 = vector.load %arg1[%get3A_7, %get3A_8, %get3A_9] : memref<2x1000x128xf32, #tpu.memory_space<vmem>>, vector<1x1000x128xf32>
    %get3A_11 = vector.shape_cast %get3A_10 : vector<1x1000x128xf32> to vector<1000x128xf32>
    %add3A = arith.addf %get3A_6, %get3A_11 : vector<1000x128xf32>
    %mul3A = vector.broadcast %get3A_1 : vector<1000x1xf32> to vector<1000x128xf32>
    %mul3A_12 = arith.mulf %add3A, %mul3A : vector<1000x128xf32>
    %mul3A_13 = arith.constant 1.000000e-01 : f32
    %mul3A_14 = vector.broadcast %mul3A_13 : f32 to vector<1000x128xf32>
    %mul3A_15 = arith.mulf %mul3A_14, %mul3A_12 : vector<1000x128xf32>
    %get3A_16 = arith.constant 0 : index
    %get3A_17 = arith.constant 0 : index
    %get3A_18 = vector.load %arg3[%get3A_16, %get3A_17] : memref<1000x128xf32, #tpu.memory_space<vmem>>, vector<1000x128xf32>
    %add3A_19 = arith.addf %mul3A_15, %get3A_18 : vector<1000x128xf32>
    %get3A_20 = arith.constant 0 : index
    %get3A_21 = arith.constant 0 : index
    %get3A_22 = vector.load %arg2[%get3A_20, %get3A_21] : memref<1000x128xf32, #tpu.memory_space<vmem>>, vector<1000x128xf32>
    %mul3A_23 = arith.constant 0.899999976 : f32
    %mul3A_24 = vector.broadcast %mul3A_23 : f32 to vector<1000x128xf32>
    %mul3A_25 = arith.mulf %mul3A_24, %get3A_22 : vector<1000x128xf32>
    %add3A_26 = arith.addf %add3A_19, %mul3A_25 : vector<1000x128xf32>
    %swap3A = arith.constant 0 : index
    %swap3A_27 = arith.constant 0 : index
    %swap3A_28 = vector.load %arg5[%swap3A, %swap3A_27] : memref<1000x128xf32, #tpu.memory_space<vmem>>, vector<1000x128xf32>
    tpu.vector_store %arg5[%swap3A, %swap3A_27], %add3A_26 {strides = array<i32>} : memref<1000x128xf32, #tpu.memory_space<vmem>>, vector<1000x128xf32>,
    return
  }
  func.func @transform_0(%arg0: i32) -> (i32, i32, i32) {
    %c0_i32 = arith.constant 0 : i32
    %c0_i32_0 = arith.constant 0 : i32
    %c0_i32_1 = arith.constant 0 : i32
    return %c0_i32, %arg0, %c0_i32_0 : i32, i32, i32
  }
  func.func @transform_1(%arg0: i32) -> (i32, i32) {
    %c0_i32 = arith.constant 0 : i32
    %c0_i32_0 = arith.constant 0 : i32
    return %arg0, %c0_i32 : i32, i32
  }
  func.func @transform_2(%arg0: i32) -> (i32, i32) {
    %c0_i32 = arith.constant 0 : i32
    %c0_i32_0 = arith.constant 0 : i32
    return %arg0, %c0_i32 : i32, i32
  }
  func.func @transform_3(%arg0: i32) -> (i32, i32) {
    %c0_i32 = arith.constant 0 : i32
    %c0_i32_0 = arith.constant 0 : i32
    return %arg0, %c0_i32 : i32, i32
  }
  func.func @transform_4(%arg0: i32) -> (i32, i32) {
    %c0_i32 = arith.constant 0 : i32
    %c0_i32_0 = arith.constant 0 : i32
    return %arg0, %c0_i32 : i32, i32
  }
}

</mosaic_0001>

<sc_bundles>
// kernel: kernel.11.cloned.1.call-start
scs
__scs_entry_jumppad:
0x0: {  	(pc) =	sbr.rel $0x88, $3  }
0x1: {  	(tag) =	ssettag $0x0;
	lr =	simm.s32 $0x1  }
0x2: {  	[smem:$0x3F9F] =	sst lr;
	_ =	strace $0xD0000000  }
0x3: {  	_ = 	snop  }
0x4: {  	_ = 	snop  }
0x5: {  	_ = 	snop  }
0x6: {  	_ = 	snop  }
0x7: {  	_ = 	snop  }
__scs_overlays_trampoline_lowered:
0x8: {  	[smem:$0x3FAE] =	sst s0  }
0x9: {  	[smem:$0x3FAF] =	sst s1  }
0xa: {  	[smem:$0x3FB0] =	sst s2  }
0xb: {  	[smem:$0x3FB1] =	sst s3  }
0xc: {  	[smem:$0x3FB2] =	sst s4  }
0xd: {  	[smem:$0x3FB3] =	sst s5  }
0xe: {  	[smem:$0x3FB4] =	sst s6  }
0xf: {  	[smem:$0x3FB5] =	sst s7  }
0x10: {  	[smem:$0x3FB6] =	sst s8  }
0x11: {  	[smem:$0x3FB7] =	sst s9;
	s0 =	simm.s32 @!p0 $0x0  }
0x12: {  	s1 =	sld [smem:$0x3F9D];
	s0 =	simm.s32 @p0 $0x1  }
0x13: {  	[smem:$0x3FB8] =	sst s0;
	s0 =	simm.s32 @!p1 $0x0  }
0x14: {  	s2 =	sld [smem:$0x3F9C];
	s0 =	simm.s32 @p1 $0x1  }
0x15: {  	[smem:$0x3FB9] =	sst s0;
	s0 =	simm.s32 @!p2 $0x0  }
0x16: {  	s3 =	sld [smem:$0x3FDB];
	s0 =	simm.s32 @p2 $0x1  }
0x17: {  	s4 =	simm.s32 $0x1BF5;
	[smem:$0x3FBB] =	sst s0  }
0x18: {  	s0 =	sld [smem:$0x3F9E];
	_ =	swait.ge [sflag:s4], $0x0  }
0x19: {  	s7 =	sld [smem:$0x3F9F]  }
0x1a: {  	s8 =	sadd.s32 $0xFFFFE003, lr  }
0x1b: {  	s9 =	sadd.s32 $0xFFFFFEF7, lr;
	s5 =	simm.s32 $0xFFFFFFFF;
	p2 =	slt.u32 s8, $0xFFFFF086  }
0x1c: {  	p1 =	slt.u32 s9, $0xF7A;
	s5 =	simm.s32 @!p2 $0x0  }
0x1d: {  	s5 =	simm.s32 @p1 $0x1;
	p0 =	seq.s32 s7, s2  }
0x1e: {  	s7 =	smul.u32 @!p0 $0xF7A, s2;
	p2 =	seq.s32 @!p0 s5, $0x0  }
0x1f: {  	s9 =	smul.u32 $0xF7A, s1;
	s8 =	simm.s32 @!p0 $0x1BF5;
	p2 =	por !p2, p0  }
0x20: {  	[sflag:s8] =	ssyncset.s32 @!p0 $0xFFFFF086;
	s6 =	sadd.s32 @!p0 s3, s7;
	s7 =	simm.s32 @!p0 $0x108  }
0x21: {  	s3 =	sadd.s32 s3, s9;
	s6 =	sadd.s32 @!p0 $0x88, s6;
	s7 =	simm.s32 @p2 $0x1082  }
0x22: {  	[simem:s7], [sflag:s8] =	dma.local @!p0 [hbm:s6], $0xF7A  }
0x23: {  	s9 =	sor.u32 $0xD0000000, s2;
	s6 =	simm.s32 $0x108;
	_ =	swait.ge @!p0 [sflag:s8], $0x0  }
0x24: {  	s3 =	sadd.s32 $0x88, s3;
	s6 =	simm.s32 @!p1 $0x1082;
	[sflag:s4] =	ssyncset.s32 $0xFFFFF086  }
0x25: {  	[simem:s6], [sflag:s4] =	dma.local [hbm:s3], $0xF7A  }
0x26: {  	[smem:$0x3F9F] =	sst s1;
	(tag) =	ssettag s2;
	_ =	strace s9  }
0x27: {  	s1 =	sld [smem:$0x3FAF]  }
0x28: {  	s2 =	sld [smem:$0x3FB0]  }
0x29: {  	s4 =	sld [smem:$0x3FB2]  }
0x2a: {  	p0 =	seq.s32 s5, $0x0;
	s5 =	sld [smem:$0x3FB3]  }
0x2b: {  	s6 =	sld [smem:$0x3FB4]  }
0x2c: {  	s7 =	sld [smem:$0x3FB5]  }
0x2d: {  	s3 =	simm.s32 $0x108;
	s8 =	sld [smem:$0x3FB6]  }
0x2e: {  	s3 =	simm.s32 @!p0 $0x1082;
	s9 =	sld [smem:$0x3FB7]  }
0x2f: {  	lr =	sadd.s32 s0, s3;
	s0 =	sld [smem:$0x3FAE]  }
0x30: {  	s3 =	sld [smem:$0x3FB1]  }
0x31: {  	[smem:$0x3FBA] =	sst s10  }
0x32: {  	s10 =	sld [smem:$0x3FB8];
	_ =	sdelay $0x3  }
0x33: {  	p0 =	seq.s32 s10, $0x1;
	s10 =	sld [smem:$0x3FBA];
	_ =	sdelay $0x3  }
0x34: {  	[smem:$0x3FBA] =	sst s10  }
0x35: {  	s10 =	sld [smem:$0x3FB9];
	_ =	sdelay $0x3  }
0x36: {  	p1 =	seq.s32 s10, $0x1;
	s10 =	sld [smem:$0x3FBA];
	_ =	sdelay $0x3  }
0x37: {  	[smem:$0x3FBA] =	sst s10  }
0x38: {  	s10 =	sld [smem:$0x3FBB]  }
0x39: {  	_ = 	snop;
	(pc) =	sbr.ind lr, $3  }
0x3a: {  	_ = 	snop  }
0x3b: {  	_ = 	snop  }
0x3c: {  	p2 =	seq.s32 s10, $0x1;
	s10 =	sld [smem:$0x3FBA]  }
0x3d: {  	_ =	shalt  }
0x3e: {  	_ =	shalt  }
0x3f: {  	_ =	shalt  }
0x40: {  	_ =	shalt  }
0x41: {  	_ =	shalt  }
0x42: {  	_ =	shalt  }
0x43: {  	_ =	shalt  }
0x44: {  	_ =	shalt  }
0x45: {  	_ =	shalt  }
0x46: {  	_ =	shalt  }
0x47: {  	_ =	shalt  }
0x48: {  	_ =	shalt  }
0x49: {  	_ =	shalt  }
0x4a: {  	_ =	shalt  }
0x4b: {  	_ =	shalt  }
0x4c: {  	_ =	shalt  }
0x4d: {  	_ =	shalt  }
0x4e: {  	_ =	shalt  }
0x4f: {  	_ =	shalt  }
0x50: {  	_ =	shalt  }
0x51: {  	_ =	shalt  }
0x52: {  	_ =	shalt  }
0x53: {  	_ =	shalt  }
0x54: {  	_ =	shalt  }
0x55: {  	_ =	shalt  }
0x56: {  	_ =	shalt  }
0x57: {  	_ =	shalt  }
0x58: {  	_ =	shalt  }
0x59: {  	_ =	shalt  }
0x5a: {  	_ =	shalt  }
0x5b: {  	_ =	shalt  }
0x5c: {  	_ =	shalt  }
0x5d: {  	_ =	shalt  }
0x5e: {  	_ =	shalt  }
0x5f: {  	_ =	shalt  }
0x60: {  	_ =	shalt  }
0x61: {  	_ =	shalt  }
0x62: {  	_ =	shalt  }
0x63: {  	_ =	shalt  }
0x64: {  	_ =	shalt  }
0x65: {  	_ =	shalt  }
0x66: {  	_ =	shalt  }
0x67: {  	_ =	shalt  }
0x68: {  	_ =	shalt  }
0x69: {  	_ =	shalt  }
0x6a: {  	_ =	shalt  }
0x6b: {  	_ =	shalt  }
0x6c: {  	_ =	shalt  }
0x6d: {  	_ =	shalt  }
0x6e: {  	_ =	shalt  }
0x6f: {  	_ =	shalt  }
0x70: {  	_ =	shalt  }
0x71: {  	_ =	shalt  }
0x72: {  	_ =	shalt  }
0x73: {  	_ =	shalt  }
0x74: {  	_ =	shalt  }
0x75: {  	_ =	shalt  }
0x76: {  	_ =	shalt  }
0x77: {  	_ =	shalt  }
0x78: {  	_ =	shalt  }
0x79: {  	_ =	shalt  }
0x7a: {  	_ =	shalt  }
0x7b: {  	_ =	shalt  }
0x7c: {  	_ =	shalt  }
0x7d: {  	_ =	shalt  }
0x7e: {  	_ =	shalt  }
0x7f: {  	_ =	shalt  }
0x80: {  	_ =	shalt  }
0x81: {  	_ =	shalt  }
0x82: {  	_ =	shalt  }
0x83: {  	_ =	shalt  }
0x84: {  	_ =	shalt  }
0x85: {  	_ =	shalt  }
0x86: {  	_ =	shalt  }
0x87: {  	_ =	shalt  }
.Lfunc_end0:
.L_simem_size_0:
called_computation.1_lowered:
.L_overlay_start_0:
0x88: {  	s2 =	sld [smem:$0x3FD9]  }
0x89: {  	s3 =	sld [smem:$0x3FFE];
	_ =	sdelay $0x1  }
0x8a: {  	s1 =	srdreg.scid  }
0x8b: {  	s0 =	sand.u32 $0x1, s1  }
0x8c: {  	s17 =	sshll.u32 s0, $0xA;
	s2 =	sadd.s32 s3, s2  }
0x8d: {  	s2 =	sadd.s32 s2, s17  }
0x8e: {  	[smem:$0x3FC6] =	sst s2  }
0x8f: {  	_ = 	snop  }
0x90: {  	s2 =	sld [smem:$0x3FD0];
	(tm) =	ssettm $0x1  }
0x91: {  	s18 =	sld [smem:$0x3FFB];
	_ =	sdelay $0x3  }
0x92: {  	_ =	strace s18  }
0x93: {  	s3 =	sld [smem:$0x3FFC];
	_ =	sdelay $0x3  }
0x94: {  	_ =	strace s3  }
0x95: {  	s3 =	sld [smem:$0x3FFD];
	_ =	sdelay $0x3  }
0x96: {  	_ =	strace s3  }
0x97: {  	_ =	strace $0x8FFFFFFF  }
0x98: {  	s19 =	sld [smem:$0x3FDB];
	_ =	sdelay $0x1  }
0x99: {  	s4 =	simm.s32 $_scs_section_size  }
0x9a: {  	s5 =	simm.s32 $_size__tile_overlayer_lowered;
	s6 =	simm.s32 $_tile_overlayer_lowered  }
0x9b: {  	s22 =	simm.s32 $0x1BFF;
	s21 =	sshll.u32 s6, $0x1;
	s3 =	sadd.s32 s4, s19  }
0x9c: {  	s7 =	simm.s32 $0x0;
	s20 =	sshll.u32 s5, $0x1;
	s5 =	sadd.s32 s21, s3  }
0x9d: {  	[timem:s7], [sflag:s22] =	dma.local [hbm:s5], s20  }
0x9e: {  	_ =	swait.ge [sflag:s22], s20  }
0x9f: {  	s4 =	ssub.s32 $0x0, s20;
	[sflag:s22] =	ssyncset.done $0x0  }
0xa0: {  	[sflag:s22] =	ssyncadd.s32 s4;
	_ =	sdelay $0x1  }
0xa1: {  	s23 =	simm.s32 $0x1B8B  }
0xa2: {  	_ =	swait.ge [sflag:s23], $0x1  }
0xa3: {  	[sflag:s23] =	ssyncset.done $0x0  }
0xa4: {  	s25 =	simm.s32 $0x1B8E;
	s24 =	sld [smem:$0x3FFE];
	[sflag:s23] =	ssyncadd.s32 $0xFFFFFFFF  }
0xa5: {  	s26 =	simm.s32 $execute0_lowered;
	[smem:$0x3FD2] =	sst s25  }
0xa6: {  	s5 =	sshll.u32 s26, $0x1;
	_ =	strace $0x80000049;
	[dreg:$0x1] =	wrdreg $0xFFFFFFFF  }
0xa7: {  	s28 =	simm.s32 $_size_execute0_lowered;
	s3 =	sadd.s32 s3, s5;
	[dreg:$0x0] =	wrdreg $0x0  }
0xa8: {  	s5 =	sshll.u32 s28, $0x1;
	[dreg:$0x2] =	wrdreg s3  }
0xa9: {  	[dreg:$0x3] =	wrdreg s5  }
0xaa: {  	[dreg:$0x4] =	wrdreg $0xC0  }
0xab: {  	_ =	task [dreg:s7], $0x5FFFF  }
0xac: {  	[dreg:$0x1] =	wrdreg $0xFFFFFFFF  }
0xad: {  	[dreg:$0x0] =	wrdreg $0x60  }
0xae: {  	[dreg:$0x2] =	wrdreg s2  }
0xaf: {  	[dreg:$0x3] =	wrdreg s24  }
0xb0: {  	[dreg:$0x4] =	wrdreg $0x0  }
0xb1: {  	[dreg:$0x5] =	wrdreg $0x9  }
0xb2: {  	_ =	task.clear_ibuf [dreg:s7], $0x6FFFF;
	_ =	strace $0x90000049  }
0xb3: {  	s29 =	simm.s32 $0x9;
	_ =	strace $0x8000004B  }
0xb4: {  	_ =	swait.ge [sflag:s29], $0x1  }
0xb5: {  	[sflag:s29] =	ssyncadd.s32 $0xFFFFFFFF  }
0xb6: {  	_ =	strace $0x9000004B  }
0xb7: {  	_ =	sfence  }
0xb8: {  	s30 =	sld [smem:$0x0];
	_ =	sdelay $0x2  }
0xb9: {  	s31 =	sshll.u32 s1, $0xD;
	s1 =	sshrl.u32 s1, $0x2  }
0xba: {  	s3 =	sand.u32 $0x4000, s31;
	s1 =	sadd.s32 s1, s30  }
0xbb: {  	s0 =	sor.u32 s3, s0;
	s1 =	sshll.u32 s1, $0x11  }
0xbc: {  	s0 =	sor.u32 s1, s0  }
0xbd: {  	s0 =	sadd.s32 $0x8F2B, s0  }
0xbe: {  	[sflag:s0] =	ssyncadd.remote.s32 $0x1  }
0xbf: {  	_ =	sfence.sel $0xFFFF  }
0xc0: {  	[dreg:$0x0] =	wrdreg $0xFFFFFFFF;
	(pc) =	sbr.abs _section_cstart, $3  }
0xc1: {  	[dreg:$0x1] =	wrdreg $0xFFFFFFFF  }
0xc2: {  	_ =	task.clear_ibuf [dreg:s7], $0x2FFFF;
	_ =	strace $0x9FFFFFFF  }
0xc3: {  	(tm) =	ssettm $0x7FFFFFFF  }
tec
execute0_lowered:
.L_overlay_start_1:
0x0: {  	(tag) =	ssettag $0x1  }
0x1: {  	s1 =	rddreg [dreg:$0x0];
	s0 =	srdreg.scid  }
0x2: {  	s2 =	rddreg [dreg:$0x1];
	s13 =	stileid.u32  }
0x3: {  	s3 =	rddreg [dreg:$0x2];
	s6 =	smul.u32 $0x14000, s13  }
0x4: {  	s4 =	simm.s32 $0x0;
	s30 =	simm.s32 $0x14580;
	s8 =	smul.u32 $0x50000, s13  }
0x5: {  	s29 =	simm.s32 $0x5;
	s0 =	sand.u32 $0x1, s0;
	s26 =	smul.u32 $0xA00, s13  }
0x6: {  	s31 =	simm.s32 $0x1C800;
	[smem:$0x7FF] =	sst s4;
	s5 =	smul.u32 $0x140000, s0  }
0x7: {  	_ =	strace $0x8000004A;
	s18 =	ssub.s32 $0x2, s0;
	s24 =	smul.u32 $0xA000, s0  }
0x8: {  	s9 =	sshll.u32 s0, $0x4;
	s0 =	smul.u32 $0x50000, s0;
	s8 =	sshrl.u32 s8, $0x2  }
0x9: {  	s10 =	sshrl.u32 s18, $0x1;
	s9 =	sor.u32 s13, s9;
	s16 =	sadd.s32 s26, s24  }
0xa: {  	s13 =	smul.u32 $0x5000, s13;
	s14 =	sadd.s32 s8, s3;
	[dreg:$0xf] =	wrdreg s16  }
0xb: {  	s5 =	sadd.s32 s6, s5;
	s8 =	sadd.s32 $0x2000, s14;
	[dreg:$0x4] =	wrdreg s14  }
0xc: {  	s6 =	sadd.s32 $0x2000, s2;
	s19 =	sadd.s32 $0x4000, s14;
	[dreg:$0x5] =	wrdreg s8  }
0xd: {  	s7 =	sshrl.u32 s5, $0x3;
	s20 =	sadd.s32 $0x6000, s14;
	[dreg:$0x6] =	wrdreg s19  }
0xe: {  	s5 =	sadd.s32 $0x66000, s2;
	s21 =	sadd.s32 $0x8000, s14;
	[dreg:$0x7] =	wrdreg s20  }
0xf: {  	s0 =	sadd.s32 s13, s0;
	s24 =	sadd.s32 $0xC000, s14;
	[dreg:$0x8] =	wrdreg s21  }
0x10: {  	s26 =	sadd.s32 $0x10000, s14;
	s16 =	simm.s32 $0x14400;
	[dreg:$0x12] =	wrdreg s0  }
0x11: {  	s13 =	simm.s32 $0xE;
	s2 =	sadd.s32 s7, s2;
	[dreg:$0x18] =	wrdreg s24  }
0x12: {  	s7 =	ssub.s32 s18, s10;
	s8 =	smul.u32 $0xA00, s9;
	[dreg:$0x1a] =	wrdreg s26  }
0x13: {  	s24 =	simm.s32 $0x3;
	s26 =	simm.s32 $0x4;
	s21 =	sadd.s32 $0x7A000, s2  }
0x14: {  	s0 =	simm.s32 $0xA;
	s22 =	sadd.s32 s5, s8;
	[dreg:$0x15] =	wrdreg s21  }
0x15: {  	s23 =	sor.u32 $0x10, s8;
	s11 =	sadd.s32 s6, s8;
	[dreg:$0x9] =	wrdreg s22  }
0x16: {  	s10 =	simm.s32 $0xF;
	[dreg:$0xa] =	wrdreg s11;
	s25 =	sadd.s32 s5, s23  }
0x17: {  	s28 =	sor.u32 $0x20, s8;
	s9 =	sadd.s32 s6, s23;
	[dreg:$0xb] =	wrdreg s25  }
0x18: {  	s15 =	sor.u32 $0x30, s8;
	s12 =	sadd.s32 s5, s28;
	[dreg:$0xc] =	wrdreg s9  }
0x19: {  	s2 =	simm.s32 $0x14800;
	s17 =	sadd.s32 s5, s15;
	[dreg:$0xd] =	wrdreg s12  }
0x1a: {  	s8 =	sor.u32 $0x40, s8;
	s18 =	sadd.s32 s6, s15;
	[dreg:$0x10] =	wrdreg s17  }
0x1b: {  	s21 =	simm.s32 $0x9;
	s19 =	sadd.s32 s5, s8;
	[dreg:$0x11] =	wrdreg s18  }
0x1c: {  	s20 =	sadd.s32 s6, s8;
	s22 =	smax.u32 s7, $0x1;
	[dreg:$0x13] =	wrdreg s19  }
0x1d: {  	s23 =	sadd.s32 $0xA000, s14;
	s11 =	simm.s32 $0xC;
	[dreg:$0x14] =	wrdreg s20  }
0x1e: {  	s8 =	simm.s32 $0xD;
	s7 =	simm.s32 $0x0;
	[dreg:$0x16] =	wrdreg s22  }
.Ltmp0:
0x1f: {  	s9 =	sadd.s32 s6, s28;
	[dreg:$0x17] =	wrdreg s23;
	(pc) =	sbr.rel .LBB2_1-.Ltmp0, $4  }
0x20: {  	s25 =	sadd.s32 $0xE000, s14;
	s28 =	sadd.s32 $0x12000, s14;
	s14 =	simm.s32 $0x10  }
0x21: {  	s17 =	simm.s32 $0x14480;
	s19 =	simm.s32 $0x1;
	[dreg:$0xe] =	wrdreg s9  }
0x22: {  	s20 =	simm.s32 $0x40;
	s22 =	simm.s32 $0x2;
	[dreg:$0x19] =	wrdreg s25  }
0x23: {  	v0 =	vimm.f32 $0.0e+00;
	[dreg:$0x1b] =	wrdreg s28;
	s25 =	simm.s32 $0x14500;
	s9 =	simm.s32 $0xB  }
.LBB2_5:
0x24: {  	_ =	swait.ge [sflag:s11], $0x2000  }
0x25: {  	[sflag:s11] =	ssyncset.done $0x0  }
0x26: {  	[sflag:s11] =	ssyncadd.s32 $0xFFFFE000  }
0x27: {  	_ =	swait.ge [sflag:s8], $0x2000  }
0x28: {  	[sflag:s8] =	ssyncset.done $0x0  }
0x29: {  	[sflag:s8] =	ssyncadd.s32 $0xFFFFE000  }
0x2a: {  	_ =	swait.ge [sflag:s13], $0x2000  }
0x2b: {  	[sflag:s13] =	ssyncset.done $0x0  }
0x2c: {  	[sflag:s13] =	ssyncadd.s32 $0xFFFFE000  }
0x2d: {  	_ =	swait.ge [sflag:s10], $0x2000  }
0x2e: {  	[sflag:s10] =	ssyncset.done $0x0  }
0x2f: {  	[sflag:s10] =	ssyncadd.s32 $0xFFFFE000  }
.LBB2_7:
0x30: {  	s12 =	stileid.u32;
	[bflag:$0x0] =	sbarrier.arrive $0xFFFF  }
0x31: {  	s12 =	sshll.u32 s12, $0x6;
	s14 =	rddreg [dreg:$0x4]  }
0x32: {  	s15 =	rddreg [dreg:$0x15];
	s12 =	sor.u32 $0x1C10, s12;
	s14 =	sshrl.u32 s14, $0x3  }
0x33: {  	[hbm:s15], [sflag:s12] =	dma.local [spmem:s14], $0x2800  }
0x34: {  	s14 =	simm.s32 $0x10  }
0x35: {  	_ =	swait.ge [sflag:s14], $0x2800  }
0x36: {  	s7 =	rddreg [dreg:$0x1c]  }
0x37: {  	s28 =	rddreg [dreg:$0x16];
	s7 =	sadd.s32 $0x1, s7  }
0x38: {  	p0 =	sne.s32 s7, s28  }
.Ltmp1:
0x39: {  	_ = 	snop;
	(pc) =	sbr.rel @!p0 .LBB2_8-.Ltmp1, $3  }
0x3a: {  	_ =	sdelay $0x1  }
0x3b: {  	[sflag:s14] =	ssyncset.done $0x0  }
0x3c: {  	[sflag:s14] =	ssyncadd.s32 $0xFFFFD800  }
.LBB2_1:
0x3d: {  	[dreg:$0x1c] =	wrdreg s7;
	s12 =	simm.s32 $0x0;
	s15 =	simm.s32 $0x200  }
.LBB2_2:
0x3e: {  	p0 =	sne.s32 s15, $0x7E00;
	[tilespmem:s12+$0x14870] =	vst v0  }
0x3f: {  	[tilespmem:s12+$0x14800] =	vst v0  }
0x40: {  	[tilespmem:s12+$0x14810] =	vst v0  }
.Ltmp2:
0x41: {  	[tilespmem:s12+$0x14820] =	vst v0;
	(pc) =	sbr.rel @p0 .LBB2_2-.Ltmp2, $4  }
0x42: {  	[tilespmem:s12+$0x14830] =	vst v0  }
0x43: {  	[tilespmem:s12+$0x14840] =	vst v0  }
0x44: {  	[tilespmem:s12+$0x14850] =	vst v0  }
0x45: {  	[tilespmem:s12+$0x14860] =	vst v0;
	s12 =	sshra.s32 s15, $0x2;
	s15 =	sadd.s32 $0x200, s15  }
0x46: {  	[tilespmem:s12+$0x14870] =	vst v0  }
0x47: {  	[tilespmem:s12+$0x14800] =	vst v0  }
0x48: {  	[tilespmem:s12+$0x14810] =	vst v0  }
0x49: {  	[tilespmem:s12+$0x14820] =	vst v0  }
0x4a: {  	[tilespmem:s12+$0x14830] =	vst v0  }
0x4b: {  	[tilespmem:s12+$0x14840] =	vst v0  }
0x4c: {  	[tilespmem:s12+$0x14850] =	vst v0  }
0x4d: {  	[tilespmem:s12+$0x14860] =	vst v0;
	s18 =	rddreg [dreg:$0x4]  }
0x4e: {  	[spmem:s18] =	stream.linear.scatter [tilespmem:s2], [sflag:$0x10], $0x2000, $0x38;
	[tilespmem:$0x1E800] =	vst v63  }
0x4f: {  	_ =	swait.ge [sflag:s14], $0x2000  }
0x50: {  	[sflag:s14] =	ssyncset.done $0x0  }
0x51: {  	s23 =	rddreg [dreg:$0x5];
	[sflag:s14] =	ssyncadd.s32 $0xFFFFE000  }
0x52: {  	[spmem:s23] =	stream.linear.scatter [tilespmem:s2], [sflag:$0x10], $0x2000, $0x38;
	[tilespmem:$0x1E800] =	vst v63  }
0x53: {  	_ =	swait.ge [sflag:s14], $0x2000  }
0x54: {  	[sflag:s14] =	ssyncset.done $0x0  }
0x55: {  	s7 =	rddreg [dreg:$0x6];
	[sflag:s14] =	ssyncadd.s32 $0xFFFFE000  }
0x56: {  	[spmem:s7] =	stream.linear.scatter [tilespmem:s2], [sflag:$0x10], $0x2000, $0x38;
	[tilespmem:$0x1E800] =	vst v63  }
0x57: {  	_ =	swait.ge [sflag:s14], $0x2000  }
0x58: {  	[sflag:s14] =	ssyncset.done $0x0  }
0x59: {  	s15 =	rddreg [dreg:$0x7];
	[sflag:s14] =	ssyncadd.s32 $0xFFFFE000  }
0x5a: {  	[spmem:s15] =	stream.linear.scatter [tilespmem:s2], [sflag:$0x10], $0x2000, $0x38;
	[tilespmem:$0x1E800] =	vst v63  }
0x5b: {  	_ =	swait.ge [sflag:s14], $0x2000  }
0x5c: {  	[sflag:s14] =	ssyncset.done $0x0  }
0x5d: {  	s18 =	rddreg [dreg:$0x8];
	[sflag:s14] =	ssyncadd.s32 $0xFFFFE000  }
0x5e: {  	[spmem:s18] =	stream.linear.scatter [tilespmem:s2], [sflag:$0x10], $0x2000, $0x38;
	[tilespmem:$0x1E800] =	vst v63  }
0x5f: {  	_ =	swait.ge [sflag:s14], $0x2000  }
0x60: {  	[sflag:s14] =	ssyncset.done $0x0  }
0x61: {  	s23 =	rddreg [dreg:$0x17];
	[sflag:s14] =	ssyncadd.s32 $0xFFFFE000  }
0x62: {  	[spmem:s23] =	stream.linear.scatter [tilespmem:s2], [sflag:$0x10], $0x2000, $0x38;
	[tilespmem:$0x1E800] =	vst v63  }
0x63: {  	_ =	swait.ge [sflag:s14], $0x2000  }
0x64: {  	[sflag:s14] =	ssyncset.done $0x0  }
0x65: {  	s7 =	rddreg [dreg:$0x18];
	[sflag:s14] =	ssyncadd.s32 $0xFFFFE000  }
0x66: {  	[spmem:s7] =	stream.linear.scatter [tilespmem:s2], [sflag:$0x10], $0x2000, $0x38;
	[tilespmem:$0x1E800] =	vst v63  }
0x67: {  	_ =	swait.ge [sflag:s14], $0x2000  }
0x68: {  	[sflag:s14] =	ssyncset.done $0x0  }
0x69: {  	s15 =	rddreg [dreg:$0x19];
	[sflag:s14] =	ssyncadd.s32 $0xFFFFE000  }
0x6a: {  	[spmem:s15] =	stream.linear.scatter [tilespmem:s2], [sflag:$0x10], $0x2000, $0x38;
	[tilespmem:$0x1E800] =	vst v63  }
0x6b: {  	_ =	swait.ge [sflag:s14], $0x2000  }
0x6c: {  	[sflag:s14] =	ssyncset.done $0x0  }
0x6d: {  	s18 =	rddreg [dreg:$0x1a];
	[sflag:s14] =	ssyncadd.s32 $0xFFFFE000  }
0x6e: {  	[spmem:s18] =	stream.linear.scatter [tilespmem:s2], [sflag:$0x10], $0x2000, $0x38;
	[tilespmem:$0x1E800] =	vst v63  }
0x6f: {  	_ =	swait.ge [sflag:s14], $0x2000  }
0x70: {  	[sflag:s14] =	ssyncset.done $0x0  }
0x71: {  	s23 =	rddreg [dreg:$0x1b];
	[sflag:s14] =	ssyncadd.s32 $0xFFFFE000  }
0x72: {  	[spmem:s23] =	stream.linear.scatter [tilespmem:s2], [sflag:$0x10], $0x2000, $0x38;
	[tilespmem:$0x1E800] =	vst v63  }
0x73: {  	_ =	swait.ge [sflag:s14], $0x2000  }
0x74: {  	[sflag:s14] =	ssyncset.done $0x0  }
0x75: {  	[sflag:s14] =	ssyncadd.s32 $0xFFFFE000  }
0x76: {  	[bflag:$0x0] =	sbarrier.arrive $0xFFFF  }
0x77: {  	s14 =	simm.s32 $0x14000;
	s7 =	rddreg [dreg:$0x9]  }
0x78: {  	[tilespmem:s14], [sflag:$0x1] =	stream.linear.gather [hbm4b:s7+s4], $0x80, $0x38;
	[tilespmem:$0x1E800] =	vst v63  }
0x79: {  	s15 =	rddreg [dreg:$0xa]  }
0x7a: {  	[tilespmem:s16], [sflag:$0x1] =	stream.linear.gather [hbm4b:s15+s4], $0x80, $0x38;
	[tilespmem:$0x1E800] =	vst v63  }
0x7b: {  	s18 =	rddreg [dreg:$0xb];
	s15 =	simm.s32 $0x14080  }
0x7c: {  	[tilespmem:s15], [sflag:$0x2] =	stream.linear.gather [hbm4b:s18+s4], $0x80, $0x38;
	[tilespmem:$0x1E800] =	vst v63  }
0x7d: {  	s23 =	rddreg [dreg:$0xc]  }
0x7e: {  	[tilespmem:s17], [sflag:$0x2] =	stream.linear.gather [hbm4b:s23+s4], $0x80, $0x38;
	[tilespmem:$0x1E800] =	vst v63  }
0x7f: {  	s7 =	rddreg [dreg:$0xd];
	s23 =	simm.s32 $0x14100  }
0x80: {  	[tilespmem:s23], [sflag:$0x3] =	stream.linear.gather [hbm4b:s7+s4], $0x80, $0x38;
	[tilespmem:$0x1E800] =	vst v63  }
0x81: {  	s18 =	rddreg [dreg:$0xe]  }
0x82: {  	[tilespmem:s25], [sflag:$0x3] =	stream.linear.gather [hbm4b:s18+s4], $0x80, $0x38;
	[tilespmem:$0x1E800] =	vst v63  }
0x83: {  	s28 =	simm.s32 $0x14180;
	s7 =	rddreg [dreg:$0x10]  }
0x84: {  	[tilespmem:s28], [sflag:$0x4] =	stream.linear.gather [hbm4b:s7+s4], $0x80, $0x38;
	[tilespmem:$0x1E800] =	vst v63  }
0x85: {  	s18 =	rddreg [dreg:$0x11]  }
0x86: {  	[tilespmem:s30], [sflag:$0x4] =	stream.linear.gather [hbm4b:s18+s4], $0x80, $0x38;
	[tilespmem:$0x1E800] =	vst v63  }
0x87: {  	s7 =	rddreg [dreg:$0x13];
	s18 =	simm.s32 $0x14200  }
0x88: {  	[tilespmem:s18], [sflag:$0x5] =	stream.linear.gather [hbm4b:s7+s4], $0x80, $0x38;
	[tilespmem:$0x1E800] =	vst v63  }
0x89: {  	s12 =	rddreg [dreg:$0x14];
	s7 =	simm.s32 $0x14600  }
0x8a: {  	[tilespmem:s7], [sflag:$0x5] =	stream.linear.gather [hbm4b:s12+s4], $0x80, $0x38;
	[tilespmem:$0x1E800] =	vst v63  }
0x8b: {  	_ =	swait.ge [sflag:s19], $0x80  }
0x8c: {  	[sflag:s19] =	ssyncset.done $0x0  }
0x8d: {  	[sflag:s19] =	ssyncadd.s32 $0xFFFFFF80  }
0x8e: {  	_ =	swait.ge [sflag:s19], $0x80  }
0x8f: {  	[sflag:s19] =	ssyncset.done $0x0  }
0x90: {  	[sflag:s19] =	ssyncadd.s32 $0xFFFFFF80  }
0x91: {  	[tilespmem:s2], [sflag:$0x6] =	stream.indirect.gather [hbm4b:s1+s20], $0x80, s14, s20, $0xb8;
	[tilespmem:$0x1E800] =	vst v63  }
0x92: {  	_ =	swait.ge [sflag:s22], $0x80  }
0x93: {  	[sflag:s22] =	ssyncset.done $0x0  }
0x94: {  	[sflag:s22] =	ssyncadd.s32 $0xFFFFFF80  }
0x95: {  	_ =	swait.ge [sflag:s22], $0x80  }
0x96: {  	[sflag:s22] =	ssyncset.done $0x0  }
0x97: {  	s7 =	simm.s32 $0x16800;
	[sflag:s22] =	ssyncadd.s32 $0xFFFFFF80  }
0x98: {  	[tilespmem:s7], [sflag:$0x7] =	stream.indirect.gather [hbm4b:s1+s20], $0x80, s15, s20, $0xb8;
	[tilespmem:$0x1E800] =	vst v63  }
0x99: {  	_ =	swait.ge [sflag:s24], $0x80  }
0x9a: {  	[sflag:s24] =	ssyncset.done $0x0  }
0x9b: {  	[sflag:s24] =	ssyncadd.s32 $0xFFFFFF80  }
0x9c: {  	_ =	swait.ge [sflag:s24], $0x80  }
0x9d: {  	[sflag:s24] =	ssyncset.done $0x0  }
0x9e: {  	s15 =	simm.s32 $0x18800;
	[sflag:s24] =	ssyncadd.s32 $0xFFFFFF80  }
0x9f: {  	[tilespmem:s15], [sflag:$0x8] =	stream.indirect.gather [hbm4b:s1+s20], $0x80, s23, s20, $0xb8;
	[tilespmem:$0x1E800] =	vst v63  }
0xa0: {  	_ =	swait.ge [sflag:s26], $0x80  }
0xa1: {  	[sflag:s26] =	ssyncset.done $0x0  }
0xa2: {  	[sflag:s26] =	ssyncadd.s32 $0xFFFFFF80  }
0xa3: {  	_ =	swait.ge [sflag:s26], $0x80  }
0xa4: {  	[sflag:s26] =	ssyncset.done $0x0  }
0xa5: {  	s15 =	simm.s32 $0x1A800;
	[sflag:s26] =	ssyncadd.s32 $0xFFFFFF80  }
0xa6: {  	[tilespmem:s15], [sflag:$0x9] =	stream.indirect.gather [hbm4b:s1+s20], $0x80, s28, s20, $0xb8;
	[tilespmem:$0x1E800] =	vst v63  }
0xa7: {  	_ =	swait.ge [sflag:s29], $0x80  }
0xa8: {  	[sflag:s29] =	ssyncset.done $0x0  }
0xa9: {  	[sflag:s29] =	ssyncadd.s32 $0xFFFFFF80  }
0xaa: {  	s12 =	simm.s32 $0x280;
	_ =	swait.ge [sflag:s29], $0x80  }
0xab: {  	s14 =	simm.s32 $0x14600;
	s23 =	simm.s32 $0x18800;
	[sflag:s29] =	ssyncset.done $0x0  }
0xac: {  	s28 =	simm.s32 $0x1A800;
	s15 =	simm.s32 $0x90;
	[sflag:s29] =	ssyncadd.s32 $0xFFFFFF80  }
0xad: {  	[tilespmem:s31], [sflag:$0xA] =	stream.indirect.gather [hbm4b:s1+s20], $0x80, s18, s20, $0xb8;
	[tilespmem:$0x1E800] =	vst v63  }
.LBB2_4:
0xae: {  	s18 =	simm.s32 $0x6  }
0xaf: {  	_ =	swait.ge [sflag:s18], $0x2000  }
0xb0: {  	[sflag:s18] =	ssyncset.done $0x0  }
0xb1: {  	[sflag:s18] =	ssyncadd.s32 $0xFFFFE000;
	s18 =	simm.s32 $0x7  }
0xb2: {  	[spmem:s3] =	stream.indirect.scatter.add.f32 [tilespmem:s2], [sflag:$0xB], $0x80, s16, s20, $0xb8;
	[tilespmem:$0x1E800] =	vst v63  }
0xb3: {  	_ =	swait.ge [sflag:s18], $0x2000  }
0xb4: {  	[sflag:s18] =	ssyncset.done $0x0  }
0xb5: {  	[sflag:s18] =	ssyncadd.s32 $0xFFFFE000;
	s18 =	simm.s32 $0x8  }
0xb6: {  	[spmem:s3] =	stream.indirect.scatter.add.f32 [tilespmem:s7], [sflag:$0xC], $0x80, s17, s20, $0xb8;
	[tilespmem:$0x1E800] =	vst v63  }
0xb7: {  	_ =	swait.ge [sflag:s18], $0x2000  }
0xb8: {  	[sflag:s18] =	ssyncset.done $0x0  }
0xb9: {  	[sflag:s18] =	ssyncadd.s32 $0xFFFFE000  }
0xba: {  	[spmem:s3] =	stream.indirect.scatter.add.f32 [tilespmem:s23], [sflag:$0xD], $0x80, s25, s20, $0xb8;
	[tilespmem:$0x1E800] =	vst v63  }
0xbb: {  	_ =	swait.ge [sflag:s21], $0x2000  }
0xbc: {  	[sflag:s21] =	ssyncset.done $0x0  }
0xbd: {  	[sflag:s21] =	ssyncadd.s32 $0xFFFFE000  }
0xbe: {  	[spmem:s3] =	stream.indirect.scatter.add.f32 [tilespmem:s28], [sflag:$0xE], $0x80, s30, s20, $0xb8;
	[tilespmem:$0x1E800] =	vst v63  }
0xbf: {  	_ =	swait.ge [sflag:s0], $0x2000  }
0xc0: {  	p0 =	sne.s32 s15, $0xA40;
	[sflag:s0] =	ssyncset.done $0x0  }
.Ltmp3:
0xc1: {  	[sflag:s0] =	ssyncadd.s32 $0xFFFFE000;
	(pc) =	sbr.rel @!p0 .LBB2_5-.Ltmp3, $4  }
0xc2: {  	[spmem:s3] =	stream.indirect.scatter.add.f32 [tilespmem:s31], [sflag:$0xF], $0x80, s14, s20, $0xb8;
	[tilespmem:$0x1E800] =	vst v63  }
0xc3: {  	_ =	swait.ge [sflag:s9], $0x2000  }
0xc4: {  	[sflag:s9] =	ssyncset.done $0x0  }
0xc5: {  	[sflag:s9] =	ssyncadd.s32 $0xFFFFE000  }
0xc6: {  	s14 =	rddreg [dreg:$0x12]  }
0xc7: {  	s17 =	sadd.s32 s12, s14  }
0xc8: {  	s25 =	sand.u32 $0x380, s12;
	s17 =	sand.u32 $0x7FFFFC00, s17  }
0xc9: {  	s14 =	sor.u32 s25, s17  }
0xca: {  	s14 =	sshrl.u32 s14, $0x3  }
0xcb: {  	s23 =	simm.s32 $0x14000;
	s2 =	sadd.s32 s5, s14  }
0xcc: {  	[tilespmem:s23], [sflag:$0x1] =	stream.linear.gather [hbm4b:s2+s4], $0x80, $0x38;
	[tilespmem:$0x1E800] =	vst v63  }
0xcd: {  	s18 =	rddreg [dreg:$0xf];
	s14 =	sadd.s32 s6, s14  }
0xce: {  	[tilespmem:s16], [sflag:$0x1] =	stream.linear.gather [hbm4b:s14+s4], $0x80, $0x38;
	[tilespmem:$0x1E800] =	vst v63  }
0xcf: {  	s14 =	sadd.s32 s15, s18  }
0xd0: {  	s2 =	sadd.s32 $0xFFFFFFD0, s15;
	s25 =	sadd.s32 $0xFFFFFFD0, s14  }
0xd1: {  	s16 =	sand.u32 $0x70, s2;
	_ =	swait.ge [sflag:s11], $0x2000;
	s17 =	sand.u32 $0xFFFFF80, s25  }
0xd2: {  	s28 =	simm.s32 $0x14480;
	[sflag:s11] =	ssyncset.done $0x0;
	s16 =	sor.u32 s16, s17  }
0xd3: {  	s25 =	simm.s32 $0x14080;
	[sflag:s11] =	ssyncadd.s32 $0xFFFFE000;
	s17 =	sadd.s32 s5, s16  }
0xd4: {  	[tilespmem:s25], [sflag:$0x2] =	stream.linear.gather [hbm4b:s17+s4], $0x80, $0x38;
	[tilespmem:$0x1E800] =	vst v63  }
0xd5: {  	s18 =	sadd.s32 $0xFFFFFFE0, s15;
	s16 =	sadd.s32 s6, s16;
	s17 =	sadd.s32 $0xFFFFFFE0, s14  }
0xd6: {  	[tilespmem:s28], [sflag:$0x2] =	stream.linear.gather [hbm4b:s16+s4], $0x80, $0x38;
	[tilespmem:$0x1E800] =	vst v63  }
0xd7: {  	s16 =	sand.u32 $0xFFFFF80, s17;
	s17 =	sand.u32 $0x70, s18;
	_ =	swait.ge [sflag:s8], $0x2000  }
0xd8: {  	s30 =	simm.s32 $0x14500;
	s16 =	sor.u32 s17, s16;
	[sflag:s8] =	ssyncset.done $0x0  }
0xd9: {  	s28 =	simm.s32 $0x14100;
	s17 =	sadd.s32 s5, s16;
	[sflag:s8] =	ssyncadd.s32 $0xFFFFE000  }
0xda: {  	[tilespmem:s28], [sflag:$0x3] =	stream.linear.gather [hbm4b:s17+s4], $0x80, $0x38;
	[tilespmem:$0x1E800] =	vst v63  }
0xdb: {  	s18 =	sadd.s32 $0xFFFFFFF0, s15;
	s16 =	sadd.s32 s6, s16;
	s17 =	sadd.s32 $0xFFFFFFF0, s14  }
0xdc: {  	[tilespmem:s30], [sflag:$0x3] =	stream.linear.gather [hbm4b:s16+s4], $0x80, $0x38;
	[tilespmem:$0x1E800] =	vst v63  }
0xdd: {  	s16 =	sand.u32 $0xFFFFF80, s17;
	s17 =	sand.u32 $0x70, s18;
	_ =	swait.ge [sflag:s13], $0x2000  }
0xde: {  	s16 =	sor.u32 s17, s16;
	[sflag:s13] =	ssyncset.done $0x0  }
0xdf: {  	s30 =	simm.s32 $0x14180;
	s17 =	sadd.s32 s5, s16;
	[sflag:s13] =	ssyncadd.s32 $0xFFFFE000  }
0xe0: {  	[tilespmem:s30], [sflag:$0x4] =	stream.linear.gather [hbm4b:s17+s4], $0x80, $0x38;
	[tilespmem:$0x1E800] =	vst v63  }
0xe1: {  	s2 =	simm.s32 $0x14580;
	s16 =	sadd.s32 s6, s16  }
0xe2: {  	[tilespmem:s2], [sflag:$0x4] =	stream.linear.gather [hbm4b:s16+s4], $0x80, $0x38;
	[tilespmem:$0x1E800] =	vst v63  }
0xe3: {  	s14 =	sand.u32 $0xFFFFF80, s14;
	s18 =	sand.u32 $0x70, s15;
	_ =	swait.ge [sflag:s10], $0x2000  }
0xe4: {  	s14 =	sor.u32 s18, s14;
	[sflag:s10] =	ssyncset.done $0x0  }
0xe5: {  	s31 =	simm.s32 $0x14200;
	s16 =	sadd.s32 s5, s14;
	[sflag:s10] =	ssyncadd.s32 $0xFFFFE000  }
0xe6: {  	[tilespmem:s31], [sflag:$0x5] =	stream.linear.gather [hbm4b:s16+s4], $0x80, $0x38;
	[tilespmem:$0x1E800] =	vst v63  }
0xe7: {  	s7 =	simm.s32 $0x14600;
	s14 =	sadd.s32 s6, s14  }
0xe8: {  	[tilespmem:s7], [sflag:$0x5] =	stream.linear.gather [hbm4b:s14+s4], $0x80, $0x38;
	[tilespmem:$0x1E800] =	vst v63  }
0xe9: {  	_ =	swait.ge [sflag:s19], $0x80  }
0xea: {  	[sflag:s19] =	ssyncset.done $0x0  }
0xeb: {  	[sflag:s19] =	ssyncadd.s32 $0xFFFFFF80  }
0xec: {  	_ =	swait.ge [sflag:s19], $0x80  }
0xed: {  	[sflag:s19] =	ssyncset.done $0x0  }
0xee: {  	s2 =	simm.s32 $0x14800;
	[sflag:s19] =	ssyncadd.s32 $0xFFFFFF80  }
0xef: {  	[tilespmem:s2], [sflag:$0x6] =	stream.indirect.gather [hbm4b:s1+s20], $0x80, s23, s20, $0xb8;
	[tilespmem:$0x1E800] =	vst v63  }
0xf0: {  	_ =	swait.ge [sflag:s22], $0x80  }
0xf1: {  	[sflag:s22] =	ssyncset.done $0x0  }
0xf2: {  	[sflag:s22] =	ssyncadd.s32 $0xFFFFFF80  }
0xf3: {  	_ =	swait.ge [sflag:s22], $0x80  }
0xf4: {  	[sflag:s22] =	ssyncset.done $0x0  }
0xf5: {  	s7 =	simm.s32 $0x16800;
	[sflag:s22] =	ssyncadd.s32 $0xFFFFFF80  }
0xf6: {  	[tilespmem:s7], [sflag:$0x7] =	stream.indirect.gather [hbm4b:s1+s20], $0x80, s25, s20, $0xb8;
	[tilespmem:$0x1E800] =	vst v63  }
0xf7: {  	_ =	swait.ge [sflag:s24], $0x80  }
0xf8: {  	[sflag:s24] =	ssyncset.done $0x0  }
0xf9: {  	[sflag:s24] =	ssyncadd.s32 $0xFFFFFF80  }
0xfa: {  	_ =	swait.ge [sflag:s24], $0x80  }
0xfb: {  	[sflag:s24] =	ssyncset.done $0x0  }
0xfc: {  	s23 =	simm.s32 $0x18800;
	[sflag:s24] =	ssyncadd.s32 $0xFFFFFF80  }
0xfd: {  	[tilespmem:s23], [sflag:$0x8] =	stream.indirect.gather [hbm4b:s1+s20], $0x80, s28, s20, $0xb8;
	[tilespmem:$0x1E800] =	vst v63  }
0xfe: {  	_ =	swait.ge [sflag:s26], $0x80  }
0xff: {  	[sflag:s26] =	ssyncset.done $0x0  }
0x100: {  	[sflag:s26] =	ssyncadd.s32 $0xFFFFFF80  }
0x101: {  	_ =	swait.ge [sflag:s26], $0x80  }
0x102: {  	[sflag:s26] =	ssyncset.done $0x0  }
0x103: {  	s28 =	simm.s32 $0x1A800;
	[sflag:s26] =	ssyncadd.s32 $0xFFFFFF80  }
0x104: {  	[tilespmem:s28], [sflag:$0x9] =	stream.indirect.gather [hbm4b:s1+s20], $0x80, s30, s20, $0xb8;
	[tilespmem:$0x1E800] =	vst v63  }
0x105: {  	_ =	swait.ge [sflag:s29], $0x80  }
0x106: {  	s15 =	sadd.s32 $0x50, s15;
	[sflag:s29] =	ssyncset.done $0x0  }
0x107: {  	s12 =	sadd.s32 $0x280, s12;
	p0 =	sne.s32 s15, $0xA90;
	[sflag:s29] =	ssyncadd.s32 $0xFFFFFF80  }
.Ltmp4:
0x108: {  	s18 =	simm.s32 $0x1C800;
	_ =	swait.ge [sflag:s29], $0x80;
	(pc) =	sbr.rel @p0 .LBB2_4-.Ltmp4, $4  }
.Ltmp5:
0x109: {  	s17 =	simm.s32 $0x14480;
	[sflag:s29] =	ssyncset.done $0x0;
	(pc) =	sbr.rel @!p0 .LBB2_7-.Ltmp5, $4  }
0x10a: {  	s16 =	simm.s32 $0x14400;
	s14 =	simm.s32 $0x14600;
	[sflag:s29] =	ssyncadd.s32 $0xFFFFFF80  }
0x10b: {  	[tilespmem:s18], [sflag:$0xA] =	stream.indirect.gather [hbm4b:s1+s20], $0x80, s31, s20, $0xb8;
	[tilespmem:$0x1E800] =	vst v63  }
0x10c: {  	s25 =	simm.s32 $0x14500;
	s30 =	simm.s32 $0x14580;
	s31 =	simm.s32 $0x1C800  }
0x10d: {  	_ = 	snop  }
.LBB2_8:
0x10e: {  	_ =	sfence.sel $0x180000  }
0x10f: {  	[bflag:$0x0] =	sbarrier.arrive $0xFFFF  }
0x110: {  	_ =	strace $0x9000004A  }
0x111: {  	s0 =	stileid.u32;
	[bflag:$0x2] =	sbarrier.arrive $0xFFFF  }
0x112: {  	p0 =	sne.s32 s0, $0x0;
	s0 =	rddreg [dreg:$0x3]  }
0x113: {  	s0 =	sadd.s32 @!p0 $0x100000, s0  }
0x114: {  	[sflag:s0] =	ssyncadd.tile.s32 @!p0 $0x1;
	_ =	shalt  }
.Lfunc_end2:
_tile_overlayer_lowered:
.L_overlay_start_2:
0x115: {  	(tag) =	ssettag $0x2  }
0x116: {  	s0 =	rddreg [dreg:$0x0];
	s2 =	stileid.u32  }
0x117: {  	s1 =	rddreg [dreg:$0x1];
	p0 =	sne.s32 s2, $0x0  }
0x118: {  	s3 =	rddreg [dreg:$0x2];
	[bflag:$0x3] =	sbarrier.arrive $0xFFFF;
	s2 =	simm.s32 @!p0 $0x1C10  }
0x119: {  	[timem:s3], [sflag:s2] =	dma.local @!p0 [hbm:s0], s1  }
0x11a: {  	s0 =	simm.s32 @!p0 $0x10  }
0x11b: {  	_ =	swait.ge @!p0 [sflag:s0], s1  }
0x11c: {  	s1 =	ssub.s32 @!p0 $0x0, s1;
	[sflag:s0] =	ssyncset.done @!p0 $0x0  }
0x11d: {  	[sflag:s0] =	ssyncadd.s32 @!p0 s1  }
0x11e: {  	[bflag:$0x3] =	sbarrier.arrive $0xFFFF  }
0x11f: {  	_ =	shalt  }

// kernel: kernel.14.cloned.1.call-start
scs
__scs_entry_jumppad:
0x0: {  	(pc) =	sbr.rel $0x88, $3  }
0x1: {  	(tag) =	ssettag $0x0;
	lr =	simm.s32 $0x1  }
0x2: {  	[smem:$0x3F9F] =	sst lr;
	_ =	strace $0xD0000000  }
0x3: {  	_ = 	snop  }
0x4: {  	_ = 	snop  }
0x5: {  	_ = 	snop  }
0x6: {  	_ = 	snop  }
0x7: {  	_ = 	snop  }
__scs_overlays_trampoline_lowered:
0x8: {  	[smem:$0x3FAE] =	sst s0  }
0x9: {  	[smem:$0x3FAF] =	sst s1  }
0xa: {  	[smem:$0x3FB0] =	sst s2  }
0xb: {  	[smem:$0x3FB1] =	sst s3  }
0xc: {  	[smem:$0x3FB2] =	sst s4  }
0xd: {  	[smem:$0x3FB3] =	sst s5  }
0xe: {  	[smem:$0x3FB4] =	sst s6  }
0xf: {  	[smem:$0x3FB5] =	sst s7  }
0x10: {  	[smem:$0x3FB6] =	sst s8  }
0x11: {  	[smem:$0x3FB7] =	sst s9;
	s0 =	simm.s32 @!p0 $0x0  }
0x12: {  	s1 =	sld [smem:$0x3F9D];
	s0 =	simm.s32 @p0 $0x1  }
0x13: {  	[smem:$0x3FB8] =	sst s0;
	s0 =	simm.s32 @!p1 $0x0  }
0x14: {  	s2 =	sld [smem:$0x3F9C];
	s0 =	simm.s32 @p1 $0x1  }
0x15: {  	[smem:$0x3FB9] =	sst s0;
	s0 =	simm.s32 @!p2 $0x0  }
0x16: {  	s3 =	sld [smem:$0x3FDB];
	s0 =	simm.s32 @p2 $0x1  }
0x17: {  	s4 =	simm.s32 $0x1BF5;
	[smem:$0x3FBB] =	sst s0  }
0x18: {  	s0 =	sld [smem:$0x3F9E];
	_ =	swait.ge [sflag:s4], $0x0  }
0x19: {  	s7 =	sld [smem:$0x3F9F]  }
0x1a: {  	s8 =	sadd.s32 $0xFFFFE003, lr  }
0x1b: {  	s9 =	sadd.s32 $0xFFFFFEF7, lr;
	s5 =	simm.s32 $0xFFFFFFFF;
	p2 =	slt.u32 s8, $0xFFFFF086  }
0x1c: {  	p1 =	slt.u32 s9, $0xF7A;
	s5 =	simm.s32 @!p2 $0x0  }
0x1d: {  	s5 =	simm.s32 @p1 $0x1;
	p0 =	seq.s32 s7, s2  }
0x1e: {  	s7 =	smul.u32 @!p0 $0xF7A, s2;
	p2 =	seq.s32 @!p0 s5, $0x0  }
0x1f: {  	s9 =	smul.u32 $0xF7A, s1;
	s8 =	simm.s32 @!p0 $0x1BF5;
	p2 =	por !p2, p0  }
0x20: {  	[sflag:s8] =	ssyncset.s32 @!p0 $0xFFFFF086;
	s6 =	sadd.s32 @!p0 s3, s7;
	s7 =	simm.s32 @!p0 $0x108  }
0x21: {  	s3 =	sadd.s32 s3, s9;
	s6 =	sadd.s32 @!p0 $0x88, s6;
	s7 =	simm.s32 @p2 $0x1082  }
0x22: {  	[simem:s7], [sflag:s8] =	dma.local @!p0 [hbm:s6], $0xF7A  }
0x23: {  	s9 =	sor.u32 $0xD0000000, s2;
	s6 =	simm.s32 $0x108;
	_ =	swait.ge @!p0 [sflag:s8], $0x0  }
0x24: {  	s3 =	sadd.s32 $0x88, s3;
	s6 =	simm.s32 @!p1 $0x1082;
	[sflag:s4] =	ssyncset.s32 $0xFFFFF086  }
0x25: {  	[simem:s6], [sflag:s4] =	dma.local [hbm:s3], $0xF7A  }
0x26: {  	[smem:$0x3F9F] =	sst s1;
	(tag) =	ssettag s2;
	_ =	strace s9  }
0x27: {  	s1 =	sld [smem:$0x3FAF]  }
0x28: {  	s2 =	sld [smem:$0x3FB0]  }
0x29: {  	s4 =	sld [smem:$0x3FB2]  }
0x2a: {  	p0 =	seq.s32 s5, $0x0;
	s5 =	sld [smem:$0x3FB3]  }
0x2b: {  	s6 =	sld [smem:$0x3FB4]  }
0x2c: {  	s7 =	sld [smem:$0x3FB5]  }
0x2d: {  	s3 =	simm.s32 $0x108;
	s8 =	sld [smem:$0x3FB6]  }
0x2e: {  	s3 =	simm.s32 @!p0 $0x1082;
	s9 =	sld [smem:$0x3FB7]  }
0x2f: {  	lr =	sadd.s32 s0, s3;
	s0 =	sld [smem:$0x3FAE]  }
0x30: {  	s3 =	sld [smem:$0x3FB1]  }
0x31: {  	[smem:$0x3FBA] =	sst s10  }
0x32: {  	s10 =	sld [smem:$0x3FB8];
	_ =	sdelay $0x3  }
0x33: {  	p0 =	seq.s32 s10, $0x1;
	s10 =	sld [smem:$0x3FBA];
	_ =	sdelay $0x3  }
0x34: {  	[smem:$0x3FBA] =	sst s10  }
0x35: {  	s10 =	sld [smem:$0x3FB9];
	_ =	sdelay $0x3  }
0x36: {  	p1 =	seq.s32 s10, $0x1;
	s10 =	sld [smem:$0x3FBA];
	_ =	sdelay $0x3  }
0x37: {  	[smem:$0x3FBA] =	sst s10  }
0x38: {  	s10 =	sld [smem:$0x3FBB]  }
0x39: {  	_ = 	snop;
	(pc) =	sbr.ind lr, $3  }
0x3a: {  	_ = 	snop  }
0x3b: {  	_ = 	snop  }
0x3c: {  	p2 =	seq.s32 s10, $0x1;
	s10 =	sld [smem:$0x3FBA]  }
0x3d: {  	_ =	shalt  }
0x3e: {  	_ =	shalt  }
0x3f: {  	_ =	shalt  }
0x40: {  	_ =	shalt  }
0x41: {  	_ =	shalt  }
0x42: {  	_ =	shalt  }
0x43: {  	_ =	shalt  }
0x44: {  	_ =	shalt  }
0x45: {  	_ =	shalt  }
0x46: {  	_ =	shalt  }
0x47: {  	_ =	shalt  }
0x48: {  	_ =	shalt  }
0x49: {  	_ =	shalt  }
0x4a: {  	_ =	shalt  }
0x4b: {  	_ =	shalt  }
0x4c: {  	_ =	shalt  }
0x4d: {  	_ =	shalt  }
0x4e: {  	_ =	shalt  }
0x4f: {  	_ =	shalt  }
0x50: {  	_ =	shalt  }
0x51: {  	_ =	shalt  }
0x52: {  	_ =	shalt  }
0x53: {  	_ =	shalt  }
0x54: {  	_ =	shalt  }
0x55: {  	_ =	shalt  }
0x56: {  	_ =	shalt  }
0x57: {  	_ =	shalt  }
0x58: {  	_ =	shalt  }
0x59: {  	_ =	shalt  }
0x5a: {  	_ =	shalt  }
0x5b: {  	_ =	shalt  }
0x5c: {  	_ =	shalt  }
0x5d: {  	_ =	shalt  }
0x5e: {  	_ =	shalt  }
0x5f: {  	_ =	shalt  }
0x60: {  	_ =	shalt  }
0x61: {  	_ =	shalt  }
0x62: {  	_ =	shalt  }
0x63: {  	_ =	shalt  }
0x64: {  	_ =	shalt  }
0x65: {  	_ =	shalt  }
0x66: {  	_ =	shalt  }
0x67: {  	_ =	shalt  }
0x68: {  	_ =	shalt  }
0x69: {  	_ =	shalt  }
0x6a: {  	_ =	shalt  }
0x6b: {  	_ =	shalt  }
0x6c: {  	_ =	shalt  }
0x6d: {  	_ =	shalt  }
0x6e: {  	_ =	shalt  }
0x6f: {  	_ =	shalt  }
0x70: {  	_ =	shalt  }
0x71: {  	_ =	shalt  }
0x72: {  	_ =	shalt  }
0x73: {  	_ =	shalt  }
0x74: {  	_ =	shalt  }
0x75: {  	_ =	shalt  }
0x76: {  	_ =	shalt  }
0x77: {  	_ =	shalt  }
0x78: {  	_ =	shalt  }
0x79: {  	_ =	shalt  }
0x7a: {  	_ =	shalt  }
0x7b: {  	_ =	shalt  }
0x7c: {  	_ =	shalt  }
0x7d: {  	_ =	shalt  }
0x7e: {  	_ =	shalt  }
0x7f: {  	_ =	shalt  }
0x80: {  	_ =	shalt  }
0x81: {  	_ =	shalt  }
0x82: {  	_ =	shalt  }
0x83: {  	_ =	shalt  }
0x84: {  	_ =	shalt  }
0x85: {  	_ =	shalt  }
0x86: {  	_ =	shalt  }
0x87: {  	_ =	shalt  }
.Lfunc_end0:
.L_simem_size_0:
called_computation.2_lowered:
.L_overlay_start_0:
0x88: {  	s2 =	sld [smem:$0x3FD9]  }
0x89: {  	s3 =	sld [smem:$0x3FFE];
	_ =	sdelay $0x1  }
0x8a: {  	s1 =	srdreg.scid  }
0x8b: {  	s0 =	sand.u32 $0x1, s1  }
0x8c: {  	s17 =	sshll.u32 s0, $0xA;
	s2 =	sadd.s32 s3, s2  }
0x8d: {  	s2 =	sadd.s32 s2, s17  }
0x8e: {  	[smem:$0x3FC6] =	sst s2  }
0x8f: {  	_ = 	snop  }
0x90: {  	s2 =	sld [smem:$0x3FD0];
	(tm) =	ssettm $0x1  }
0x91: {  	s18 =	sld [smem:$0x3FFB];
	_ =	sdelay $0x3  }
0x92: {  	_ =	strace s18  }
0x93: {  	s3 =	sld [smem:$0x3FFC];
	_ =	sdelay $0x3  }
0x94: {  	_ =	strace s3  }
0x95: {  	s3 =	sld [smem:$0x3FFD];
	_ =	sdelay $0x3  }
0x96: {  	_ =	strace s3  }
0x97: {  	_ =	strace $0x8FFFFFFF  }
0x98: {  	s19 =	sld [smem:$0x3FDB];
	_ =	sdelay $0x1  }
0x99: {  	s4 =	simm.s32 $_scs_section_size  }
0x9a: {  	s5 =	simm.s32 $_size__tile_overlayer_lowered;
	s6 =	simm.s32 $_tile_overlayer_lowered  }
0x9b: {  	s22 =	simm.s32 $0x1BFF;
	s21 =	sshll.u32 s6, $0x1;
	s3 =	sadd.s32 s4, s19  }
0x9c: {  	s7 =	simm.s32 $0x0;
	s20 =	sshll.u32 s5, $0x1;
	s5 =	sadd.s32 s21, s3  }
0x9d: {  	[timem:s7], [sflag:s22] =	dma.local [hbm:s5], s20  }
0x9e: {  	_ =	swait.ge [sflag:s22], s20  }
0x9f: {  	s4 =	ssub.s32 $0x0, s20;
	[sflag:s22] =	ssyncset.done $0x0  }
0xa0: {  	[sflag:s22] =	ssyncadd.s32 s4;
	_ =	sdelay $0x1  }
0xa1: {  	s23 =	simm.s32 $0x1B8B  }
0xa2: {  	_ =	swait.ge [sflag:s23], $0x1  }
0xa3: {  	[sflag:s23] =	ssyncset.done $0x0  }
0xa4: {  	s25 =	simm.s32 $0x1B8E;
	s24 =	sld [smem:$0x3FFE];
	[sflag:s23] =	ssyncadd.s32 $0xFFFFFFFF  }
0xa5: {  	s26 =	simm.s32 $execute0_lowered;
	[smem:$0x3FD2] =	sst s25  }
0xa6: {  	s5 =	sshll.u32 s26, $0x1;
	_ =	strace $0x8000004C;
	[dreg:$0x1] =	wrdreg $0xFFFFFFFF  }
0xa7: {  	s28 =	simm.s32 $_size_execute0_lowered;
	s3 =	sadd.s32 s3, s5;
	[dreg:$0x0] =	wrdreg $0x0  }
0xa8: {  	s5 =	sshll.u32 s28, $0x1;
	[dreg:$0x2] =	wrdreg s3  }
0xa9: {  	[dreg:$0x3] =	wrdreg s5  }
0xaa: {  	[dreg:$0x4] =	wrdreg $0xC0  }
0xab: {  	_ =	task [dreg:s7], $0x5FFFF  }
0xac: {  	[dreg:$0x1] =	wrdreg $0xFFFFFFFF  }
0xad: {  	[dreg:$0x0] =	wrdreg $0x60  }
0xae: {  	[dreg:$0x2] =	wrdreg s2  }
0xaf: {  	[dreg:$0x3] =	wrdreg s24  }
0xb0: {  	[dreg:$0x4] =	wrdreg $0x0  }
0xb1: {  	[dreg:$0x5] =	wrdreg $0x9  }
0xb2: {  	_ =	task.clear_ibuf [dreg:s7], $0x6FFFF;
	_ =	strace $0x9000004C  }
0xb3: {  	s29 =	simm.s32 $0x9;
	_ =	strace $0x8000004E  }
0xb4: {  	_ =	swait.ge [sflag:s29], $0x1  }
0xb5: {  	[sflag:s29] =	ssyncadd.s32 $0xFFFFFFFF  }
0xb6: {  	_ =	strace $0x9000004E  }
0xb7: {  	_ =	sfence  }
0xb8: {  	s30 =	sld [smem:$0x0];
	_ =	sdelay $0x2  }
0xb9: {  	s31 =	sshll.u32 s1, $0xD;
	s1 =	sshrl.u32 s1, $0x2  }
0xba: {  	s3 =	sand.u32 $0x4000, s31;
	s1 =	sadd.s32 s1, s30  }
0xbb: {  	s0 =	sor.u32 s3, s0;
	s1 =	sshll.u32 s1, $0x11  }
0xbc: {  	s0 =	sor.u32 s1, s0  }
0xbd: {  	s0 =	sadd.s32 $0x8F2B, s0  }
0xbe: {  	[sflag:s0] =	ssyncadd.remote.s32 $0x1  }
0xbf: {  	_ =	sfence.sel $0xFFFF  }
0xc0: {  	[dreg:$0x0] =	wrdreg $0xFFFFFFFF;
	(pc) =	sbr.abs _section_cstart, $3  }
0xc1: {  	[dreg:$0x1] =	wrdreg $0xFFFFFFFF  }
0xc2: {  	_ =	task.clear_ibuf [dreg:s7], $0x2FFFF;
	_ =	strace $0x9FFFFFFF  }
0xc3: {  	(tm) =	ssettm $0x7FFFFFFF  }
tec
execute0_lowered:
.L_overlay_start_1:
0x0: {  	(tag) =	ssettag $0x1  }
0x1: {  	s1 =	rddreg [dreg:$0x0];
	s0 =	srdreg.scid  }
0x2: {  	s2 =	rddreg [dreg:$0x1];
	s13 =	stileid.u32  }
0x3: {  	s3 =	rddreg [dreg:$0x2];
	s6 =	smul.u32 $0x14000, s13  }
0x4: {  	s4 =	simm.s32 $0x0;
	s30 =	simm.s32 $0x14580;
	s8 =	smul.u32 $0x50000, s13  }
0x5: {  	s29 =	simm.s32 $0x5;
	s0 =	sand.u32 $0x1, s0;
	s26 =	smul.u32 $0xA00, s13  }
0x6: {  	s31 =	simm.s32 $0x1C800;
	[smem:$0x7FF] =	sst s4;
	s5 =	smul.u32 $0x140000, s0  }
0x7: {  	_ =	strace $0x8000004D;
	s18 =	ssub.s32 $0x2, s0;
	s24 =	smul.u32 $0xA000, s0  }
0x8: {  	s9 =	sshll.u32 s0, $0x4;
	s0 =	smul.u32 $0x50000, s0;
	s8 =	sshrl.u32 s8, $0x2  }
0x9: {  	s10 =	sshrl.u32 s18, $0x1;
	s9 =	sor.u32 s13, s9;
	s16 =	sadd.s32 s26, s24  }
0xa: {  	s13 =	smul.u32 $0x5000, s13;
	s14 =	sadd.s32 s8, s3;
	[dreg:$0xf] =	wrdreg s16  }
0xb: {  	s5 =	sadd.s32 s6, s5;
	s8 =	sadd.s32 $0x2000, s14;
	[dreg:$0x4] =	wrdreg s14  }
0xc: {  	s6 =	sadd.s32 $0x2000, s2;
	s19 =	sadd.s32 $0x4000, s14;
	[dreg:$0x5] =	wrdreg s8  }
0xd: {  	s7 =	sshrl.u32 s5, $0x3;
	s20 =	sadd.s32 $0x6000, s14;
	[dreg:$0x6] =	wrdreg s19  }
0xe: {  	s5 =	sadd.s32 $0x66000, s2;
	s21 =	sadd.s32 $0x8000, s14;
	[dreg:$0x7] =	wrdreg s20  }
0xf: {  	s0 =	sadd.s32 s13, s0;
	s24 =	sadd.s32 $0xC000, s14;
	[dreg:$0x8] =	wrdreg s21  }
0x10: {  	s26 =	sadd.s32 $0x10000, s14;
	s16 =	simm.s32 $0x14400;
	[dreg:$0x12] =	wrdreg s0  }
0x11: {  	s13 =	simm.s32 $0xE;
	s2 =	sadd.s32 s7, s2;
	[dreg:$0x18] =	wrdreg s24  }
0x12: {  	s7 =	ssub.s32 s18, s10;
	s8 =	smul.u32 $0xA00, s9;
	[dreg:$0x1a] =	wrdreg s26  }
0x13: {  	s24 =	simm.s32 $0x3;
	s26 =	simm.s32 $0x4;
	s21 =	sadd.s32 $0x7A000, s2  }
0x14: {  	s0 =	simm.s32 $0xA;
	s22 =	sadd.s32 s5, s8;
	[dreg:$0x15] =	wrdreg s21  }
0x15: {  	s23 =	sor.u32 $0x10, s8;
	s11 =	sadd.s32 s6, s8;
	[dreg:$0x9] =	wrdreg s22  }
0x16: {  	s10 =	simm.s32 $0xF;
	[dreg:$0xa] =	wrdreg s11;
	s25 =	sadd.s32 s5, s23  }
0x17: {  	s28 =	sor.u32 $0x20, s8;
	s9 =	sadd.s32 s6, s23;
	[dreg:$0xb] =	wrdreg s25  }
0x18: {  	s15 =	sor.u32 $0x30, s8;
	s12 =	sadd.s32 s5, s28;
	[dreg:$0xc] =	wrdreg s9  }
0x19: {  	s2 =	simm.s32 $0x14800;
	s17 =	sadd.s32 s5, s15;
	[dreg:$0xd] =	wrdreg s12  }
0x1a: {  	s8 =	sor.u32 $0x40, s8;
	s18 =	sadd.s32 s6, s15;
	[dreg:$0x10] =	wrdreg s17  }
0x1b: {  	s21 =	simm.s32 $0x9;
	s19 =	sadd.s32 s5, s8;
	[dreg:$0x11] =	wrdreg s18  }
0x1c: {  	s20 =	sadd.s32 s6, s8;
	s22 =	smax.u32 s7, $0x1;
	[dreg:$0x13] =	wrdreg s19  }
0x1d: {  	s23 =	sadd.s32 $0xA000, s14;
	s11 =	simm.s32 $0xC;
	[dreg:$0x14] =	wrdreg s20  }
0x1e: {  	s8 =	simm.s32 $0xD;
	s7 =	simm.s32 $0x0;
	[dreg:$0x16] =	wrdreg s22  }
.Ltmp0:
0x1f: {  	s9 =	sadd.s32 s6, s28;
	[dreg:$0x17] =	wrdreg s23;
	(pc) =	sbr.rel .LBB2_1-.Ltmp0, $4  }
0x20: {  	s25 =	sadd.s32 $0xE000, s14;
	s28 =	sadd.s32 $0x12000, s14;
	s14 =	simm.s32 $0x10  }
0x21: {  	s17 =	simm.s32 $0x14480;
	s19 =	simm.s32 $0x1;
	[dreg:$0xe] =	wrdreg s9  }
0x22: {  	s20 =	simm.s32 $0x40;
	s22 =	simm.s32 $0x2;
	[dreg:$0x19] =	wrdreg s25  }
0x23: {  	v0 =	vimm.f32 $0.0e+00;
	[dreg:$0x1b] =	wrdreg s28;
	s25 =	simm.s32 $0x14500;
	s9 =	simm.s32 $0xB  }
.LBB2_5:
0x24: {  	_ =	swait.ge [sflag:s11], $0x2000  }
0x25: {  	[sflag:s11] =	ssyncset.done $0x0  }
0x26: {  	[sflag:s11] =	ssyncadd.s32 $0xFFFFE000  }
0x27: {  	_ =	swait.ge [sflag:s8], $0x2000  }
0x28: {  	[sflag:s8] =	ssyncset.done $0x0  }
0x29: {  	[sflag:s8] =	ssyncadd.s32 $0xFFFFE000  }
0x2a: {  	_ =	swait.ge [sflag:s13], $0x2000  }
0x2b: {  	[sflag:s13] =	ssyncset.done $0x0  }
0x2c: {  	[sflag:s13] =	ssyncadd.s32 $0xFFFFE000  }
0x2d: {  	_ =	swait.ge [sflag:s10], $0x2000  }
0x2e: {  	[sflag:s10] =	ssyncset.done $0x0  }
0x2f: {  	[sflag:s10] =	ssyncadd.s32 $0xFFFFE000  }
.LBB2_7:
0x30: {  	s12 =	stileid.u32;
	[bflag:$0x0] =	sbarrier.arrive $0xFFFF  }
0x31: {  	s12 =	sshll.u32 s12, $0x6;
	s14 =	rddreg [dreg:$0x4]  }
0x32: {  	s15 =	rddreg [dreg:$0x15];
	s12 =	sor.u32 $0x1C10, s12;
	s14 =	sshrl.u32 s14, $0x3  }
0x33: {  	[hbm:s15], [sflag:s12] =	dma.local [spmem:s14], $0x2800  }
0x34: {  	s14 =	simm.s32 $0x10  }
0x35: {  	_ =	swait.ge [sflag:s14], $0x2800  }
0x36: {  	s7 =	rddreg [dreg:$0x1c]  }
0x37: {  	s28 =	rddreg [dreg:$0x16];
	s7 =	sadd.s32 $0x1, s7  }
0x38: {  	p0 =	sne.s32 s7, s28  }
.Ltmp1:
0x39: {  	_ = 	snop;
	(pc) =	sbr.rel @!p0 .LBB2_8-.Ltmp1, $3  }
0x3a: {  	_ =	sdelay $0x1  }
0x3b: {  	[sflag:s14] =	ssyncset.done $0x0  }
0x3c: {  	[sflag:s14] =	ssyncadd.s32 $0xFFFFD800  }
.LBB2_1:
0x3d: {  	[dreg:$0x1c] =	wrdreg s7;
	s12 =	simm.s32 $0x0;
	s15 =	simm.s32 $0x200  }
.LBB2_2:
0x3e: {  	p0 =	sne.s32 s15, $0x7E00;
	[tilespmem:s12+$0x14870] =	vst v0  }
0x3f: {  	[tilespmem:s12+$0x14800] =	vst v0  }
0x40: {  	[tilespmem:s12+$0x14810] =	vst v0  }
.Ltmp2:
0x41: {  	[tilespmem:s12+$0x14820] =	vst v0;
	(pc) =	sbr.rel @p0 .LBB2_2-.Ltmp2, $4  }
0x42: {  	[tilespmem:s12+$0x14830] =	vst v0  }
0x43: {  	[tilespmem:s12+$0x14840] =	vst v0  }
0x44: {  	[tilespmem:s12+$0x14850] =	vst v0  }
0x45: {  	[tilespmem:s12+$0x14860] =	vst v0;
	s12 =	sshra.s32 s15, $0x2;
	s15 =	sadd.s32 $0x200, s15  }
0x46: {  	[tilespmem:s12+$0x14870] =	vst v0  }
0x47: {  	[tilespmem:s12+$0x14800] =	vst v0  }
0x48: {  	[tilespmem:s12+$0x14810] =	vst v0  }
0x49: {  	[tilespmem:s12+$0x14820] =	vst v0  }
0x4a: {  	[tilespmem:s12+$0x14830] =	vst v0  }
0x4b: {  	[tilespmem:s12+$0x14840] =	vst v0  }
0x4c: {  	[tilespmem:s12+$0x14850] =	vst v0  }
0x4d: {  	[tilespmem:s12+$0x14860] =	vst v0;
	s18 =	rddreg [dreg:$0x4]  }
0x4e: {  	[spmem:s18] =	stream.linear.scatter [tilespmem:s2], [sflag:$0x10], $0x2000, $0x38;
	[tilespmem:$0x1E800] =	vst v63  }
0x4f: {  	_ =	swait.ge [sflag:s14], $0x2000  }
0x50: {  	[sflag:s14] =	ssyncset.done $0x0  }
0x51: {  	s23 =	rddreg [dreg:$0x5];
	[sflag:s14] =	ssyncadd.s32 $0xFFFFE000  }
0x52: {  	[spmem:s23] =	stream.linear.scatter [tilespmem:s2], [sflag:$0x10], $0x2000, $0x38;
	[tilespmem:$0x1E800] =	vst v63  }
0x53: {  	_ =	swait.ge [sflag:s14], $0x2000  }
0x54: {  	[sflag:s14] =	ssyncset.done $0x0  }
0x55: {  	s7 =	rddreg [dreg:$0x6];
	[sflag:s14] =	ssyncadd.s32 $0xFFFFE000  }
0x56: {  	[spmem:s7] =	stream.linear.scatter [tilespmem:s2], [sflag:$0x10], $0x2000, $0x38;
	[tilespmem:$0x1E800] =	vst v63  }
0x57: {  	_ =	swait.ge [sflag:s14], $0x2000  }
0x58: {  	[sflag:s14] =	ssyncset.done $0x0  }
0x59: {  	s15 =	rddreg [dreg:$0x7];
	[sflag:s14] =	ssyncadd.s32 $0xFFFFE000  }
0x5a: {  	[spmem:s15] =	stream.linear.scatter [tilespmem:s2], [sflag:$0x10], $0x2000, $0x38;
	[tilespmem:$0x1E800] =	vst v63  }
0x5b: {  	_ =	swait.ge [sflag:s14], $0x2000  }
0x5c: {  	[sflag:s14] =	ssyncset.done $0x0  }
0x5d: {  	s18 =	rddreg [dreg:$0x8];
	[sflag:s14] =	ssyncadd.s32 $0xFFFFE000  }
0x5e: {  	[spmem:s18] =	stream.linear.scatter [tilespmem:s2], [sflag:$0x10], $0x2000, $0x38;
	[tilespmem:$0x1E800] =	vst v63  }
0x5f: {  	_ =	swait.ge [sflag:s14], $0x2000  }
0x60: {  	[sflag:s14] =	ssyncset.done $0x0  }
0x61: {  	s23 =	rddreg [dreg:$0x17];
	[sflag:s14] =	ssyncadd.s32 $0xFFFFE000  }
0x62: {  	[spmem:s23] =	stream.linear.scatter [tilespmem:s2], [sflag:$0x10], $0x2000, $0x38;
	[tilespmem:$0x1E800] =	vst v63  }
0x63: {  	_ =	swait.ge [sflag:s14], $0x2000  }
0x64: {  	[sflag:s14] =	ssyncset.done $0x0  }
0x65: {  	s7 =	rddreg [dreg:$0x18];
	[sflag:s14] =	ssyncadd.s32 $0xFFFFE000  }
0x66: {  	[spmem:s7] =	stream.linear.scatter [tilespmem:s2], [sflag:$0x10], $0x2000, $0x38;
	[tilespmem:$0x1E800] =	vst v63  }
0x67: {  	_ =	swait.ge [sflag:s14], $0x2000  }
0x68: {  	[sflag:s14] =	ssyncset.done $0x0  }
0x69: {  	s15 =	rddreg [dreg:$0x19];
	[sflag:s14] =	ssyncadd.s32 $0xFFFFE000  }
0x6a: {  	[spmem:s15] =	stream.linear.scatter [tilespmem:s2], [sflag:$0x10], $0x2000, $0x38;
	[tilespmem:$0x1E800] =	vst v63  }
0x6b: {  	_ =	swait.ge [sflag:s14], $0x2000  }
0x6c: {  	[sflag:s14] =	ssyncset.done $0x0  }
0x6d: {  	s18 =	rddreg [dreg:$0x1a];
	[sflag:s14] =	ssyncadd.s32 $0xFFFFE000  }
0x6e: {  	[spmem:s18] =	stream.linear.scatter [tilespmem:s2], [sflag:$0x10], $0x2000, $0x38;
	[tilespmem:$0x1E800] =	vst v63  }
0x6f: {  	_ =	swait.ge [sflag:s14], $0x2000  }
0x70: {  	[sflag:s14] =	ssyncset.done $0x0  }
0x71: {  	s23 =	rddreg [dreg:$0x1b];
	[sflag:s14] =	ssyncadd.s32 $0xFFFFE000  }
0x72: {  	[spmem:s23] =	stream.linear.scatter [tilespmem:s2], [sflag:$0x10], $0x2000, $0x38;
	[tilespmem:$0x1E800] =	vst v63  }
0x73: {  	_ =	swait.ge [sflag:s14], $0x2000  }
0x74: {  	[sflag:s14] =	ssyncset.done $0x0  }
0x75: {  	[sflag:s14] =	ssyncadd.s32 $0xFFFFE000  }
0x76: {  	[bflag:$0x0] =	sbarrier.arrive $0xFFFF  }
0x77: {  	s14 =	simm.s32 $0x14000;
	s7 =	rddreg [dreg:$0x9]  }
0x78: {  	[tilespmem:s14], [sflag:$0x1] =	stream.linear.gather [hbm4b:s7+s4], $0x80, $0x38;
	[tilespmem:$0x1E800] =	vst v63  }
0x79: {  	s15 =	rddreg [dreg:$0xa]  }
0x7a: {  	[tilespmem:s16], [sflag:$0x1] =	stream.linear.gather [hbm4b:s15+s4], $0x80, $0x38;
	[tilespmem:$0x1E800] =	vst v63  }
0x7b: {  	s18 =	rddreg [dreg:$0xb];
	s15 =	simm.s32 $0x14080  }
0x7c: {  	[tilespmem:s15], [sflag:$0x2] =	stream.linear.gather [hbm4b:s18+s4], $0x80, $0x38;
	[tilespmem:$0x1E800] =	vst v63  }
0x7d: {  	s23 =	rddreg [dreg:$0xc]  }
0x7e: {  	[tilespmem:s17], [sflag:$0x2] =	stream.linear.gather [hbm4b:s23+s4], $0x80, $0x38;
	[tilespmem:$0x1E800] =	vst v63  }
0x7f: {  	s7 =	rddreg [dreg:$0xd];
	s23 =	simm.s32 $0x14100  }
0x80: {  	[tilespmem:s23], [sflag:$0x3] =	stream.linear.gather [hbm4b:s7+s4], $0x80, $0x38;
	[tilespmem:$0x1E800] =	vst v63  }
0x81: {  	s18 =	rddreg [dreg:$0xe]  }
0x82: {  	[tilespmem:s25], [sflag:$0x3] =	stream.linear.gather [hbm4b:s18+s4], $0x80, $0x38;
	[tilespmem:$0x1E800] =	vst v63  }
0x83: {  	s28 =	simm.s32 $0x14180;
	s7 =	rddreg [dreg:$0x10]  }
0x84: {  	[tilespmem:s28], [sflag:$0x4] =	stream.linear.gather [hbm4b:s7+s4], $0x80, $0x38;
	[tilespmem:$0x1E800] =	vst v63  }
0x85: {  	s18 =	rddreg [dreg:$0x11]  }
0x86: {  	[tilespmem:s30], [sflag:$0x4] =	stream.linear.gather [hbm4b:s18+s4], $0x80, $0x38;
	[tilespmem:$0x1E800] =	vst v63  }
0x87: {  	s7 =	rddreg [dreg:$0x13];
	s18 =	simm.s32 $0x14200  }
0x88: {  	[tilespmem:s18], [sflag:$0x5] =	stream.linear.gather [hbm4b:s7+s4], $0x80, $0x38;
	[tilespmem:$0x1E800] =	vst v63  }
0x89: {  	s12 =	rddreg [dreg:$0x14];
	s7 =	simm.s32 $0x14600  }
0x8a: {  	[tilespmem:s7], [sflag:$0x5] =	stream.linear.gather [hbm4b:s12+s4], $0x80, $0x38;
	[tilespmem:$0x1E800] =	vst v63  }
0x8b: {  	_ =	swait.ge [sflag:s19], $0x80  }
0x8c: {  	[sflag:s19] =	ssyncset.done $0x0  }
0x8d: {  	[sflag:s19] =	ssyncadd.s32 $0xFFFFFF80  }
0x8e: {  	_ =	swait.ge [sflag:s19], $0x80  }
0x8f: {  	[sflag:s19] =	ssyncset.done $0x0  }
0x90: {  	[sflag:s19] =	ssyncadd.s32 $0xFFFFFF80  }
0x91: {  	[tilespmem:s2], [sflag:$0x6] =	stream.indirect.gather [hbm4b:s1+s20], $0x80, s14, s20, $0xb8;
	[tilespmem:$0x1E800] =	vst v63  }
0x92: {  	_ =	swait.ge [sflag:s22], $0x80  }
0x93: {  	[sflag:s22] =	ssyncset.done $0x0  }
0x94: {  	[sflag:s22] =	ssyncadd.s32 $0xFFFFFF80  }
0x95: {  	_ =	swait.ge [sflag:s22], $0x80  }
0x96: {  	[sflag:s22] =	ssyncset.done $0x0  }
0x97: {  	s7 =	simm.s32 $0x16800;
	[sflag:s22] =	ssyncadd.s32 $0xFFFFFF80  }
0x98: {  	[tilespmem:s7], [sflag:$0x7] =	stream.indirect.gather [hbm4b:s1+s20], $0x80, s15, s20, $0xb8;
	[tilespmem:$0x1E800] =	vst v63  }
0x99: {  	_ =	swait.ge [sflag:s24], $0x80  }
0x9a: {  	[sflag:s24] =	ssyncset.done $0x0  }
0x9b: {  	[sflag:s24] =	ssyncadd.s32 $0xFFFFFF80  }
0x9c: {  	_ =	swait.ge [sflag:s24], $0x80  }
0x9d: {  	[sflag:s24] =	ssyncset.done $0x0  }
0x9e: {  	s15 =	simm.s32 $0x18800;
	[sflag:s24] =	ssyncadd.s32 $0xFFFFFF80  }
0x9f: {  	[tilespmem:s15], [sflag:$0x8] =	stream.indirect.gather [hbm4b:s1+s20], $0x80, s23, s20, $0xb8;
	[tilespmem:$0x1E800] =	vst v63  }
0xa0: {  	_ =	swait.ge [sflag:s26], $0x80  }
0xa1: {  	[sflag:s26] =	ssyncset.done $0x0  }
0xa2: {  	[sflag:s26] =	ssyncadd.s32 $0xFFFFFF80  }
0xa3: {  	_ =	swait.ge [sflag:s26], $0x80  }
0xa4: {  	[sflag:s26] =	ssyncset.done $0x0  }
0xa5: {  	s15 =	simm.s32 $0x1A800;
	[sflag:s26] =	ssyncadd.s32 $0xFFFFFF80  }
0xa6: {  	[tilespmem:s15], [sflag:$0x9] =	stream.indirect.gather [hbm4b:s1+s20], $0x80, s28, s20, $0xb8;
	[tilespmem:$0x1E800] =	vst v63  }
0xa7: {  	_ =	swait.ge [sflag:s29], $0x80  }
0xa8: {  	[sflag:s29] =	ssyncset.done $0x0  }
0xa9: {  	[sflag:s29] =	ssyncadd.s32 $0xFFFFFF80  }
0xaa: {  	s12 =	simm.s32 $0x280;
	_ =	swait.ge [sflag:s29], $0x80  }
0xab: {  	s14 =	simm.s32 $0x14600;
	s23 =	simm.s32 $0x18800;
	[sflag:s29] =	ssyncset.done $0x0  }
0xac: {  	s28 =	simm.s32 $0x1A800;
	s15 =	simm.s32 $0x90;
	[sflag:s29] =	ssyncadd.s32 $0xFFFFFF80  }
0xad: {  	[tilespmem:s31], [sflag:$0xA] =	stream.indirect.gather [hbm4b:s1+s20], $0x80, s18, s20, $0xb8;
	[tilespmem:$0x1E800] =	vst v63  }
.LBB2_4:
0xae: {  	s18 =	simm.s32 $0x6  }
0xaf: {  	_ =	swait.ge [sflag:s18], $0x2000  }
0xb0: {  	[sflag:s18] =	ssyncset.done $0x0  }
0xb1: {  	[sflag:s18] =	ssyncadd.s32 $0xFFFFE000;
	s18 =	simm.s32 $0x7  }
0xb2: {  	[spmem:s3] =	stream.indirect.scatter.add.f32 [tilespmem:s2], [sflag:$0xB], $0x80, s16, s20, $0xb8;
	[tilespmem:$0x1E800] =	vst v63  }
0xb3: {  	_ =	swait.ge [sflag:s18], $0x2000  }
0xb4: {  	[sflag:s18] =	ssyncset.done $0x0  }
0xb5: {  	[sflag:s18] =	ssyncadd.s32 $0xFFFFE000;
	s18 =	simm.s32 $0x8  }
0xb6: {  	[spmem:s3] =	stream.indirect.scatter.add.f32 [tilespmem:s7], [sflag:$0xC], $0x80, s17, s20, $0xb8;
	[tilespmem:$0x1E800] =	vst v63  }
0xb7: {  	_ =	swait.ge [sflag:s18], $0x2000  }
0xb8: {  	[sflag:s18] =	ssyncset.done $0x0  }
0xb9: {  	[sflag:s18] =	ssyncadd.s32 $0xFFFFE000  }
0xba: {  	[spmem:s3] =	stream.indirect.scatter.add.f32 [tilespmem:s23], [sflag:$0xD], $0x80, s25, s20, $0xb8;
	[tilespmem:$0x1E800] =	vst v63  }
0xbb: {  	_ =	swait.ge [sflag:s21], $0x2000  }
0xbc: {  	[sflag:s21] =	ssyncset.done $0x0  }
0xbd: {  	[sflag:s21] =	ssyncadd.s32 $0xFFFFE000  }
0xbe: {  	[spmem:s3] =	stream.indirect.scatter.add.f32 [tilespmem:s28], [sflag:$0xE], $0x80, s30, s20, $0xb8;
	[tilespmem:$0x1E800] =	vst v63  }
0xbf: {  	_ =	swait.ge [sflag:s0], $0x2000  }
0xc0: {  	p0 =	sne.s32 s15, $0xA40;
	[sflag:s0] =	ssyncset.done $0x0  }
.Ltmp3:
0xc1: {  	[sflag:s0] =	ssyncadd.s32 $0xFFFFE000;
	(pc) =	sbr.rel @!p0 .LBB2_5-.Ltmp3, $4  }
0xc2: {  	[spmem:s3] =	stream.indirect.scatter.add.f32 [tilespmem:s31], [sflag:$0xF], $0x80, s14, s20, $0xb8;
	[tilespmem:$0x1E800] =	vst v63  }
0xc3: {  	_ =	swait.ge [sflag:s9], $0x2000  }
0xc4: {  	[sflag:s9] =	ssyncset.done $0x0  }
0xc5: {  	[sflag:s9] =	ssyncadd.s32 $0xFFFFE000  }
0xc6: {  	s14 =	rddreg [dreg:$0x12]  }
0xc7: {  	s17 =	sadd.s32 s12, s14  }
0xc8: {  	s25 =	sand.u32 $0x380, s12;
	s17 =	sand.u32 $0x7FFFFC00, s17  }
0xc9: {  	s14 =	sor.u32 s25, s17  }
0xca: {  	s14 =	sshrl.u32 s14, $0x3  }
0xcb: {  	s23 =	simm.s32 $0x14000;
	s2 =	sadd.s32 s5, s14  }
0xcc: {  	[tilespmem:s23], [sflag:$0x1] =	stream.linear.gather [hbm4b:s2+s4], $0x80, $0x38;
	[tilespmem:$0x1E800] =	vst v63  }
0xcd: {  	s18 =	rddreg [dreg:$0xf];
	s14 =	sadd.s32 s6, s14  }
0xce: {  	[tilespmem:s16], [sflag:$0x1] =	stream.linear.gather [hbm4b:s14+s4], $0x80, $0x38;
	[tilespmem:$0x1E800] =	vst v63  }
0xcf: {  	s14 =	sadd.s32 s15, s18  }
0xd0: {  	s2 =	sadd.s32 $0xFFFFFFD0, s15;
	s25 =	sadd.s32 $0xFFFFFFD0, s14  }
0xd1: {  	s16 =	sand.u32 $0x70, s2;
	_ =	swait.ge [sflag:s11], $0x2000;
	s17 =	sand.u32 $0xFFFFF80, s25  }
0xd2: {  	s28 =	simm.s32 $0x14480;
	[sflag:s11] =	ssyncset.done $0x0;
	s16 =	sor.u32 s16, s17  }
0xd3: {  	s25 =	simm.s32 $0x14080;
	[sflag:s11] =	ssyncadd.s32 $0xFFFFE000;
	s17 =	sadd.s32 s5, s16  }
0xd4: {  	[tilespmem:s25], [sflag:$0x2] =	stream.linear.gather [hbm4b:s17+s4], $0x80, $0x38;
	[tilespmem:$0x1E800] =	vst v63  }
0xd5: {  	s18 =	sadd.s32 $0xFFFFFFE0, s15;
	s16 =	sadd.s32 s6, s16;
	s17 =	sadd.s32 $0xFFFFFFE0, s14  }
0xd6: {  	[tilespmem:s28], [sflag:$0x2] =	stream.linear.gather [hbm4b:s16+s4], $0x80, $0x38;
	[tilespmem:$0x1E800] =	vst v63  }
0xd7: {  	s16 =	sand.u32 $0xFFFFF80, s17;
	s17 =	sand.u32 $0x70, s18;
	_ =	swait.ge [sflag:s8], $0x2000  }
0xd8: {  	s30 =	simm.s32 $0x14500;
	s16 =	sor.u32 s17, s16;
	[sflag:s8] =	ssyncset.done $0x0  }
0xd9: {  	s28 =	simm.s32 $0x14100;
	s17 =	sadd.s32 s5, s16;
	[sflag:s8] =	ssyncadd.s32 $0xFFFFE000  }
0xda: {  	[tilespmem:s28], [sflag:$0x3] =	stream.linear.gather [hbm4b:s17+s4], $0x80, $0x38;
	[tilespmem:$0x1E800] =	vst v63  }
0xdb: {  	s18 =	sadd.s32 $0xFFFFFFF0, s15;
	s16 =	sadd.s32 s6, s16;
	s17 =	sadd.s32 $0xFFFFFFF0, s14  }
0xdc: {  	[tilespmem:s30], [sflag:$0x3] =	stream.linear.gather [hbm4b:s16+s4], $0x80, $0x38;
	[tilespmem:$0x1E800] =	vst v63  }
0xdd: {  	s16 =	sand.u32 $0xFFFFF80, s17;
	s17 =	sand.u32 $0x70, s18;
	_ =	swait.ge [sflag:s13], $0x2000  }
0xde: {  	s16 =	sor.u32 s17, s16;
	[sflag:s13] =	ssyncset.done $0x0  }
0xdf: {  	s30 =	simm.s32 $0x14180;
	s17 =	sadd.s32 s5, s16;
	[sflag:s13] =	ssyncadd.s32 $0xFFFFE000  }
0xe0: {  	[tilespmem:s30], [sflag:$0x4] =	stream.linear.gather [hbm4b:s17+s4], $0x80, $0x38;
	[tilespmem:$0x1E800] =	vst v63  }
0xe1: {  	s2 =	simm.s32 $0x14580;
	s16 =	sadd.s32 s6, s16  }
0xe2: {  	[tilespmem:s2], [sflag:$0x4] =	stream.linear.gather [hbm4b:s16+s4], $0x80, $0x38;
	[tilespmem:$0x1E800] =	vst v63  }
0xe3: {  	s14 =	sand.u32 $0xFFFFF80, s14;
	s18 =	sand.u32 $0x70, s15;
	_ =	swait.ge [sflag:s10], $0x2000  }
0xe4: {  	s14 =	sor.u32 s18, s14;
	[sflag:s10] =	ssyncset.done $0x0  }
0xe5: {  	s31 =	simm.s32 $0x14200;
	s16 =	sadd.s32 s5, s14;
	[sflag:s10] =	ssyncadd.s32 $0xFFFFE000  }
0xe6: {  	[tilespmem:s31], [sflag:$0x5] =	stream.linear.gather [hbm4b:s16+s4], $0x80, $0x38;
	[tilespmem:$0x1E800] =	vst v63  }
0xe7: {  	s7 =	simm.s32 $0x14600;
	s14 =	sadd.s32 s6, s14  }
0xe8: {  	[tilespmem:s7], [sflag:$0x5] =	stream.linear.gather [hbm4b:s14+s4], $0x80, $0x38;
	[tilespmem:$0x1E800] =	vst v63  }
0xe9: {  	_ =	swait.ge [sflag:s19], $0x80  }
0xea: {  	[sflag:s19] =	ssyncset.done $0x0  }
0xeb: {  	[sflag:s19] =	ssyncadd.s32 $0xFFFFFF80  }
0xec: {  	_ =	swait.ge [sflag:s19], $0x80  }
0xed: {  	[sflag:s19] =	ssyncset.done $0x0  }
0xee: {  	s2 =	simm.s32 $0x14800;
	[sflag:s19] =	ssyncadd.s32 $0xFFFFFF80  }
0xef: {  	[tilespmem:s2], [sflag:$0x6] =	stream.indirect.gather [hbm4b:s1+s20], $0x80, s23, s20, $0xb8;
	[tilespmem:$0x1E800] =	vst v63  }
0xf0: {  	_ =	swait.ge [sflag:s22], $0x80  }
0xf1: {  	[sflag:s22] =	ssyncset.done $0x0  }
0xf2: {  	[sflag:s22] =	ssyncadd.s32 $0xFFFFFF80  }
0xf3: {  	_ =	swait.ge [sflag:s22], $0x80  }
0xf4: {  	[sflag:s22] =	ssyncset.done $0x0  }
0xf5: {  	s7 =	simm.s32 $0x16800;
	[sflag:s22] =	ssyncadd.s32 $0xFFFFFF80  }
0xf6: {  	[tilespmem:s7], [sflag:$0x7] =	stream.indirect.gather [hbm4b:s1+s20], $0x80, s25, s20, $0xb8;
	[tilespmem:$0x1E800] =	vst v63  }
0xf7: {  	_ =	swait.ge [sflag:s24], $0x80  }
0xf8: {  	[sflag:s24] =	ssyncset.done $0x0  }
0xf9: {  	[sflag:s24] =	ssyncadd.s32 $0xFFFFFF80  }
0xfa: {  	_ =	swait.ge [sflag:s24], $0x80  }
0xfb: {  	[sflag:s24] =	ssyncset.done $0x0  }
0xfc: {  	s23 =	simm.s32 $0x18800;
	[sflag:s24] =	ssyncadd.s32 $0xFFFFFF80  }
0xfd: {  	[tilespmem:s23], [sflag:$0x8] =	stream.indirect.gather [hbm4b:s1+s20], $0x80, s28, s20, $0xb8;
	[tilespmem:$0x1E800] =	vst v63  }
0xfe: {  	_ =	swait.ge [sflag:s26], $0x80  }
0xff: {  	[sflag:s26] =	ssyncset.done $0x0  }
0x100: {  	[sflag:s26] =	ssyncadd.s32 $0xFFFFFF80  }
0x101: {  	_ =	swait.ge [sflag:s26], $0x80  }
0x102: {  	[sflag:s26] =	ssyncset.done $0x0  }
0x103: {  	s28 =	simm.s32 $0x1A800;
	[sflag:s26] =	ssyncadd.s32 $0xFFFFFF80  }
0x104: {  	[tilespmem:s28], [sflag:$0x9] =	stream.indirect.gather [hbm4b:s1+s20], $0x80, s30, s20, $0xb8;
	[tilespmem:$0x1E800] =	vst v63  }
0x105: {  	_ =	swait.ge [sflag:s29], $0x80  }
0x106: {  	s15 =	sadd.s32 $0x50, s15;
	[sflag:s29] =	ssyncset.done $0x0  }
0x107: {  	s12 =	sadd.s32 $0x280, s12;
	p0 =	sne.s32 s15, $0xA90;
	[sflag:s29] =	ssyncadd.s32 $0xFFFFFF80  }
.Ltmp4:
0x108: {  	s18 =	simm.s32 $0x1C800;
	_ =	swait.ge [sflag:s29], $0x80;
	(pc) =	sbr.rel @p0 .LBB2_4-.Ltmp4, $4  }
.Ltmp5:
0x109: {  	s17 =	simm.s32 $0x14480;
	[sflag:s29] =	ssyncset.done $0x0;
	(pc) =	sbr.rel @!p0 .LBB2_7-.Ltmp5, $4  }
0x10a: {  	s16 =	simm.s32 $0x14400;
	s14 =	simm.s32 $0x14600;
	[sflag:s29] =	ssyncadd.s32 $0xFFFFFF80  }
0x10b: {  	[tilespmem:s18], [sflag:$0xA] =	stream.indirect.gather [hbm4b:s1+s20], $0x80, s31, s20, $0xb8;
	[tilespmem:$0x1E800] =	vst v63  }
0x10c: {  	s25 =	simm.s32 $0x14500;
	s30 =	simm.s32 $0x14580;
	s31 =	simm.s32 $0x1C800  }
0x10d: {  	_ = 	snop  }
.LBB2_8:
0x10e: {  	_ =	sfence.sel $0x180000  }
0x10f: {  	[bflag:$0x0] =	sbarrier.arrive $0xFFFF  }
0x110: {  	_ =	strace $0x9000004D  }
0x111: {  	s0 =	stileid.u32;
	[bflag:$0x2] =	sbarrier.arrive $0xFFFF  }
0x112: {  	p0 =	sne.s32 s0, $0x0;
	s0 =	rddreg [dreg:$0x3]  }
0x113: {  	s0 =	sadd.s32 @!p0 $0x100000, s0  }
0x114: {  	[sflag:s0] =	ssyncadd.tile.s32 @!p0 $0x1;
	_ =	shalt  }
.Lfunc_end2:
_tile_overlayer_lowered:
.L_overlay_start_2:
0x115: {  	(tag) =	ssettag $0x2  }
0x116: {  	s0 =	rddreg [dreg:$0x0];
	s2 =	stileid.u32  }
0x117: {  	s1 =	rddreg [dreg:$0x1];
	p0 =	sne.s32 s2, $0x0  }
0x118: {  	s3 =	rddreg [dreg:$0x2];
	[bflag:$0x3] =	sbarrier.arrive $0xFFFF;
	s2 =	simm.s32 @!p0 $0x1C10  }
0x119: {  	[timem:s3], [sflag:s2] =	dma.local @!p0 [hbm:s0], s1  }
0x11a: {  	s0 =	simm.s32 @!p0 $0x10  }
0x11b: {  	_ =	swait.ge @!p0 [sflag:s0], s1  }
0x11c: {  	s1 =	ssub.s32 @!p0 $0x0, s1;
	[sflag:s0] =	ssyncset.done @!p0 $0x0  }
0x11d: {  	[sflag:s0] =	ssyncadd.s32 @!p0 s1  }
0x11e: {  	[bflag:$0x3] =	sbarrier.arrive $0xFFFF  }
0x11f: {  	_ =	shalt  }

// kernel: kernel.8.cloned.1.call-start
scs
__scs_entry_jumppad:
0x0: {  	(pc) =	sbr.rel $0x88, $3  }
0x1: {  	(tag) =	ssettag $0x0;
	lr =	simm.s32 $0x1  }
0x2: {  	[smem:$0x3F9F] =	sst lr;
	_ =	strace $0xD0000000  }
0x3: {  	_ = 	snop  }
0x4: {  	_ = 	snop  }
0x5: {  	_ = 	snop  }
0x6: {  	_ = 	snop  }
0x7: {  	_ = 	snop  }
__scs_overlays_trampoline_lowered:
0x8: {  	[smem:$0x3FAE] =	sst s0  }
0x9: {  	[smem:$0x3FAF] =	sst s1  }
0xa: {  	[smem:$0x3FB0] =	sst s2  }
0xb: {  	[smem:$0x3FB1] =	sst s3  }
0xc: {  	[smem:$0x3FB2] =	sst s4  }
0xd: {  	[smem:$0x3FB3] =	sst s5  }
0xe: {  	[smem:$0x3FB4] =	sst s6  }
0xf: {  	[smem:$0x3FB5] =	sst s7  }
0x10: {  	[smem:$0x3FB6] =	sst s8  }
0x11: {  	[smem:$0x3FB7] =	sst s9;
	s0 =	simm.s32 @!p0 $0x0  }
0x12: {  	s1 =	sld [smem:$0x3F9D];
	s0 =	simm.s32 @p0 $0x1  }
0x13: {  	[smem:$0x3FB8] =	sst s0;
	s0 =	simm.s32 @!p1 $0x0  }
0x14: {  	s2 =	sld [smem:$0x3F9C];
	s0 =	simm.s32 @p1 $0x1  }
0x15: {  	[smem:$0x3FB9] =	sst s0;
	s0 =	simm.s32 @!p2 $0x0  }
0x16: {  	s3 =	sld [smem:$0x3FDB];
	s0 =	simm.s32 @p2 $0x1  }
0x17: {  	s4 =	simm.s32 $0x1BF5;
	[smem:$0x3FBB] =	sst s0  }
0x18: {  	s0 =	sld [smem:$0x3F9E];
	_ =	swait.ge [sflag:s4], $0x0  }
0x19: {  	s7 =	sld [smem:$0x3F9F]  }
0x1a: {  	s8 =	sadd.s32 $0xFFFFE003, lr  }
0x1b: {  	s9 =	sadd.s32 $0xFFFFFEF7, lr;
	s5 =	simm.s32 $0xFFFFFFFF;
	p2 =	slt.u32 s8, $0xFFFFF086  }
0x1c: {  	p1 =	slt.u32 s9, $0xF7A;
	s5 =	simm.s32 @!p2 $0x0  }
0x1d: {  	s5 =	simm.s32 @p1 $0x1;
	p0 =	seq.s32 s7, s2  }
0x1e: {  	s7 =	smul.u32 @!p0 $0xF7A, s2;
	p2 =	seq.s32 @!p0 s5, $0x0  }
0x1f: {  	s9 =	smul.u32 $0xF7A, s1;
	s8 =	simm.s32 @!p0 $0x1BF5;
	p2 =	por !p2, p0  }
0x20: {  	[sflag:s8] =	ssyncset.s32 @!p0 $0xFFFFF086;
	s6 =	sadd.s32 @!p0 s3, s7;
	s7 =	simm.s32 @!p0 $0x108  }
0x21: {  	s3 =	sadd.s32 s3, s9;
	s6 =	sadd.s32 @!p0 $0x88, s6;
	s7 =	simm.s32 @p2 $0x1082  }
0x22: {  	[simem:s7], [sflag:s8] =	dma.local @!p0 [hbm:s6], $0xF7A  }
0x23: {  	s9 =	sor.u32 $0xD0000000, s2;
	s6 =	simm.s32 $0x108;
	_ =	swait.ge @!p0 [sflag:s8], $0x0  }
0x24: {  	s3 =	sadd.s32 $0x88, s3;
	s6 =	simm.s32 @!p1 $0x1082;
	[sflag:s4] =	ssyncset.s32 $0xFFFFF086  }
0x25: {  	[simem:s6], [sflag:s4] =	dma.local [hbm:s3], $0xF7A  }
0x26: {  	[smem:$0x3F9F] =	sst s1;
	(tag) =	ssettag s2;
	_ =	strace s9  }
0x27: {  	s1 =	sld [smem:$0x3FAF]  }
0x28: {  	s2 =	sld [smem:$0x3FB0]  }
0x29: {  	s4 =	sld [smem:$0x3FB2]  }
0x2a: {  	p0 =	seq.s32 s5, $0x0;
	s5 =	sld [smem:$0x3FB3]  }
0x2b: {  	s6 =	sld [smem:$0x3FB4]  }
0x2c: {  	s7 =	sld [smem:$0x3FB5]  }
0x2d: {  	s3 =	simm.s32 $0x108;
	s8 =	sld [smem:$0x3FB6]  }
0x2e: {  	s3 =	simm.s32 @!p0 $0x1082;
	s9 =	sld [smem:$0x3FB7]  }
0x2f: {  	lr =	sadd.s32 s0, s3;
	s0 =	sld [smem:$0x3FAE]  }
0x30: {  	s3 =	sld [smem:$0x3FB1]  }
0x31: {  	[smem:$0x3FBA] =	sst s10  }
0x32: {  	s10 =	sld [smem:$0x3FB8];
	_ =	sdelay $0x3  }
0x33: {  	p0 =	seq.s32 s10, $0x1;
	s10 =	sld [smem:$0x3FBA];
	_ =	sdelay $0x3  }
0x34: {  	[smem:$0x3FBA] =	sst s10  }
0x35: {  	s10 =	sld [smem:$0x3FB9];
	_ =	sdelay $0x3  }
0x36: {  	p1 =	seq.s32 s10, $0x1;
	s10 =	sld [smem:$0x3FBA];
	_ =	sdelay $0x3  }
0x37: {  	[smem:$0x3FBA] =	sst s10  }
0x38: {  	s10 =	sld [smem:$0x3FBB]  }
0x39: {  	_ = 	snop;
	(pc) =	sbr.ind lr, $3  }
0x3a: {  	_ = 	snop  }
0x3b: {  	_ = 	snop  }
0x3c: {  	p2 =	seq.s32 s10, $0x1;
	s10 =	sld [smem:$0x3FBA]  }
0x3d: {  	_ =	shalt  }
0x3e: {  	_ =	shalt  }
0x3f: {  	_ =	shalt  }
0x40: {  	_ =	shalt  }
0x41: {  	_ =	shalt  }
0x42: {  	_ =	shalt  }
0x43: {  	_ =	shalt  }
0x44: {  	_ =	shalt  }
0x45: {  	_ =	shalt  }
0x46: {  	_ =	shalt  }
0x47: {  	_ =	shalt  }
0x48: {  	_ =	shalt  }
0x49: {  	_ =	shalt  }
0x4a: {  	_ =	shalt  }
0x4b: {  	_ =	shalt  }
0x4c: {  	_ =	shalt  }
0x4d: {  	_ =	shalt  }
0x4e: {  	_ =	shalt  }
0x4f: {  	_ =	shalt  }
0x50: {  	_ =	shalt  }
0x51: {  	_ =	shalt  }
0x52: {  	_ =	shalt  }
0x53: {  	_ =	shalt  }
0x54: {  	_ =	shalt  }
0x55: {  	_ =	shalt  }
0x56: {  	_ =	shalt  }
0x57: {  	_ =	shalt  }
0x58: {  	_ =	shalt  }
0x59: {  	_ =	shalt  }
0x5a: {  	_ =	shalt  }
0x5b: {  	_ =	shalt  }
0x5c: {  	_ =	shalt  }
0x5d: {  	_ =	shalt  }
0x5e: {  	_ =	shalt  }
0x5f: {  	_ =	shalt  }
0x60: {  	_ =	shalt  }
0x61: {  	_ =	shalt  }
0x62: {  	_ =	shalt  }
0x63: {  	_ =	shalt  }
0x64: {  	_ =	shalt  }
0x65: {  	_ =	shalt  }
0x66: {  	_ =	shalt  }
0x67: {  	_ =	shalt  }
0x68: {  	_ =	shalt  }
0x69: {  	_ =	shalt  }
0x6a: {  	_ =	shalt  }
0x6b: {  	_ =	shalt  }
0x6c: {  	_ =	shalt  }
0x6d: {  	_ =	shalt  }
0x6e: {  	_ =	shalt  }
0x6f: {  	_ =	shalt  }
0x70: {  	_ =	shalt  }
0x71: {  	_ =	shalt  }
0x72: {  	_ =	shalt  }
0x73: {  	_ =	shalt  }
0x74: {  	_ =	shalt  }
0x75: {  	_ =	shalt  }
0x76: {  	_ =	shalt  }
0x77: {  	_ =	shalt  }
0x78: {  	_ =	shalt  }
0x79: {  	_ =	shalt  }
0x7a: {  	_ =	shalt  }
0x7b: {  	_ =	shalt  }
0x7c: {  	_ =	shalt  }
0x7d: {  	_ =	shalt  }
0x7e: {  	_ =	shalt  }
0x7f: {  	_ =	shalt  }
0x80: {  	_ =	shalt  }
0x81: {  	_ =	shalt  }
0x82: {  	_ =	shalt  }
0x83: {  	_ =	shalt  }
0x84: {  	_ =	shalt  }
0x85: {  	_ =	shalt  }
0x86: {  	_ =	shalt  }
0x87: {  	_ =	shalt  }
.Lfunc_end0:
.L_simem_size_0:
called_computation_lowered:
.L_overlay_start_0:
0x88: {  	s2 =	sld [smem:$0x3FD9]  }
0x89: {  	s3 =	sld [smem:$0x3FFE];
	_ =	sdelay $0x1  }
0x8a: {  	s1 =	srdreg.scid  }
0x8b: {  	s0 =	sand.u32 $0x1, s1  }
0x8c: {  	s16 =	sshll.u32 s0, $0xA;
	s2 =	sadd.s32 s3, s2  }
0x8d: {  	s2 =	sadd.s32 s2, s16  }
0x8e: {  	[smem:$0x3FC6] =	sst s2  }
0x8f: {  	_ = 	snop  }
0x90: {  	(tm) =	ssettm $0x1  }
0x91: {  	s17 =	sld [smem:$0x3FFB];
	_ =	sdelay $0x3  }
0x92: {  	_ =	strace s17  }
0x93: {  	s2 =	sld [smem:$0x3FFC];
	_ =	sdelay $0x3  }
0x94: {  	_ =	strace s2  }
0x95: {  	s2 =	sld [smem:$0x3FFD];
	_ =	sdelay $0x3  }
0x96: {  	_ =	strace s2  }
0x97: {  	_ =	strace $0x8FFFFFFF  }
0x98: {  	s18 =	sld [smem:$0x3FDB];
	_ =	sdelay $0x1  }
0x99: {  	s19 =	simm.s32 $_scs_section_size  }
0x9a: {  	s4 =	simm.s32 $_size__tile_overlayer_lowered;
	s5 =	simm.s32 $_tile_overlayer_lowered  }
0x9b: {  	s22 =	simm.s32 $0x1BFF;
	s21 =	sshll.u32 s5, $0x1;
	s2 =	sadd.s32 s19, s18  }
0x9c: {  	s6 =	simm.s32 $0x0;
	s20 =	sshll.u32 s4, $0x1;
	s4 =	sadd.s32 s21, s2  }
0x9d: {  	[timem:s6], [sflag:s22] =	dma.local [hbm:s4], s20  }
0x9e: {  	_ =	swait.ge [sflag:s22], s20  }
0x9f: {  	s3 =	ssub.s32 $0x0, s20;
	[sflag:s22] =	ssyncset.done $0x0  }
0xa0: {  	[sflag:s22] =	ssyncadd.s32 s3;
	_ =	sdelay $0x1  }
0xa1: {  	s23 =	simm.s32 $0x1B8B  }
0xa2: {  	_ =	swait.ge [sflag:s23], $0x1  }
0xa3: {  	[sflag:s23] =	ssyncset.done $0x0  }
0xa4: {  	s25 =	simm.s32 $0x1B8E;
	s24 =	sld [smem:$0x3FFE];
	[sflag:s23] =	ssyncadd.s32 $0xFFFFFFFF  }
0xa5: {  	s26 =	simm.s32 $execute0_lowered;
	[smem:$0x3FD2] =	sst s25  }
0xa6: {  	s4 =	sshll.u32 s26, $0x1;
	_ =	strace $0x80000046;
	[dreg:$0x1] =	wrdreg $0xFFFFFFFF  }
0xa7: {  	s28 =	simm.s32 $_size_execute0_lowered;
	s2 =	sadd.s32 s2, s4;
	[dreg:$0x0] =	wrdreg $0x0  }
0xa8: {  	s4 =	sshll.u32 s28, $0x1;
	[dreg:$0x2] =	wrdreg s2  }
0xa9: {  	[dreg:$0x3] =	wrdreg s4  }
0xaa: {  	[dreg:$0x4] =	wrdreg $0xC0  }
0xab: {  	_ =	task [dreg:s6], $0x5FFFF  }
0xac: {  	[dreg:$0x1] =	wrdreg $0xFFFFFFFF  }
0xad: {  	[dreg:$0x0] =	wrdreg $0x60  }
0xae: {  	[dreg:$0x2] =	wrdreg s24  }
0xaf: {  	[dreg:$0x3] =	wrdreg $0x0  }
0xb0: {  	[dreg:$0x4] =	wrdreg $0x9  }
0xb1: {  	_ =	task.clear_ibuf [dreg:s6], $0x5FFFF;
	_ =	strace $0x90000046  }
0xb2: {  	s29 =	simm.s32 $0x9;
	_ =	strace $0x80000048  }
0xb3: {  	_ =	swait.ge [sflag:s29], $0x1  }
0xb4: {  	[sflag:s29] =	ssyncadd.s32 $0xFFFFFFFF  }
0xb5: {  	_ =	strace $0x90000048  }
0xb6: {  	_ =	sfence  }
0xb7: {  	s30 =	sld [smem:$0x0];
	_ =	sdelay $0x2  }
0xb8: {  	s31 =	sshll.u32 s1, $0xD;
	s1 =	sshrl.u32 s1, $0x2  }
0xb9: {  	s3 =	sand.u32 $0x4000, s31;
	s1 =	sadd.s32 s1, s30  }
0xba: {  	s0 =	sor.u32 s3, s0;
	s1 =	sshll.u32 s1, $0x11  }
0xbb: {  	s0 =	sor.u32 s1, s0  }
0xbc: {  	s0 =	sadd.s32 $0x8F2B, s0  }
0xbd: {  	[sflag:s0] =	ssyncadd.remote.s32 $0x1  }
0xbe: {  	_ =	sfence.sel $0xFFFF  }
0xbf: {  	[dreg:$0x0] =	wrdreg $0xFFFFFFFF;
	(pc) =	sbr.abs _section_cstart, $3  }
0xc0: {  	[dreg:$0x1] =	wrdreg $0xFFFFFFFF  }
0xc1: {  	_ =	task.clear_ibuf [dreg:s6], $0x2FFFF;
	_ =	strace $0x9FFFFFFF  }
0xc2: {  	(tm) =	ssettm $0x7FFFFFFF  }
0xc3: {  	_ =	shalt  }
tec
execute0_lowered:
.L_overlay_start_1:
0x0: {  	(tag) =	ssettag $0x1  }
0x1: {  	s5 =	rddreg [dreg:$0x0]  }
0x2: {  	s0 =	srdreg.scid;
	s2 =	rddreg [dreg:$0x1]  }
0x3: {  	s3 =	simm.s32 $0x0;
	s17 =	simm.s32 $0x14000;
	s18 =	simm.s32 $0x2  }
0x4: {  	s19 =	simm.s32 $0x19000;
	s20 =	simm.s32 $0x40;
	s4 =	sand.u32 $0x1, s0  }
0x5: {  	s21 =	simm.s32 $0x1;
	s0 =	stileid.u32;
	s7 =	smul.u32 $0x140000, s4  }
0x6: {  	s24 =	simm.s32 $0x0;
	[smem:$0x7FF] =	sst s3;
	s8 =	smul.u32 $0x14000, s0  }
0x7: {  	s1 =	sshll.u32 s4, $0x4;
	s9 =	smul.u32 $0x50000, s0;
	s4 =	ssub.s32 $0x2, s4  }
0x8: {  	s22 =	sshll.u32 s0, $0x6;
	s1 =	sor.u32 s0, s1;
	s31 =	sshrl.u32 s4, $0x1  }
0x9: {  	s22 =	sor.u32 $0x1C02, s22;
	s6 =	smul.u32 $0xA00, s1;
	s1 =	rddreg [dreg:$0x2]  }
0xa: {  	_ =	strace $0x80000047;
	s7 =	sadd.s32 s8, s7;
	s9 =	sshrl.u32 s9, $0x2  }
0xb: {  	s16 =	ssub.s32 s4, s31;
	s7 =	sshrl.u32 s7, $0x3;
	s4 =	sadd.s32 s9, s2  }
0xc: {  	s16 =	smax.u32 s16, $0x1;
	s6 =	sadd.s32 s6, s5;
	s15 =	sadd.s32 s7, s5  }
0xd: {  	s7 =	sadd.s32 $0x4000, s4;
	s8 =	sadd.s32 $0x6000, s4;
	s9 =	sadd.s32 $0x8000, s4  }
0xe: {  	s10 =	sadd.s32 $0xA000, s4;
	s11 =	sadd.s32 $0xC000, s4;
	s12 =	sadd.s32 $0xE000, s4  }
0xf: {  	s13 =	sadd.s32 $0x10000, s4;
	s14 =	sadd.s32 $0x12000, s4;
	s23 =	sshrl.u32 s4, $0x3  }
0x10: {  	v0 =	vimm.f32 $0.0e+00;
	v1 =	vimm.f32 $1.000000000e+00;
	s5 =	sadd.s32 $0x2000, s6;
	s6 =	sadd.s32 $0x2000, s4;
	s15 =	sadd.s32 $0x16000, s15  }
.LBB2_1:
0x11: {  	[tilespmem:s17], [sflag:$0x2] =	stream.linear.gather [hbm4b:s5+s3], $0x5000, $0x38;
	[tilespmem:$0x1B000] =	vst v63  }
0x12: {  	_ =	swait.ge [sflag:s18], $0x5000  }
0x13: {  	[sflag:s18] =	ssyncset.done $0x0  }
0x14: {  	s25 =	simm.s32 $0x0;
	s26 =	simm.s32 $0x200;
	[sflag:s18] =	ssyncadd.s32 $0xFFFFB000  }
.LBB2_2:
0x15: {  	p0 =	sne.s32 s26, $0x7E00;
	[tilespmem:s25+$0x19070] =	vst v0  }
0x16: {  	[tilespmem:s25+$0x19000] =	vst v0  }
0x17: {  	[tilespmem:s25+$0x19010] =	vst v0  }
.Ltmp0:
0x18: {  	[tilespmem:s25+$0x19020] =	vst v0;
	(pc) =	sbr.rel @p0 .LBB2_2-.Ltmp0, $4  }
0x19: {  	[tilespmem:s25+$0x19030] =	vst v0  }
0x1a: {  	[tilespmem:s25+$0x19040] =	vst v0  }
0x1b: {  	[tilespmem:s25+$0x19050] =	vst v0  }
0x1c: {  	[tilespmem:s25+$0x19060] =	vst v0;
	s25 =	sshra.s32 s26, $0x2;
	s26 =	sadd.s32 $0x200, s26  }
0x1d: {  	[tilespmem:s25+$0x19070] =	vst v0  }
0x1e: {  	[tilespmem:s25+$0x19000] =	vst v0  }
0x1f: {  	[tilespmem:s25+$0x19010] =	vst v0  }
0x20: {  	[tilespmem:s25+$0x19020] =	vst v0  }
0x21: {  	[tilespmem:s25+$0x19030] =	vst v0  }
0x22: {  	[tilespmem:s25+$0x19040] =	vst v0  }
0x23: {  	[tilespmem:s25+$0x19050] =	vst v0  }
0x24: {  	[tilespmem:s25+$0x19060] =	vst v0  }
0x25: {  	[spmem:s4] =	stream.linear.scatter [tilespmem:s19], [sflag:$0x2], $0x2000, $0x38;
	[tilespmem:$0x1B000] =	vst v63  }
0x26: {  	_ =	swait.ge [sflag:s18], $0x2000  }
0x27: {  	[sflag:s18] =	ssyncset.done $0x0  }
0x28: {  	[sflag:s18] =	ssyncadd.s32 $0xFFFFE000  }
0x29: {  	[spmem:s6] =	stream.linear.scatter [tilespmem:s19], [sflag:$0x2], $0x2000, $0x38;
	[tilespmem:$0x1B000] =	vst v63  }
0x2a: {  	_ =	swait.ge [sflag:s18], $0x2000  }
0x2b: {  	[sflag:s18] =	ssyncset.done $0x0  }
0x2c: {  	[sflag:s18] =	ssyncadd.s32 $0xFFFFE000  }
0x2d: {  	[spmem:s7] =	stream.linear.scatter [tilespmem:s19], [sflag:$0x2], $0x2000, $0x38;
	[tilespmem:$0x1B000] =	vst v63  }
0x2e: {  	_ =	swait.ge [sflag:s18], $0x2000  }
0x2f: {  	[sflag:s18] =	ssyncset.done $0x0  }
0x30: {  	[sflag:s18] =	ssyncadd.s32 $0xFFFFE000  }
0x31: {  	[spmem:s8] =	stream.linear.scatter [tilespmem:s19], [sflag:$0x2], $0x2000, $0x38;
	[tilespmem:$0x1B000] =	vst v63  }
0x32: {  	_ =	swait.ge [sflag:s18], $0x2000  }
0x33: {  	[sflag:s18] =	ssyncset.done $0x0  }
0x34: {  	[sflag:s18] =	ssyncadd.s32 $0xFFFFE000  }
0x35: {  	[spmem:s9] =	stream.linear.scatter [tilespmem:s19], [sflag:$0x2], $0x2000, $0x38;
	[tilespmem:$0x1B000] =	vst v63  }
0x36: {  	_ =	swait.ge [sflag:s18], $0x2000  }
0x37: {  	[sflag:s18] =	ssyncset.done $0x0  }
0x38: {  	[sflag:s18] =	ssyncadd.s32 $0xFFFFE000  }
0x39: {  	[spmem:s10] =	stream.linear.scatter [tilespmem:s19], [sflag:$0x2], $0x2000, $0x38;
	[tilespmem:$0x1B000] =	vst v63  }
0x3a: {  	_ =	swait.ge [sflag:s18], $0x2000  }
0x3b: {  	[sflag:s18] =	ssyncset.done $0x0  }
0x3c: {  	[sflag:s18] =	ssyncadd.s32 $0xFFFFE000  }
0x3d: {  	[spmem:s11] =	stream.linear.scatter [tilespmem:s19], [sflag:$0x2], $0x2000, $0x38;
	[tilespmem:$0x1B000] =	vst v63  }
0x3e: {  	_ =	swait.ge [sflag:s18], $0x2000  }
0x3f: {  	[sflag:s18] =	ssyncset.done $0x0  }
0x40: {  	[sflag:s18] =	ssyncadd.s32 $0xFFFFE000  }
0x41: {  	[spmem:s12] =	stream.linear.scatter [tilespmem:s19], [sflag:$0x2], $0x2000, $0x38;
	[tilespmem:$0x1B000] =	vst v63  }
0x42: {  	_ =	swait.ge [sflag:s18], $0x2000  }
0x43: {  	[sflag:s18] =	ssyncset.done $0x0  }
0x44: {  	[sflag:s18] =	ssyncadd.s32 $0xFFFFE000  }
0x45: {  	[spmem:s13] =	stream.linear.scatter [tilespmem:s19], [sflag:$0x2], $0x2000, $0x38;
	[tilespmem:$0x1B000] =	vst v63  }
0x46: {  	_ =	swait.ge [sflag:s18], $0x2000  }
0x47: {  	[sflag:s18] =	ssyncset.done $0x0  }
0x48: {  	[sflag:s18] =	ssyncadd.s32 $0xFFFFE000  }
0x49: {  	[spmem:s14] =	stream.linear.scatter [tilespmem:s19], [sflag:$0x2], $0x2000, $0x38;
	[tilespmem:$0x1B000] =	vst v63  }
0x4a: {  	_ =	swait.ge [sflag:s18], $0x2000  }
0x4b: {  	[sflag:s18] =	ssyncset.done $0x0  }
0x4c: {  	s25 =	simm.s32 $0x0;
	s26 =	simm.s32 $0x200;
	[sflag:s18] =	ssyncadd.s32 $0xFFFFE000  }
.LBB2_4:
0x4d: {  	p0 =	sne.s32 s26, $0x7E00;
	[tilespmem:s25+$0x19070] =	vst v1  }
0x4e: {  	[tilespmem:s25+$0x19000] =	vst v1  }
0x4f: {  	[tilespmem:s25+$0x19010] =	vst v1  }
.Ltmp1:
0x50: {  	[tilespmem:s25+$0x19020] =	vst v1;
	(pc) =	sbr.rel @p0 .LBB2_4-.Ltmp1, $4  }
0x51: {  	[tilespmem:s25+$0x19030] =	vst v1  }
0x52: {  	[tilespmem:s25+$0x19040] =	vst v1  }
0x53: {  	[tilespmem:s25+$0x19050] =	vst v1  }
0x54: {  	[tilespmem:s25+$0x19060] =	vst v1;
	s25 =	sshra.s32 s26, $0x2;
	s26 =	sadd.s32 $0x200, s26  }
0x55: {  	[tilespmem:s25+$0x19070] =	vst v1  }
0x56: {  	[tilespmem:s25+$0x19000] =	vst v1  }
0x57: {  	[tilespmem:s25+$0x19010] =	vst v1  }
0x58: {  	[tilespmem:s25+$0x19020] =	vst v1  }
0x59: {  	[tilespmem:s25+$0x19030] =	vst v1  }
0x5a: {  	[tilespmem:s25+$0x19040] =	vst v1  }
0x5b: {  	[tilespmem:s25+$0x19050] =	vst v1  }
0x5c: {  	[tilespmem:s25+$0x19060] =	vst v1  }
0x5d: {  	s30 =	simm.s32 $0x14000;
	[bflag:$0x0] =	sbarrier.arrive $0xFFFF  }
0x5e: {  	[spmem:s2] =	stream.indirect.scatter.add.f32 [tilespmem:s19], [sflag:$0x1], $0x80, s30, s20, $0xb8;
	[tilespmem:$0x1B000] =	vst v63  }
0x5f: {  	s31 =	simm.s32 $0x14080  }
0x60: {  	[spmem:s2] =	stream.indirect.scatter.add.f32 [tilespmem:s19], [sflag:$0x1], $0x80, s31, s20, $0xb8;
	[tilespmem:$0x1B000] =	vst v63  }
0x61: {  	s26 =	simm.s32 $0x14100  }
0x62: {  	[spmem:s2] =	stream.indirect.scatter.add.f32 [tilespmem:s19], [sflag:$0x1], $0x80, s26, s20, $0xb8;
	[tilespmem:$0x1B000] =	vst v63  }
0x63: {  	s30 =	simm.s32 $0x14180  }
0x64: {  	[spmem:s2] =	stream.indirect.scatter.add.f32 [tilespmem:s19], [sflag:$0x1], $0x80, s30, s20, $0xb8;
	[tilespmem:$0x1B000] =	vst v63  }
0x65: {  	s31 =	simm.s32 $0x14200  }
0x66: {  	[spmem:s2] =	stream.indirect.scatter.add.f32 [tilespmem:s19], [sflag:$0x1], $0x80, s31, s20, $0xb8;
	[tilespmem:$0x1B000] =	vst v63  }
0x67: {  	s26 =	simm.s32 $0x14280  }
0x68: {  	[spmem:s2] =	stream.indirect.scatter.add.f32 [tilespmem:s19], [sflag:$0x1], $0x80, s26, s20, $0xb8;
	[tilespmem:$0x1B000] =	vst v63  }
0x69: {  	s30 =	simm.s32 $0x14300  }
0x6a: {  	[spmem:s2] =	stream.indirect.scatter.add.f32 [tilespmem:s19], [sflag:$0x1], $0x80, s30, s20, $0xb8;
	[tilespmem:$0x1B000] =	vst v63  }
0x6b: {  	s31 =	simm.s32 $0x14380  }
0x6c: {  	[spmem:s2] =	stream.indirect.scatter.add.f32 [tilespmem:s19], [sflag:$0x1], $0x80, s31, s20, $0xb8;
	[tilespmem:$0x1B000] =	vst v63  }
0x6d: {  	_ =	swait.ge [sflag:s21], $0x2000  }
0x6e: {  	[sflag:s21] =	ssyncset.done $0x0  }
0x6f: {  	[sflag:s21] =	ssyncadd.s32 $0xFFFFE000  }
0x70: {  	_ =	swait.ge [sflag:s21], $0x2000  }
0x71: {  	[sflag:s21] =	ssyncset.done $0x0  }
0x72: {  	[sflag:s21] =	ssyncadd.s32 $0xFFFFE000  }
0x73: {  	_ =	swait.ge [sflag:s21], $0x2000  }
0x74: {  	[sflag:s21] =	ssyncset.done $0x0  }
0x75: {  	[sflag:s21] =	ssyncadd.s32 $0xFFFFE000  }
0x76: {  	_ =	swait.ge [sflag:s21], $0x2000  }
0x77: {  	[sflag:s21] =	ssyncset.done $0x0  }
0x78: {  	[sflag:s21] =	ssyncadd.s32 $0xFFFFE000  }
0x79: {  	_ =	swait.ge [sflag:s21], $0x2000  }
0x7a: {  	[sflag:s21] =	ssyncset.done $0x0  }
0x7b: {  	[sflag:s21] =	ssyncadd.s32 $0xFFFFE000  }
0x7c: {  	_ =	swait.ge [sflag:s21], $0x2000  }
0x7d: {  	[sflag:s21] =	ssyncset.done $0x0  }
0x7e: {  	[sflag:s21] =	ssyncadd.s32 $0xFFFFE000  }
0x7f: {  	_ =	swait.ge [sflag:s21], $0x2000  }
0x80: {  	[sflag:s21] =	ssyncset.done $0x0  }
0x81: {  	[sflag:s21] =	ssyncadd.s32 $0xFFFFE000  }
0x82: {  	_ =	swait.ge [sflag:s21], $0x2000  }
0x83: {  	s29 =	simm.s32 $0x2000;
	s28 =	simm.s32 $0x400;
	[sflag:s21] =	ssyncset.done $0x0  }
.LBB2_6:
0x84: {  	s30 =	sadd.s32 $0x14000, s28  }
0x85: {  	[sflag:s21] =	ssyncadd.s32 $0xFFFFE000;
	s26 =	smov.u32 s29;
	s25 =	sadd.s32 $0x1000, s29  }
0x86: {  	[spmem:s2] =	stream.indirect.scatter.add.f32 [tilespmem:s19], [sflag:$0x1], $0x80, s30, s20, $0xb8;
	[tilespmem:$0x1B000] =	vst v63  }
0x87: {  	p0 =	sne.s32 s29, $0x13000;
	s29 =	sadd.s32 $0x14080, s28  }
0x88: {  	[spmem:s2] =	stream.indirect.scatter.add.f32 [tilespmem:s19], [sflag:$0x1], $0x80, s29, s20, $0xb8;
	[tilespmem:$0x1B000] =	vst v63  }
0x89: {  	s29 =	sadd.s32 $0x14100, s28  }
0x8a: {  	[spmem:s2] =	stream.indirect.scatter.add.f32 [tilespmem:s19], [sflag:$0x1], $0x80, s29, s20, $0xb8;
	[tilespmem:$0x1B000] =	vst v63  }
0x8b: {  	s29 =	sadd.s32 $0x14180, s28  }
0x8c: {  	[spmem:s2] =	stream.indirect.scatter.add.f32 [tilespmem:s19], [sflag:$0x1], $0x80, s29, s20, $0xb8;
	[tilespmem:$0x1B000] =	vst v63  }
0x8d: {  	s29 =	sadd.s32 $0x14200, s28  }
0x8e: {  	[spmem:s2] =	stream.indirect.scatter.add.f32 [tilespmem:s19], [sflag:$0x1], $0x80, s29, s20, $0xb8;
	[tilespmem:$0x1B000] =	vst v63  }
0x8f: {  	s29 =	sadd.s32 $0x14280, s28  }
0x90: {  	[spmem:s2] =	stream.indirect.scatter.add.f32 [tilespmem:s19], [sflag:$0x1], $0x80, s29, s20, $0xb8;
	[tilespmem:$0x1B000] =	vst v63  }
0x91: {  	s29 =	sadd.s32 $0x14300, s28  }
0x92: {  	[spmem:s2] =	stream.indirect.scatter.add.f32 [tilespmem:s19], [sflag:$0x1], $0x80, s29, s20, $0xb8;
	[tilespmem:$0x1B000] =	vst v63  }
0x93: {  	s28 =	sadd.s32 $0x14380, s28  }
0x94: {  	[spmem:s2] =	stream.indirect.scatter.add.f32 [tilespmem:s19], [sflag:$0x1], $0x80, s28, s20, $0xb8;
	[tilespmem:$0x1B000] =	vst v63  }
0x95: {  	_ =	swait.ge [sflag:s21], $0x2000  }
0x96: {  	[sflag:s21] =	ssyncset.done $0x0  }
0x97: {  	[sflag:s21] =	ssyncadd.s32 $0xFFFFE000  }
0x98: {  	_ =	swait.ge [sflag:s21], $0x2000  }
0x99: {  	[sflag:s21] =	ssyncset.done $0x0  }
0x9a: {  	[sflag:s21] =	ssyncadd.s32 $0xFFFFE000  }
0x9b: {  	_ =	swait.ge [sflag:s21], $0x2000  }
0x9c: {  	[sflag:s21] =	ssyncset.done $0x0  }
0x9d: {  	[sflag:s21] =	ssyncadd.s32 $0xFFFFE000  }
0x9e: {  	_ =	swait.ge [sflag:s21], $0x2000  }
0x9f: {  	[sflag:s21] =	ssyncset.done $0x0  }
0xa0: {  	[sflag:s21] =	ssyncadd.s32 $0xFFFFE000  }
0xa1: {  	_ =	swait.ge [sflag:s21], $0x2000  }
0xa2: {  	[sflag:s21] =	ssyncset.done $0x0  }
0xa3: {  	[sflag:s21] =	ssyncadd.s32 $0xFFFFE000  }
0xa4: {  	_ =	swait.ge [sflag:s21], $0x2000  }
0xa5: {  	[sflag:s21] =	ssyncset.done $0x0  }
0xa6: {  	[sflag:s21] =	ssyncadd.s32 $0xFFFFE000  }
.Ltmp2:
0xa7: {  	_ =	swait.ge [sflag:s21], $0x2000;
	(pc) =	sbr.rel @p0 .LBB2_6-.Ltmp2, $4  }
0xa8: {  	[sflag:s21] =	ssyncset.done $0x0  }
0xa9: {  	[sflag:s21] =	ssyncadd.s32 $0xFFFFE000  }
0xaa: {  	_ =	swait.ge [sflag:s21], $0x2000  }
0xab: {  	s29 =	smov.u32 s25;
	s28 =	sshra.s32 s26, $0x2;
	[sflag:s21] =	ssyncset.done $0x0  }
0xac: {  	s25 =	sadd.s32 $0x14000, s28;
	[sflag:s21] =	ssyncadd.s32 $0xFFFFE000  }
0xad: {  	[spmem:s2] =	stream.indirect.scatter.add.f32 [tilespmem:s19], [sflag:$0x1], $0x80, s25, s20, $0xb8;
	[tilespmem:$0x1B000] =	vst v63  }
0xae: {  	s29 =	sadd.s32 $0x14080, s28  }
0xaf: {  	[spmem:s2] =	stream.indirect.scatter.add.f32 [tilespmem:s19], [sflag:$0x1], $0x80, s29, s20, $0xb8;
	[tilespmem:$0x1B000] =	vst v63  }
0xb0: {  	s30 =	sadd.s32 $0x14100, s28  }
0xb1: {  	[spmem:s2] =	stream.indirect.scatter.add.f32 [tilespmem:s19], [sflag:$0x1], $0x80, s30, s20, $0xb8;
	[tilespmem:$0x1B000] =	vst v63  }
0xb2: {  	s31 =	sadd.s32 $0x14180, s28  }
0xb3: {  	[spmem:s2] =	stream.indirect.scatter.add.f32 [tilespmem:s19], [sflag:$0x1], $0x80, s31, s20, $0xb8;
	[tilespmem:$0x1B000] =	vst v63  }
0xb4: {  	s26 =	sadd.s32 $0x14200, s28  }
0xb5: {  	[spmem:s2] =	stream.indirect.scatter.add.f32 [tilespmem:s19], [sflag:$0x1], $0x80, s26, s20, $0xb8;
	[tilespmem:$0x1B000] =	vst v63  }
0xb6: {  	s29 =	sadd.s32 $0x14280, s28  }
0xb7: {  	[spmem:s2] =	stream.indirect.scatter.add.f32 [tilespmem:s19], [sflag:$0x1], $0x80, s29, s20, $0xb8;
	[tilespmem:$0x1B000] =	vst v63  }
0xb8: {  	s30 =	sadd.s32 $0x14300, s28  }
0xb9: {  	[spmem:s2] =	stream.indirect.scatter.add.f32 [tilespmem:s19], [sflag:$0x1], $0x80, s30, s20, $0xb8;
	[tilespmem:$0x1B000] =	vst v63  }
0xba: {  	s31 =	sadd.s32 $0x14380, s28  }
0xbb: {  	[spmem:s2] =	stream.indirect.scatter.add.f32 [tilespmem:s19], [sflag:$0x1], $0x80, s31, s20, $0xb8;
	[tilespmem:$0x1B000] =	vst v63  }
0xbc: {  	_ =	swait.ge [sflag:s21], $0x2000  }
0xbd: {  	[sflag:s21] =	ssyncset.done $0x0  }
0xbe: {  	[sflag:s21] =	ssyncadd.s32 $0xFFFFE000  }
0xbf: {  	_ =	swait.ge [sflag:s21], $0x2000  }
0xc0: {  	[sflag:s21] =	ssyncset.done $0x0  }
0xc1: {  	[sflag:s21] =	ssyncadd.s32 $0xFFFFE000  }
0xc2: {  	_ =	swait.ge [sflag:s21], $0x2000  }
0xc3: {  	[sflag:s21] =	ssyncset.done $0x0  }
0xc4: {  	[sflag:s21] =	ssyncadd.s32 $0xFFFFE000  }
0xc5: {  	_ =	swait.ge [sflag:s21], $0x2000  }
0xc6: {  	[sflag:s21] =	ssyncset.done $0x0  }
0xc7: {  	[sflag:s21] =	ssyncadd.s32 $0xFFFFE000  }
0xc8: {  	_ =	swait.ge [sflag:s21], $0x2000  }
0xc9: {  	[sflag:s21] =	ssyncset.done $0x0  }
0xca: {  	[sflag:s21] =	ssyncadd.s32 $0xFFFFE000  }
0xcb: {  	_ =	swait.ge [sflag:s21], $0x2000  }
0xcc: {  	[sflag:s21] =	ssyncset.done $0x0  }
0xcd: {  	[sflag:s21] =	ssyncadd.s32 $0xFFFFE000  }
0xce: {  	_ =	swait.ge [sflag:s21], $0x2000  }
0xcf: {  	[sflag:s21] =	ssyncset.done $0x0  }
0xd0: {  	[sflag:s21] =	ssyncadd.s32 $0xFFFFE000  }
0xd1: {  	_ =	swait.ge [sflag:s21], $0x2000  }
0xd2: {  	s24 =	sadd.s32 $0x1, s24;
	[sflag:s21] =	ssyncset.done $0x0  }
0xd3: {  	p0 =	sne.s32 s24, s16;
	[sflag:s21] =	ssyncadd.s32 $0xFFFFE000  }
.Ltmp3:
0xd4: {  	[bflag:$0x0] =	sbarrier.arrive $0xFFFF;
	(pc) =	sbr.rel @p0 .LBB2_1-.Ltmp3, $4  }
0xd5: {  	[hbm:s15], [sflag:s22] =	dma.local [spmem:s23], $0x2800  }
0xd6: {  	_ =	swait.ge [sflag:s18], $0x2800  }
0xd7: {  	[sflag:s18] =	ssyncset.done $0x0  }
0xd8: {  	[sflag:s18] =	ssyncadd.s32 $0xFFFFD800  }
0xd9: {  	_ =	sfence.sel $0x180000  }
0xda: {  	[bflag:$0x0] =	sbarrier.arrive $0xFFFF  }
0xdb: {  	p0 =	sne.s32 s0, $0x0;
	_ =	strace $0x90000047  }
0xdc: {  	s0 =	sadd.s32 @!p0 $0x100000, s1;
	[bflag:$0x2] =	sbarrier.arrive $0xFFFF  }
0xdd: {  	[sflag:s0] =	ssyncadd.tile.s32 @!p0 $0x1;
	_ =	shalt  }
.Lfunc_end2:
_tile_overlayer_lowered:
.L_overlay_start_2:
0xde: {  	(tag) =	ssettag $0x2  }
0xdf: {  	s0 =	rddreg [dreg:$0x0];
	s2 =	stileid.u32  }
0xe0: {  	s1 =	rddreg [dreg:$0x1];
	p0 =	sne.s32 s2, $0x0  }
0xe1: {  	s3 =	rddreg [dreg:$0x2];
	[bflag:$0x3] =	sbarrier.arrive $0xFFFF;
	s2 =	simm.s32 @!p0 $0x1C02  }
0xe2: {  	[timem:s3], [sflag:s2] =	dma.local @!p0 [hbm:s0], s1  }
0xe3: {  	s0 =	simm.s32 @!p0 $0x2  }
0xe4: {  	_ =	swait.ge @!p0 [sflag:s0], s1  }
0xe5: {  	s1 =	ssub.s32 @!p0 $0x0, s1;
	[sflag:s0] =	ssyncset.done @!p0 $0x0  }
0xe6: {  	[sflag:s0] =	ssyncadd.s32 @!p0 s1  }
0xe7: {  	[bflag:$0x3] =	sbarrier.arrive $0xFFFF  }
0xe8: {  	_ =	shalt  }

</sc_bundles>
